<compile_context>
chip_gen: v7x
topology: tpu7x:2x2x1
jax: 0.10.2.dev20260603
libtpu: 0.0.44.dev20260713+nightly
codegen_flags: <defaults>
</compile_context>

<pallas_src>
import functools
import math

import numpy as np
import jax
import jax.numpy as jnp
from jax import lax
from jax.experimental import pallas as pl
from jax.experimental.pallas import tpu as pltpu
from jax.experimental.pallas import tpu_sc as plsc

D_MODEL = 128
SEQ_LEN = 200
SCALE = math.sqrt(float(D_MODEL))
LANES = 16
GATHER = 128
CHUNK = 128


def _pe_np(seq_len: int, d_model: int) -> np.ndarray:
    position = np.arange(0, seq_len, dtype=np.float32)[:, None]
    div_term = np.exp(
        np.arange(0, d_model, 2, dtype=np.float32) * -(math.log(10000.0) / d_model)
    )
    pe = np.zeros((seq_len, d_model), dtype=np.float32)
    pe[:, 0::2] = np.sin(position * div_term)
    pe[:, 1::2] = np.cos(position * div_term)
    return pe


_PE_NP = _pe_np(SEQ_LEN, D_MODEL)
_PE_PAD_NP = np.concatenate(
    [_PE_NP, np.zeros((16, D_MODEL), dtype=np.float32)], axis=0
)
PE_WIN = 16


@functools.partial(jax.jit, static_argnames=("batch", "seq"))
def _sc_lookup(xt_flat, lut, pe, *, batch, seq):
    info = plsc.get_sparse_core_info()
    nc, ns = info.num_cores, info.num_subcores
    nw = nc * ns
    n_rows = batch * seq
    per_w = n_rows // nw
    n_chunks = per_w // CHUNK
    b_shift = int(batch).bit_length() - 1

    mesh = plsc.VectorSubcoreMesh(core_axis_name="c", subcore_axis_name="s")
    nbuf = 5
    lead = 3
    n_outer = n_chunks // nbuf
    n_idx_rows = per_w // GATHER

    @functools.partial(
        pl.kernel,
        mesh=mesh,
        out_type=jax.ShapeDtypeStruct((batch, seq, D_MODEL), jnp.float32),
        scratch_types=[
            pltpu.VMEM((n_idx_rows, GATHER), jnp.int32),
            pltpu.VMEM((nbuf, CHUNK, D_MODEL), jnp.float32),
            pltpu.VMEM((PE_WIN, D_MODEL), jnp.float32),
        ]
        + [pltpu.SemaphoreType.DMA] * (2 * nbuf),
    )
    def k(idx_hbm, lut_hbm, pe_hbm, out_hbm, idx_v, rows_v, pe_v, *sems):
        gsem = sems[:nbuf]
        ssem = sems[nbuf:]
        wid = lax.axis_index("s") * nc + lax.axis_index("c")
        base = wid * per_w
        pltpu.sync_copy(idx_hbm.at[pl.ds(wid * n_idx_rows, n_idx_rows)], idx_v)
        l_start = lax.shift_right_logical(base, b_shift)
        win_start = pl.multiple_of(lax.bitwise_and(l_start, ~7), 8)
        pltpu.sync_copy(pe_hbm.at[pl.ds(win_start, PE_WIN)], pe_v)

        def start(c, b):
            for h in range(CHUNK // GATHER):
                pltpu.async_copy(
                    lut_hbm.at[idx_v.at[c * (CHUNK // GATHER) + h]],
                    rows_v.at[b, pl.ds(h * GATHER, GATHER)],
                    gsem[b],
                )

        def drain_scatter(b):
            pltpu.make_async_copy(
                rows_v.at[b], out_hbm.at[pl.ds(0, CHUNK), 0], ssem[b]
            ).wait()

        def finish(c, b):
            for h in range(CHUNK // GATHER):
                pltpu.make_async_copy(
                    lut_hbm.at[idx_v.at[c * (CHUNK // GATHER) + h]],
                    rows_v.at[b, pl.ds(h * GATHER, GATHER)],
                    gsem[b],
                ).wait()
            r0 = base + c * CHUNK
            l = lax.shift_right_logical(r0, b_shift)
            b0 = lax.bitwise_and(r0, batch - 1)
            pe_regs = [
                pe_v[l - win_start, pl.ds(kk * LANES, LANES)]
                for kk in range(D_MODEL // LANES)
            ]

            unroll = 4

            def row_body(jj, carry2):
                for u in range(unroll):
                    j = jj * unroll + u
                    for kk in range(D_MODEL // LANES):
                        sl = pl.ds(kk * LANES, LANES)
                        rows_v[b, j, sl] = rows_v[b, j, sl] * SCALE + pe_regs[kk]
                return carry2

            lax.fori_loop(0, CHUNK // unroll, row_body, 0)
            pltpu.async_copy(rows_v.at[b], out_hbm.at[pl.ds(b0, CHUNK), l], ssem[b])

        for c in range(lead):
            start(c, c % nbuf)

        def outer_body(i, carry):
            for b in range(nbuf):
                s_slot = (b + lead) % nbuf
                if b + lead >= nbuf:
                    drain_scatter(s_slot)
                else:

                    @pl.when(i > 0)
                    def _():
                        drain_scatter(s_slot)

                @pl.when(i * nbuf + b + lead < n_chunks)
                def _():
                    start(i * nbuf + b + lead, s_slot)

                finish(i * nbuf + b, b)
            return carry

        lax.fori_loop(0, n_outer, outer_body, 0)
        for c in range(n_chunks - nbuf + lead, n_chunks):
            drain_scatter(c % nbuf)

    return k(xt_flat, lut, pe)


def kernel(x, lut):
    b, l = x.shape
    xt_chunks = x.T.reshape(b * l // GATHER, GATHER).astype(jnp.int32)
    return _sc_lookup(xt_chunks, lut, jnp.asarray(_PE_PAD_NP), batch=b, seq=l)

# --- scband reference (transcript-rebuilt; emitter-appended) ---
"""Pipeline reference for scband-pos-embeddings-26491358282012 (READ-ONLY COPY).

The authoritative reference and input builder live on the scoring server;
editing this copy changes nothing except your own understanding.
"""

import jax, jax.numpy as jnp
import numpy as np
import math

D_MODEL = 128
VOCAB = 1000000
MAX_LEN = 5000

def _make_pe(max_len, d_model):
    position = np.arange(0, max_len, dtype=np.float32)[:, None]
    div_term = np.exp(np.arange(0, d_model, 2, dtype=np.float32) * -(math.log(10000.0) / d_model))
    pe = np.zeros((max_len, d_model), dtype=np.float32)
    pe[:, 0::2] = np.sin(position * div_term)
    pe[:, 1::2] = np.cos(position * div_term)
    return jnp.asarray(pe)

def setup_inputs(seed: int = 0) -> dict:
    key = jax.random.key(seed)
    k1, k2 = jax.random.split(key)
    x = jax.random.randint(k1, (4096, 200), 0, VOCAB, dtype=jnp.int64 if jax.config.jax_enable_x64 else jnp.int32)
    lut = jax.random.normal(k2, (VOCAB, D_MODEL), dtype=jnp.float32) * 0.02
    # padding_idx=0: zero out row 0
    lut = lut.at[0].set(0.0)
    return {"x": x, "lut": lut}

def reference(x, lut):
    # Pos_embeddings.forward: pos(lut(x) * sqrt(d_model))
    emb = jnp.take(lut, x, axis=0) * math.sqrt(D_MODEL)
    L = x.shape[-1]
    pe = _make_pe(MAX_LEN, D_MODEL)
    out = emb + pe[None, :L, :]
    # Dropout(p=0.1) acts as identity in eval mode
    return out

if __name__ == "__main__":
    import jax
    _d = setup_inputs()
    print(jax.jit(kernel)(*tuple(_d.values())))

</pallas_src>

<mosaic_0001>
#map = affine_map<(d0, d1) -> (0, 0)>
#map1 = affine_map<(d0, d1) -> (0, 0, 0)>
module attributes {stable_mosaic.version = 14 : i64} {
  func.func @k(%arg0: i32, %arg1: i32, %arg2: memref<6400x128xi32, #tpu.memory_space<hbm>>, %arg3: memref<1000000x128xf32, #tpu.memory_space<hbm>>, %arg4: memref<216x128xf32, #tpu.memory_space<hbm>>, %arg5: memref<4096x200x128xf32, #tpu.memory_space<hbm>>, %arg6: memref<200x128xi32, #tpu.memory_space<vmem>>, %arg7: memref<5x128x128xf32, #tpu.memory_space<vmem>>, %arg8: memref<16x128xf32, #tpu.memory_space<vmem>>, %arg9: memref<!tpu.dma_semaphore, #tpu.memory_space<semaphore_mem>>, %arg10: memref<!tpu.dma_semaphore, #tpu.memory_space<semaphore_mem>>, %arg11: memref<!tpu.dma_semaphore, #tpu.memory_space<semaphore_mem>>, %arg12: memref<!tpu.dma_semaphore, #tpu.memory_space<semaphore_mem>>, %arg13: memref<!tpu.dma_semaphore, #tpu.memory_space<semaphore_mem>>, %arg14: memref<!tpu.dma_semaphore, #tpu.memory_space<semaphore_mem>>, %arg15: memref<!tpu.dma_semaphore, #tpu.memory_space<semaphore_mem>>, %arg16: memref<!tpu.dma_semaphore, #tpu.memory_space<semaphore_mem>>, %arg17: memref<!tpu.dma_semaphore, #tpu.memory_space<semaphore_mem>>, %arg18: memref<!tpu.dma_semaphore, #tpu.memory_space<semaphore_mem>>) attributes {dimension_semantics = [#tpu.dimension_semantics<core_parallel>, #tpu.dimension_semantics<subcore_parallel>], iteration_bounds = array<i64: 2, 16>, scalar_prefetch = 0 : i64, scratch_operands = 13 : i64, tpu.core_type = #tpu.core_type<sc_vector_subcore>, window_params = [{transform_indices = #map}, {transform_indices = #map}, {transform_indices = #map}, {transform_indices = #map1}]} {
    %mul3A = arith.constant 2 : i32
    %mul3A_0 = arith.muli %arg1, %mul3A : i32
    %add3A = arith.addi %mul3A_0, %arg0 : i32
    %mul3A_1 = arith.constant 25600 : i32
    %mul3A_2 = arith.muli %add3A, %mul3A_1 : i32
    %mul3A_3 = arith.constant 200 : i32
    %mul3A_4 = arith.muli %add3A, %mul3A_3 : i32
    "tpu.region"() ({
      %run_scoped3A = tpu.sem_alloc : memref<!tpu.dma_semaphore, #tpu.memory_space<semaphore_mem>>
      %dma_start3A_82 = arith.constant 0 : i32
      %dma_start3A_83 = tpu.memref_slice %arg2[%mul3A_4, %dma_start3A_82] : memref<6400x128xi32, #tpu.memory_space<hbm>> -> memref<200x128xi32, #tpu.memory_space<hbm>>
      %dma_start3A_84 = arith.constant 0 : i32
      %dma_start3A_85 = tpu.memref_slice %arg2[%mul3A_4, %dma_start3A_84] : memref<6400x128xi32, #tpu.memory_space<hbm>> -> memref<200x128xi32, #tpu.memory_space<hbm>>
      tpu.enqueue_dma source(%dma_start3A_85 : memref<200x128xi32, #tpu.memory_space<hbm>>) target(%arg6 : memref<200x128xi32, #tpu.memory_space<vmem>>) target_semaphore(%run_scoped3A : memref<!tpu.dma_semaphore, #tpu.memory_space<semaphore_mem>>)
      %dma_wait3A_86 = arith.constant 0 : i32
      %dma_wait3A_87 = tpu.memref_slice %arg2[%mul3A_4, %dma_wait3A_86] : memref<6400x128xi32, #tpu.memory_space<hbm>> -> memref<200x128xi32, #tpu.memory_space<hbm>>
      %dma_wait3A_88 = arith.constant 0 : i32
      %dma_wait3A_89 = tpu.memref_slice %arg2[%mul3A_4, %dma_wait3A_88] : memref<6400x128xi32, #tpu.memory_space<hbm>> -> memref<200x128xi32, #tpu.memory_space<hbm>>
      tpu.wait_dma2 semaphore(%run_scoped3A : memref<!tpu.dma_semaphore, #tpu.memory_space<semaphore_mem>>) src(%dma_wait3A_89 : memref<200x128xi32, #tpu.memory_space<hbm>>) dst(%arg6 : memref<200x128xi32, #tpu.memory_space<vmem>>)
      tpu.yield
    }) : () -> ()
    %shift_right_logical3A = arith.constant 12 : i32
    %shift_right_logical3A_5 = arith.shrui %mul3A_2, %shift_right_logical3A : i32
    %and3A = arith.constant -8 : i32
    %and3A_6 = arith.andi %shift_right_logical3A_5, %and3A : i32
    %multiple_of3A = tpu.assume_multiple %and3A_6, 8 : i32
    "tpu.region"() ({
      %run_scoped3A = tpu.sem_alloc : memref<!tpu.dma_semaphore, #tpu.memory_space<semaphore_mem>>
      %dma_start3A_82 = arith.constant 0 : i32
      %dma_start3A_83 = tpu.memref_slice %arg4[%multiple_of3A, %dma_start3A_82] : memref<216x128xf32, #tpu.memory_space<hbm>> -> memref<16x128xf32, #tpu.memory_space<hbm>>
      %dma_start3A_84 = arith.constant 0 : i32
      %dma_start3A_85 = tpu.memref_slice %arg4[%multiple_of3A, %dma_start3A_84] : memref<216x128xf32, #tpu.memory_space<hbm>> -> memref<16x128xf32, #tpu.memory_space<hbm>>
      tpu.enqueue_dma source(%dma_start3A_85 : memref<16x128xf32, #tpu.memory_space<hbm>>) target(%arg8 : memref<16x128xf32, #tpu.memory_space<vmem>>) target_semaphore(%run_scoped3A : memref<!tpu.dma_semaphore, #tpu.memory_space<semaphore_mem>>)
      %dma_wait3A_86 = arith.constant 0 : i32
      %dma_wait3A_87 = tpu.memref_slice %arg4[%multiple_of3A, %dma_wait3A_86] : memref<216x128xf32, #tpu.memory_space<hbm>> -> memref<16x128xf32, #tpu.memory_space<hbm>>
      %dma_wait3A_88 = arith.constant 0 : i32
      %dma_wait3A_89 = tpu.memref_slice %arg4[%multiple_of3A, %dma_wait3A_88] : memref<216x128xf32, #tpu.memory_space<hbm>> -> memref<16x128xf32, #tpu.memory_space<hbm>>
      tpu.wait_dma2 semaphore(%run_scoped3A : memref<!tpu.dma_semaphore, #tpu.memory_space<semaphore_mem>>) src(%dma_wait3A_89 : memref<16x128xf32, #tpu.memory_space<hbm>>) dst(%arg8 : memref<16x128xf32, #tpu.memory_space<vmem>>)
      tpu.yield
    }) : () -> ()
    %dma_start3A = arith.constant 0 : i32
    %dma_start3A_7 = arith.constant 0 : i32
    %dma_start3A_8 = arith.constant 0 : i32
    %dma_start3A_9 = arith.constant 0 : i32
    %dma_start3A_10 = tpu.memref_slice %arg7[%dma_start3A_7, %dma_start3A_8, %dma_start3A_9] : memref<5x128x128xf32, #tpu.memory_space<vmem>> -> memref<1x128x128xf32, #tpu.memory_space<vmem>>
    %dma_start3A_11 = tpu.memref_squeeze %dma_start3A_10 : memref<1x128x128xf32, #tpu.memory_space<vmem>> -> memref<128x128xf32, #tpu.memory_space<vmem>>
    %dma_start3A_12 = arith.constant 0 : i32
    %dma_start3A_13 = tpu.memref_slice %arg6[%dma_start3A, %dma_start3A_12] : memref<200x128xi32, #tpu.memory_space<vmem>> -> memref<1x128xi32, #tpu.memory_space<vmem>>
    %dma_start3A_14 = tpu.memref_squeeze %dma_start3A_13 : memref<1x128xi32, #tpu.memory_space<vmem>> -> memref<128xi32, #tpu.memory_space<vmem>>
    %dma_start3A_15 = arith.constant 0 : i32
    %dma_start3A_16 = arith.constant 0 : i32
    %dma_start3A_17 = tpu.memref_slice %arg3[%dma_start3A_15, %dma_start3A_16] : memref<1000000x128xf32, #tpu.memory_space<hbm>> -> memref<1000000x128xf32, #tpu.memory_space<hbm>>
    tpu.enqueue_indirect_dma source(%dma_start3A_17 : memref<1000000x128xf32, #tpu.memory_space<hbm>>) target(%dma_start3A_11 : memref<128x128xf32, #tpu.memory_space<vmem>>) offsets(%dma_start3A_14 : memref<128xi32, #tpu.memory_space<vmem>>) semaphore(%arg9 : memref<!tpu.dma_semaphore, #tpu.memory_space<semaphore_mem>>)
    %dma_start3A_18 = arith.constant 1 : i32
    %dma_start3A_19 = arith.constant 1 : i32
    %dma_start3A_20 = arith.constant 0 : i32
    %dma_start3A_21 = arith.constant 0 : i32
    %dma_start3A_22 = tpu.memref_slice %arg7[%dma_start3A_19, %dma_start3A_20, %dma_start3A_21] : memref<5x128x128xf32, #tpu.memory_space<vmem>> -> memref<1x128x128xf32, #tpu.memory_space<vmem>>
    %dma_start3A_23 = tpu.memref_squeeze %dma_start3A_22 : memref<1x128x128xf32, #tpu.memory_space<vmem>> -> memref<128x128xf32, #tpu.memory_space<vmem>>
    %dma_start3A_24 = arith.constant 0 : i32
    %dma_start3A_25 = tpu.memref_slice %arg6[%dma_start3A_18, %dma_start3A_24] : memref<200x128xi32, #tpu.memory_space<vmem>> -> memref<1x128xi32, #tpu.memory_space<vmem>>
    %dma_start3A_26 = tpu.memref_squeeze %dma_start3A_25 : memref<1x128xi32, #tpu.memory_space<vmem>> -> memref<128xi32, #tpu.memory_space<vmem>>
    %dma_start3A_27 = arith.constant 0 : i32
    %dma_start3A_28 = arith.constant 0 : i32
    %dma_start3A_29 = tpu.memref_slice %arg3[%dma_start3A_27, %dma_start3A_28] : memref<1000000x128xf32, #tpu.memory_space<hbm>> -> memref<1000000x128xf32, #tpu.memory_space<hbm>>
    tpu.enqueue_indirect_dma source(%dma_start3A_29 : memref<1000000x128xf32, #tpu.memory_space<hbm>>) target(%dma_start3A_23 : memref<128x128xf32, #tpu.memory_space<vmem>>) offsets(%dma_start3A_26 : memref<128xi32, #tpu.memory_space<vmem>>) semaphore(%arg10 : memref<!tpu.dma_semaphore, #tpu.memory_space<semaphore_mem>>)
    %dma_start3A_30 = arith.constant 2 : i32
    %dma_start3A_31 = arith.constant 2 : i32
    %dma_start3A_32 = arith.constant 0 : i32
    %dma_start3A_33 = arith.constant 0 : i32
    %dma_start3A_34 = tpu.memref_slice %arg7[%dma_start3A_31, %dma_start3A_32, %dma_start3A_33] : memref<5x128x128xf32, #tpu.memory_space<vmem>> -> memref<1x128x128xf32, #tpu.memory_space<vmem>>
    %dma_start3A_35 = tpu.memref_squeeze %dma_start3A_34 : memref<1x128x128xf32, #tpu.memory_space<vmem>> -> memref<128x128xf32, #tpu.memory_space<vmem>>
    %dma_start3A_36 = arith.constant 0 : i32
    %dma_start3A_37 = tpu.memref_slice %arg6[%dma_start3A_30, %dma_start3A_36] : memref<200x128xi32, #tpu.memory_space<vmem>> -> memref<1x128xi32, #tpu.memory_space<vmem>>
    %dma_start3A_38 = tpu.memref_squeeze %dma_start3A_37 : memref<1x128xi32, #tpu.memory_space<vmem>> -> memref<128xi32, #tpu.memory_space<vmem>>
    %dma_start3A_39 = arith.constant 0 : i32
    %dma_start3A_40 = arith.constant 0 : i32
    %dma_start3A_41 = tpu.memref_slice %arg3[%dma_start3A_39, %dma_start3A_40] : memref<1000000x128xf32, #tpu.memory_space<hbm>> -> memref<1000000x128xf32, #tpu.memory_space<hbm>>
    tpu.enqueue_indirect_dma source(%dma_start3A_41 : memref<1000000x128xf32, #tpu.memory_space<hbm>>) target(%dma_start3A_35 : memref<128x128xf32, #tpu.memory_space<vmem>>) offsets(%dma_start3A_38 : memref<128xi32, #tpu.memory_space<vmem>>) semaphore(%arg11 : memref<!tpu.dma_semaphore, #tpu.memory_space<semaphore_mem>>)
    %scan3A = arith.constant 0 : i32
    %scan3A_42 = arith.constant 0 : i32
    %scan3A_43 = arith.constant 40 : i32
    %scan3A_44 = arith.addi %scan3A_42, %scan3A_43 : i32
    %scan3A_45 = arith.constant 1 : i32
    scf.for %scan3A_82 = %scan3A_42 to %scan3A_44 step %scan3A_45  : i32 {
      %gt3A = arith.constant 0 : i32
      %gt3A_83 = arith.cmpi sgt, %scan3A_82, %gt3A : i32
      %convert_element_type3A = arith.extui %gt3A_83 : i1 to i32
      %cond3A = arith.constant 0 : i32
      %cond3A_84 = arith.cmpi ne, %convert_element_type3A, %cond3A : i32
      scf.if %cond3A_84 {
        %dma_wait3A_631 = arith.constant 3 : i32
        %dma_wait3A_632 = arith.constant 0 : i32
        %dma_wait3A_633 = arith.constant 0 : i32
        %dma_wait3A_634 = arith.constant 0 : i32
        %dma_wait3A_635 = tpu.memref_slice %arg7[%dma_wait3A_631, %dma_wait3A_633, %dma_wait3A_634] : memref<5x128x128xf32, #tpu.memory_space<vmem>> -> memref<1x128x128xf32, #tpu.memory_space<vmem>>
        %dma_wait3A_636 = tpu.memref_squeeze %dma_wait3A_635 : memref<1x128x128xf32, #tpu.memory_space<vmem>> -> memref<128x128xf32, #tpu.memory_space<vmem>>
        %dma_wait3A_637 = arith.constant 0 : i32
        %dma_wait3A_638 = arith.constant 0 : i32
        %dma_wait3A_639 = tpu.memref_slice %arg5[%dma_wait3A_637, %dma_wait3A_632, %dma_wait3A_638] : memref<4096x200x128xf32, #tpu.memory_space<hbm>> -> memref<128x1x128xf32, #tpu.memory_space<hbm>>
        %dma_wait3A_640 = tpu.memref_squeeze %dma_wait3A_639 : memref<128x1x128xf32, #tpu.memory_space<hbm>> -> memref<128x128xf32, #tpu.memory_space<hbm>>
        %dma_wait3A_641 = arith.constant 0 : i32
        %dma_wait3A_642 = arith.constant 0 : i32
        %dma_wait3A_643 = tpu.memref_slice %arg5[%dma_wait3A_641, %dma_wait3A_632, %dma_wait3A_642] : memref<4096x200x128xf32, #tpu.memory_space<hbm>> -> memref<128x1x128xf32, #tpu.memory_space<hbm>>
        %dma_wait3A_644 = tpu.memref_squeeze %dma_wait3A_643 : memref<128x1x128xf32, #tpu.memory_space<hbm>> -> memref<128x128xf32, #tpu.memory_space<hbm>>
        %dma_wait3A_645 = arith.constant 0 : i32
        %dma_wait3A_646 = arith.constant 0 : i32
        %dma_wait3A_647 = tpu.memref_slice %arg7[%dma_wait3A_631, %dma_wait3A_645, %dma_wait3A_646] : memref<5x128x128xf32, #tpu.memory_space<vmem>> -> memref<1x128x128xf32, #tpu.memory_space<vmem>>
        %dma_wait3A_648 = tpu.memref_squeeze %dma_wait3A_647 : memref<1x128x128xf32, #tpu.memory_space<vmem>> -> memref<128x128xf32, #tpu.memory_space<vmem>>
        tpu.wait_dma2 semaphore(%arg17 : memref<!tpu.dma_semaphore, #tpu.memory_space<semaphore_mem>>) src(%dma_wait3A_648 : memref<128x128xf32, #tpu.memory_space<vmem>>) dst(%dma_wait3A_644 : memref<128x128xf32, #tpu.memory_space<hbm>>)
      } else {
      }
      %mul3A_85 = arith.constant 5 : i32
      %mul3A_86 = arith.muli %scan3A_82, %mul3A_85 : i32
      %add3A_87 = arith.constant 0 : i32
      %add3A_88 = arith.addi %mul3A_86, %add3A_87 : i32
      %add3A_89 = arith.constant 3 : i32
      %add3A_90 = arith.addi %add3A_88, %add3A_89 : i32
      %lt3A = arith.constant 200 : i32
      %lt3A_91 = arith.cmpi slt, %add3A_90, %lt3A : i32
      %convert_element_type3A_92 = arith.extui %lt3A_91 : i1 to i32
      %cond3A_93 = arith.constant 0 : i32
      %cond3A_94 = arith.cmpi ne, %convert_element_type3A_92, %cond3A_93 : i32
      scf.if %cond3A_94 {
        %mul3A_631 = arith.constant 5 : i32
        %mul3A_632 = arith.muli %scan3A_82, %mul3A_631 : i32
        %add3A_633 = arith.constant 0 : i32
        %add3A_634 = arith.addi %mul3A_632, %add3A_633 : i32
        %add3A_635 = arith.constant 3 : i32
        %add3A_636 = arith.addi %add3A_634, %add3A_635 : i32
        %mul3A_637 = arith.constant 1 : i32
        %mul3A_638 = arith.muli %add3A_636, %mul3A_637 : i32
        %add3A_639 = arith.constant 0 : i32
        %add3A_640 = arith.addi %mul3A_638, %add3A_639 : i32
        %dma_start3A_641 = arith.constant 3 : i32
        %dma_start3A_642 = arith.constant 0 : i32
        %dma_start3A_643 = arith.constant 0 : i32
        %dma_start3A_644 = tpu.memref_slice %arg7[%dma_start3A_641, %dma_start3A_642, %dma_start3A_643] : memref<5x128x128xf32, #tpu.memory_space<vmem>> -> memref<1x128x128xf32, #tpu.memory_space<vmem>>
        %dma_start3A_645 = tpu.memref_squeeze %dma_start3A_644 : memref<1x128x128xf32, #tpu.memory_space<vmem>> -> memref<128x128xf32, #tpu.memory_space<vmem>>
        %dma_start3A_646 = arith.constant 0 : i32
        %dma_start3A_647 = tpu.memref_slice %arg6[%add3A_640, %dma_start3A_646] : memref<200x128xi32, #tpu.memory_space<vmem>> -> memref<1x128xi32, #tpu.memory_space<vmem>>
        %dma_start3A_648 = tpu.memref_squeeze %dma_start3A_647 : memref<1x128xi32, #tpu.memory_space<vmem>> -> memref<128xi32, #tpu.memory_space<vmem>>
        %dma_start3A_649 = arith.constant 0 : i32
        %dma_start3A_650 = arith.constant 0 : i32
        %dma_start3A_651 = tpu.memref_slice %arg3[%dma_start3A_649, %dma_start3A_650] : memref<1000000x128xf32, #tpu.memory_space<hbm>> -> memref<1000000x128xf32, #tpu.memory_space<hbm>>
        tpu.enqueue_indirect_dma source(%dma_start3A_651 : memref<1000000x128xf32, #tpu.memory_space<hbm>>) target(%dma_start3A_645 : memref<128x128xf32, #tpu.memory_space<vmem>>) offsets(%dma_start3A_648 : memref<128xi32, #tpu.memory_space<vmem>>) semaphore(%arg12 : memref<!tpu.dma_semaphore, #tpu.memory_space<semaphore_mem>>)
      } else {
      }
      %mul3A_95 = arith.constant 5 : i32
      %mul3A_96 = arith.muli %scan3A_82, %mul3A_95 : i32
      %add3A_97 = arith.constant 0 : i32
      %add3A_98 = arith.addi %mul3A_96, %add3A_97 : i32
      %mul3A_99 = arith.constant 1 : i32
      %mul3A_100 = arith.muli %add3A_98, %mul3A_99 : i32
      %add3A_101 = arith.constant 0 : i32
      %add3A_102 = arith.addi %mul3A_100, %add3A_101 : i32
      %dma_wait3A_103 = arith.constant 0 : i32
      %dma_wait3A_104 = arith.constant 0 : i32
      %dma_wait3A_105 = arith.constant 0 : i32
      %dma_wait3A_106 = tpu.memref_slice %arg7[%dma_wait3A_103, %dma_wait3A_104, %dma_wait3A_105] : memref<5x128x128xf32, #tpu.memory_space<vmem>> -> memref<1x128x128xf32, #tpu.memory_space<vmem>>
      %dma_wait3A_107 = tpu.memref_squeeze %dma_wait3A_106 : memref<1x128x128xf32, #tpu.memory_space<vmem>> -> memref<128x128xf32, #tpu.memory_space<vmem>>
      %dma_wait3A_108 = arith.constant 0 : i32
      %dma_wait3A_109 = tpu.memref_slice %arg6[%add3A_102, %dma_wait3A_108] : memref<200x128xi32, #tpu.memory_space<vmem>> -> memref<1x128xi32, #tpu.memory_space<vmem>>
      %dma_wait3A_110 = tpu.memref_squeeze %dma_wait3A_109 : memref<1x128xi32, #tpu.memory_space<vmem>> -> memref<128xi32, #tpu.memory_space<vmem>>
      %dma_wait3A_111 = arith.constant 0 : i32
      %dma_wait3A_112 = arith.constant 0 : i32
      %dma_wait3A_113 = tpu.memref_slice %arg3[%dma_wait3A_111, %dma_wait3A_112] : memref<1000000x128xf32, #tpu.memory_space<hbm>> -> memref<1000000x128xf32, #tpu.memory_space<hbm>>
      tpu.wait_indirect_dma semaphore(%arg9 : memref<!tpu.dma_semaphore, #tpu.memory_space<semaphore_mem>>) src(%dma_wait3A_113 : memref<1000000x128xf32, #tpu.memory_space<hbm>>) dst(%dma_wait3A_107 : memref<128x128xf32, #tpu.memory_space<vmem>>)
      %mul3A_114 = arith.constant 128 : i32
      %mul3A_115 = arith.muli %add3A_98, %mul3A_114 : i32
      %add3A_116 = arith.addi %mul3A_2, %mul3A_115 : i32
      %shift_right_logical3A_117 = arith.constant 12 : i32
      %shift_right_logical3A_118 = arith.shrui %add3A_116, %shift_right_logical3A_117 : i32
      %and3A_119 = arith.constant 4095 : i32
      %and3A_120 = arith.andi %add3A_116, %and3A_119 : i32
      %sub3A = arith.subi %shift_right_logical3A_118, %multiple_of3A : i32
      %get3A = arith.index_cast %sub3A : i32 to index
      %get3A_121 = arith.constant 0 : index
      %get3A_122 = tpu.vector_load %arg8[%get3A, %get3A_121] {strides = array<i32>} : memref<16x128xf32, #tpu.memory_space<vmem>>, vector<1x16xf32>,
      %get3A_123 = vector.shape_cast %get3A_122 : vector<1x16xf32> to vector<16xf32>
      %sub3A_124 = arith.subi %shift_right_logical3A_118, %multiple_of3A : i32
      %get3A_125 = arith.index_cast %sub3A_124 : i32 to index
      %get3A_126 = arith.constant 16 : index
      %get3A_127 = tpu.vector_load %arg8[%get3A_125, %get3A_126] {strides = array<i32>} : memref<16x128xf32, #tpu.memory_space<vmem>>, vector<1x16xf32>,
      %get3A_128 = vector.shape_cast %get3A_127 : vector<1x16xf32> to vector<16xf32>
      %sub3A_129 = arith.subi %shift_right_logical3A_118, %multiple_of3A : i32
      %get3A_130 = arith.index_cast %sub3A_129 : i32 to index
      %get3A_131 = arith.constant 32 : index
      %get3A_132 = tpu.vector_load %arg8[%get3A_130, %get3A_131] {strides = array<i32>} : memref<16x128xf32, #tpu.memory_space<vmem>>, vector<1x16xf32>,
      %get3A_133 = vector.shape_cast %get3A_132 : vector<1x16xf32> to vector<16xf32>
      %sub3A_134 = arith.subi %shift_right_logical3A_118, %multiple_of3A : i32
      %get3A_135 = arith.index_cast %sub3A_134 : i32 to index
      %get3A_136 = arith.constant 48 : index
      %get3A_137 = tpu.vector_load %arg8[%get3A_135, %get3A_136] {strides = array<i32>} : memref<16x128xf32, #tpu.memory_space<vmem>>, vector<1x16xf32>,
      %get3A_138 = vector.shape_cast %get3A_137 : vector<1x16xf32> to vector<16xf32>
      %sub3A_139 = arith.subi %shift_right_logical3A_118, %multiple_of3A : i32
      %get3A_140 = arith.index_cast %sub3A_139 : i32 to index
      %get3A_141 = arith.constant 64 : index
      %get3A_142 = tpu.vector_load %arg8[%get3A_140, %get3A_141] {strides = array<i32>} : memref<16x128xf32, #tpu.memory_space<vmem>>, vector<1x16xf32>,
      %get3A_143 = vector.shape_cast %get3A_142 : vector<1x16xf32> to vector<16xf32>
      %sub3A_144 = arith.subi %shift_right_logical3A_118, %multiple_of3A : i32
      %get3A_145 = arith.index_cast %sub3A_144 : i32 to index
      %get3A_146 = arith.constant 80 : index
      %get3A_147 = tpu.vector_load %arg8[%get3A_145, %get3A_146] {strides = array<i32>} : memref<16x128xf32, #tpu.memory_space<vmem>>, vector<1x16xf32>,
      %get3A_148 = vector.shape_cast %get3A_147 : vector<1x16xf32> to vector<16xf32>
      %sub3A_149 = arith.subi %shift_right_logical3A_118, %multiple_of3A : i32
      %get3A_150 = arith.index_cast %sub3A_149 : i32 to index
      %get3A_151 = arith.constant 96 : index
      %get3A_152 = tpu.vector_load %arg8[%get3A_150, %get3A_151] {strides = array<i32>} : memref<16x128xf32, #tpu.memory_space<vmem>>, vector<1x16xf32>,
      %get3A_153 = vector.shape_cast %get3A_152 : vector<1x16xf32> to vector<16xf32>
      %sub3A_154 = arith.subi %shift_right_logical3A_118, %multiple_of3A : i32
      %get3A_155 = arith.index_cast %sub3A_154 : i32 to index
      %get3A_156 = arith.constant 112 : index
      %get3A_157 = tpu.vector_load %arg8[%get3A_155, %get3A_156] {strides = array<i32>} : memref<16x128xf32, #tpu.memory_space<vmem>>, vector<1x16xf32>,
      %get3A_158 = vector.shape_cast %get3A_157 : vector<1x16xf32> to vector<16xf32>
      %scan3A_159 = arith.constant 0 : i32
      %scan3A_160 = arith.constant 0 : i32
      %scan3A_161 = arith.constant 32 : i32
      %scan3A_162 = arith.addi %scan3A_160, %scan3A_161 : i32
      %scan3A_163 = arith.constant 1 : i32
      scf.for %scan3A_631 = %scan3A_160 to %scan3A_162 step %scan3A_163  : i32 {
        %mul3A_632 = arith.constant 4 : i32
        %mul3A_633 = arith.muli %scan3A_631, %mul3A_632 : i32
        %add3A_634 = arith.constant 0 : i32
        %add3A_635 = arith.addi %mul3A_633, %add3A_634 : i32
        %get3A_636 = arith.constant 0 : i32
        %get3A_637 = arith.index_cast %get3A_636 : i32 to index
        %get3A_638 = arith.index_cast %add3A_635 : i32 to index
        %get3A_639 = arith.constant 0 : index
        %get3A_640 = tpu.vector_load %arg7[%get3A_637, %get3A_638, %get3A_639] {strides = array<i32>} : memref<5x128x128xf32, #tpu.memory_space<vmem>>, vector<1x1x16xf32>,
        %get3A_641 = vector.shape_cast %get3A_640 : vector<1x1x16xf32> to vector<16xf32>
        %mul3A_642 = arith.constant 11.3137083 : f32
        %mul3A_643 = vector.broadcast %mul3A_642 : f32 to vector<16xf32>
        %mul3A_644 = arith.mulf %get3A_641, %mul3A_643 : vector<16xf32>
        %add3A_645 = arith.addf %mul3A_644, %get3A_123 : vector<16xf32>
        %swap3A = arith.constant 0 : i32
        %swap3A_646 = arith.index_cast %swap3A : i32 to index
        %swap3A_647 = arith.index_cast %add3A_635 : i32 to index
        %swap3A_648 = arith.constant 0 : index
        %swap3A_649 = tpu.vector_load %arg7[%swap3A_646, %swap3A_647, %swap3A_648] {strides = array<i32>} : memref<5x128x128xf32, #tpu.memory_space<vmem>>, vector<1x1x16xf32>,
        %swap3A_650 = vector.shape_cast %swap3A_649 : vector<1x1x16xf32> to vector<16xf32>
        %swap3A_651 = vector.shape_cast %add3A_645 : vector<16xf32> to vector<1x1x16xf32>
        tpu.vector_store %arg7[%swap3A_646, %swap3A_647, %swap3A_648], %swap3A_651 {strides = array<i32>} : memref<5x128x128xf32, #tpu.memory_space<vmem>>, vector<1x1x16xf32>,
        %get3A_652 = arith.constant 0 : i32
        %get3A_653 = arith.index_cast %get3A_652 : i32 to index
        %get3A_654 = arith.index_cast %add3A_635 : i32 to index
        %get3A_655 = arith.constant 16 : index
        %get3A_656 = tpu.vector_load %arg7[%get3A_653, %get3A_654, %get3A_655] {strides = array<i32>} : memref<5x128x128xf32, #tpu.memory_space<vmem>>, vector<1x1x16xf32>,
        %get3A_657 = vector.shape_cast %get3A_656 : vector<1x1x16xf32> to vector<16xf32>
        %mul3A_658 = arith.constant 11.3137083 : f32
        %mul3A_659 = vector.broadcast %mul3A_658 : f32 to vector<16xf32>
        %mul3A_660 = arith.mulf %get3A_657, %mul3A_659 : vector<16xf32>
        %add3A_661 = arith.addf %mul3A_660, %get3A_128 : vector<16xf32>
        %swap3A_662 = arith.constant 0 : i32
        %swap3A_663 = arith.index_cast %swap3A_662 : i32 to index
        %swap3A_664 = arith.index_cast %add3A_635 : i32 to index
        %swap3A_665 = arith.constant 16 : index
        %swap3A_666 = tpu.vector_load %arg7[%swap3A_663, %swap3A_664, %swap3A_665] {strides = array<i32>} : memref<5x128x128xf32, #tpu.memory_space<vmem>>, vector<1x1x16xf32>,
        %swap3A_667 = vector.shape_cast %swap3A_666 : vector<1x1x16xf32> to vector<16xf32>
        %swap3A_668 = vector.shape_cast %add3A_661 : vector<16xf32> to vector<1x1x16xf32>
        tpu.vector_store %arg7[%swap3A_663, %swap3A_664, %swap3A_665], %swap3A_668 {strides = array<i32>} : memref<5x128x128xf32, #tpu.memory_space<vmem>>, vector<1x1x16xf32>,
        %get3A_669 = arith.constant 0 : i32
        %get3A_670 = arith.index_cast %get3A_669 : i32 to index
        %get3A_671 = arith.index_cast %add3A_635 : i32 to index
        %get3A_672 = arith.constant 32 : index
        %get3A_673 = tpu.vector_load %arg7[%get3A_670, %get3A_671, %get3A_672] {strides = array<i32>} : memref<5x128x128xf32, #tpu.memory_space<vmem>>, vector<1x1x16xf32>,
        %get3A_674 = vector.shape_cast %get3A_673 : vector<1x1x16xf32> to vector<16xf32>
        %mul3A_675 = arith.constant 11.3137083 : f32
        %mul3A_676 = vector.broadcast %mul3A_675 : f32 to vector<16xf32>
        %mul3A_677 = arith.mulf %get3A_674, %mul3A_676 : vector<16xf32>
        %add3A_678 = arith.addf %mul3A_677, %get3A_133 : vector<16xf32>
        %swap3A_679 = arith.constant 0 : i32
        %swap3A_680 = arith.index_cast %swap3A_679 : i32 to index
        %swap3A_681 = arith.index_cast %add3A_635 : i32 to index
        %swap3A_682 = arith.constant 32 : index
        %swap3A_683 = tpu.vector_load %arg7[%swap3A_680, %swap3A_681, %swap3A_682] {strides = array<i32>} : memref<5x128x128xf32, #tpu.memory_space<vmem>>, vector<1x1x16xf32>,
        %swap3A_684 = vector.shape_cast %swap3A_683 : vector<1x1x16xf32> to vector<16xf32>
        %swap3A_685 = vector.shape_cast %add3A_678 : vector<16xf32> to vector<1x1x16xf32>
        tpu.vector_store %arg7[%swap3A_680, %swap3A_681, %swap3A_682], %swap3A_685 {strides = array<i32>} : memref<5x128x128xf32, #tpu.memory_space<vmem>>, vector<1x1x16xf32>,
        %get3A_686 = arith.constant 0 : i32
        %get3A_687 = arith.index_cast %get3A_686 : i32 to index
        %get3A_688 = arith.index_cast %add3A_635 : i32 to index
        %get3A_689 = arith.constant 48 : index
        %get3A_690 = tpu.vector_load %arg7[%get3A_687, %get3A_688, %get3A_689] {strides = array<i32>} : memref<5x128x128xf32, #tpu.memory_space<vmem>>, vector<1x1x16xf32>,
        %get3A_691 = vector.shape_cast %get3A_690 : vector<1x1x16xf32> to vector<16xf32>
        %mul3A_692 = arith.constant 11.3137083 : f32
        %mul3A_693 = vector.broadcast %mul3A_692 : f32 to vector<16xf32>
        %mul3A_694 = arith.mulf %get3A_691, %mul3A_693 : vector<16xf32>
        %add3A_695 = arith.addf %mul3A_694, %get3A_138 : vector<16xf32>
        %swap3A_696 = arith.constant 0 : i32
        %swap3A_697 = arith.index_cast %swap3A_696 : i32 to index
        %swap3A_698 = arith.index_cast %add3A_635 : i32 to index
        %swap3A_699 = arith.constant 48 : index
        %swap3A_700 = tpu.vector_load %arg7[%swap3A_697, %swap3A_698, %swap3A_699] {strides = array<i32>} : memref<5x128x128xf32, #tpu.memory_space<vmem>>, vector<1x1x16xf32>,
        %swap3A_701 = vector.shape_cast %swap3A_700 : vector<1x1x16xf32> to vector<16xf32>
        %swap3A_702 = vector.shape_cast %add3A_695 : vector<16xf32> to vector<1x1x16xf32>
        tpu.vector_store %arg7[%swap3A_697, %swap3A_698, %swap3A_699], %swap3A_702 {strides = array<i32>} : memref<5x128x128xf32, #tpu.memory_space<vmem>>, vector<1x1x16xf32>,
        %get3A_703 = arith.constant 0 : i32
        %get3A_704 = arith.index_cast %get3A_703 : i32 to index
        %get3A_705 = arith.index_cast %add3A_635 : i32 to index
        %get3A_706 = arith.constant 64 : index
        %get3A_707 = tpu.vector_load %arg7[%get3A_704, %get3A_705, %get3A_706] {strides = array<i32>} : memref<5x128x128xf32, #tpu.memory_space<vmem>>, vector<1x1x16xf32>,
        %get3A_708 = vector.shape_cast %get3A_707 : vector<1x1x16xf32> to vector<16xf32>
        %mul3A_709 = arith.constant 11.3137083 : f32
        %mul3A_710 = vector.broadcast %mul3A_709 : f32 to vector<16xf32>
        %mul3A_711 = arith.mulf %get3A_708, %mul3A_710 : vector<16xf32>
        %add3A_712 = arith.addf %mul3A_711, %get3A_143 : vector<16xf32>
        %swap3A_713 = arith.constant 0 : i32
        %swap3A_714 = arith.index_cast %swap3A_713 : i32 to index
        %swap3A_715 = arith.index_cast %add3A_635 : i32 to index
        %swap3A_716 = arith.constant 64 : index
        %swap3A_717 = tpu.vector_load %arg7[%swap3A_714, %swap3A_715, %swap3A_716] {strides = array<i32>} : memref<5x128x128xf32, #tpu.memory_space<vmem>>, vector<1x1x16xf32>,
        %swap3A_718 = vector.shape_cast %swap3A_717 : vector<1x1x16xf32> to vector<16xf32>
        %swap3A_719 = vector.shape_cast %add3A_712 : vector<16xf32> to vector<1x1x16xf32>
        tpu.vector_store %arg7[%swap3A_714, %swap3A_715, %swap3A_716], %swap3A_719 {strides = array<i32>} : memref<5x128x128xf32, #tpu.memory_space<vmem>>, vector<1x1x16xf32>,
        %get3A_720 = arith.constant 0 : i32
        %get3A_721 = arith.index_cast %get3A_720 : i32 to index
        %get3A_722 = arith.index_cast %add3A_635 : i32 to index
        %get3A_723 = arith.constant 80 : index
        %get3A_724 = tpu.vector_load %arg7[%get3A_721, %get3A_722, %get3A_723] {strides = array<i32>} : memref<5x128x128xf32, #tpu.memory_space<vmem>>, vector<1x1x16xf32>,
        %get3A_725 = vector.shape_cast %get3A_724 : vector<1x1x16xf32> to vector<16xf32>
        %mul3A_726 = arith.constant 11.3137083 : f32
        %mul3A_727 = vector.broadcast %mul3A_726 : f32 to vector<16xf32>
        %mul3A_728 = arith.mulf %get3A_725, %mul3A_727 : vector<16xf32>
        %add3A_729 = arith.addf %mul3A_728, %get3A_148 : vector<16xf32>
        %swap3A_730 = arith.constant 0 : i32
        %swap3A_731 = arith.index_cast %swap3A_730 : i32 to index
        %swap3A_732 = arith.index_cast %add3A_635 : i32 to index
        %swap3A_733 = arith.constant 80 : index
        %swap3A_734 = tpu.vector_load %arg7[%swap3A_731, %swap3A_732, %swap3A_733] {strides = array<i32>} : memref<5x128x128xf32, #tpu.memory_space<vmem>>, vector<1x1x16xf32>,
        %swap3A_735 = vector.shape_cast %swap3A_734 : vector<1x1x16xf32> to vector<16xf32>
        %swap3A_736 = vector.shape_cast %add3A_729 : vector<16xf32> to vector<1x1x16xf32>
        tpu.vector_store %arg7[%swap3A_731, %swap3A_732, %swap3A_733], %swap3A_736 {strides = array<i32>} : memref<5x128x128xf32, #tpu.memory_space<vmem>>, vector<1x1x16xf32>,
        %get3A_737 = arith.constant 0 : i32
        %get3A_738 = arith.index_cast %get3A_737 : i32 to index
        %get3A_739 = arith.index_cast %add3A_635 : i32 to index
        %get3A_740 = arith.constant 96 : index
        %get3A_741 = tpu.vector_load %arg7[%get3A_738, %get3A_739, %get3A_740] {strides = array<i32>} : memref<5x128x128xf32, #tpu.memory_space<vmem>>, vector<1x1x16xf32>,
        %get3A_742 = vector.shape_cast %get3A_741 : vector<1x1x16xf32> to vector<16xf32>
        %mul3A_743 = arith.constant 11.3137083 : f32
        %mul3A_744 = vector.broadcast %mul3A_743 : f32 to vector<16xf32>
        %mul3A_745 = arith.mulf %get3A_742, %mul3A_744 : vector<16xf32>
        %add3A_746 = arith.addf %mul3A_745, %get3A_153 : vector<16xf32>
        %swap3A_747 = arith.constant 0 : i32
        %swap3A_748 = arith.index_cast %swap3A_747 : i32 to index
        %swap3A_749 = arith.index_cast %add3A_635 : i32 to index
        %swap3A_750 = arith.constant 96 : index
        %swap3A_751 = tpu.vector_load %arg7[%swap3A_748, %swap3A_749, %swap3A_750] {strides = array<i32>} : memref<5x128x128xf32, #tpu.memory_space<vmem>>, vector<1x1x16xf32>,
        %swap3A_752 = vector.shape_cast %swap3A_751 : vector<1x1x16xf32> to vector<16xf32>
        %swap3A_753 = vector.shape_cast %add3A_746 : vector<16xf32> to vector<1x1x16xf32>
        tpu.vector_store %arg7[%swap3A_748, %swap3A_749, %swap3A_750], %swap3A_753 {strides = array<i32>} : memref<5x128x128xf32, #tpu.memory_space<vmem>>, vector<1x1x16xf32>,
        %get3A_754 = arith.constant 0 : i32
        %get3A_755 = arith.index_cast %get3A_754 : i32 to index
        %get3A_756 = arith.index_cast %add3A_635 : i32 to index
        %get3A_757 = arith.constant 112 : index
        %get3A_758 = tpu.vector_load %arg7[%get3A_755, %get3A_756, %get3A_757] {strides = array<i32>} : memref<5x128x128xf32, #tpu.memory_space<vmem>>, vector<1x1x16xf32>,
        %get3A_759 = vector.shape_cast %get3A_758 : vector<1x1x16xf32> to vector<16xf32>
        %mul3A_760 = arith.constant 11.3137083 : f32
        %mul3A_761 = vector.broadcast %mul3A_760 : f32 to vector<16xf32>
        %mul3A_762 = arith.mulf %get3A_759, %mul3A_761 : vector<16xf32>
        %add3A_763 = arith.addf %mul3A_762, %get3A_158 : vector<16xf32>
        %swap3A_764 = arith.constant 0 : i32
        %swap3A_765 = arith.index_cast %swap3A_764 : i32 to index
        %swap3A_766 = arith.index_cast %add3A_635 : i32 to index
        %swap3A_767 = arith.constant 112 : index
        %swap3A_768 = tpu.vector_load %arg7[%swap3A_765, %swap3A_766, %swap3A_767] {strides = array<i32>} : memref<5x128x128xf32, #tpu.memory_space<vmem>>, vector<1x1x16xf32>,
        %swap3A_769 = vector.shape_cast %swap3A_768 : vector<1x1x16xf32> to vector<16xf32>
        %swap3A_770 = vector.shape_cast %add3A_763 : vector<16xf32> to vector<1x1x16xf32>
        tpu.vector_store %arg7[%swap3A_765, %swap3A_766, %swap3A_767], %swap3A_770 {strides = array<i32>} : memref<5x128x128xf32, #tpu.memory_space<vmem>>, vector<1x1x16xf32>,
        %mul3A_771 = arith.constant 4 : i32
        %mul3A_772 = arith.muli %scan3A_631, %mul3A_771 : i32
        %add3A_773 = arith.constant 1 : i32
        %add3A_774 = arith.addi %mul3A_772, %add3A_773 : i32
        %get3A_775 = arith.constant 0 : i32
        %get3A_776 = arith.index_cast %get3A_775 : i32 to index
        %get3A_777 = arith.index_cast %add3A_774 : i32 to index
        %get3A_778 = arith.constant 0 : index
        %get3A_779 = tpu.vector_load %arg7[%get3A_776, %get3A_777, %get3A_778] {strides = array<i32>} : memref<5x128x128xf32, #tpu.memory_space<vmem>>, vector<1x1x16xf32>,
        %get3A_780 = vector.shape_cast %get3A_779 : vector<1x1x16xf32> to vector<16xf32>
        %mul3A_781 = arith.constant 11.3137083 : f32
        %mul3A_782 = vector.broadcast %mul3A_781 : f32 to vector<16xf32>
        %mul3A_783 = arith.mulf %get3A_780, %mul3A_782 : vector<16xf32>
        %add3A_784 = arith.addf %mul3A_783, %get3A_123 : vector<16xf32>
        %swap3A_785 = arith.constant 0 : i32
        %swap3A_786 = arith.index_cast %swap3A_785 : i32 to index
        %swap3A_787 = arith.index_cast %add3A_774 : i32 to index
        %swap3A_788 = arith.constant 0 : index
        %swap3A_789 = tpu.vector_load %arg7[%swap3A_786, %swap3A_787, %swap3A_788] {strides = array<i32>} : memref<5x128x128xf32, #tpu.memory_space<vmem>>, vector<1x1x16xf32>,
        %swap3A_790 = vector.shape_cast %swap3A_789 : vector<1x1x16xf32> to vector<16xf32>
        %swap3A_791 = vector.shape_cast %add3A_784 : vector<16xf32> to vector<1x1x16xf32>
        tpu.vector_store %arg7[%swap3A_786, %swap3A_787, %swap3A_788], %swap3A_791 {strides = array<i32>} : memref<5x128x128xf32, #tpu.memory_space<vmem>>, vector<1x1x16xf32>,
        %get3A_792 = arith.constant 0 : i32
        %get3A_793 = arith.index_cast %get3A_792 : i32 to index
        %get3A_794 = arith.index_cast %add3A_774 : i32 to index
        %get3A_795 = arith.constant 16 : index
        %get3A_796 = tpu.vector_load %arg7[%get3A_793, %get3A_794, %get3A_795] {strides = array<i32>} : memref<5x128x128xf32, #tpu.memory_space<vmem>>, vector<1x1x16xf32>,
        %get3A_797 = vector.shape_cast %get3A_796 : vector<1x1x16xf32> to vector<16xf32>
        %mul3A_798 = arith.constant 11.3137083 : f32
        %mul3A_799 = vector.broadcast %mul3A_798 : f32 to vector<16xf32>
        %mul3A_800 = arith.mulf %get3A_797, %mul3A_799 : vector<16xf32>
        %add3A_801 = arith.addf %mul3A_800, %get3A_128 : vector<16xf32>
        %swap3A_802 = arith.constant 0 : i32
        %swap3A_803 = arith.index_cast %swap3A_802 : i32 to index
        %swap3A_804 = arith.index_cast %add3A_774 : i32 to index
        %swap3A_805 = arith.constant 16 : index
        %swap3A_806 = tpu.vector_load %arg7[%swap3A_803, %swap3A_804, %swap3A_805] {strides = array<i32>} : memref<5x128x128xf32, #tpu.memory_space<vmem>>, vector<1x1x16xf32>,
        %swap3A_807 = vector.shape_cast %swap3A_806 : vector<1x1x16xf32> to vector<16xf32>
        %swap3A_808 = vector.shape_cast %add3A_801 : vector<16xf32> to vector<1x1x16xf32>
        tpu.vector_store %arg7[%swap3A_803, %swap3A_804, %swap3A_805], %swap3A_808 {strides = array<i32>} : memref<5x128x128xf32, #tpu.memory_space<vmem>>, vector<1x1x16xf32>,
        %get3A_809 = arith.constant 0 : i32
        %get3A_810 = arith.index_cast %get3A_809 : i32 to index
        %get3A_811 = arith.index_cast %add3A_774 : i32 to index
        %get3A_812 = arith.constant 32 : index
        %get3A_813 = tpu.vector_load %arg7[%get3A_810, %get3A_811, %get3A_812] {strides = array<i32>} : memref<5x128x128xf32, #tpu.memory_space<vmem>>, vector<1x1x16xf32>,
        %get3A_814 = vector.shape_cast %get3A_813 : vector<1x1x16xf32> to vector<16xf32>
        %mul3A_815 = arith.constant 11.3137083 : f32
        %mul3A_816 = vector.broadcast %mul3A_815 : f32 to vector<16xf32>
        %mul3A_817 = arith.mulf %get3A_814, %mul3A_816 : vector<16xf32>
        %add3A_818 = arith.addf %mul3A_817, %get3A_133 : vector<16xf32>
        %swap3A_819 = arith.constant 0 : i32
        %swap3A_820 = arith.index_cast %swap3A_819 : i32 to index
        %swap3A_821 = arith.index_cast %add3A_774 : i32 to index
        %swap3A_822 = arith.constant 32 : index
        %swap3A_823 = tpu.vector_load %arg7[%swap3A_820, %swap3A_821, %swap3A_822] {strides = array<i32>} : memref<5x128x128xf32, #tpu.memory_space<vmem>>, vector<1x1x16xf32>,
        %swap3A_824 = vector.shape_cast %swap3A_823 : vector<1x1x16xf32> to vector<16xf32>
        %swap3A_825 = vector.shape_cast %add3A_818 : vector<16xf32> to vector<1x1x16xf32>
        tpu.vector_store %arg7[%swap3A_820, %swap3A_821, %swap3A_822], %swap3A_825 {strides = array<i32>} : memref<5x128x128xf32, #tpu.memory_space<vmem>>, vector<1x1x16xf32>,
        %get3A_826 = arith.constant 0 : i32
        %get3A_827 = arith.index_cast %get3A_826 : i32 to index
        %get3A_828 = arith.index_cast %add3A_774 : i32 to index
        %get3A_829 = arith.constant 48 : index
        %get3A_830 = tpu.vector_load %arg7[%get3A_827, %get3A_828, %get3A_829] {strides = array<i32>} : memref<5x128x128xf32, #tpu.memory_space<vmem>>, vector<1x1x16xf32>,
        %get3A_831 = vector.shape_cast %get3A_830 : vector<1x1x16xf32> to vector<16xf32>
        %mul3A_832 = arith.constant 11.3137083 : f32
        %mul3A_833 = vector.broadcast %mul3A_832 : f32 to vector<16xf32>
        %mul3A_834 = arith.mulf %get3A_831, %mul3A_833 : vector<16xf32>
        %add3A_835 = arith.addf %mul3A_834, %get3A_138 : vector<16xf32>
        %swap3A_836 = arith.constant 0 : i32
        %swap3A_837 = arith.index_cast %swap3A_836 : i32 to index
        %swap3A_838 = arith.index_cast %add3A_774 : i32 to index
        %swap3A_839 = arith.constant 48 : index
        %swap3A_840 = tpu.vector_load %arg7[%swap3A_837, %swap3A_838, %swap3A_839] {strides = array<i32>} : memref<5x128x128xf32, #tpu.memory_space<vmem>>, vector<1x1x16xf32>,
        %swap3A_841 = vector.shape_cast %swap3A_840 : vector<1x1x16xf32> to vector<16xf32>
        %swap3A_842 = vector.shape_cast %add3A_835 : vector<16xf32> to vector<1x1x16xf32>
        tpu.vector_store %arg7[%swap3A_837, %swap3A_838, %swap3A_839], %swap3A_842 {strides = array<i32>} : memref<5x128x128xf32, #tpu.memory_space<vmem>>, vector<1x1x16xf32>,
        %get3A_843 = arith.constant 0 : i32
        %get3A_844 = arith.index_cast %get3A_843 : i32 to index
        %get3A_845 = arith.index_cast %add3A_774 : i32 to index
        %get3A_846 = arith.constant 64 : index
        %get3A_847 = tpu.vector_load %arg7[%get3A_844, %get3A_845, %get3A_846] {strides = array<i32>} : memref<5x128x128xf32, #tpu.memory_space<vmem>>, vector<1x1x16xf32>,
        %get3A_848 = vector.shape_cast %get3A_847 : vector<1x1x16xf32> to vector<16xf32>
        %mul3A_849 = arith.constant 11.3137083 : f32
        %mul3A_850 = vector.broadcast %mul3A_849 : f32 to vector<16xf32>
        %mul3A_851 = arith.mulf %get3A_848, %mul3A_850 : vector<16xf32>
        %add3A_852 = arith.addf %mul3A_851, %get3A_143 : vector<16xf32>
        %swap3A_853 = arith.constant 0 : i32
        %swap3A_854 = arith.index_cast %swap3A_853 : i32 to index
        %swap3A_855 = arith.index_cast %add3A_774 : i32 to index
        %swap3A_856 = arith.constant 64 : index
        %swap3A_857 = tpu.vector_load %arg7[%swap3A_854, %swap3A_855, %swap3A_856] {strides = array<i32>} : memref<5x128x128xf32, #tpu.memory_space<vmem>>, vector<1x1x16xf32>,
        %swap3A_858 = vector.shape_cast %swap3A_857 : vector<1x1x16xf32> to vector<16xf32>
        %swap3A_859 = vector.shape_cast %add3A_852 : vector<16xf32> to vector<1x1x16xf32>
        tpu.vector_store %arg7[%swap3A_854, %swap3A_855, %swap3A_856], %swap3A_859 {strides = array<i32>} : memref<5x128x128xf32, #tpu.memory_space<vmem>>, vector<1x1x16xf32>,
        %get3A_860 = arith.constant 0 : i32
        %get3A_861 = arith.index_cast %get3A_860 : i32 to index
        %get3A_862 = arith.index_cast %add3A_774 : i32 to index
        %get3A_863 = arith.constant 80 : index
        %get3A_864 = tpu.vector_load %arg7[%get3A_861, %get3A_862, %get3A_863] {strides = array<i32>} : memref<5x128x128xf32, #tpu.memory_space<vmem>>, vector<1x1x16xf32>,
        %get3A_865 = vector.shape_cast %get3A_864 : vector<1x1x16xf32> to vector<16xf32>
        %mul3A_866 = arith.constant 11.3137083 : f32
        %mul3A_867 = vector.broadcast %mul3A_866 : f32 to vector<16xf32>
        %mul3A_868 = arith.mulf %get3A_865, %mul3A_867 : vector<16xf32>
        %add3A_869 = arith.addf %mul3A_868, %get3A_148 : vector<16xf32>
        %swap3A_870 = arith.constant 0 : i32
        %swap3A_871 = arith.index_cast %swap3A_870 : i32 to index
        %swap3A_872 = arith.index_cast %add3A_774 : i32 to index
        %swap3A_873 = arith.constant 80 : index
        %swap3A_874 = tpu.vector_load %arg7[%swap3A_871, %swap3A_872, %swap3A_873] {strides = array<i32>} : memref<5x128x128xf32, #tpu.memory_space<vmem>>, vector<1x1x16xf32>,
        %swap3A_875 = vector.shape_cast %swap3A_874 : vector<1x1x16xf32> to vector<16xf32>
        %swap3A_876 = vector.shape_cast %add3A_869 : vector<16xf32> to vector<1x1x16xf32>
        tpu.vector_store %arg7[%swap3A_871, %swap3A_872, %swap3A_873], %swap3A_876 {strides = array<i32>} : memref<5x128x128xf32, #tpu.memory_space<vmem>>, vector<1x1x16xf32>,
        %get3A_877 = arith.constant 0 : i32
        %get3A_878 = arith.index_cast %get3A_877 : i32 to index
        %get3A_879 = arith.index_cast %add3A_774 : i32 to index
        %get3A_880 = arith.constant 96 : index
        %get3A_881 = tpu.vector_load %arg7[%get3A_878, %get3A_879, %get3A_880] {strides = array<i32>} : memref<5x128x128xf32, #tpu.memory_space<vmem>>, vector<1x1x16xf32>,
        %get3A_882 = vector.shape_cast %get3A_881 : vector<1x1x16xf32> to vector<16xf32>
        %mul3A_883 = arith.constant 11.3137083 : f32
        %mul3A_884 = vector.broadcast %mul3A_883 : f32 to vector<16xf32>
        %mul3A_885 = arith.mulf %get3A_882, %mul3A_884 : vector<16xf32>
        %add3A_886 = arith.addf %mul3A_885, %get3A_153 : vector<16xf32>
        %swap3A_887 = arith.constant 0 : i32
        %swap3A_888 = arith.index_cast %swap3A_887 : i32 to index
        %swap3A_889 = arith.index_cast %add3A_774 : i32 to index
        %swap3A_890 = arith.constant 96 : index
        %swap3A_891 = tpu.vector_load %arg7[%swap3A_888, %swap3A_889, %swap3A_890] {strides = array<i32>} : memref<5x128x128xf32, #tpu.memory_space<vmem>>, vector<1x1x16xf32>,
        %swap3A_892 = vector.shape_cast %swap3A_891 : vector<1x1x16xf32> to vector<16xf32>
        %swap3A_893 = vector.shape_cast %add3A_886 : vector<16xf32> to vector<1x1x16xf32>
        tpu.vector_store %arg7[%swap3A_888, %swap3A_889, %swap3A_890], %swap3A_893 {strides = array<i32>} : memref<5x128x128xf32, #tpu.memory_space<vmem>>, vector<1x1x16xf32>,
        %get3A_894 = arith.constant 0 : i32
        %get3A_895 = arith.index_cast %get3A_894 : i32 to index
        %get3A_896 = arith.index_cast %add3A_774 : i32 to index
        %get3A_897 = arith.constant 112 : index
        %get3A_898 = tpu.vector_load %arg7[%get3A_895, %get3A_896, %get3A_897] {strides = array<i32>} : memref<5x128x128xf32, #tpu.memory_space<vmem>>, vector<1x1x16xf32>,
        %get3A_899 = vector.shape_cast %get3A_898 : vector<1x1x16xf32> to vector<16xf32>
        %mul3A_900 = arith.constant 11.3137083 : f32
        %mul3A_901 = vector.broadcast %mul3A_900 : f32 to vector<16xf32>
        %mul3A_902 = arith.mulf %get3A_899, %mul3A_901 : vector<16xf32>
        %add3A_903 = arith.addf %mul3A_902, %get3A_158 : vector<16xf32>
        %swap3A_904 = arith.constant 0 : i32
        %swap3A_905 = arith.index_cast %swap3A_904 : i32 to index
        %swap3A_906 = arith.index_cast %add3A_774 : i32 to index
        %swap3A_907 = arith.constant 112 : index
        %swap3A_908 = tpu.vector_load %arg7[%swap3A_905, %swap3A_906, %swap3A_907] {strides = array<i32>} : memref<5x128x128xf32, #tpu.memory_space<vmem>>, vector<1x1x16xf32>,
        %swap3A_909 = vector.shape_cast %swap3A_908 : vector<1x1x16xf32> to vector<16xf32>
        %swap3A_910 = vector.shape_cast %add3A_903 : vector<16xf32> to vector<1x1x16xf32>
        tpu.vector_store %arg7[%swap3A_905, %swap3A_906, %swap3A_907], %swap3A_910 {strides = array<i32>} : memref<5x128x128xf32, #tpu.memory_space<vmem>>, vector<1x1x16xf32>,
        %mul3A_911 = arith.constant 4 : i32
        %mul3A_912 = arith.muli %scan3A_631, %mul3A_911 : i32
        %add3A_913 = arith.constant 2 : i32
        %add3A_914 = arith.addi %mul3A_912, %add3A_913 : i32
        %get3A_915 = arith.constant 0 : i32
        %get3A_916 = arith.index_cast %get3A_915 : i32 to index
        %get3A_917 = arith.index_cast %add3A_914 : i32 to index
        %get3A_918 = arith.constant 0 : index
        %get3A_919 = tpu.vector_load %arg7[%get3A_916, %get3A_917, %get3A_918] {strides = array<i32>} : memref<5x128x128xf32, #tpu.memory_space<vmem>>, vector<1x1x16xf32>,
        %get3A_920 = vector.shape_cast %get3A_919 : vector<1x1x16xf32> to vector<16xf32>
        %mul3A_921 = arith.constant 11.3137083 : f32
        %mul3A_922 = vector.broadcast %mul3A_921 : f32 to vector<16xf32>
        %mul3A_923 = arith.mulf %get3A_920, %mul3A_922 : vector<16xf32>
        %add3A_924 = arith.addf %mul3A_923, %get3A_123 : vector<16xf32>
        %swap3A_925 = arith.constant 0 : i32
        %swap3A_926 = arith.index_cast %swap3A_925 : i32 to index
        %swap3A_927 = arith.index_cast %add3A_914 : i32 to index
        %swap3A_928 = arith.constant 0 : index
        %swap3A_929 = tpu.vector_load %arg7[%swap3A_926, %swap3A_927, %swap3A_928] {strides = array<i32>} : memref<5x128x128xf32, #tpu.memory_space<vmem>>, vector<1x1x16xf32>,
        %swap3A_930 = vector.shape_cast %swap3A_929 : vector<1x1x16xf32> to vector<16xf32>
        %swap3A_931 = vector.shape_cast %add3A_924 : vector<16xf32> to vector<1x1x16xf32>
        tpu.vector_store %arg7[%swap3A_926, %swap3A_927, %swap3A_928], %swap3A_931 {strides = array<i32>} : memref<5x128x128xf32, #tpu.memory_space<vmem>>, vector<1x1x16xf32>,
        %get3A_932 = arith.constant 0 : i32
        %get3A_933 = arith.index_cast %get3A_932 : i32 to index
        %get3A_934 = arith.index_cast %add3A_914 : i32 to index
        %get3A_935 = arith.constant 16 : index
        %get3A_936 = tpu.vector_load %arg7[%get3A_933, %get3A_934, %get3A_935] {strides = array<i32>} : memref<5x128x128xf32, #tpu.memory_space<vmem>>, vector<1x1x16xf32>,
        %get3A_937 = vector.shape_cast %get3A_936 : vector<1x1x16xf32> to vector<16xf32>
        %mul3A_938 = arith.constant 11.3137083 : f32
        %mul3A_939 = vector.broadcast %mul3A_938 : f32 to vector<16xf32>
        %mul3A_940 = arith.mulf %get3A_937, %mul3A_939 : vector<16xf32>
        %add3A_941 = arith.addf %mul3A_940, %get3A_128 : vector<16xf32>
        %swap3A_942 = arith.constant 0 : i32
        %swap3A_943 = arith.index_cast %swap3A_942 : i32 to index
        %swap3A_944 = arith.index_cast %add3A_914 : i32 to index
        %swap3A_945 = arith.constant 16 : index
        %swap3A_946 = tpu.vector_load %arg7[%swap3A_943, %swap3A_944, %swap3A_945] {strides = array<i32>} : memref<5x128x128xf32, #tpu.memory_space<vmem>>, vector<1x1x16xf32>,
        %swap3A_947 = vector.shape_cast %swap3A_946 : vector<1x1x16xf32> to vector<16xf32>
        %swap3A_948 = vector.shape_cast %add3A_941 : vector<16xf32> to vector<1x1x16xf32>
        tpu.vector_store %arg7[%swap3A_943, %swap3A_944, %swap3A_945], %swap3A_948 {strides = array<i32>} : memref<5x128x128xf32, #tpu.memory_space<vmem>>, vector<1x1x16xf32>,
        %get3A_949 = arith.constant 0 : i32
        %get3A_950 = arith.index_cast %get3A_949 : i32 to index
        %get3A_951 = arith.index_cast %add3A_914 : i32 to index
        %get3A_952 = arith.constant 32 : index
        %get3A_953 = tpu.vector_load %arg7[%get3A_950, %get3A_951, %get3A_952] {strides = array<i32>} : memref<5x128x128xf32, #tpu.memory_space<vmem>>, vector<1x1x16xf32>,
        %get3A_954 = vector.shape_cast %get3A_953 : vector<1x1x16xf32> to vector<16xf32>
        %mul3A_955 = arith.constant 11.3137083 : f32
        %mul3A_956 = vector.broadcast %mul3A_955 : f32 to vector<16xf32>
        %mul3A_957 = arith.mulf %get3A_954, %mul3A_956 : vector<16xf32>
        %add3A_958 = arith.addf %mul3A_957, %get3A_133 : vector<16xf32>
        %swap3A_959 = arith.constant 0 : i32
        %swap3A_960 = arith.index_cast %swap3A_959 : i32 to index
        %swap3A_961 = arith.index_cast %add3A_914 : i32 to index
        %swap3A_962 = arith.constant 32 : index
        %swap3A_963 = tpu.vector_load %arg7[%swap3A_960, %swap3A_961, %swap3A_962] {strides = array<i32>} : memref<5x128x128xf32, #tpu.memory_space<vmem>>, vector<1x1x16xf32>,
        %swap3A_964 = vector.shape_cast %swap3A_963 : vector<1x1x16xf32> to vector<16xf32>
        %swap3A_965 = vector.shape_cast %add3A_958 : vector<16xf32> to vector<1x1x16xf32>
        tpu.vector_store %arg7[%swap3A_960, %swap3A_961, %swap3A_962], %swap3A_965 {strides = array<i32>} : memref<5x128x128xf32, #tpu.memory_space<vmem>>, vector<1x1x16xf32>,
        %get3A_966 = arith.constant 0 : i32
        %get3A_967 = arith.index_cast %get3A_966 : i32 to index
        %get3A_968 = arith.index_cast %add3A_914 : i32 to index
        %get3A_969 = arith.constant 48 : index
        %get3A_970 = tpu.vector_load %arg7[%get3A_967, %get3A_968, %get3A_969] {strides = array<i32>} : memref<5x128x128xf32, #tpu.memory_space<vmem>>, vector<1x1x16xf32>,
        %get3A_971 = vector.shape_cast %get3A_970 : vector<1x1x16xf32> to vector<16xf32>
        %mul3A_972 = arith.constant 11.3137083 : f32
        %mul3A_973 = vector.broadcast %mul3A_972 : f32 to vector<16xf32>
        %mul3A_974 = arith.mulf %get3A_971, %mul3A_973 : vector<16xf32>
        %add3A_975 = arith.addf %mul3A_974, %get3A_138 : vector<16xf32>
        %swap3A_976 = arith.constant 0 : i32
        %swap3A_977 = arith.index_cast %swap3A_976 : i32 to index
        %swap3A_978 = arith.index_cast %add3A_914 : i32 to index
        %swap3A_979 = arith.constant 48 : index
        %swap3A_980 = tpu.vector_load %arg7[%swap3A_977, %swap3A_978, %swap3A_979] {strides = array<i32>} : memref<5x128x128xf32, #tpu.memory_space<vmem>>, vector<1x1x16xf32>,
        %swap3A_981 = vector.shape_cast %swap3A_980 : vector<1x1x16xf32> to vector<16xf32>
        %swap3A_982 = vector.shape_cast %add3A_975 : vector<16xf32> to vector<1x1x16xf32>
        tpu.vector_store %arg7[%swap3A_977, %swap3A_978, %swap3A_979], %swap3A_982 {strides = array<i32>} : memref<5x128x128xf32, #tpu.memory_space<vmem>>, vector<1x1x16xf32>,
        %get3A_983 = arith.constant 0 : i32
        %get3A_984 = arith.index_cast %get3A_983 : i32 to index
        %get3A_985 = arith.index_cast %add3A_914 : i32 to index
        %get3A_986 = arith.constant 64 : index
        %get3A_987 = tpu.vector_load %arg7[%get3A_984, %get3A_985, %get3A_986] {strides = array<i32>} : memref<5x128x128xf32, #tpu.memory_space<vmem>>, vector<1x1x16xf32>,
        %get3A_988 = vector.shape_cast %get3A_987 : vector<1x1x16xf32> to vector<16xf32>
        %mul3A_989 = arith.constant 11.3137083 : f32
        %mul3A_990 = vector.broadcast %mul3A_989 : f32 to vector<16xf32>
        %mul3A_991 = arith.mulf %get3A_988, %mul3A_990 : vector<16xf32>
        %add3A_992 = arith.addf %mul3A_991, %get3A_143 : vector<16xf32>
        %swap3A_993 = arith.constant 0 : i32
        %swap3A_994 = arith.index_cast %swap3A_993 : i32 to index
        %swap3A_995 = arith.index_cast %add3A_914 : i32 to index
        %swap3A_996 = arith.constant 64 : index
        %swap3A_997 = tpu.vector_load %arg7[%swap3A_994, %swap3A_995, %swap3A_996] {strides = array<i32>} : memref<5x128x128xf32, #tpu.memory_space<vmem>>, vector<1x1x16xf32>,
        %swap3A_998 = vector.shape_cast %swap3A_997 : vector<1x1x16xf32> to vector<16xf32>
        %swap3A_999 = vector.shape_cast %add3A_992 : vector<16xf32> to vector<1x1x16xf32>
        tpu.vector_store %arg7[%swap3A_994, %swap3A_995, %swap3A_996], %swap3A_999 {strides = array<i32>} : memref<5x128x128xf32, #tpu.memory_space<vmem>>, vector<1x1x16xf32>,
        %get3A_1000 = arith.constant 0 : i32
        %get3A_1001 = arith.index_cast %get3A_1000 : i32 to index
        %get3A_1002 = arith.index_cast %add3A_914 : i32 to index
        %get3A_1003 = arith.constant 80 : index
        %get3A_1004 = tpu.vector_load %arg7[%get3A_1001, %get3A_1002, %get3A_1003] {strides = array<i32>} : memref<5x128x128xf32, #tpu.memory_space<vmem>>, vector<1x1x16xf32>,
        %get3A_1005 = vector.shape_cast %get3A_1004 : vector<1x1x16xf32> to vector<16xf32>
        %mul3A_1006 = arith.constant 11.3137083 : f32
        %mul3A_1007 = vector.broadcast %mul3A_1006 : f32 to vector<16xf32>
        %mul3A_1008 = arith.mulf %get3A_1005, %mul3A_1007 : vector<16xf32>
        %add3A_1009 = arith.addf %mul3A_1008, %get3A_148 : vector<16xf32>
        %swap3A_1010 = arith.constant 0 : i32
        %swap3A_1011 = arith.index_cast %swap3A_1010 : i32 to index
        %swap3A_1012 = arith.index_cast %add3A_914 : i32 to index
        %swap3A_1013 = arith.constant 80 : index
        %swap3A_1014 = tpu.vector_load %arg7[%swap3A_1011, %swap3A_1012, %swap3A_1013] {strides = array<i32>} : memref<5x128x128xf32, #tpu.memory_space<vmem>>, vector<1x1x16xf32>,
        %swap3A_1015 = vector.shape_cast %swap3A_1014 : vector<1x1x16xf32> to vector<16xf32>
        %swap3A_1016 = vector.shape_cast %add3A_1009 : vector<16xf32> to vector<1x1x16xf32>
        tpu.vector_store %arg7[%swap3A_1011, %swap3A_1012, %swap3A_1013], %swap3A_1016 {strides = array<i32>} : memref<5x128x128xf32, #tpu.memory_space<vmem>>, vector<1x1x16xf32>,
        %get3A_1017 = arith.constant 0 : i32
        %get3A_1018 = arith.index_cast %get3A_1017 : i32 to index
        %get3A_1019 = arith.index_cast %add3A_914 : i32 to index
        %get3A_1020 = arith.constant 96 : index
        %get3A_1021 = tpu.vector_load %arg7[%get3A_1018, %get3A_1019, %get3A_1020] {strides = array<i32>} : memref<5x128x128xf32, #tpu.memory_space<vmem>>, vector<1x1x16xf32>,
        %get3A_1022 = vector.shape_cast %get3A_1021 : vector<1x1x16xf32> to vector<16xf32>
        %mul3A_1023 = arith.constant 11.3137083 : f32
        %mul3A_1024 = vector.broadcast %mul3A_1023 : f32 to vector<16xf32>
        %mul3A_1025 = arith.mulf %get3A_1022, %mul3A_1024 : vector<16xf32>
        %add3A_1026 = arith.addf %mul3A_1025, %get3A_153 : vector<16xf32>
        %swap3A_1027 = arith.constant 0 : i32
        %swap3A_1028 = arith.index_cast %swap3A_1027 : i32 to index
        %swap3A_1029 = arith.index_cast %add3A_914 : i32 to index
        %swap3A_1030 = arith.constant 96 : index
        %swap3A_1031 = tpu.vector_load %arg7[%swap3A_1028, %swap3A_1029, %swap3A_1030] {strides = array<i32>} : memref<5x128x128xf32, #tpu.memory_space<vmem>>, vector<1x1x16xf32>,
        %swap3A_1032 = vector.shape_cast %swap3A_1031 : vector<1x1x16xf32> to vector<16xf32>
        %swap3A_1033 = vector.shape_cast %add3A_1026 : vector<16xf32> to vector<1x1x16xf32>
        tpu.vector_store %arg7[%swap3A_1028, %swap3A_1029, %swap3A_1030], %swap3A_1033 {strides = array<i32>} : memref<5x128x128xf32, #tpu.memory_space<vmem>>, vector<1x1x16xf32>,
        %get3A_1034 = arith.constant 0 : i32
        %get3A_1035 = arith.index_cast %get3A_1034 : i32 to index
        %get3A_1036 = arith.index_cast %add3A_914 : i32 to index
        %get3A_1037 = arith.constant 112 : index
        %get3A_1038 = tpu.vector_load %arg7[%get3A_1035, %get3A_1036, %get3A_1037] {strides = array<i32>} : memref<5x128x128xf32, #tpu.memory_space<vmem>>, vector<1x1x16xf32>,
        %get3A_1039 = vector.shape_cast %get3A_1038 : vector<1x1x16xf32> to vector<16xf32>
        %mul3A_1040 = arith.constant 11.3137083 : f32
        %mul3A_1041 = vector.broadcast %mul3A_1040 : f32 to vector<16xf32>
        %mul3A_1042 = arith.mulf %get3A_1039, %mul3A_1041 : vector<16xf32>
        %add3A_1043 = arith.addf %mul3A_1042, %get3A_158 : vector<16xf32>
        %swap3A_1044 = arith.constant 0 : i32
        %swap3A_1045 = arith.index_cast %swap3A_1044 : i32 to index
        %swap3A_1046 = arith.index_cast %add3A_914 : i32 to index
        %swap3A_1047 = arith.constant 112 : index
        %swap3A_1048 = tpu.vector_load %arg7[%swap3A_1045, %swap3A_1046, %swap3A_1047] {strides = array<i32>} : memref<5x128x128xf32, #tpu.memory_space<vmem>>, vector<1x1x16xf32>,
        %swap3A_1049 = vector.shape_cast %swap3A_1048 : vector<1x1x16xf32> to vector<16xf32>
        %swap3A_1050 = vector.shape_cast %add3A_1043 : vector<16xf32> to vector<1x1x16xf32>
        tpu.vector_store %arg7[%swap3A_1045, %swap3A_1046, %swap3A_1047], %swap3A_1050 {strides = array<i32>} : memref<5x128x128xf32, #tpu.memory_space<vmem>>, vector<1x1x16xf32>,
        %mul3A_1051 = arith.constant 4 : i32
        %mul3A_1052 = arith.muli %scan3A_631, %mul3A_1051 : i32
        %add3A_1053 = arith.constant 3 : i32
        %add3A_1054 = arith.addi %mul3A_1052, %add3A_1053 : i32
        %get3A_1055 = arith.constant 0 : i32
        %get3A_1056 = arith.index_cast %get3A_1055 : i32 to index
        %get3A_1057 = arith.index_cast %add3A_1054 : i32 to index
        %get3A_1058 = arith.constant 0 : index
        %get3A_1059 = tpu.vector_load %arg7[%get3A_1056, %get3A_1057, %get3A_1058] {strides = array<i32>} : memref<5x128x128xf32, #tpu.memory_space<vmem>>, vector<1x1x16xf32>,
        %get3A_1060 = vector.shape_cast %get3A_1059 : vector<1x1x16xf32> to vector<16xf32>
        %mul3A_1061 = arith.constant 11.3137083 : f32
        %mul3A_1062 = vector.broadcast %mul3A_1061 : f32 to vector<16xf32>
        %mul3A_1063 = arith.mulf %get3A_1060, %mul3A_1062 : vector<16xf32>
        %add3A_1064 = arith.addf %mul3A_1063, %get3A_123 : vector<16xf32>
        %swap3A_1065 = arith.constant 0 : i32
        %swap3A_1066 = arith.index_cast %swap3A_1065 : i32 to index
        %swap3A_1067 = arith.index_cast %add3A_1054 : i32 to index
        %swap3A_1068 = arith.constant 0 : index
        %swap3A_1069 = tpu.vector_load %arg7[%swap3A_1066, %swap3A_1067, %swap3A_1068] {strides = array<i32>} : memref<5x128x128xf32, #tpu.memory_space<vmem>>, vector<1x1x16xf32>,
        %swap3A_1070 = vector.shape_cast %swap3A_1069 : vector<1x1x16xf32> to vector<16xf32>
        %swap3A_1071 = vector.shape_cast %add3A_1064 : vector<16xf32> to vector<1x1x16xf32>
        tpu.vector_store %arg7[%swap3A_1066, %swap3A_1067, %swap3A_1068], %swap3A_1071 {strides = array<i32>} : memref<5x128x128xf32, #tpu.memory_space<vmem>>, vector<1x1x16xf32>,
        %get3A_1072 = arith.constant 0 : i32
        %get3A_1073 = arith.index_cast %get3A_1072 : i32 to index
        %get3A_1074 = arith.index_cast %add3A_1054 : i32 to index
        %get3A_1075 = arith.constant 16 : index
        %get3A_1076 = tpu.vector_load %arg7[%get3A_1073, %get3A_1074, %get3A_1075] {strides = array<i32>} : memref<5x128x128xf32, #tpu.memory_space<vmem>>, vector<1x1x16xf32>,
        %get3A_1077 = vector.shape_cast %get3A_1076 : vector<1x1x16xf32> to vector<16xf32>
        %mul3A_1078 = arith.constant 11.3137083 : f32
        %mul3A_1079 = vector.broadcast %mul3A_1078 : f32 to vector<16xf32>
        %mul3A_1080 = arith.mulf %get3A_1077, %mul3A_1079 : vector<16xf32>
        %add3A_1081 = arith.addf %mul3A_1080, %get3A_128 : vector<16xf32>
        %swap3A_1082 = arith.constant 0 : i32
        %swap3A_1083 = arith.index_cast %swap3A_1082 : i32 to index
        %swap3A_1084 = arith.index_cast %add3A_1054 : i32 to index
        %swap3A_1085 = arith.constant 16 : index
        %swap3A_1086 = tpu.vector_load %arg7[%swap3A_1083, %swap3A_1084, %swap3A_1085] {strides = array<i32>} : memref<5x128x128xf32, #tpu.memory_space<vmem>>, vector<1x1x16xf32>,
        %swap3A_1087 = vector.shape_cast %swap3A_1086 : vector<1x1x16xf32> to vector<16xf32>
        %swap3A_1088 = vector.shape_cast %add3A_1081 : vector<16xf32> to vector<1x1x16xf32>
        tpu.vector_store %arg7[%swap3A_1083, %swap3A_1084, %swap3A_1085], %swap3A_1088 {strides = array<i32>} : memref<5x128x128xf32, #tpu.memory_space<vmem>>, vector<1x1x16xf32>,
        %get3A_1089 = arith.constant 0 : i32
        %get3A_1090 = arith.index_cast %get3A_1089 : i32 to index
        %get3A_1091 = arith.index_cast %add3A_1054 : i32 to index
        %get3A_1092 = arith.constant 32 : index
        %get3A_1093 = tpu.vector_load %arg7[%get3A_1090, %get3A_1091, %get3A_1092] {strides = array<i32>} : memref<5x128x128xf32, #tpu.memory_space<vmem>>, vector<1x1x16xf32>,
        %get3A_1094 = vector.shape_cast %get3A_1093 : vector<1x1x16xf32> to vector<16xf32>
        %mul3A_1095 = arith.constant 11.3137083 : f32
        %mul3A_1096 = vector.broadcast %mul3A_1095 : f32 to vector<16xf32>
        %mul3A_1097 = arith.mulf %get3A_1094, %mul3A_1096 : vector<16xf32>
        %add3A_1098 = arith.addf %mul3A_1097, %get3A_133 : vector<16xf32>
        %swap3A_1099 = arith.constant 0 : i32
        %swap3A_1100 = arith.index_cast %swap3A_1099 : i32 to index
        %swap3A_1101 = arith.index_cast %add3A_1054 : i32 to index
        %swap3A_1102 = arith.constant 32 : index
        %swap3A_1103 = tpu.vector_load %arg7[%swap3A_1100, %swap3A_1101, %swap3A_1102] {strides = array<i32>} : memref<5x128x128xf32, #tpu.memory_space<vmem>>, vector<1x1x16xf32>,
        %swap3A_1104 = vector.shape_cast %swap3A_1103 : vector<1x1x16xf32> to vector<16xf32>
        %swap3A_1105 = vector.shape_cast %add3A_1098 : vector<16xf32> to vector<1x1x16xf32>
        tpu.vector_store %arg7[%swap3A_1100, %swap3A_1101, %swap3A_1102], %swap3A_1105 {strides = array<i32>} : memref<5x128x128xf32, #tpu.memory_space<vmem>>, vector<1x1x16xf32>,
        %get3A_1106 = arith.constant 0 : i32
        %get3A_1107 = arith.index_cast %get3A_1106 : i32 to index
        %get3A_1108 = arith.index_cast %add3A_1054 : i32 to index
        %get3A_1109 = arith.constant 48 : index
        %get3A_1110 = tpu.vector_load %arg7[%get3A_1107, %get3A_1108, %get3A_1109] {strides = array<i32>} : memref<5x128x128xf32, #tpu.memory_space<vmem>>, vector<1x1x16xf32>,
        %get3A_1111 = vector.shape_cast %get3A_1110 : vector<1x1x16xf32> to vector<16xf32>
        %mul3A_1112 = arith.constant 11.3137083 : f32
        %mul3A_1113 = vector.broadcast %mul3A_1112 : f32 to vector<16xf32>
        %mul3A_1114 = arith.mulf %get3A_1111, %mul3A_1113 : vector<16xf32>
        %add3A_1115 = arith.addf %mul3A_1114, %get3A_138 : vector<16xf32>
        %swap3A_1116 = arith.constant 0 : i32
        %swap3A_1117 = arith.index_cast %swap3A_1116 : i32 to index
        %swap3A_1118 = arith.index_cast %add3A_1054 : i32 to index
        %swap3A_1119 = arith.constant 48 : index
        %swap3A_1120 = tpu.vector_load %arg7[%swap3A_1117, %swap3A_1118, %swap3A_1119] {strides = array<i32>} : memref<5x128x128xf32, #tpu.memory_space<vmem>>, vector<1x1x16xf32>,
        %swap3A_1121 = vector.shape_cast %swap3A_1120 : vector<1x1x16xf32> to vector<16xf32>
        %swap3A_1122 = vector.shape_cast %add3A_1115 : vector<16xf32> to vector<1x1x16xf32>
        tpu.vector_store %arg7[%swap3A_1117, %swap3A_1118, %swap3A_1119], %swap3A_1122 {strides = array<i32>} : memref<5x128x128xf32, #tpu.memory_space<vmem>>, vector<1x1x16xf32>,
        %get3A_1123 = arith.constant 0 : i32
        %get3A_1124 = arith.index_cast %get3A_1123 : i32 to index
        %get3A_1125 = arith.index_cast %add3A_1054 : i32 to index
        %get3A_1126 = arith.constant 64 : index
        %get3A_1127 = tpu.vector_load %arg7[%get3A_1124, %get3A_1125, %get3A_1126] {strides = array<i32>} : memref<5x128x128xf32, #tpu.memory_space<vmem>>, vector<1x1x16xf32>,
        %get3A_1128 = vector.shape_cast %get3A_1127 : vector<1x1x16xf32> to vector<16xf32>
        %mul3A_1129 = arith.constant 11.3137083 : f32
        %mul3A_1130 = vector.broadcast %mul3A_1129 : f32 to vector<16xf32>
        %mul3A_1131 = arith.mulf %get3A_1128, %mul3A_1130 : vector<16xf32>
        %add3A_1132 = arith.addf %mul3A_1131, %get3A_143 : vector<16xf32>
        %swap3A_1133 = arith.constant 0 : i32
        %swap3A_1134 = arith.index_cast %swap3A_1133 : i32 to index
        %swap3A_1135 = arith.index_cast %add3A_1054 : i32 to index
        %swap3A_1136 = arith.constant 64 : index
        %swap3A_1137 = tpu.vector_load %arg7[%swap3A_1134, %swap3A_1135, %swap3A_1136] {strides = array<i32>} : memref<5x128x128xf32, #tpu.memory_space<vmem>>, vector<1x1x16xf32>,
        %swap3A_1138 = vector.shape_cast %swap3A_1137 : vector<1x1x16xf32> to vector<16xf32>
        %swap3A_1139 = vector.shape_cast %add3A_1132 : vector<16xf32> to vector<1x1x16xf32>
        tpu.vector_store %arg7[%swap3A_1134, %swap3A_1135, %swap3A_1136], %swap3A_1139 {strides = array<i32>} : memref<5x128x128xf32, #tpu.memory_space<vmem>>, vector<1x1x16xf32>,
        %get3A_1140 = arith.constant 0 : i32
        %get3A_1141 = arith.index_cast %get3A_1140 : i32 to index
        %get3A_1142 = arith.index_cast %add3A_1054 : i32 to index
        %get3A_1143 = arith.constant 80 : index
        %get3A_1144 = tpu.vector_load %arg7[%get3A_1141, %get3A_1142, %get3A_1143] {strides = array<i32>} : memref<5x128x128xf32, #tpu.memory_space<vmem>>, vector<1x1x16xf32>,
        %get3A_1145 = vector.shape_cast %get3A_1144 : vector<1x1x16xf32> to vector<16xf32>
        %mul3A_1146 = arith.constant 11.3137083 : f32
        %mul3A_1147 = vector.broadcast %mul3A_1146 : f32 to vector<16xf32>
        %mul3A_1148 = arith.mulf %get3A_1145, %mul3A_1147 : vector<16xf32>
        %add3A_1149 = arith.addf %mul3A_1148, %get3A_148 : vector<16xf32>
        %swap3A_1150 = arith.constant 0 : i32
        %swap3A_1151 = arith.index_cast %swap3A_1150 : i32 to index
        %swap3A_1152 = arith.index_cast %add3A_1054 : i32 to index
        %swap3A_1153 = arith.constant 80 : index
        %swap3A_1154 = tpu.vector_load %arg7[%swap3A_1151, %swap3A_1152, %swap3A_1153] {strides = array<i32>} : memref<5x128x128xf32, #tpu.memory_space<vmem>>, vector<1x1x16xf32>,
        %swap3A_1155 = vector.shape_cast %swap3A_1154 : vector<1x1x16xf32> to vector<16xf32>
        %swap3A_1156 = vector.shape_cast %add3A_1149 : vector<16xf32> to vector<1x1x16xf32>
        tpu.vector_store %arg7[%swap3A_1151, %swap3A_1152, %swap3A_1153], %swap3A_1156 {strides = array<i32>} : memref<5x128x128xf32, #tpu.memory_space<vmem>>, vector<1x1x16xf32>,
        %get3A_1157 = arith.constant 0 : i32
        %get3A_1158 = arith.index_cast %get3A_1157 : i32 to index
        %get3A_1159 = arith.index_cast %add3A_1054 : i32 to index
        %get3A_1160 = arith.constant 96 : index
        %get3A_1161 = tpu.vector_load %arg7[%get3A_1158, %get3A_1159, %get3A_1160] {strides = array<i32>} : memref<5x128x128xf32, #tpu.memory_space<vmem>>, vector<1x1x16xf32>,
        %get3A_1162 = vector.shape_cast %get3A_1161 : vector<1x1x16xf32> to vector<16xf32>
        %mul3A_1163 = arith.constant 11.3137083 : f32
        %mul3A_1164 = vector.broadcast %mul3A_1163 : f32 to vector<16xf32>
        %mul3A_1165 = arith.mulf %get3A_1162, %mul3A_1164 : vector<16xf32>
        %add3A_1166 = arith.addf %mul3A_1165, %get3A_153 : vector<16xf32>
        %swap3A_1167 = arith.constant 0 : i32
        %swap3A_1168 = arith.index_cast %swap3A_1167 : i32 to index
        %swap3A_1169 = arith.index_cast %add3A_1054 : i32 to index
        %swap3A_1170 = arith.constant 96 : index
        %swap3A_1171 = tpu.vector_load %arg7[%swap3A_1168, %swap3A_1169, %swap3A_1170] {strides = array<i32>} : memref<5x128x128xf32, #tpu.memory_space<vmem>>, vector<1x1x16xf32>,
        %swap3A_1172 = vector.shape_cast %swap3A_1171 : vector<1x1x16xf32> to vector<16xf32>
        %swap3A_1173 = vector.shape_cast %add3A_1166 : vector<16xf32> to vector<1x1x16xf32>
        tpu.vector_store %arg7[%swap3A_1168, %swap3A_1169, %swap3A_1170], %swap3A_1173 {strides = array<i32>} : memref<5x128x128xf32, #tpu.memory_space<vmem>>, vector<1x1x16xf32>,
        %get3A_1174 = arith.constant 0 : i32
        %get3A_1175 = arith.index_cast %get3A_1174 : i32 to index
        %get3A_1176 = arith.index_cast %add3A_1054 : i32 to index
        %get3A_1177 = arith.constant 112 : index
        %get3A_1178 = tpu.vector_load %arg7[%get3A_1175, %get3A_1176, %get3A_1177] {strides = array<i32>} : memref<5x128x128xf32, #tpu.memory_space<vmem>>, vector<1x1x16xf32>,
        %get3A_1179 = vector.shape_cast %get3A_1178 : vector<1x1x16xf32> to vector<16xf32>
        %mul3A_1180 = arith.constant 11.3137083 : f32
        %mul3A_1181 = vector.broadcast %mul3A_1180 : f32 to vector<16xf32>
        %mul3A_1182 = arith.mulf %get3A_1179, %mul3A_1181 : vector<16xf32>
        %add3A_1183 = arith.addf %mul3A_1182, %get3A_158 : vector<16xf32>
        %swap3A_1184 = arith.constant 0 : i32
        %swap3A_1185 = arith.index_cast %swap3A_1184 : i32 to index
        %swap3A_1186 = arith.index_cast %add3A_1054 : i32 to index
        %swap3A_1187 = arith.constant 112 : index
        %swap3A_1188 = tpu.vector_load %arg7[%swap3A_1185, %swap3A_1186, %swap3A_1187] {strides = array<i32>} : memref<5x128x128xf32, #tpu.memory_space<vmem>>, vector<1x1x16xf32>,
        %swap3A_1189 = vector.shape_cast %swap3A_1188 : vector<1x1x16xf32> to vector<16xf32>
        %swap3A_1190 = vector.shape_cast %add3A_1183 : vector<16xf32> to vector<1x1x16xf32>
        tpu.vector_store %arg7[%swap3A_1185, %swap3A_1186, %swap3A_1187], %swap3A_1190 {strides = array<i32>} : memref<5x128x128xf32, #tpu.memory_space<vmem>>, vector<1x1x16xf32>,
      }
      %scan3A_164 = arith.constant 32 : i32
      %dma_start3A_165 = arith.constant 0 : i32
      %dma_start3A_166 = arith.constant 0 : i32
      %dma_start3A_167 = arith.constant 0 : i32
      %dma_start3A_168 = tpu.memref_slice %arg7[%dma_start3A_165, %dma_start3A_166, %dma_start3A_167] : memref<5x128x128xf32, #tpu.memory_space<vmem>> -> memref<1x128x128xf32, #tpu.memory_space<vmem>>
      %dma_start3A_169 = tpu.memref_squeeze %dma_start3A_168 : memref<1x128x128xf32, #tpu.memory_space<vmem>> -> memref<128x128xf32, #tpu.memory_space<vmem>>
      %dma_start3A_170 = arith.constant 0 : i32
      %dma_start3A_171 = tpu.memref_slice %arg5[%and3A_120, %shift_right_logical3A_118, %dma_start3A_170] : memref<4096x200x128xf32, #tpu.memory_space<hbm>> -> memref<128x1x128xf32, #tpu.memory_space<hbm>>
      %dma_start3A_172 = tpu.memref_squeeze %dma_start3A_171 : memref<128x1x128xf32, #tpu.memory_space<hbm>> -> memref<128x128xf32, #tpu.memory_space<hbm>>
      %dma_start3A_173 = arith.constant 0 : i32
      %dma_start3A_174 = tpu.memref_slice %arg5[%and3A_120, %shift_right_logical3A_118, %dma_start3A_173] : memref<4096x200x128xf32, #tpu.memory_space<hbm>> -> memref<128x1x128xf32, #tpu.memory_space<hbm>>
      %dma_start3A_175 = tpu.memref_squeeze %dma_start3A_174 : memref<128x1x128xf32, #tpu.memory_space<hbm>> -> memref<128x128xf32, #tpu.memory_space<hbm>>
      %dma_start3A_176 = arith.constant 0 : i32
      %dma_start3A_177 = arith.constant 0 : i32
      %dma_start3A_178 = tpu.memref_slice %arg7[%dma_start3A_165, %dma_start3A_176, %dma_start3A_177] : memref<5x128x128xf32, #tpu.memory_space<vmem>> -> memref<1x128x128xf32, #tpu.memory_space<vmem>>
      %dma_start3A_179 = tpu.memref_squeeze %dma_start3A_178 : memref<1x128x128xf32, #tpu.memory_space<vmem>> -> memref<128x128xf32, #tpu.memory_space<vmem>>
      tpu.enqueue_dma source(%dma_start3A_179 : memref<128x128xf32, #tpu.memory_space<vmem>>) target(%dma_start3A_175 : memref<128x128xf32, #tpu.memory_space<hbm>>) target_semaphore(%arg14 : memref<!tpu.dma_semaphore, #tpu.memory_space<semaphore_mem>>)
      %gt3A_180 = arith.constant 0 : i32
      %gt3A_181 = arith.cmpi sgt, %scan3A_82, %gt3A_180 : i32
      %convert_element_type3A_182 = arith.extui %gt3A_181 : i1 to i32
      %cond3A_183 = arith.constant 0 : i32
      %cond3A_184 = arith.cmpi ne, %convert_element_type3A_182, %cond3A_183 : i32
      scf.if %cond3A_184 {
        %dma_wait3A_631 = arith.constant 4 : i32
        %dma_wait3A_632 = arith.constant 0 : i32
        %dma_wait3A_633 = arith.constant 0 : i32
        %dma_wait3A_634 = arith.constant 0 : i32
        %dma_wait3A_635 = tpu.memref_slice %arg7[%dma_wait3A_631, %dma_wait3A_633, %dma_wait3A_634] : memref<5x128x128xf32, #tpu.memory_space<vmem>> -> memref<1x128x128xf32, #tpu.memory_space<vmem>>
        %dma_wait3A_636 = tpu.memref_squeeze %dma_wait3A_635 : memref<1x128x128xf32, #tpu.memory_space<vmem>> -> memref<128x128xf32, #tpu.memory_space<vmem>>
        %dma_wait3A_637 = arith.constant 0 : i32
        %dma_wait3A_638 = arith.constant 0 : i32
        %dma_wait3A_639 = tpu.memref_slice %arg5[%dma_wait3A_637, %dma_wait3A_632, %dma_wait3A_638] : memref<4096x200x128xf32, #tpu.memory_space<hbm>> -> memref<128x1x128xf32, #tpu.memory_space<hbm>>
        %dma_wait3A_640 = tpu.memref_squeeze %dma_wait3A_639 : memref<128x1x128xf32, #tpu.memory_space<hbm>> -> memref<128x128xf32, #tpu.memory_space<hbm>>
        %dma_wait3A_641 = arith.constant 0 : i32
        %dma_wait3A_642 = arith.constant 0 : i32
        %dma_wait3A_643 = tpu.memref_slice %arg5[%dma_wait3A_641, %dma_wait3A_632, %dma_wait3A_642] : memref<4096x200x128xf32, #tpu.memory_space<hbm>> -> memref<128x1x128xf32, #tpu.memory_space<hbm>>
        %dma_wait3A_644 = tpu.memref_squeeze %dma_wait3A_643 : memref<128x1x128xf32, #tpu.memory_space<hbm>> -> memref<128x128xf32, #tpu.memory_space<hbm>>
        %dma_wait3A_645 = arith.constant 0 : i32
        %dma_wait3A_646 = arith.constant 0 : i32
        %dma_wait3A_647 = tpu.memref_slice %arg7[%dma_wait3A_631, %dma_wait3A_645, %dma_wait3A_646] : memref<5x128x128xf32, #tpu.memory_space<vmem>> -> memref<1x128x128xf32, #tpu.memory_space<vmem>>
        %dma_wait3A_648 = tpu.memref_squeeze %dma_wait3A_647 : memref<1x128x128xf32, #tpu.memory_space<vmem>> -> memref<128x128xf32, #tpu.memory_space<vmem>>
        tpu.wait_dma2 semaphore(%arg18 : memref<!tpu.dma_semaphore, #tpu.memory_space<semaphore_mem>>) src(%dma_wait3A_648 : memref<128x128xf32, #tpu.memory_space<vmem>>) dst(%dma_wait3A_644 : memref<128x128xf32, #tpu.memory_space<hbm>>)
      } else {
      }
      %mul3A_185 = arith.constant 5 : i32
      %mul3A_186 = arith.muli %scan3A_82, %mul3A_185 : i32
      %add3A_187 = arith.constant 1 : i32
      %add3A_188 = arith.addi %mul3A_186, %add3A_187 : i32
      %add3A_189 = arith.constant 3 : i32
      %add3A_190 = arith.addi %add3A_188, %add3A_189 : i32
      %lt3A_191 = arith.constant 200 : i32
      %lt3A_192 = arith.cmpi slt, %add3A_190, %lt3A_191 : i32
      %convert_element_type3A_193 = arith.extui %lt3A_192 : i1 to i32
      %cond3A_194 = arith.constant 0 : i32
      %cond3A_195 = arith.cmpi ne, %convert_element_type3A_193, %cond3A_194 : i32
      scf.if %cond3A_195 {
        %mul3A_631 = arith.constant 5 : i32
        %mul3A_632 = arith.muli %scan3A_82, %mul3A_631 : i32
        %add3A_633 = arith.constant 1 : i32
        %add3A_634 = arith.addi %mul3A_632, %add3A_633 : i32
        %add3A_635 = arith.constant 3 : i32
        %add3A_636 = arith.addi %add3A_634, %add3A_635 : i32
        %mul3A_637 = arith.constant 1 : i32
        %mul3A_638 = arith.muli %add3A_636, %mul3A_637 : i32
        %add3A_639 = arith.constant 0 : i32
        %add3A_640 = arith.addi %mul3A_638, %add3A_639 : i32
        %dma_start3A_641 = arith.constant 4 : i32
        %dma_start3A_642 = arith.constant 0 : i32
        %dma_start3A_643 = arith.constant 0 : i32
        %dma_start3A_644 = tpu.memref_slice %arg7[%dma_start3A_641, %dma_start3A_642, %dma_start3A_643] : memref<5x128x128xf32, #tpu.memory_space<vmem>> -> memref<1x128x128xf32, #tpu.memory_space<vmem>>
        %dma_start3A_645 = tpu.memref_squeeze %dma_start3A_644 : memref<1x128x128xf32, #tpu.memory_space<vmem>> -> memref<128x128xf32, #tpu.memory_space<vmem>>
        %dma_start3A_646 = arith.constant 0 : i32
        %dma_start3A_647 = tpu.memref_slice %arg6[%add3A_640, %dma_start3A_646] : memref<200x128xi32, #tpu.memory_space<vmem>> -> memref<1x128xi32, #tpu.memory_space<vmem>>
        %dma_start3A_648 = tpu.memref_squeeze %dma_start3A_647 : memref<1x128xi32, #tpu.memory_space<vmem>> -> memref<128xi32, #tpu.memory_space<vmem>>
        %dma_start3A_649 = arith.constant 0 : i32
        %dma_start3A_650 = arith.constant 0 : i32
        %dma_start3A_651 = tpu.memref_slice %arg3[%dma_start3A_649, %dma_start3A_650] : memref<1000000x128xf32, #tpu.memory_space<hbm>> -> memref<1000000x128xf32, #tpu.memory_space<hbm>>
        tpu.enqueue_indirect_dma source(%dma_start3A_651 : memref<1000000x128xf32, #tpu.memory_space<hbm>>) target(%dma_start3A_645 : memref<128x128xf32, #tpu.memory_space<vmem>>) offsets(%dma_start3A_648 : memref<128xi32, #tpu.memory_space<vmem>>) semaphore(%arg13 : memref<!tpu.dma_semaphore, #tpu.memory_space<semaphore_mem>>)
      } else {
      }
      %mul3A_196 = arith.constant 5 : i32
      %mul3A_197 = arith.muli %scan3A_82, %mul3A_196 : i32
      %add3A_198 = arith.constant 1 : i32
      %add3A_199 = arith.addi %mul3A_197, %add3A_198 : i32
      %mul3A_200 = arith.constant 1 : i32
      %mul3A_201 = arith.muli %add3A_199, %mul3A_200 : i32
      %add3A_202 = arith.constant 0 : i32
      %add3A_203 = arith.addi %mul3A_201, %add3A_202 : i32
      %dma_wait3A_204 = arith.constant 1 : i32
      %dma_wait3A_205 = arith.constant 0 : i32
      %dma_wait3A_206 = arith.constant 0 : i32
      %dma_wait3A_207 = tpu.memref_slice %arg7[%dma_wait3A_204, %dma_wait3A_205, %dma_wait3A_206] : memref<5x128x128xf32, #tpu.memory_space<vmem>> -> memref<1x128x128xf32, #tpu.memory_space<vmem>>
      %dma_wait3A_208 = tpu.memref_squeeze %dma_wait3A_207 : memref<1x128x128xf32, #tpu.memory_space<vmem>> -> memref<128x128xf32, #tpu.memory_space<vmem>>
      %dma_wait3A_209 = arith.constant 0 : i32
      %dma_wait3A_210 = tpu.memref_slice %arg6[%add3A_203, %dma_wait3A_209] : memref<200x128xi32, #tpu.memory_space<vmem>> -> memref<1x128xi32, #tpu.memory_space<vmem>>
      %dma_wait3A_211 = tpu.memref_squeeze %dma_wait3A_210 : memref<1x128xi32, #tpu.memory_space<vmem>> -> memref<128xi32, #tpu.memory_space<vmem>>
      %dma_wait3A_212 = arith.constant 0 : i32
      %dma_wait3A_213 = arith.constant 0 : i32
      %dma_wait3A_214 = tpu.memref_slice %arg3[%dma_wait3A_212, %dma_wait3A_213] : memref<1000000x128xf32, #tpu.memory_space<hbm>> -> memref<1000000x128xf32, #tpu.memory_space<hbm>>
      tpu.wait_indirect_dma semaphore(%arg10 : memref<!tpu.dma_semaphore, #tpu.memory_space<semaphore_mem>>) src(%dma_wait3A_214 : memref<1000000x128xf32, #tpu.memory_space<hbm>>) dst(%dma_wait3A_208 : memref<128x128xf32, #tpu.memory_space<vmem>>)
      %mul3A_215 = arith.constant 128 : i32
      %mul3A_216 = arith.muli %add3A_199, %mul3A_215 : i32
      %add3A_217 = arith.addi %mul3A_2, %mul3A_216 : i32
      %shift_right_logical3A_218 = arith.constant 12 : i32
      %shift_right_logical3A_219 = arith.shrui %add3A_217, %shift_right_logical3A_218 : i32
      %and3A_220 = arith.constant 4095 : i32
      %and3A_221 = arith.andi %add3A_217, %and3A_220 : i32
      %sub3A_222 = arith.subi %shift_right_logical3A_219, %multiple_of3A : i32
      %get3A_223 = arith.index_cast %sub3A_222 : i32 to index
      %get3A_224 = arith.constant 0 : index
      %get3A_225 = tpu.vector_load %arg8[%get3A_223, %get3A_224] {strides = array<i32>} : memref<16x128xf32, #tpu.memory_space<vmem>>, vector<1x16xf32>,
      %get3A_226 = vector.shape_cast %get3A_225 : vector<1x16xf32> to vector<16xf32>
      %sub3A_227 = arith.subi %shift_right_logical3A_219, %multiple_of3A : i32
      %get3A_228 = arith.index_cast %sub3A_227 : i32 to index
      %get3A_229 = arith.constant 16 : index
      %get3A_230 = tpu.vector_load %arg8[%get3A_228, %get3A_229] {strides = array<i32>} : memref<16x128xf32, #tpu.memory_space<vmem>>, vector<1x16xf32>,
      %get3A_231 = vector.shape_cast %get3A_230 : vector<1x16xf32> to vector<16xf32>
      %sub3A_232 = arith.subi %shift_right_logical3A_219, %multiple_of3A : i32
      %get3A_233 = arith.index_cast %sub3A_232 : i32 to index
      %get3A_234 = arith.constant 32 : index
      %get3A_235 = tpu.vector_load %arg8[%get3A_233, %get3A_234] {strides = array<i32>} : memref<16x128xf32, #tpu.memory_space<vmem>>, vector<1x16xf32>,
      %get3A_236 = vector.shape_cast %get3A_235 : vector<1x16xf32> to vector<16xf32>
      %sub3A_237 = arith.subi %shift_right_logical3A_219, %multiple_of3A : i32
      %get3A_238 = arith.index_cast %sub3A_237 : i32 to index
      %get3A_239 = arith.constant 48 : index
      %get3A_240 = tpu.vector_load %arg8[%get3A_238, %get3A_239] {strides = array<i32>} : memref<16x128xf32, #tpu.memory_space<vmem>>, vector<1x16xf32>,
      %get3A_241 = vector.shape_cast %get3A_240 : vector<1x16xf32> to vector<16xf32>
      %sub3A_242 = arith.subi %shift_right_logical3A_219, %multiple_of3A : i32
      %get3A_243 = arith.index_cast %sub3A_242 : i32 to index
      %get3A_244 = arith.constant 64 : index
      %get3A_245 = tpu.vector_load %arg8[%get3A_243, %get3A_244] {strides = array<i32>} : memref<16x128xf32, #tpu.memory_space<vmem>>, vector<1x16xf32>,
      %get3A_246 = vector.shape_cast %get3A_245 : vector<1x16xf32> to vector<16xf32>
      %sub3A_247 = arith.subi %shift_right_logical3A_219, %multiple_of3A : i32
      %get3A_248 = arith.index_cast %sub3A_247 : i32 to index
      %get3A_249 = arith.constant 80 : index
      %get3A_250 = tpu.vector_load %arg8[%get3A_248, %get3A_249] {strides = array<i32>} : memref<16x128xf32, #tpu.memory_space<vmem>>, vector<1x16xf32>,
      %get3A_251 = vector.shape_cast %get3A_250 : vector<1x16xf32> to vector<16xf32>
      %sub3A_252 = arith.subi %shift_right_logical3A_219, %multiple_of3A : i32
      %get3A_253 = arith.index_cast %sub3A_252 : i32 to index
      %get3A_254 = arith.constant 96 : index
      %get3A_255 = tpu.vector_load %arg8[%get3A_253, %get3A_254] {strides = array<i32>} : memref<16x128xf32, #tpu.memory_space<vmem>>, vector<1x16xf32>,
      %get3A_256 = vector.shape_cast %get3A_255 : vector<1x16xf32> to vector<16xf32>
      %sub3A_257 = arith.subi %shift_right_logical3A_219, %multiple_of3A : i32
      %get3A_258 = arith.index_cast %sub3A_257 : i32 to index
      %get3A_259 = arith.constant 112 : index
      %get3A_260 = tpu.vector_load %arg8[%get3A_258, %get3A_259] {strides = array<i32>} : memref<16x128xf32, #tpu.memory_space<vmem>>, vector<1x16xf32>,
      %get3A_261 = vector.shape_cast %get3A_260 : vector<1x16xf32> to vector<16xf32>
      %scan3A_262 = arith.constant 0 : i32
      %scan3A_263 = arith.constant 0 : i32
      %scan3A_264 = arith.constant 32 : i32
      %scan3A_265 = arith.addi %scan3A_263, %scan3A_264 : i32
      %scan3A_266 = arith.constant 1 : i32
      scf.for %scan3A_631 = %scan3A_263 to %scan3A_265 step %scan3A_266  : i32 {
        %mul3A_632 = arith.constant 4 : i32
        %mul3A_633 = arith.muli %scan3A_631, %mul3A_632 : i32
        %add3A_634 = arith.constant 0 : i32
        %add3A_635 = arith.addi %mul3A_633, %add3A_634 : i32
        %get3A_636 = arith.constant 1 : i32
        %get3A_637 = arith.index_cast %get3A_636 : i32 to index
        %get3A_638 = arith.index_cast %add3A_635 : i32 to index
        %get3A_639 = arith.constant 0 : index
        %get3A_640 = tpu.vector_load %arg7[%get3A_637, %get3A_638, %get3A_639] {strides = array<i32>} : memref<5x128x128xf32, #tpu.memory_space<vmem>>, vector<1x1x16xf32>,
        %get3A_641 = vector.shape_cast %get3A_640 : vector<1x1x16xf32> to vector<16xf32>
        %mul3A_642 = arith.constant 11.3137083 : f32
        %mul3A_643 = vector.broadcast %mul3A_642 : f32 to vector<16xf32>
        %mul3A_644 = arith.mulf %get3A_641, %mul3A_643 : vector<16xf32>
        %add3A_645 = arith.addf %mul3A_644, %get3A_226 : vector<16xf32>
        %swap3A = arith.constant 1 : i32
        %swap3A_646 = arith.index_cast %swap3A : i32 to index
        %swap3A_647 = arith.index_cast %add3A_635 : i32 to index
        %swap3A_648 = arith.constant 0 : index
        %swap3A_649 = tpu.vector_load %arg7[%swap3A_646, %swap3A_647, %swap3A_648] {strides = array<i32>} : memref<5x128x128xf32, #tpu.memory_space<vmem>>, vector<1x1x16xf32>,
        %swap3A_650 = vector.shape_cast %swap3A_649 : vector<1x1x16xf32> to vector<16xf32>
        %swap3A_651 = vector.shape_cast %add3A_645 : vector<16xf32> to vector<1x1x16xf32>
        tpu.vector_store %arg7[%swap3A_646, %swap3A_647, %swap3A_648], %swap3A_651 {strides = array<i32>} : memref<5x128x128xf32, #tpu.memory_space<vmem>>, vector<1x1x16xf32>,
        %get3A_652 = arith.constant 1 : i32
        %get3A_653 = arith.index_cast %get3A_652 : i32 to index
        %get3A_654 = arith.index_cast %add3A_635 : i32 to index
        %get3A_655 = arith.constant 16 : index
        %get3A_656 = tpu.vector_load %arg7[%get3A_653, %get3A_654, %get3A_655] {strides = array<i32>} : memref<5x128x128xf32, #tpu.memory_space<vmem>>, vector<1x1x16xf32>,
        %get3A_657 = vector.shape_cast %get3A_656 : vector<1x1x16xf32> to vector<16xf32>
        %mul3A_658 = arith.constant 11.3137083 : f32
        %mul3A_659 = vector.broadcast %mul3A_658 : f32 to vector<16xf32>
        %mul3A_660 = arith.mulf %get3A_657, %mul3A_659 : vector<16xf32>
        %add3A_661 = arith.addf %mul3A_660, %get3A_231 : vector<16xf32>
        %swap3A_662 = arith.constant 1 : i32
        %swap3A_663 = arith.index_cast %swap3A_662 : i32 to index
        %swap3A_664 = arith.index_cast %add3A_635 : i32 to index
        %swap3A_665 = arith.constant 16 : index
        %swap3A_666 = tpu.vector_load %arg7[%swap3A_663, %swap3A_664, %swap3A_665] {strides = array<i32>} : memref<5x128x128xf32, #tpu.memory_space<vmem>>, vector<1x1x16xf32>,
        %swap3A_667 = vector.shape_cast %swap3A_666 : vector<1x1x16xf32> to vector<16xf32>
        %swap3A_668 = vector.shape_cast %add3A_661 : vector<16xf32> to vector<1x1x16xf32>
        tpu.vector_store %arg7[%swap3A_663, %swap3A_664, %swap3A_665], %swap3A_668 {strides = array<i32>} : memref<5x128x128xf32, #tpu.memory_space<vmem>>, vector<1x1x16xf32>,
        %get3A_669 = arith.constant 1 : i32
        %get3A_670 = arith.index_cast %get3A_669 : i32 to index
        %get3A_671 = arith.index_cast %add3A_635 : i32 to index
        %get3A_672 = arith.constant 32 : index
        %get3A_673 = tpu.vector_load %arg7[%get3A_670, %get3A_671, %get3A_672] {strides = array<i32>} : memref<5x128x128xf32, #tpu.memory_space<vmem>>, vector<1x1x16xf32>,
        %get3A_674 = vector.shape_cast %get3A_673 : vector<1x1x16xf32> to vector<16xf32>
        %mul3A_675 = arith.constant 11.3137083 : f32
        %mul3A_676 = vector.broadcast %mul3A_675 : f32 to vector<16xf32>
        %mul3A_677 = arith.mulf %get3A_674, %mul3A_676 : vector<16xf32>
        %add3A_678 = arith.addf %mul3A_677, %get3A_236 : vector<16xf32>
        %swap3A_679 = arith.constant 1 : i32
        %swap3A_680 = arith.index_cast %swap3A_679 : i32 to index
        %swap3A_681 = arith.index_cast %add3A_635 : i32 to index
        %swap3A_682 = arith.constant 32 : index
        %swap3A_683 = tpu.vector_load %arg7[%swap3A_680, %swap3A_681, %swap3A_682] {strides = array<i32>} : memref<5x128x128xf32, #tpu.memory_space<vmem>>, vector<1x1x16xf32>,
        %swap3A_684 = vector.shape_cast %swap3A_683 : vector<1x1x16xf32> to vector<16xf32>
        %swap3A_685 = vector.shape_cast %add3A_678 : vector<16xf32> to vector<1x1x16xf32>
        tpu.vector_store %arg7[%swap3A_680, %swap3A_681, %swap3A_682], %swap3A_685 {strides = array<i32>} : memref<5x128x128xf32, #tpu.memory_space<vmem>>, vector<1x1x16xf32>,
        %get3A_686 = arith.constant 1 : i32
        %get3A_687 = arith.index_cast %get3A_686 : i32 to index
        %get3A_688 = arith.index_cast %add3A_635 : i32 to index
        %get3A_689 = arith.constant 48 : index
        %get3A_690 = tpu.vector_load %arg7[%get3A_687, %get3A_688, %get3A_689] {strides = array<i32>} : memref<5x128x128xf32, #tpu.memory_space<vmem>>, vector<1x1x16xf32>,
        %get3A_691 = vector.shape_cast %get3A_690 : vector<1x1x16xf32> to vector<16xf32>
        %mul3A_692 = arith.constant 11.3137083 : f32
        %mul3A_693 = vector.broadcast %mul3A_692 : f32 to vector<16xf32>
        %mul3A_694 = arith.mulf %get3A_691, %mul3A_693 : vector<16xf32>
        %add3A_695 = arith.addf %mul3A_694, %get3A_241 : vector<16xf32>
        %swap3A_696 = arith.constant 1 : i32
        %swap3A_697 = arith.index_cast %swap3A_696 : i32 to index
        %swap3A_698 = arith.index_cast %add3A_635 : i32 to index
        %swap3A_699 = arith.constant 48 : index
        %swap3A_700 = tpu.vector_load %arg7[%swap3A_697, %swap3A_698, %swap3A_699] {strides = array<i32>} : memref<5x128x128xf32, #tpu.memory_space<vmem>>, vector<1x1x16xf32>,
        %swap3A_701 = vector.shape_cast %swap3A_700 : vector<1x1x16xf32> to vector<16xf32>
        %swap3A_702 = vector.shape_cast %add3A_695 : vector<16xf32> to vector<1x1x16xf32>
        tpu.vector_store %arg7[%swap3A_697, %swap3A_698, %swap3A_699], %swap3A_702 {strides = array<i32>} : memref<5x128x128xf32, #tpu.memory_space<vmem>>, vector<1x1x16xf32>,
        %get3A_703 = arith.constant 1 : i32
        %get3A_704 = arith.index_cast %get3A_703 : i32 to index
        %get3A_705 = arith.index_cast %add3A_635 : i32 to index
        %get3A_706 = arith.constant 64 : index
        %get3A_707 = tpu.vector_load %arg7[%get3A_704, %get3A_705, %get3A_706] {strides = array<i32>} : memref<5x128x128xf32, #tpu.memory_space<vmem>>, vector<1x1x16xf32>,
        %get3A_708 = vector.shape_cast %get3A_707 : vector<1x1x16xf32> to vector<16xf32>
        %mul3A_709 = arith.constant 11.3137083 : f32
        %mul3A_710 = vector.broadcast %mul3A_709 : f32 to vector<16xf32>
        %mul3A_711 = arith.mulf %get3A_708, %mul3A_710 : vector<16xf32>
        %add3A_712 = arith.addf %mul3A_711, %get3A_246 : vector<16xf32>
        %swap3A_713 = arith.constant 1 : i32
        %swap3A_714 = arith.index_cast %swap3A_713 : i32 to index
        %swap3A_715 = arith.index_cast %add3A_635 : i32 to index
        %swap3A_716 = arith.constant 64 : index
        %swap3A_717 = tpu.vector_load %arg7[%swap3A_714, %swap3A_715, %swap3A_716] {strides = array<i32>} : memref<5x128x128xf32, #tpu.memory_space<vmem>>, vector<1x1x16xf32>,
        %swap3A_718 = vector.shape_cast %swap3A_717 : vector<1x1x16xf32> to vector<16xf32>
        %swap3A_719 = vector.shape_cast %add3A_712 : vector<16xf32> to vector<1x1x16xf32>
        tpu.vector_store %arg7[%swap3A_714, %swap3A_715, %swap3A_716], %swap3A_719 {strides = array<i32>} : memref<5x128x128xf32, #tpu.memory_space<vmem>>, vector<1x1x16xf32>,
        %get3A_720 = arith.constant 1 : i32
        %get3A_721 = arith.index_cast %get3A_720 : i32 to index
        %get3A_722 = arith.index_cast %add3A_635 : i32 to index
        %get3A_723 = arith.constant 80 : index
        %get3A_724 = tpu.vector_load %arg7[%get3A_721, %get3A_722, %get3A_723] {strides = array<i32>} : memref<5x128x128xf32, #tpu.memory_space<vmem>>, vector<1x1x16xf32>,
        %get3A_725 = vector.shape_cast %get3A_724 : vector<1x1x16xf32> to vector<16xf32>
        %mul3A_726 = arith.constant 11.3137083 : f32
        %mul3A_727 = vector.broadcast %mul3A_726 : f32 to vector<16xf32>
        %mul3A_728 = arith.mulf %get3A_725, %mul3A_727 : vector<16xf32>
        %add3A_729 = arith.addf %mul3A_728, %get3A_251 : vector<16xf32>
        %swap3A_730 = arith.constant 1 : i32
        %swap3A_731 = arith.index_cast %swap3A_730 : i32 to index
        %swap3A_732 = arith.index_cast %add3A_635 : i32 to index
        %swap3A_733 = arith.constant 80 : index
        %swap3A_734 = tpu.vector_load %arg7[%swap3A_731, %swap3A_732, %swap3A_733] {strides = array<i32>} : memref<5x128x128xf32, #tpu.memory_space<vmem>>, vector<1x1x16xf32>,
        %swap3A_735 = vector.shape_cast %swap3A_734 : vector<1x1x16xf32> to vector<16xf32>
        %swap3A_736 = vector.shape_cast %add3A_729 : vector<16xf32> to vector<1x1x16xf32>
        tpu.vector_store %arg7[%swap3A_731, %swap3A_732, %swap3A_733], %swap3A_736 {strides = array<i32>} : memref<5x128x128xf32, #tpu.memory_space<vmem>>, vector<1x1x16xf32>,
        %get3A_737 = arith.constant 1 : i32
        %get3A_738 = arith.index_cast %get3A_737 : i32 to index
        %get3A_739 = arith.index_cast %add3A_635 : i32 to index
        %get3A_740 = arith.constant 96 : index
        %get3A_741 = tpu.vector_load %arg7[%get3A_738, %get3A_739, %get3A_740] {strides = array<i32>} : memref<5x128x128xf32, #tpu.memory_space<vmem>>, vector<1x1x16xf32>,
        %get3A_742 = vector.shape_cast %get3A_741 : vector<1x1x16xf32> to vector<16xf32>
        %mul3A_743 = arith.constant 11.3137083 : f32
        %mul3A_744 = vector.broadcast %mul3A_743 : f32 to vector<16xf32>
        %mul3A_745 = arith.mulf %get3A_742, %mul3A_744 : vector<16xf32>
        %add3A_746 = arith.addf %mul3A_745, %get3A_256 : vector<16xf32>
        %swap3A_747 = arith.constant 1 : i32
        %swap3A_748 = arith.index_cast %swap3A_747 : i32 to index
        %swap3A_749 = arith.index_cast %add3A_635 : i32 to index
        %swap3A_750 = arith.constant 96 : index
        %swap3A_751 = tpu.vector_load %arg7[%swap3A_748, %swap3A_749, %swap3A_750] {strides = array<i32>} : memref<5x128x128xf32, #tpu.memory_space<vmem>>, vector<1x1x16xf32>,
        %swap3A_752 = vector.shape_cast %swap3A_751 : vector<1x1x16xf32> to vector<16xf32>
        %swap3A_753 = vector.shape_cast %add3A_746 : vector<16xf32> to vector<1x1x16xf32>
        tpu.vector_store %arg7[%swap3A_748, %swap3A_749, %swap3A_750], %swap3A_753 {strides = array<i32>} : memref<5x128x128xf32, #tpu.memory_space<vmem>>, vector<1x1x16xf32>,
        %get3A_754 = arith.constant 1 : i32
        %get3A_755 = arith.index_cast %get3A_754 : i32 to index
        %get3A_756 = arith.index_cast %add3A_635 : i32 to index
        %get3A_757 = arith.constant 112 : index
        %get3A_758 = tpu.vector_load %arg7[%get3A_755, %get3A_756, %get3A_757] {strides = array<i32>} : memref<5x128x128xf32, #tpu.memory_space<vmem>>, vector<1x1x16xf32>,
        %get3A_759 = vector.shape_cast %get3A_758 : vector<1x1x16xf32> to vector<16xf32>
        %mul3A_760 = arith.constant 11.3137083 : f32
        %mul3A_761 = vector.broadcast %mul3A_760 : f32 to vector<16xf32>
        %mul3A_762 = arith.mulf %get3A_759, %mul3A_761 : vector<16xf32>
        %add3A_763 = arith.addf %mul3A_762, %get3A_261 : vector<16xf32>
        %swap3A_764 = arith.constant 1 : i32
        %swap3A_765 = arith.index_cast %swap3A_764 : i32 to index
        %swap3A_766 = arith.index_cast %add3A_635 : i32 to index
        %swap3A_767 = arith.constant 112 : index
        %swap3A_768 = tpu.vector_load %arg7[%swap3A_765, %swap3A_766, %swap3A_767] {strides = array<i32>} : memref<5x128x128xf32, #tpu.memory_space<vmem>>, vector<1x1x16xf32>,
        %swap3A_769 = vector.shape_cast %swap3A_768 : vector<1x1x16xf32> to vector<16xf32>
        %swap3A_770 = vector.shape_cast %add3A_763 : vector<16xf32> to vector<1x1x16xf32>
        tpu.vector_store %arg7[%swap3A_765, %swap3A_766, %swap3A_767], %swap3A_770 {strides = array<i32>} : memref<5x128x128xf32, #tpu.memory_space<vmem>>, vector<1x1x16xf32>,
        %mul3A_771 = arith.constant 4 : i32
        %mul3A_772 = arith.muli %scan3A_631, %mul3A_771 : i32
        %add3A_773 = arith.constant 1 : i32
        %add3A_774 = arith.addi %mul3A_772, %add3A_773 : i32
        %get3A_775 = arith.constant 1 : i32
        %get3A_776 = arith.index_cast %get3A_775 : i32 to index
        %get3A_777 = arith.index_cast %add3A_774 : i32 to index
        %get3A_778 = arith.constant 0 : index
        %get3A_779 = tpu.vector_load %arg7[%get3A_776, %get3A_777, %get3A_778] {strides = array<i32>} : memref<5x128x128xf32, #tpu.memory_space<vmem>>, vector<1x1x16xf32>,
        %get3A_780 = vector.shape_cast %get3A_779 : vector<1x1x16xf32> to vector<16xf32>
        %mul3A_781 = arith.constant 11.3137083 : f32
        %mul3A_782 = vector.broadcast %mul3A_781 : f32 to vector<16xf32>
        %mul3A_783 = arith.mulf %get3A_780, %mul3A_782 : vector<16xf32>
        %add3A_784 = arith.addf %mul3A_783, %get3A_226 : vector<16xf32>
        %swap3A_785 = arith.constant 1 : i32
        %swap3A_786 = arith.index_cast %swap3A_785 : i32 to index
        %swap3A_787 = arith.index_cast %add3A_774 : i32 to index
        %swap3A_788 = arith.constant 0 : index
        %swap3A_789 = tpu.vector_load %arg7[%swap3A_786, %swap3A_787, %swap3A_788] {strides = array<i32>} : memref<5x128x128xf32, #tpu.memory_space<vmem>>, vector<1x1x16xf32>,
        %swap3A_790 = vector.shape_cast %swap3A_789 : vector<1x1x16xf32> to vector<16xf32>
        %swap3A_791 = vector.shape_cast %add3A_784 : vector<16xf32> to vector<1x1x16xf32>
        tpu.vector_store %arg7[%swap3A_786, %swap3A_787, %swap3A_788], %swap3A_791 {strides = array<i32>} : memref<5x128x128xf32, #tpu.memory_space<vmem>>, vector<1x1x16xf32>,
        %get3A_792 = arith.constant 1 : i32
        %get3A_793 = arith.index_cast %get3A_792 : i32 to index
        %get3A_794 = arith.index_cast %add3A_774 : i32 to index
        %get3A_795 = arith.constant 16 : index
        %get3A_796 = tpu.vector_load %arg7[%get3A_793, %get3A_794, %get3A_795] {strides = array<i32>} : memref<5x128x128xf32, #tpu.memory_space<vmem>>, vector<1x1x16xf32>,
        %get3A_797 = vector.shape_cast %get3A_796 : vector<1x1x16xf32> to vector<16xf32>
        %mul3A_798 = arith.constant 11.3137083 : f32
        %mul3A_799 = vector.broadcast %mul3A_798 : f32 to vector<16xf32>
        %mul3A_800 = arith.mulf %get3A_797, %mul3A_799 : vector<16xf32>
        %add3A_801 = arith.addf %mul3A_800, %get3A_231 : vector<16xf32>
        %swap3A_802 = arith.constant 1 : i32
        %swap3A_803 = arith.index_cast %swap3A_802 : i32 to index
        %swap3A_804 = arith.index_cast %add3A_774 : i32 to index
        %swap3A_805 = arith.constant 16 : index
        %swap3A_806 = tpu.vector_load %arg7[%swap3A_803, %swap3A_804, %swap3A_805] {strides = array<i32>} : memref<5x128x128xf32, #tpu.memory_space<vmem>>, vector<1x1x16xf32>,
        %swap3A_807 = vector.shape_cast %swap3A_806 : vector<1x1x16xf32> to vector<16xf32>
        %swap3A_808 = vector.shape_cast %add3A_801 : vector<16xf32> to vector<1x1x16xf32>
        tpu.vector_store %arg7[%swap3A_803, %swap3A_804, %swap3A_805], %swap3A_808 {strides = array<i32>} : memref<5x128x128xf32, #tpu.memory_space<vmem>>, vector<1x1x16xf32>,
        %get3A_809 = arith.constant 1 : i32
        %get3A_810 = arith.index_cast %get3A_809 : i32 to index
        %get3A_811 = arith.index_cast %add3A_774 : i32 to index
        %get3A_812 = arith.constant 32 : index
        %get3A_813 = tpu.vector_load %arg7[%get3A_810, %get3A_811, %get3A_812] {strides = array<i32>} : memref<5x128x128xf32, #tpu.memory_space<vmem>>, vector<1x1x16xf32>,
        %get3A_814 = vector.shape_cast %get3A_813 : vector<1x1x16xf32> to vector<16xf32>
        %mul3A_815 = arith.constant 11.3137083 : f32
        %mul3A_816 = vector.broadcast %mul3A_815 : f32 to vector<16xf32>
        %mul3A_817 = arith.mulf %get3A_814, %mul3A_816 : vector<16xf32>
        %add3A_818 = arith.addf %mul3A_817, %get3A_236 : vector<16xf32>
        %swap3A_819 = arith.constant 1 : i32
        %swap3A_820 = arith.index_cast %swap3A_819 : i32 to index
        %swap3A_821 = arith.index_cast %add3A_774 : i32 to index
        %swap3A_822 = arith.constant 32 : index
        %swap3A_823 = tpu.vector_load %arg7[%swap3A_820, %swap3A_821, %swap3A_822] {strides = array<i32>} : memref<5x128x128xf32, #tpu.memory_space<vmem>>, vector<1x1x16xf32>,
        %swap3A_824 = vector.shape_cast %swap3A_823 : vector<1x1x16xf32> to vector<16xf32>
        %swap3A_825 = vector.shape_cast %add3A_818 : vector<16xf32> to vector<1x1x16xf32>
        tpu.vector_store %arg7[%swap3A_820, %swap3A_821, %swap3A_822], %swap3A_825 {strides = array<i32>} : memref<5x128x128xf32, #tpu.memory_space<vmem>>, vector<1x1x16xf32>,
        %get3A_826 = arith.constant 1 : i32
        %get3A_827 = arith.index_cast %get3A_826 : i32 to index
        %get3A_828 = arith.index_cast %add3A_774 : i32 to index
        %get3A_829 = arith.constant 48 : index
        %get3A_830 = tpu.vector_load %arg7[%get3A_827, %get3A_828, %get3A_829] {strides = array<i32>} : memref<5x128x128xf32, #tpu.memory_space<vmem>>, vector<1x1x16xf32>,
        %get3A_831 = vector.shape_cast %get3A_830 : vector<1x1x16xf32> to vector<16xf32>
        %mul3A_832 = arith.constant 11.3137083 : f32
        %mul3A_833 = vector.broadcast %mul3A_832 : f32 to vector<16xf32>
        %mul3A_834 = arith.mulf %get3A_831, %mul3A_833 : vector<16xf32>
        %add3A_835 = arith.addf %mul3A_834, %get3A_241 : vector<16xf32>
        %swap3A_836 = arith.constant 1 : i32
        %swap3A_837 = arith.index_cast %swap3A_836 : i32 to index
        %swap3A_838 = arith.index_cast %add3A_774 : i32 to index
        %swap3A_839 = arith.constant 48 : index
        %swap3A_840 = tpu.vector_load %arg7[%swap3A_837, %swap3A_838, %swap3A_839] {strides = array<i32>} : memref<5x128x128xf32, #tpu.memory_space<vmem>>, vector<1x1x16xf32>,
        %swap3A_841 = vector.shape_cast %swap3A_840 : vector<1x1x16xf32> to vector<16xf32>
        %swap3A_842 = vector.shape_cast %add3A_835 : vector<16xf32> to vector<1x1x16xf32>
        tpu.vector_store %arg7[%swap3A_837, %swap3A_838, %swap3A_839], %swap3A_842 {strides = array<i32>} : memref<5x128x128xf32, #tpu.memory_space<vmem>>, vector<1x1x16xf32>,
        %get3A_843 = arith.constant 1 : i32
        %get3A_844 = arith.index_cast %get3A_843 : i32 to index
        %get3A_845 = arith.index_cast %add3A_774 : i32 to index
        %get3A_846 = arith.constant 64 : index
        %get3A_847 = tpu.vector_load %arg7[%get3A_844, %get3A_845, %get3A_846] {strides = array<i32>} : memref<5x128x128xf32, #tpu.memory_space<vmem>>, vector<1x1x16xf32>,
        %get3A_848 = vector.shape_cast %get3A_847 : vector<1x1x16xf32> to vector<16xf32>
        %mul3A_849 = arith.constant 11.3137083 : f32
        %mul3A_850 = vector.broadcast %mul3A_849 : f32 to vector<16xf32>
        %mul3A_851 = arith.mulf %get3A_848, %mul3A_850 : vector<16xf32>
        %add3A_852 = arith.addf %mul3A_851, %get3A_246 : vector<16xf32>
        %swap3A_853 = arith.constant 1 : i32
        %swap3A_854 = arith.index_cast %swap3A_853 : i32 to index
        %swap3A_855 = arith.index_cast %add3A_774 : i32 to index
        %swap3A_856 = arith.constant 64 : index
        %swap3A_857 = tpu.vector_load %arg7[%swap3A_854, %swap3A_855, %swap3A_856] {strides = array<i32>} : memref<5x128x128xf32, #tpu.memory_space<vmem>>, vector<1x1x16xf32>,
        %swap3A_858 = vector.shape_cast %swap3A_857 : vector<1x1x16xf32> to vector<16xf32>
        %swap3A_859 = vector.shape_cast %add3A_852 : vector<16xf32> to vector<1x1x16xf32>
        tpu.vector_store %arg7[%swap3A_854, %swap3A_855, %swap3A_856], %swap3A_859 {strides = array<i32>} : memref<5x128x128xf32, #tpu.memory_space<vmem>>, vector<1x1x16xf32>,
        %get3A_860 = arith.constant 1 : i32
        %get3A_861 = arith.index_cast %get3A_860 : i32 to index
        %get3A_862 = arith.index_cast %add3A_774 : i32 to index
        %get3A_863 = arith.constant 80 : index
        %get3A_864 = tpu.vector_load %arg7[%get3A_861, %get3A_862, %get3A_863] {strides = array<i32>} : memref<5x128x128xf32, #tpu.memory_space<vmem>>, vector<1x1x16xf32>,
        %get3A_865 = vector.shape_cast %get3A_864 : vector<1x1x16xf32> to vector<16xf32>
        %mul3A_866 = arith.constant 11.3137083 : f32
        %mul3A_867 = vector.broadcast %mul3A_866 : f32 to vector<16xf32>
        %mul3A_868 = arith.mulf %get3A_865, %mul3A_867 : vector<16xf32>
        %add3A_869 = arith.addf %mul3A_868, %get3A_251 : vector<16xf32>
        %swap3A_870 = arith.constant 1 : i32
        %swap3A_871 = arith.index_cast %swap3A_870 : i32 to index
        %swap3A_872 = arith.index_cast %add3A_774 : i32 to index
        %swap3A_873 = arith.constant 80 : index
        %swap3A_874 = tpu.vector_load %arg7[%swap3A_871, %swap3A_872, %swap3A_873] {strides = array<i32>} : memref<5x128x128xf32, #tpu.memory_space<vmem>>, vector<1x1x16xf32>,
        %swap3A_875 = vector.shape_cast %swap3A_874 : vector<1x1x16xf32> to vector<16xf32>
        %swap3A_876 = vector.shape_cast %add3A_869 : vector<16xf32> to vector<1x1x16xf32>
        tpu.vector_store %arg7[%swap3A_871, %swap3A_872, %swap3A_873], %swap3A_876 {strides = array<i32>} : memref<5x128x128xf32, #tpu.memory_space<vmem>>, vector<1x1x16xf32>,
        %get3A_877 = arith.constant 1 : i32
        %get3A_878 = arith.index_cast %get3A_877 : i32 to index
        %get3A_879 = arith.index_cast %add3A_774 : i32 to index
        %get3A_880 = arith.constant 96 : index
        %get3A_881 = tpu.vector_load %arg7[%get3A_878, %get3A_879, %get3A_880] {strides = array<i32>} : memref<5x128x128xf32, #tpu.memory_space<vmem>>, vector<1x1x16xf32>,
        %get3A_882 = vector.shape_cast %get3A_881 : vector<1x1x16xf32> to vector<16xf32>
        %mul3A_883 = arith.constant 11.3137083 : f32
        %mul3A_884 = vector.broadcast %mul3A_883 : f32 to vector<16xf32>
        %mul3A_885 = arith.mulf %get3A_882, %mul3A_884 : vector<16xf32>
        %add3A_886 = arith.addf %mul3A_885, %get3A_256 : vector<16xf32>
        %swap3A_887 = arith.constant 1 : i32
        %swap3A_888 = arith.index_cast %swap3A_887 : i32 to index
        %swap3A_889 = arith.index_cast %add3A_774 : i32 to index
        %swap3A_890 = arith.constant 96 : index
        %swap3A_891 = tpu.vector_load %arg7[%swap3A_888, %swap3A_889, %swap3A_890] {strides = array<i32>} : memref<5x128x128xf32, #tpu.memory_space<vmem>>, vector<1x1x16xf32>,
        %swap3A_892 = vector.shape_cast %swap3A_891 : vector<1x1x16xf32> to vector<16xf32>
        %swap3A_893 = vector.shape_cast %add3A_886 : vector<16xf32> to vector<1x1x16xf32>
        tpu.vector_store %arg7[%swap3A_888, %swap3A_889, %swap3A_890], %swap3A_893 {strides = array<i32>} : memref<5x128x128xf32, #tpu.memory_space<vmem>>, vector<1x1x16xf32>,
        %get3A_894 = arith.constant 1 : i32
        %get3A_895 = arith.index_cast %get3A_894 : i32 to index
        %get3A_896 = arith.index_cast %add3A_774 : i32 to index
        %get3A_897 = arith.constant 112 : index
        %get3A_898 = tpu.vector_load %arg7[%get3A_895, %get3A_896, %get3A_897] {strides = array<i32>} : memref<5x128x128xf32, #tpu.memory_space<vmem>>, vector<1x1x16xf32>,
        %get3A_899 = vector.shape_cast %get3A_898 : vector<1x1x16xf32> to vector<16xf32>
        %mul3A_900 = arith.constant 11.3137083 : f32
        %mul3A_901 = vector.broadcast %mul3A_900 : f32 to vector<16xf32>
        %mul3A_902 = arith.mulf %get3A_899, %mul3A_901 : vector<16xf32>
        %add3A_903 = arith.addf %mul3A_902, %get3A_261 : vector<16xf32>
        %swap3A_904 = arith.constant 1 : i32
        %swap3A_905 = arith.index_cast %swap3A_904 : i32 to index
        %swap3A_906 = arith.index_cast %add3A_774 : i32 to index
        %swap3A_907 = arith.constant 112 : index
        %swap3A_908 = tpu.vector_load %arg7[%swap3A_905, %swap3A_906, %swap3A_907] {strides = array<i32>} : memref<5x128x128xf32, #tpu.memory_space<vmem>>, vector<1x1x16xf32>,
        %swap3A_909 = vector.shape_cast %swap3A_908 : vector<1x1x16xf32> to vector<16xf32>
        %swap3A_910 = vector.shape_cast %add3A_903 : vector<16xf32> to vector<1x1x16xf32>
        tpu.vector_store %arg7[%swap3A_905, %swap3A_906, %swap3A_907], %swap3A_910 {strides = array<i32>} : memref<5x128x128xf32, #tpu.memory_space<vmem>>, vector<1x1x16xf32>,
        %mul3A_911 = arith.constant 4 : i32
        %mul3A_912 = arith.muli %scan3A_631, %mul3A_911 : i32
        %add3A_913 = arith.constant 2 : i32
        %add3A_914 = arith.addi %mul3A_912, %add3A_913 : i32
        %get3A_915 = arith.constant 1 : i32
        %get3A_916 = arith.index_cast %get3A_915 : i32 to index
        %get3A_917 = arith.index_cast %add3A_914 : i32 to index
        %get3A_918 = arith.constant 0 : index
        %get3A_919 = tpu.vector_load %arg7[%get3A_916, %get3A_917, %get3A_918] {strides = array<i32>} : memref<5x128x128xf32, #tpu.memory_space<vmem>>, vector<1x1x16xf32>,
        %get3A_920 = vector.shape_cast %get3A_919 : vector<1x1x16xf32> to vector<16xf32>
        %mul3A_921 = arith.constant 11.3137083 : f32
        %mul3A_922 = vector.broadcast %mul3A_921 : f32 to vector<16xf32>
        %mul3A_923 = arith.mulf %get3A_920, %mul3A_922 : vector<16xf32>
        %add3A_924 = arith.addf %mul3A_923, %get3A_226 : vector<16xf32>
        %swap3A_925 = arith.constant 1 : i32
        %swap3A_926 = arith.index_cast %swap3A_925 : i32 to index
        %swap3A_927 = arith.index_cast %add3A_914 : i32 to index
        %swap3A_928 = arith.constant 0 : index
        %swap3A_929 = tpu.vector_load %arg7[%swap3A_926, %swap3A_927, %swap3A_928] {strides = array<i32>} : memref<5x128x128xf32, #tpu.memory_space<vmem>>, vector<1x1x16xf32>,
        %swap3A_930 = vector.shape_cast %swap3A_929 : vector<1x1x16xf32> to vector<16xf32>
        %swap3A_931 = vector.shape_cast %add3A_924 : vector<16xf32> to vector<1x1x16xf32>
        tpu.vector_store %arg7[%swap3A_926, %swap3A_927, %swap3A_928], %swap3A_931 {strides = array<i32>} : memref<5x128x128xf32, #tpu.memory_space<vmem>>, vector<1x1x16xf32>,
        %get3A_932 = arith.constant 1 : i32
        %get3A_933 = arith.index_cast %get3A_932 : i32 to index
        %get3A_934 = arith.index_cast %add3A_914 : i32 to index
        %get3A_935 = arith.constant 16 : index
        %get3A_936 = tpu.vector_load %arg7[%get3A_933, %get3A_934, %get3A_935] {strides = array<i32>} : memref<5x128x128xf32, #tpu.memory_space<vmem>>, vector<1x1x16xf32>,
        %get3A_937 = vector.shape_cast %get3A_936 : vector<1x1x16xf32> to vector<16xf32>
        %mul3A_938 = arith.constant 11.3137083 : f32
        %mul3A_939 = vector.broadcast %mul3A_938 : f32 to vector<16xf32>
        %mul3A_940 = arith.mulf %get3A_937, %mul3A_939 : vector<16xf32>
        %add3A_941 = arith.addf %mul3A_940, %get3A_231 : vector<16xf32>
        %swap3A_942 = arith.constant 1 : i32
        %swap3A_943 = arith.index_cast %swap3A_942 : i32 to index
        %swap3A_944 = arith.index_cast %add3A_914 : i32 to index
        %swap3A_945 = arith.constant 16 : index
        %swap3A_946 = tpu.vector_load %arg7[%swap3A_943, %swap3A_944, %swap3A_945] {strides = array<i32>} : memref<5x128x128xf32, #tpu.memory_space<vmem>>, vector<1x1x16xf32>,
        %swap3A_947 = vector.shape_cast %swap3A_946 : vector<1x1x16xf32> to vector<16xf32>
        %swap3A_948 = vector.shape_cast %add3A_941 : vector<16xf32> to vector<1x1x16xf32>
        tpu.vector_store %arg7[%swap3A_943, %swap3A_944, %swap3A_945], %swap3A_948 {strides = array<i32>} : memref<5x128x128xf32, #tpu.memory_space<vmem>>, vector<1x1x16xf32>,
        %get3A_949 = arith.constant 1 : i32
        %get3A_950 = arith.index_cast %get3A_949 : i32 to index
        %get3A_951 = arith.index_cast %add3A_914 : i32 to index
        %get3A_952 = arith.constant 32 : index
        %get3A_953 = tpu.vector_load %arg7[%get3A_950, %get3A_951, %get3A_952] {strides = array<i32>} : memref<5x128x128xf32, #tpu.memory_space<vmem>>, vector<1x1x16xf32>,
        %get3A_954 = vector.shape_cast %get3A_953 : vector<1x1x16xf32> to vector<16xf32>
        %mul3A_955 = arith.constant 11.3137083 : f32
        %mul3A_956 = vector.broadcast %mul3A_955 : f32 to vector<16xf32>
        %mul3A_957 = arith.mulf %get3A_954, %mul3A_956 : vector<16xf32>
        %add3A_958 = arith.addf %mul3A_957, %get3A_236 : vector<16xf32>
        %swap3A_959 = arith.constant 1 : i32
        %swap3A_960 = arith.index_cast %swap3A_959 : i32 to index
        %swap3A_961 = arith.index_cast %add3A_914 : i32 to index
        %swap3A_962 = arith.constant 32 : index
        %swap3A_963 = tpu.vector_load %arg7[%swap3A_960, %swap3A_961, %swap3A_962] {strides = array<i32>} : memref<5x128x128xf32, #tpu.memory_space<vmem>>, vector<1x1x16xf32>,
        %swap3A_964 = vector.shape_cast %swap3A_963 : vector<1x1x16xf32> to vector<16xf32>
        %swap3A_965 = vector.shape_cast %add3A_958 : vector<16xf32> to vector<1x1x16xf32>
        tpu.vector_store %arg7[%swap3A_960, %swap3A_961, %swap3A_962], %swap3A_965 {strides = array<i32>} : memref<5x128x128xf32, #tpu.memory_space<vmem>>, vector<1x1x16xf32>,
        %get3A_966 = arith.constant 1 : i32
        %get3A_967 = arith.index_cast %get3A_966 : i32 to index
        %get3A_968 = arith.index_cast %add3A_914 : i32 to index
        %get3A_969 = arith.constant 48 : index
        %get3A_970 = tpu.vector_load %arg7[%get3A_967, %get3A_968, %get3A_969] {strides = array<i32>} : memref<5x128x128xf32, #tpu.memory_space<vmem>>, vector<1x1x16xf32>,
        %get3A_971 = vector.shape_cast %get3A_970 : vector<1x1x16xf32> to vector<16xf32>
        %mul3A_972 = arith.constant 11.3137083 : f32
        %mul3A_973 = vector.broadcast %mul3A_972 : f32 to vector<16xf32>
        %mul3A_974 = arith.mulf %get3A_971, %mul3A_973 : vector<16xf32>
        %add3A_975 = arith.addf %mul3A_974, %get3A_241 : vector<16xf32>
        %swap3A_976 = arith.constant 1 : i32
        %swap3A_977 = arith.index_cast %swap3A_976 : i32 to index
        %swap3A_978 = arith.index_cast %add3A_914 : i32 to index
        %swap3A_979 = arith.constant 48 : index
        %swap3A_980 = tpu.vector_load %arg7[%swap3A_977, %swap3A_978, %swap3A_979] {strides = array<i32>} : memref<5x128x128xf32, #tpu.memory_space<vmem>>, vector<1x1x16xf32>,
        %swap3A_981 = vector.shape_cast %swap3A_980 : vector<1x1x16xf32> to vector<16xf32>
        %swap3A_982 = vector.shape_cast %add3A_975 : vector<16xf32> to vector<1x1x16xf32>
        tpu.vector_store %arg7[%swap3A_977, %swap3A_978, %swap3A_979], %swap3A_982 {strides = array<i32>} : memref<5x128x128xf32, #tpu.memory_space<vmem>>, vector<1x1x16xf32>,
        %get3A_983 = arith.constant 1 : i32
        %get3A_984 = arith.index_cast %get3A_983 : i32 to index
        %get3A_985 = arith.index_cast %add3A_914 : i32 to index
        %get3A_986 = arith.constant 64 : index
        %get3A_987 = tpu.vector_load %arg7[%get3A_984, %get3A_985, %get3A_986] {strides = array<i32>} : memref<5x128x128xf32, #tpu.memory_space<vmem>>, vector<1x1x16xf32>,
        %get3A_988 = vector.shape_cast %get3A_987 : vector<1x1x16xf32> to vector<16xf32>
        %mul3A_989 = arith.constant 11.3137083 : f32
        %mul3A_990 = vector.broadcast %mul3A_989 : f32 to vector<16xf32>
        %mul3A_991 = arith.mulf %get3A_988, %mul3A_990 : vector<16xf32>
        %add3A_992 = arith.addf %mul3A_991, %get3A_246 : vector<16xf32>
        %swap3A_993 = arith.constant 1 : i32
        %swap3A_994 = arith.index_cast %swap3A_993 : i32 to index
        %swap3A_995 = arith.index_cast %add3A_914 : i32 to index
        %swap3A_996 = arith.constant 64 : index
        %swap3A_997 = tpu.vector_load %arg7[%swap3A_994, %swap3A_995, %swap3A_996] {strides = array<i32>} : memref<5x128x128xf32, #tpu.memory_space<vmem>>, vector<1x1x16xf32>,
        %swap3A_998 = vector.shape_cast %swap3A_997 : vector<1x1x16xf32> to vector<16xf32>
        %swap3A_999 = vector.shape_cast %add3A_992 : vector<16xf32> to vector<1x1x16xf32>
        tpu.vector_store %arg7[%swap3A_994, %swap3A_995, %swap3A_996], %swap3A_999 {strides = array<i32>} : memref<5x128x128xf32, #tpu.memory_space<vmem>>, vector<1x1x16xf32>,
        %get3A_1000 = arith.constant 1 : i32
        %get3A_1001 = arith.index_cast %get3A_1000 : i32 to index
        %get3A_1002 = arith.index_cast %add3A_914 : i32 to index
        %get3A_1003 = arith.constant 80 : index
        %get3A_1004 = tpu.vector_load %arg7[%get3A_1001, %get3A_1002, %get3A_1003] {strides = array<i32>} : memref<5x128x128xf32, #tpu.memory_space<vmem>>, vector<1x1x16xf32>,
        %get3A_1005 = vector.shape_cast %get3A_1004 : vector<1x1x16xf32> to vector<16xf32>
        %mul3A_1006 = arith.constant 11.3137083 : f32
        %mul3A_1007 = vector.broadcast %mul3A_1006 : f32 to vector<16xf32>
        %mul3A_1008 = arith.mulf %get3A_1005, %mul3A_1007 : vector<16xf32>
        %add3A_1009 = arith.addf %mul3A_1008, %get3A_251 : vector<16xf32>
        %swap3A_1010 = arith.constant 1 : i32
        %swap3A_1011 = arith.index_cast %swap3A_1010 : i32 to index
        %swap3A_1012 = arith.index_cast %add3A_914 : i32 to index
        %swap3A_1013 = arith.constant 80 : index
        %swap3A_1014 = tpu.vector_load %arg7[%swap3A_1011, %swap3A_1012, %swap3A_1013] {strides = array<i32>} : memref<5x128x128xf32, #tpu.memory_space<vmem>>, vector<1x1x16xf32>,
        %swap3A_1015 = vector.shape_cast %swap3A_1014 : vector<1x1x16xf32> to vector<16xf32>
        %swap3A_1016 = vector.shape_cast %add3A_1009 : vector<16xf32> to vector<1x1x16xf32>
        tpu.vector_store %arg7[%swap3A_1011, %swap3A_1012, %swap3A_1013], %swap3A_1016 {strides = array<i32>} : memref<5x128x128xf32, #tpu.memory_space<vmem>>, vector<1x1x16xf32>,
        %get3A_1017 = arith.constant 1 : i32
        %get3A_1018 = arith.index_cast %get3A_1017 : i32 to index
        %get3A_1019 = arith.index_cast %add3A_914 : i32 to index
        %get3A_1020 = arith.constant 96 : index
        %get3A_1021 = tpu.vector_load %arg7[%get3A_1018, %get3A_1019, %get3A_1020] {strides = array<i32>} : memref<5x128x128xf32, #tpu.memory_space<vmem>>, vector<1x1x16xf32>,
        %get3A_1022 = vector.shape_cast %get3A_1021 : vector<1x1x16xf32> to vector<16xf32>
        %mul3A_1023 = arith.constant 11.3137083 : f32
        %mul3A_1024 = vector.broadcast %mul3A_1023 : f32 to vector<16xf32>
        %mul3A_1025 = arith.mulf %get3A_1022, %mul3A_1024 : vector<16xf32>
        %add3A_1026 = arith.addf %mul3A_1025, %get3A_256 : vector<16xf32>
        %swap3A_1027 = arith.constant 1 : i32
        %swap3A_1028 = arith.index_cast %swap3A_1027 : i32 to index
        %swap3A_1029 = arith.index_cast %add3A_914 : i32 to index
        %swap3A_1030 = arith.constant 96 : index
        %swap3A_1031 = tpu.vector_load %arg7[%swap3A_1028, %swap3A_1029, %swap3A_1030] {strides = array<i32>} : memref<5x128x128xf32, #tpu.memory_space<vmem>>, vector<1x1x16xf32>,
        %swap3A_1032 = vector.shape_cast %swap3A_1031 : vector<1x1x16xf32> to vector<16xf32>
        %swap3A_1033 = vector.shape_cast %add3A_1026 : vector<16xf32> to vector<1x1x16xf32>
        tpu.vector_store %arg7[%swap3A_1028, %swap3A_1029, %swap3A_1030], %swap3A_1033 {strides = array<i32>} : memref<5x128x128xf32, #tpu.memory_space<vmem>>, vector<1x1x16xf32>,
        %get3A_1034 = arith.constant 1 : i32
        %get3A_1035 = arith.index_cast %get3A_1034 : i32 to index
        %get3A_1036 = arith.index_cast %add3A_914 : i32 to index
        %get3A_1037 = arith.constant 112 : index
        %get3A_1038 = tpu.vector_load %arg7[%get3A_1035, %get3A_1036, %get3A_1037] {strides = array<i32>} : memref<5x128x128xf32, #tpu.memory_space<vmem>>, vector<1x1x16xf32>,
        %get3A_1039 = vector.shape_cast %get3A_1038 : vector<1x1x16xf32> to vector<16xf32>
        %mul3A_1040 = arith.constant 11.3137083 : f32
        %mul3A_1041 = vector.broadcast %mul3A_1040 : f32 to vector<16xf32>
        %mul3A_1042 = arith.mulf %get3A_1039, %mul3A_1041 : vector<16xf32>
        %add3A_1043 = arith.addf %mul3A_1042, %get3A_261 : vector<16xf32>
        %swap3A_1044 = arith.constant 1 : i32
        %swap3A_1045 = arith.index_cast %swap3A_1044 : i32 to index
        %swap3A_1046 = arith.index_cast %add3A_914 : i32 to index
        %swap3A_1047 = arith.constant 112 : index
        %swap3A_1048 = tpu.vector_load %arg7[%swap3A_1045, %swap3A_1046, %swap3A_1047] {strides = array<i32>} : memref<5x128x128xf32, #tpu.memory_space<vmem>>, vector<1x1x16xf32>,
        %swap3A_1049 = vector.shape_cast %swap3A_1048 : vector<1x1x16xf32> to vector<16xf32>
        %swap3A_1050 = vector.shape_cast %add3A_1043 : vector<16xf32> to vector<1x1x16xf32>
        tpu.vector_store %arg7[%swap3A_1045, %swap3A_1046, %swap3A_1047], %swap3A_1050 {strides = array<i32>} : memref<5x128x128xf32, #tpu.memory_space<vmem>>, vector<1x1x16xf32>,
        %mul3A_1051 = arith.constant 4 : i32
        %mul3A_1052 = arith.muli %scan3A_631, %mul3A_1051 : i32
        %add3A_1053 = arith.constant 3 : i32
        %add3A_1054 = arith.addi %mul3A_1052, %add3A_1053 : i32
        %get3A_1055 = arith.constant 1 : i32
        %get3A_1056 = arith.index_cast %get3A_1055 : i32 to index
        %get3A_1057 = arith.index_cast %add3A_1054 : i32 to index
        %get3A_1058 = arith.constant 0 : index
        %get3A_1059 = tpu.vector_load %arg7[%get3A_1056, %get3A_1057, %get3A_1058] {strides = array<i32>} : memref<5x128x128xf32, #tpu.memory_space<vmem>>, vector<1x1x16xf32>,
        %get3A_1060 = vector.shape_cast %get3A_1059 : vector<1x1x16xf32> to vector<16xf32>
        %mul3A_1061 = arith.constant 11.3137083 : f32
        %mul3A_1062 = vector.broadcast %mul3A_1061 : f32 to vector<16xf32>
        %mul3A_1063 = arith.mulf %get3A_1060, %mul3A_1062 : vector<16xf32>
        %add3A_1064 = arith.addf %mul3A_1063, %get3A_226 : vector<16xf32>
        %swap3A_1065 = arith.constant 1 : i32
        %swap3A_1066 = arith.index_cast %swap3A_1065 : i32 to index
        %swap3A_1067 = arith.index_cast %add3A_1054 : i32 to index
        %swap3A_1068 = arith.constant 0 : index
        %swap3A_1069 = tpu.vector_load %arg7[%swap3A_1066, %swap3A_1067, %swap3A_1068] {strides = array<i32>} : memref<5x128x128xf32, #tpu.memory_space<vmem>>, vector<1x1x16xf32>,
        %swap3A_1070 = vector.shape_cast %swap3A_1069 : vector<1x1x16xf32> to vector<16xf32>
        %swap3A_1071 = vector.shape_cast %add3A_1064 : vector<16xf32> to vector<1x1x16xf32>
        tpu.vector_store %arg7[%swap3A_1066, %swap3A_1067, %swap3A_1068], %swap3A_1071 {strides = array<i32>} : memref<5x128x128xf32, #tpu.memory_space<vmem>>, vector<1x1x16xf32>,
        %get3A_1072 = arith.constant 1 : i32
        %get3A_1073 = arith.index_cast %get3A_1072 : i32 to index
        %get3A_1074 = arith.index_cast %add3A_1054 : i32 to index
        %get3A_1075 = arith.constant 16 : index
        %get3A_1076 = tpu.vector_load %arg7[%get3A_1073, %get3A_1074, %get3A_1075] {strides = array<i32>} : memref<5x128x128xf32, #tpu.memory_space<vmem>>, vector<1x1x16xf32>,
        %get3A_1077 = vector.shape_cast %get3A_1076 : vector<1x1x16xf32> to vector<16xf32>
        %mul3A_1078 = arith.constant 11.3137083 : f32
        %mul3A_1079 = vector.broadcast %mul3A_1078 : f32 to vector<16xf32>
        %mul3A_1080 = arith.mulf %get3A_1077, %mul3A_1079 : vector<16xf32>
        %add3A_1081 = arith.addf %mul3A_1080, %get3A_231 : vector<16xf32>
        %swap3A_1082 = arith.constant 1 : i32
        %swap3A_1083 = arith.index_cast %swap3A_1082 : i32 to index
        %swap3A_1084 = arith.index_cast %add3A_1054 : i32 to index
        %swap3A_1085 = arith.constant 16 : index
        %swap3A_1086 = tpu.vector_load %arg7[%swap3A_1083, %swap3A_1084, %swap3A_1085] {strides = array<i32>} : memref<5x128x128xf32, #tpu.memory_space<vmem>>, vector<1x1x16xf32>,
        %swap3A_1087 = vector.shape_cast %swap3A_1086 : vector<1x1x16xf32> to vector<16xf32>
        %swap3A_1088 = vector.shape_cast %add3A_1081 : vector<16xf32> to vector<1x1x16xf32>
        tpu.vector_store %arg7[%swap3A_1083, %swap3A_1084, %swap3A_1085], %swap3A_1088 {strides = array<i32>} : memref<5x128x128xf32, #tpu.memory_space<vmem>>, vector<1x1x16xf32>,
        %get3A_1089 = arith.constant 1 : i32
        %get3A_1090 = arith.index_cast %get3A_1089 : i32 to index
        %get3A_1091 = arith.index_cast %add3A_1054 : i32 to index
        %get3A_1092 = arith.constant 32 : index
        %get3A_1093 = tpu.vector_load %arg7[%get3A_1090, %get3A_1091, %get3A_1092] {strides = array<i32>} : memref<5x128x128xf32, #tpu.memory_space<vmem>>, vector<1x1x16xf32>,
        %get3A_1094 = vector.shape_cast %get3A_1093 : vector<1x1x16xf32> to vector<16xf32>
        %mul3A_1095 = arith.constant 11.3137083 : f32
        %mul3A_1096 = vector.broadcast %mul3A_1095 : f32 to vector<16xf32>
        %mul3A_1097 = arith.mulf %get3A_1094, %mul3A_1096 : vector<16xf32>
        %add3A_1098 = arith.addf %mul3A_1097, %get3A_236 : vector<16xf32>
        %swap3A_1099 = arith.constant 1 : i32
        %swap3A_1100 = arith.index_cast %swap3A_1099 : i32 to index
        %swap3A_1101 = arith.index_cast %add3A_1054 : i32 to index
        %swap3A_1102 = arith.constant 32 : index
        %swap3A_1103 = tpu.vector_load %arg7[%swap3A_1100, %swap3A_1101, %swap3A_1102] {strides = array<i32>} : memref<5x128x128xf32, #tpu.memory_space<vmem>>, vector<1x1x16xf32>,
        %swap3A_1104 = vector.shape_cast %swap3A_1103 : vector<1x1x16xf32> to vector<16xf32>
        %swap3A_1105 = vector.shape_cast %add3A_1098 : vector<16xf32> to vector<1x1x16xf32>
        tpu.vector_store %arg7[%swap3A_1100, %swap3A_1101, %swap3A_1102], %swap3A_1105 {strides = array<i32>} : memref<5x128x128xf32, #tpu.memory_space<vmem>>, vector<1x1x16xf32>,
        %get3A_1106 = arith.constant 1 : i32
        %get3A_1107 = arith.index_cast %get3A_1106 : i32 to index
        %get3A_1108 = arith.index_cast %add3A_1054 : i32 to index
        %get3A_1109 = arith.constant 48 : index
        %get3A_1110 = tpu.vector_load %arg7[%get3A_1107, %get3A_1108, %get3A_1109] {strides = array<i32>} : memref<5x128x128xf32, #tpu.memory_space<vmem>>, vector<1x1x16xf32>,
        %get3A_1111 = vector.shape_cast %get3A_1110 : vector<1x1x16xf32> to vector<16xf32>
        %mul3A_1112 = arith.constant 11.3137083 : f32
        %mul3A_1113 = vector.broadcast %mul3A_1112 : f32 to vector<16xf32>
        %mul3A_1114 = arith.mulf %get3A_1111, %mul3A_1113 : vector<16xf32>
        %add3A_1115 = arith.addf %mul3A_1114, %get3A_241 : vector<16xf32>
        %swap3A_1116 = arith.constant 1 : i32
        %swap3A_1117 = arith.index_cast %swap3A_1116 : i32 to index
        %swap3A_1118 = arith.index_cast %add3A_1054 : i32 to index
        %swap3A_1119 = arith.constant 48 : index
        %swap3A_1120 = tpu.vector_load %arg7[%swap3A_1117, %swap3A_1118, %swap3A_1119] {strides = array<i32>} : memref<5x128x128xf32, #tpu.memory_space<vmem>>, vector<1x1x16xf32>,
        %swap3A_1121 = vector.shape_cast %swap3A_1120 : vector<1x1x16xf32> to vector<16xf32>
        %swap3A_1122 = vector.shape_cast %add3A_1115 : vector<16xf32> to vector<1x1x16xf32>
        tpu.vector_store %arg7[%swap3A_1117, %swap3A_1118, %swap3A_1119], %swap3A_1122 {strides = array<i32>} : memref<5x128x128xf32, #tpu.memory_space<vmem>>, vector<1x1x16xf32>,
        %get3A_1123 = arith.constant 1 : i32
        %get3A_1124 = arith.index_cast %get3A_1123 : i32 to index
        %get3A_1125 = arith.index_cast %add3A_1054 : i32 to index
        %get3A_1126 = arith.constant 64 : index
        %get3A_1127 = tpu.vector_load %arg7[%get3A_1124, %get3A_1125, %get3A_1126] {strides = array<i32>} : memref<5x128x128xf32, #tpu.memory_space<vmem>>, vector<1x1x16xf32>,
        %get3A_1128 = vector.shape_cast %get3A_1127 : vector<1x1x16xf32> to vector<16xf32>
        %mul3A_1129 = arith.constant 11.3137083 : f32
        %mul3A_1130 = vector.broadcast %mul3A_1129 : f32 to vector<16xf32>
        %mul3A_1131 = arith.mulf %get3A_1128, %mul3A_1130 : vector<16xf32>
        %add3A_1132 = arith.addf %mul3A_1131, %get3A_246 : vector<16xf32>
        %swap3A_1133 = arith.constant 1 : i32
        %swap3A_1134 = arith.index_cast %swap3A_1133 : i32 to index
        %swap3A_1135 = arith.index_cast %add3A_1054 : i32 to index
        %swap3A_1136 = arith.constant 64 : index
        %swap3A_1137 = tpu.vector_load %arg7[%swap3A_1134, %swap3A_1135, %swap3A_1136] {strides = array<i32>} : memref<5x128x128xf32, #tpu.memory_space<vmem>>, vector<1x1x16xf32>,
        %swap3A_1138 = vector.shape_cast %swap3A_1137 : vector<1x1x16xf32> to vector<16xf32>
        %swap3A_1139 = vector.shape_cast %add3A_1132 : vector<16xf32> to vector<1x1x16xf32>
        tpu.vector_store %arg7[%swap3A_1134, %swap3A_1135, %swap3A_1136], %swap3A_1139 {strides = array<i32>} : memref<5x128x128xf32, #tpu.memory_space<vmem>>, vector<1x1x16xf32>,
        %get3A_1140 = arith.constant 1 : i32
        %get3A_1141 = arith.index_cast %get3A_1140 : i32 to index
        %get3A_1142 = arith.index_cast %add3A_1054 : i32 to index
        %get3A_1143 = arith.constant 80 : index
        %get3A_1144 = tpu.vector_load %arg7[%get3A_1141, %get3A_1142, %get3A_1143] {strides = array<i32>} : memref<5x128x128xf32, #tpu.memory_space<vmem>>, vector<1x1x16xf32>,
        %get3A_1145 = vector.shape_cast %get3A_1144 : vector<1x1x16xf32> to vector<16xf32>
        %mul3A_1146 = arith.constant 11.3137083 : f32
        %mul3A_1147 = vector.broadcast %mul3A_1146 : f32 to vector<16xf32>
        %mul3A_1148 = arith.mulf %get3A_1145, %mul3A_1147 : vector<16xf32>
        %add3A_1149 = arith.addf %mul3A_1148, %get3A_251 : vector<16xf32>
        %swap3A_1150 = arith.constant 1 : i32
        %swap3A_1151 = arith.index_cast %swap3A_1150 : i32 to index
        %swap3A_1152 = arith.index_cast %add3A_1054 : i32 to index
        %swap3A_1153 = arith.constant 80 : index
        %swap3A_1154 = tpu.vector_load %arg7[%swap3A_1151, %swap3A_1152, %swap3A_1153] {strides = array<i32>} : memref<5x128x128xf32, #tpu.memory_space<vmem>>, vector<1x1x16xf32>,
        %swap3A_1155 = vector.shape_cast %swap3A_1154 : vector<1x1x16xf32> to vector<16xf32>
        %swap3A_1156 = vector.shape_cast %add3A_1149 : vector<16xf32> to vector<1x1x16xf32>
        tpu.vector_store %arg7[%swap3A_1151, %swap3A_1152, %swap3A_1153], %swap3A_1156 {strides = array<i32>} : memref<5x128x128xf32, #tpu.memory_space<vmem>>, vector<1x1x16xf32>,
        %get3A_1157 = arith.constant 1 : i32
        %get3A_1158 = arith.index_cast %get3A_1157 : i32 to index
        %get3A_1159 = arith.index_cast %add3A_1054 : i32 to index
        %get3A_1160 = arith.constant 96 : index
        %get3A_1161 = tpu.vector_load %arg7[%get3A_1158, %get3A_1159, %get3A_1160] {strides = array<i32>} : memref<5x128x128xf32, #tpu.memory_space<vmem>>, vector<1x1x16xf32>,
        %get3A_1162 = vector.shape_cast %get3A_1161 : vector<1x1x16xf32> to vector<16xf32>
        %mul3A_1163 = arith.constant 11.3137083 : f32
        %mul3A_1164 = vector.broadcast %mul3A_1163 : f32 to vector<16xf32>
        %mul3A_1165 = arith.mulf %get3A_1162, %mul3A_1164 : vector<16xf32>
        %add3A_1166 = arith.addf %mul3A_1165, %get3A_256 : vector<16xf32>
        %swap3A_1167 = arith.constant 1 : i32
        %swap3A_1168 = arith.index_cast %swap3A_1167 : i32 to index
        %swap3A_1169 = arith.index_cast %add3A_1054 : i32 to index
        %swap3A_1170 = arith.constant 96 : index
        %swap3A_1171 = tpu.vector_load %arg7[%swap3A_1168, %swap3A_1169, %swap3A_1170] {strides = array<i32>} : memref<5x128x128xf32, #tpu.memory_space<vmem>>, vector<1x1x16xf32>,
        %swap3A_1172 = vector.shape_cast %swap3A_1171 : vector<1x1x16xf32> to vector<16xf32>
        %swap3A_1173 = vector.shape_cast %add3A_1166 : vector<16xf32> to vector<1x1x16xf32>
        tpu.vector_store %arg7[%swap3A_1168, %swap3A_1169, %swap3A_1170], %swap3A_1173 {strides = array<i32>} : memref<5x128x128xf32, #tpu.memory_space<vmem>>, vector<1x1x16xf32>,
        %get3A_1174 = arith.constant 1 : i32
        %get3A_1175 = arith.index_cast %get3A_1174 : i32 to index
        %get3A_1176 = arith.index_cast %add3A_1054 : i32 to index
        %get3A_1177 = arith.constant 112 : index
        %get3A_1178 = tpu.vector_load %arg7[%get3A_1175, %get3A_1176, %get3A_1177] {strides = array<i32>} : memref<5x128x128xf32, #tpu.memory_space<vmem>>, vector<1x1x16xf32>,
        %get3A_1179 = vector.shape_cast %get3A_1178 : vector<1x1x16xf32> to vector<16xf32>
        %mul3A_1180 = arith.constant 11.3137083 : f32
        %mul3A_1181 = vector.broadcast %mul3A_1180 : f32 to vector<16xf32>
        %mul3A_1182 = arith.mulf %get3A_1179, %mul3A_1181 : vector<16xf32>
        %add3A_1183 = arith.addf %mul3A_1182, %get3A_261 : vector<16xf32>
        %swap3A_1184 = arith.constant 1 : i32
        %swap3A_1185 = arith.index_cast %swap3A_1184 : i32 to index
        %swap3A_1186 = arith.index_cast %add3A_1054 : i32 to index
        %swap3A_1187 = arith.constant 112 : index
        %swap3A_1188 = tpu.vector_load %arg7[%swap3A_1185, %swap3A_1186, %swap3A_1187] {strides = array<i32>} : memref<5x128x128xf32, #tpu.memory_space<vmem>>, vector<1x1x16xf32>,
        %swap3A_1189 = vector.shape_cast %swap3A_1188 : vector<1x1x16xf32> to vector<16xf32>
        %swap3A_1190 = vector.shape_cast %add3A_1183 : vector<16xf32> to vector<1x1x16xf32>
        tpu.vector_store %arg7[%swap3A_1185, %swap3A_1186, %swap3A_1187], %swap3A_1190 {strides = array<i32>} : memref<5x128x128xf32, #tpu.memory_space<vmem>>, vector<1x1x16xf32>,
      }
      %scan3A_267 = arith.constant 32 : i32
      %dma_start3A_268 = arith.constant 1 : i32
      %dma_start3A_269 = arith.constant 0 : i32
      %dma_start3A_270 = arith.constant 0 : i32
      %dma_start3A_271 = tpu.memref_slice %arg7[%dma_start3A_268, %dma_start3A_269, %dma_start3A_270] : memref<5x128x128xf32, #tpu.memory_space<vmem>> -> memref<1x128x128xf32, #tpu.memory_space<vmem>>
      %dma_start3A_272 = tpu.memref_squeeze %dma_start3A_271 : memref<1x128x128xf32, #tpu.memory_space<vmem>> -> memref<128x128xf32, #tpu.memory_space<vmem>>
      %dma_start3A_273 = arith.constant 0 : i32
      %dma_start3A_274 = tpu.memref_slice %arg5[%and3A_221, %shift_right_logical3A_219, %dma_start3A_273] : memref<4096x200x128xf32, #tpu.memory_space<hbm>> -> memref<128x1x128xf32, #tpu.memory_space<hbm>>
      %dma_start3A_275 = tpu.memref_squeeze %dma_start3A_274 : memref<128x1x128xf32, #tpu.memory_space<hbm>> -> memref<128x128xf32, #tpu.memory_space<hbm>>
      %dma_start3A_276 = arith.constant 0 : i32
      %dma_start3A_277 = tpu.memref_slice %arg5[%and3A_221, %shift_right_logical3A_219, %dma_start3A_276] : memref<4096x200x128xf32, #tpu.memory_space<hbm>> -> memref<128x1x128xf32, #tpu.memory_space<hbm>>
      %dma_start3A_278 = tpu.memref_squeeze %dma_start3A_277 : memref<128x1x128xf32, #tpu.memory_space<hbm>> -> memref<128x128xf32, #tpu.memory_space<hbm>>
      %dma_start3A_279 = arith.constant 0 : i32
      %dma_start3A_280 = arith.constant 0 : i32
      %dma_start3A_281 = tpu.memref_slice %arg7[%dma_start3A_268, %dma_start3A_279, %dma_start3A_280] : memref<5x128x128xf32, #tpu.memory_space<vmem>> -> memref<1x128x128xf32, #tpu.memory_space<vmem>>
      %dma_start3A_282 = tpu.memref_squeeze %dma_start3A_281 : memref<1x128x128xf32, #tpu.memory_space<vmem>> -> memref<128x128xf32, #tpu.memory_space<vmem>>
      tpu.enqueue_dma source(%dma_start3A_282 : memref<128x128xf32, #tpu.memory_space<vmem>>) target(%dma_start3A_278 : memref<128x128xf32, #tpu.memory_space<hbm>>) target_semaphore(%arg15 : memref<!tpu.dma_semaphore, #tpu.memory_space<semaphore_mem>>)
      %dma_wait3A_283 = arith.constant 0 : i32
      %dma_wait3A_284 = arith.constant 0 : i32
      %dma_wait3A_285 = arith.constant 0 : i32
      %dma_wait3A_286 = arith.constant 0 : i32
      %dma_wait3A_287 = tpu.memref_slice %arg7[%dma_wait3A_283, %dma_wait3A_285, %dma_wait3A_286] : memref<5x128x128xf32, #tpu.memory_space<vmem>> -> memref<1x128x128xf32, #tpu.memory_space<vmem>>
      %dma_wait3A_288 = tpu.memref_squeeze %dma_wait3A_287 : memref<1x128x128xf32, #tpu.memory_space<vmem>> -> memref<128x128xf32, #tpu.memory_space<vmem>>
      %dma_wait3A_289 = arith.constant 0 : i32
      %dma_wait3A_290 = arith.constant 0 : i32
      %dma_wait3A_291 = tpu.memref_slice %arg5[%dma_wait3A_289, %dma_wait3A_284, %dma_wait3A_290] : memref<4096x200x128xf32, #tpu.memory_space<hbm>> -> memref<128x1x128xf32, #tpu.memory_space<hbm>>
      %dma_wait3A_292 = tpu.memref_squeeze %dma_wait3A_291 : memref<128x1x128xf32, #tpu.memory_space<hbm>> -> memref<128x128xf32, #tpu.memory_space<hbm>>
      %dma_wait3A_293 = arith.constant 0 : i32
      %dma_wait3A_294 = arith.constant 0 : i32
      %dma_wait3A_295 = tpu.memref_slice %arg5[%dma_wait3A_293, %dma_wait3A_284, %dma_wait3A_294] : memref<4096x200x128xf32, #tpu.memory_space<hbm>> -> memref<128x1x128xf32, #tpu.memory_space<hbm>>
      %dma_wait3A_296 = tpu.memref_squeeze %dma_wait3A_295 : memref<128x1x128xf32, #tpu.memory_space<hbm>> -> memref<128x128xf32, #tpu.memory_space<hbm>>
      %dma_wait3A_297 = arith.constant 0 : i32
      %dma_wait3A_298 = arith.constant 0 : i32
      %dma_wait3A_299 = tpu.memref_slice %arg7[%dma_wait3A_283, %dma_wait3A_297, %dma_wait3A_298] : memref<5x128x128xf32, #tpu.memory_space<vmem>> -> memref<1x128x128xf32, #tpu.memory_space<vmem>>
      %dma_wait3A_300 = tpu.memref_squeeze %dma_wait3A_299 : memref<1x128x128xf32, #tpu.memory_space<vmem>> -> memref<128x128xf32, #tpu.memory_space<vmem>>
      tpu.wait_dma2 semaphore(%arg14 : memref<!tpu.dma_semaphore, #tpu.memory_space<semaphore_mem>>) src(%dma_wait3A_300 : memref<128x128xf32, #tpu.memory_space<vmem>>) dst(%dma_wait3A_296 : memref<128x128xf32, #tpu.memory_space<hbm>>)
      %mul3A_301 = arith.constant 5 : i32
      %mul3A_302 = arith.muli %scan3A_82, %mul3A_301 : i32
      %add3A_303 = arith.constant 2 : i32
      %add3A_304 = arith.addi %mul3A_302, %add3A_303 : i32
      %add3A_305 = arith.constant 3 : i32
      %add3A_306 = arith.addi %add3A_304, %add3A_305 : i32
      %lt3A_307 = arith.constant 200 : i32
      %lt3A_308 = arith.cmpi slt, %add3A_306, %lt3A_307 : i32
      %convert_element_type3A_309 = arith.extui %lt3A_308 : i1 to i32
      %cond3A_310 = arith.constant 0 : i32
      %cond3A_311 = arith.cmpi ne, %convert_element_type3A_309, %cond3A_310 : i32
      scf.if %cond3A_311 {
        %mul3A_631 = arith.constant 5 : i32
        %mul3A_632 = arith.muli %scan3A_82, %mul3A_631 : i32
        %add3A_633 = arith.constant 2 : i32
        %add3A_634 = arith.addi %mul3A_632, %add3A_633 : i32
        %add3A_635 = arith.constant 3 : i32
        %add3A_636 = arith.addi %add3A_634, %add3A_635 : i32
        %mul3A_637 = arith.constant 1 : i32
        %mul3A_638 = arith.muli %add3A_636, %mul3A_637 : i32
        %add3A_639 = arith.constant 0 : i32
        %add3A_640 = arith.addi %mul3A_638, %add3A_639 : i32
        %dma_start3A_641 = arith.constant 0 : i32
        %dma_start3A_642 = arith.constant 0 : i32
        %dma_start3A_643 = arith.constant 0 : i32
        %dma_start3A_644 = tpu.memref_slice %arg7[%dma_start3A_641, %dma_start3A_642, %dma_start3A_643] : memref<5x128x128xf32, #tpu.memory_space<vmem>> -> memref<1x128x128xf32, #tpu.memory_space<vmem>>
        %dma_start3A_645 = tpu.memref_squeeze %dma_start3A_644 : memref<1x128x128xf32, #tpu.memory_space<vmem>> -> memref<128x128xf32, #tpu.memory_space<vmem>>
        %dma_start3A_646 = arith.constant 0 : i32
        %dma_start3A_647 = tpu.memref_slice %arg6[%add3A_640, %dma_start3A_646] : memref<200x128xi32, #tpu.memory_space<vmem>> -> memref<1x128xi32, #tpu.memory_space<vmem>>
        %dma_start3A_648 = tpu.memref_squeeze %dma_start3A_647 : memref<1x128xi32, #tpu.memory_space<vmem>> -> memref<128xi32, #tpu.memory_space<vmem>>
        %dma_start3A_649 = arith.constant 0 : i32
        %dma_start3A_650 = arith.constant 0 : i32
        %dma_start3A_651 = tpu.memref_slice %arg3[%dma_start3A_649, %dma_start3A_650] : memref<1000000x128xf32, #tpu.memory_space<hbm>> -> memref<1000000x128xf32, #tpu.memory_space<hbm>>
        tpu.enqueue_indirect_dma source(%dma_start3A_651 : memref<1000000x128xf32, #tpu.memory_space<hbm>>) target(%dma_start3A_645 : memref<128x128xf32, #tpu.memory_space<vmem>>) offsets(%dma_start3A_648 : memref<128xi32, #tpu.memory_space<vmem>>) semaphore(%arg9 : memref<!tpu.dma_semaphore, #tpu.memory_space<semaphore_mem>>)
      } else {
      }
      %mul3A_312 = arith.constant 5 : i32
      %mul3A_313 = arith.muli %scan3A_82, %mul3A_312 : i32
      %add3A_314 = arith.constant 2 : i32
      %add3A_315 = arith.addi %mul3A_313, %add3A_314 : i32
      %mul3A_316 = arith.constant 1 : i32
      %mul3A_317 = arith.muli %add3A_315, %mul3A_316 : i32
      %add3A_318 = arith.constant 0 : i32
      %add3A_319 = arith.addi %mul3A_317, %add3A_318 : i32
      %dma_wait3A_320 = arith.constant 2 : i32
      %dma_wait3A_321 = arith.constant 0 : i32
      %dma_wait3A_322 = arith.constant 0 : i32
      %dma_wait3A_323 = tpu.memref_slice %arg7[%dma_wait3A_320, %dma_wait3A_321, %dma_wait3A_322] : memref<5x128x128xf32, #tpu.memory_space<vmem>> -> memref<1x128x128xf32, #tpu.memory_space<vmem>>
      %dma_wait3A_324 = tpu.memref_squeeze %dma_wait3A_323 : memref<1x128x128xf32, #tpu.memory_space<vmem>> -> memref<128x128xf32, #tpu.memory_space<vmem>>
      %dma_wait3A_325 = arith.constant 0 : i32
      %dma_wait3A_326 = tpu.memref_slice %arg6[%add3A_319, %dma_wait3A_325] : memref<200x128xi32, #tpu.memory_space<vmem>> -> memref<1x128xi32, #tpu.memory_space<vmem>>
      %dma_wait3A_327 = tpu.memref_squeeze %dma_wait3A_326 : memref<1x128xi32, #tpu.memory_space<vmem>> -> memref<128xi32, #tpu.memory_space<vmem>>
      %dma_wait3A_328 = arith.constant 0 : i32
      %dma_wait3A_329 = arith.constant 0 : i32
      %dma_wait3A_330 = tpu.memref_slice %arg3[%dma_wait3A_328, %dma_wait3A_329] : memref<1000000x128xf32, #tpu.memory_space<hbm>> -> memref<1000000x128xf32, #tpu.memory_space<hbm>>
      tpu.wait_indirect_dma semaphore(%arg11 : memref<!tpu.dma_semaphore, #tpu.memory_space<semaphore_mem>>) src(%dma_wait3A_330 : memref<1000000x128xf32, #tpu.memory_space<hbm>>) dst(%dma_wait3A_324 : memref<128x128xf32, #tpu.memory_space<vmem>>)
      %mul3A_331 = arith.constant 128 : i32
      %mul3A_332 = arith.muli %add3A_315, %mul3A_331 : i32
      %add3A_333 = arith.addi %mul3A_2, %mul3A_332 : i32
      %shift_right_logical3A_334 = arith.constant 12 : i32
      %shift_right_logical3A_335 = arith.shrui %add3A_333, %shift_right_logical3A_334 : i32
      %and3A_336 = arith.constant 4095 : i32
      %and3A_337 = arith.andi %add3A_333, %and3A_336 : i32
      %sub3A_338 = arith.subi %shift_right_logical3A_335, %multiple_of3A : i32
      %get3A_339 = arith.index_cast %sub3A_338 : i32 to index
      %get3A_340 = arith.constant 0 : index
      %get3A_341 = tpu.vector_load %arg8[%get3A_339, %get3A_340] {strides = array<i32>} : memref<16x128xf32, #tpu.memory_space<vmem>>, vector<1x16xf32>,
      %get3A_342 = vector.shape_cast %get3A_341 : vector<1x16xf32> to vector<16xf32>
      %sub3A_343 = arith.subi %shift_right_logical3A_335, %multiple_of3A : i32
      %get3A_344 = arith.index_cast %sub3A_343 : i32 to index
      %get3A_345 = arith.constant 16 : index
      %get3A_346 = tpu.vector_load %arg8[%get3A_344, %get3A_345] {strides = array<i32>} : memref<16x128xf32, #tpu.memory_space<vmem>>, vector<1x16xf32>,
      %get3A_347 = vector.shape_cast %get3A_346 : vector<1x16xf32> to vector<16xf32>
      %sub3A_348 = arith.subi %shift_right_logical3A_335, %multiple_of3A : i32
      %get3A_349 = arith.index_cast %sub3A_348 : i32 to index
      %get3A_350 = arith.constant 32 : index
      %get3A_351 = tpu.vector_load %arg8[%get3A_349, %get3A_350] {strides = array<i32>} : memref<16x128xf32, #tpu.memory_space<vmem>>, vector<1x16xf32>,
      %get3A_352 = vector.shape_cast %get3A_351 : vector<1x16xf32> to vector<16xf32>
      %sub3A_353 = arith.subi %shift_right_logical3A_335, %multiple_of3A : i32
      %get3A_354 = arith.index_cast %sub3A_353 : i32 to index
      %get3A_355 = arith.constant 48 : index
      %get3A_356 = tpu.vector_load %arg8[%get3A_354, %get3A_355] {strides = array<i32>} : memref<16x128xf32, #tpu.memory_space<vmem>>, vector<1x16xf32>,
      %get3A_357 = vector.shape_cast %get3A_356 : vector<1x16xf32> to vector<16xf32>
      %sub3A_358 = arith.subi %shift_right_logical3A_335, %multiple_of3A : i32
      %get3A_359 = arith.index_cast %sub3A_358 : i32 to index
      %get3A_360 = arith.constant 64 : index
      %get3A_361 = tpu.vector_load %arg8[%get3A_359, %get3A_360] {strides = array<i32>} : memref<16x128xf32, #tpu.memory_space<vmem>>, vector<1x16xf32>,
      %get3A_362 = vector.shape_cast %get3A_361 : vector<1x16xf32> to vector<16xf32>
      %sub3A_363 = arith.subi %shift_right_logical3A_335, %multiple_of3A : i32
      %get3A_364 = arith.index_cast %sub3A_363 : i32 to index
      %get3A_365 = arith.constant 80 : index
      %get3A_366 = tpu.vector_load %arg8[%get3A_364, %get3A_365] {strides = array<i32>} : memref<16x128xf32, #tpu.memory_space<vmem>>, vector<1x16xf32>,
      %get3A_367 = vector.shape_cast %get3A_366 : vector<1x16xf32> to vector<16xf32>
      %sub3A_368 = arith.subi %shift_right_logical3A_335, %multiple_of3A : i32
      %get3A_369 = arith.index_cast %sub3A_368 : i32 to index
      %get3A_370 = arith.constant 96 : index
      %get3A_371 = tpu.vector_load %arg8[%get3A_369, %get3A_370] {strides = array<i32>} : memref<16x128xf32, #tpu.memory_space<vmem>>, vector<1x16xf32>,
      %get3A_372 = vector.shape_cast %get3A_371 : vector<1x16xf32> to vector<16xf32>
      %sub3A_373 = arith.subi %shift_right_logical3A_335, %multiple_of3A : i32
      %get3A_374 = arith.index_cast %sub3A_373 : i32 to index
      %get3A_375 = arith.constant 112 : index
      %get3A_376 = tpu.vector_load %arg8[%get3A_374, %get3A_375] {strides = array<i32>} : memref<16x128xf32, #tpu.memory_space<vmem>>, vector<1x16xf32>,
      %get3A_377 = vector.shape_cast %get3A_376 : vector<1x16xf32> to vector<16xf32>
      %scan3A_378 = arith.constant 0 : i32
      %scan3A_379 = arith.constant 0 : i32
      %scan3A_380 = arith.constant 32 : i32
      %scan3A_381 = arith.addi %scan3A_379, %scan3A_380 : i32
      %scan3A_382 = arith.constant 1 : i32
      scf.for %scan3A_631 = %scan3A_379 to %scan3A_381 step %scan3A_382  : i32 {
        %mul3A_632 = arith.constant 4 : i32
        %mul3A_633 = arith.muli %scan3A_631, %mul3A_632 : i32
        %add3A_634 = arith.constant 0 : i32
        %add3A_635 = arith.addi %mul3A_633, %add3A_634 : i32
        %get3A_636 = arith.constant 2 : i32
        %get3A_637 = arith.index_cast %get3A_636 : i32 to index
        %get3A_638 = arith.index_cast %add3A_635 : i32 to index
        %get3A_639 = arith.constant 0 : index
        %get3A_640 = tpu.vector_load %arg7[%get3A_637, %get3A_638, %get3A_639] {strides = array<i32>} : memref<5x128x128xf32, #tpu.memory_space<vmem>>, vector<1x1x16xf32>,
        %get3A_641 = vector.shape_cast %get3A_640 : vector<1x1x16xf32> to vector<16xf32>
        %mul3A_642 = arith.constant 11.3137083 : f32
        %mul3A_643 = vector.broadcast %mul3A_642 : f32 to vector<16xf32>
        %mul3A_644 = arith.mulf %get3A_641, %mul3A_643 : vector<16xf32>
        %add3A_645 = arith.addf %mul3A_644, %get3A_342 : vector<16xf32>
        %swap3A = arith.constant 2 : i32
        %swap3A_646 = arith.index_cast %swap3A : i32 to index
        %swap3A_647 = arith.index_cast %add3A_635 : i32 to index
        %swap3A_648 = arith.constant 0 : index
        %swap3A_649 = tpu.vector_load %arg7[%swap3A_646, %swap3A_647, %swap3A_648] {strides = array<i32>} : memref<5x128x128xf32, #tpu.memory_space<vmem>>, vector<1x1x16xf32>,
        %swap3A_650 = vector.shape_cast %swap3A_649 : vector<1x1x16xf32> to vector<16xf32>
        %swap3A_651 = vector.shape_cast %add3A_645 : vector<16xf32> to vector<1x1x16xf32>
        tpu.vector_store %arg7[%swap3A_646, %swap3A_647, %swap3A_648], %swap3A_651 {strides = array<i32>} : memref<5x128x128xf32, #tpu.memory_space<vmem>>, vector<1x1x16xf32>,
        %get3A_652 = arith.constant 2 : i32
        %get3A_653 = arith.index_cast %get3A_652 : i32 to index
        %get3A_654 = arith.index_cast %add3A_635 : i32 to index
        %get3A_655 = arith.constant 16 : index
        %get3A_656 = tpu.vector_load %arg7[%get3A_653, %get3A_654, %get3A_655] {strides = array<i32>} : memref<5x128x128xf32, #tpu.memory_space<vmem>>, vector<1x1x16xf32>,
        %get3A_657 = vector.shape_cast %get3A_656 : vector<1x1x16xf32> to vector<16xf32>
        %mul3A_658 = arith.constant 11.3137083 : f32
        %mul3A_659 = vector.broadcast %mul3A_658 : f32 to vector<16xf32>
        %mul3A_660 = arith.mulf %get3A_657, %mul3A_659 : vector<16xf32>
        %add3A_661 = arith.addf %mul3A_660, %get3A_347 : vector<16xf32>
        %swap3A_662 = arith.constant 2 : i32
        %swap3A_663 = arith.index_cast %swap3A_662 : i32 to index
        %swap3A_664 = arith.index_cast %add3A_635 : i32 to index
        %swap3A_665 = arith.constant 16 : index
        %swap3A_666 = tpu.vector_load %arg7[%swap3A_663, %swap3A_664, %swap3A_665] {strides = array<i32>} : memref<5x128x128xf32, #tpu.memory_space<vmem>>, vector<1x1x16xf32>,
        %swap3A_667 = vector.shape_cast %swap3A_666 : vector<1x1x16xf32> to vector<16xf32>
        %swap3A_668 = vector.shape_cast %add3A_661 : vector<16xf32> to vector<1x1x16xf32>
        tpu.vector_store %arg7[%swap3A_663, %swap3A_664, %swap3A_665], %swap3A_668 {strides = array<i32>} : memref<5x128x128xf32, #tpu.memory_space<vmem>>, vector<1x1x16xf32>,
        %get3A_669 = arith.constant 2 : i32
        %get3A_670 = arith.index_cast %get3A_669 : i32 to index
        %get3A_671 = arith.index_cast %add3A_635 : i32 to index
        %get3A_672 = arith.constant 32 : index
        %get3A_673 = tpu.vector_load %arg7[%get3A_670, %get3A_671, %get3A_672] {strides = array<i32>} : memref<5x128x128xf32, #tpu.memory_space<vmem>>, vector<1x1x16xf32>,
        %get3A_674 = vector.shape_cast %get3A_673 : vector<1x1x16xf32> to vector<16xf32>
        %mul3A_675 = arith.constant 11.3137083 : f32
        %mul3A_676 = vector.broadcast %mul3A_675 : f32 to vector<16xf32>
        %mul3A_677 = arith.mulf %get3A_674, %mul3A_676 : vector<16xf32>
        %add3A_678 = arith.addf %mul3A_677, %get3A_352 : vector<16xf32>
        %swap3A_679 = arith.constant 2 : i32
        %swap3A_680 = arith.index_cast %swap3A_679 : i32 to index
        %swap3A_681 = arith.index_cast %add3A_635 : i32 to index
        %swap3A_682 = arith.constant 32 : index
        %swap3A_683 = tpu.vector_load %arg7[%swap3A_680, %swap3A_681, %swap3A_682] {strides = array<i32>} : memref<5x128x128xf32, #tpu.memory_space<vmem>>, vector<1x1x16xf32>,
        %swap3A_684 = vector.shape_cast %swap3A_683 : vector<1x1x16xf32> to vector<16xf32>
        %swap3A_685 = vector.shape_cast %add3A_678 : vector<16xf32> to vector<1x1x16xf32>
        tpu.vector_store %arg7[%swap3A_680, %swap3A_681, %swap3A_682], %swap3A_685 {strides = array<i32>} : memref<5x128x128xf32, #tpu.memory_space<vmem>>, vector<1x1x16xf32>,
        %get3A_686 = arith.constant 2 : i32
        %get3A_687 = arith.index_cast %get3A_686 : i32 to index
        %get3A_688 = arith.index_cast %add3A_635 : i32 to index
        %get3A_689 = arith.constant 48 : index
        %get3A_690 = tpu.vector_load %arg7[%get3A_687, %get3A_688, %get3A_689] {strides = array<i32>} : memref<5x128x128xf32, #tpu.memory_space<vmem>>, vector<1x1x16xf32>,
        %get3A_691 = vector.shape_cast %get3A_690 : vector<1x1x16xf32> to vector<16xf32>
        %mul3A_692 = arith.constant 11.3137083 : f32
        %mul3A_693 = vector.broadcast %mul3A_692 : f32 to vector<16xf32>
        %mul3A_694 = arith.mulf %get3A_691, %mul3A_693 : vector<16xf32>
        %add3A_695 = arith.addf %mul3A_694, %get3A_357 : vector<16xf32>
        %swap3A_696 = arith.constant 2 : i32
        %swap3A_697 = arith.index_cast %swap3A_696 : i32 to index
        %swap3A_698 = arith.index_cast %add3A_635 : i32 to index
        %swap3A_699 = arith.constant 48 : index
        %swap3A_700 = tpu.vector_load %arg7[%swap3A_697, %swap3A_698, %swap3A_699] {strides = array<i32>} : memref<5x128x128xf32, #tpu.memory_space<vmem>>, vector<1x1x16xf32>,
        %swap3A_701 = vector.shape_cast %swap3A_700 : vector<1x1x16xf32> to vector<16xf32>
        %swap3A_702 = vector.shape_cast %add3A_695 : vector<16xf32> to vector<1x1x16xf32>
        tpu.vector_store %arg7[%swap3A_697, %swap3A_698, %swap3A_699], %swap3A_702 {strides = array<i32>} : memref<5x128x128xf32, #tpu.memory_space<vmem>>, vector<1x1x16xf32>,
        %get3A_703 = arith.constant 2 : i32
        %get3A_704 = arith.index_cast %get3A_703 : i32 to index
        %get3A_705 = arith.index_cast %add3A_635 : i32 to index
        %get3A_706 = arith.constant 64 : index
        %get3A_707 = tpu.vector_load %arg7[%get3A_704, %get3A_705, %get3A_706] {strides = array<i32>} : memref<5x128x128xf32, #tpu.memory_space<vmem>>, vector<1x1x16xf32>,
        %get3A_708 = vector.shape_cast %get3A_707 : vector<1x1x16xf32> to vector<16xf32>
        %mul3A_709 = arith.constant 11.3137083 : f32
        %mul3A_710 = vector.broadcast %mul3A_709 : f32 to vector<16xf32>
        %mul3A_711 = arith.mulf %get3A_708, %mul3A_710 : vector<16xf32>
        %add3A_712 = arith.addf %mul3A_711, %get3A_362 : vector<16xf32>
        %swap3A_713 = arith.constant 2 : i32
        %swap3A_714 = arith.index_cast %swap3A_713 : i32 to index
        %swap3A_715 = arith.index_cast %add3A_635 : i32 to index
        %swap3A_716 = arith.constant 64 : index
        %swap3A_717 = tpu.vector_load %arg7[%swap3A_714, %swap3A_715, %swap3A_716] {strides = array<i32>} : memref<5x128x128xf32, #tpu.memory_space<vmem>>, vector<1x1x16xf32>,
        %swap3A_718 = vector.shape_cast %swap3A_717 : vector<1x1x16xf32> to vector<16xf32>
        %swap3A_719 = vector.shape_cast %add3A_712 : vector<16xf32> to vector<1x1x16xf32>
        tpu.vector_store %arg7[%swap3A_714, %swap3A_715, %swap3A_716], %swap3A_719 {strides = array<i32>} : memref<5x128x128xf32, #tpu.memory_space<vmem>>, vector<1x1x16xf32>,
        %get3A_720 = arith.constant 2 : i32
        %get3A_721 = arith.index_cast %get3A_720 : i32 to index
        %get3A_722 = arith.index_cast %add3A_635 : i32 to index
        %get3A_723 = arith.constant 80 : index
        %get3A_724 = tpu.vector_load %arg7[%get3A_721, %get3A_722, %get3A_723] {strides = array<i32>} : memref<5x128x128xf32, #tpu.memory_space<vmem>>, vector<1x1x16xf32>,
        %get3A_725 = vector.shape_cast %get3A_724 : vector<1x1x16xf32> to vector<16xf32>
        %mul3A_726 = arith.constant 11.3137083 : f32
        %mul3A_727 = vector.broadcast %mul3A_726 : f32 to vector<16xf32>
        %mul3A_728 = arith.mulf %get3A_725, %mul3A_727 : vector<16xf32>
        %add3A_729 = arith.addf %mul3A_728, %get3A_367 : vector<16xf32>
        %swap3A_730 = arith.constant 2 : i32
        %swap3A_731 = arith.index_cast %swap3A_730 : i32 to index
        %swap3A_732 = arith.index_cast %add3A_635 : i32 to index
        %swap3A_733 = arith.constant 80 : index
        %swap3A_734 = tpu.vector_load %arg7[%swap3A_731, %swap3A_732, %swap3A_733] {strides = array<i32>} : memref<5x128x128xf32, #tpu.memory_space<vmem>>, vector<1x1x16xf32>,
        %swap3A_735 = vector.shape_cast %swap3A_734 : vector<1x1x16xf32> to vector<16xf32>
        %swap3A_736 = vector.shape_cast %add3A_729 : vector<16xf32> to vector<1x1x16xf32>
        tpu.vector_store %arg7[%swap3A_731, %swap3A_732, %swap3A_733], %swap3A_736 {strides = array<i32>} : memref<5x128x128xf32, #tpu.memory_space<vmem>>, vector<1x1x16xf32>,
        %get3A_737 = arith.constant 2 : i32
        %get3A_738 = arith.index_cast %get3A_737 : i32 to index
        %get3A_739 = arith.index_cast %add3A_635 : i32 to index
        %get3A_740 = arith.constant 96 : index
        %get3A_741 = tpu.vector_load %arg7[%get3A_738, %get3A_739, %get3A_740] {strides = array<i32>} : memref<5x128x128xf32, #tpu.memory_space<vmem>>, vector<1x1x16xf32>,
        %get3A_742 = vector.shape_cast %get3A_741 : vector<1x1x16xf32> to vector<16xf32>
        %mul3A_743 = arith.constant 11.3137083 : f32
        %mul3A_744 = vector.broadcast %mul3A_743 : f32 to vector<16xf32>
        %mul3A_745 = arith.mulf %get3A_742, %mul3A_744 : vector<16xf32>
        %add3A_746 = arith.addf %mul3A_745, %get3A_372 : vector<16xf32>
        %swap3A_747 = arith.constant 2 : i32
        %swap3A_748 = arith.index_cast %swap3A_747 : i32 to index
        %swap3A_749 = arith.index_cast %add3A_635 : i32 to index
        %swap3A_750 = arith.constant 96 : index
        %swap3A_751 = tpu.vector_load %arg7[%swap3A_748, %swap3A_749, %swap3A_750] {strides = array<i32>} : memref<5x128x128xf32, #tpu.memory_space<vmem>>, vector<1x1x16xf32>,
        %swap3A_752 = vector.shape_cast %swap3A_751 : vector<1x1x16xf32> to vector<16xf32>
        %swap3A_753 = vector.shape_cast %add3A_746 : vector<16xf32> to vector<1x1x16xf32>
        tpu.vector_store %arg7[%swap3A_748, %swap3A_749, %swap3A_750], %swap3A_753 {strides = array<i32>} : memref<5x128x128xf32, #tpu.memory_space<vmem>>, vector<1x1x16xf32>,
        %get3A_754 = arith.constant 2 : i32
        %get3A_755 = arith.index_cast %get3A_754 : i32 to index
        %get3A_756 = arith.index_cast %add3A_635 : i32 to index
        %get3A_757 = arith.constant 112 : index
        %get3A_758 = tpu.vector_load %arg7[%get3A_755, %get3A_756, %get3A_757] {strides = array<i32>} : memref<5x128x128xf32, #tpu.memory_space<vmem>>, vector<1x1x16xf32>,
        %get3A_759 = vector.shape_cast %get3A_758 : vector<1x1x16xf32> to vector<16xf32>
        %mul3A_760 = arith.constant 11.3137083 : f32
        %mul3A_761 = vector.broadcast %mul3A_760 : f32 to vector<16xf32>
        %mul3A_762 = arith.mulf %get3A_759, %mul3A_761 : vector<16xf32>
        %add3A_763 = arith.addf %mul3A_762, %get3A_377 : vector<16xf32>
        %swap3A_764 = arith.constant 2 : i32
        %swap3A_765 = arith.index_cast %swap3A_764 : i32 to index
        %swap3A_766 = arith.index_cast %add3A_635 : i32 to index
        %swap3A_767 = arith.constant 112 : index
        %swap3A_768 = tpu.vector_load %arg7[%swap3A_765, %swap3A_766, %swap3A_767] {strides = array<i32>} : memref<5x128x128xf32, #tpu.memory_space<vmem>>, vector<1x1x16xf32>,
        %swap3A_769 = vector.shape_cast %swap3A_768 : vector<1x1x16xf32> to vector<16xf32>
        %swap3A_770 = vector.shape_cast %add3A_763 : vector<16xf32> to vector<1x1x16xf32>
        tpu.vector_store %arg7[%swap3A_765, %swap3A_766, %swap3A_767], %swap3A_770 {strides = array<i32>} : memref<5x128x128xf32, #tpu.memory_space<vmem>>, vector<1x1x16xf32>,
        %mul3A_771 = arith.constant 4 : i32
        %mul3A_772 = arith.muli %scan3A_631, %mul3A_771 : i32
        %add3A_773 = arith.constant 1 : i32
        %add3A_774 = arith.addi %mul3A_772, %add3A_773 : i32
        %get3A_775 = arith.constant 2 : i32
        %get3A_776 = arith.index_cast %get3A_775 : i32 to index
        %get3A_777 = arith.index_cast %add3A_774 : i32 to index
        %get3A_778 = arith.constant 0 : index
        %get3A_779 = tpu.vector_load %arg7[%get3A_776, %get3A_777, %get3A_778] {strides = array<i32>} : memref<5x128x128xf32, #tpu.memory_space<vmem>>, vector<1x1x16xf32>,
        %get3A_780 = vector.shape_cast %get3A_779 : vector<1x1x16xf32> to vector<16xf32>
        %mul3A_781 = arith.constant 11.3137083 : f32
        %mul3A_782 = vector.broadcast %mul3A_781 : f32 to vector<16xf32>
        %mul3A_783 = arith.mulf %get3A_780, %mul3A_782 : vector<16xf32>
        %add3A_784 = arith.addf %mul3A_783, %get3A_342 : vector<16xf32>
        %swap3A_785 = arith.constant 2 : i32
        %swap3A_786 = arith.index_cast %swap3A_785 : i32 to index
        %swap3A_787 = arith.index_cast %add3A_774 : i32 to index
        %swap3A_788 = arith.constant 0 : index
        %swap3A_789 = tpu.vector_load %arg7[%swap3A_786, %swap3A_787, %swap3A_788] {strides = array<i32>} : memref<5x128x128xf32, #tpu.memory_space<vmem>>, vector<1x1x16xf32>,
        %swap3A_790 = vector.shape_cast %swap3A_789 : vector<1x1x16xf32> to vector<16xf32>
        %swap3A_791 = vector.shape_cast %add3A_784 : vector<16xf32> to vector<1x1x16xf32>
        tpu.vector_store %arg7[%swap3A_786, %swap3A_787, %swap3A_788], %swap3A_791 {strides = array<i32>} : memref<5x128x128xf32, #tpu.memory_space<vmem>>, vector<1x1x16xf32>,
        %get3A_792 = arith.constant 2 : i32
        %get3A_793 = arith.index_cast %get3A_792 : i32 to index
        %get3A_794 = arith.index_cast %add3A_774 : i32 to index
        %get3A_795 = arith.constant 16 : index
        %get3A_796 = tpu.vector_load %arg7[%get3A_793, %get3A_794, %get3A_795] {strides = array<i32>} : memref<5x128x128xf32, #tpu.memory_space<vmem>>, vector<1x1x16xf32>,
        %get3A_797 = vector.shape_cast %get3A_796 : vector<1x1x16xf32> to vector<16xf32>
        %mul3A_798 = arith.constant 11.3137083 : f32
        %mul3A_799 = vector.broadcast %mul3A_798 : f32 to vector<16xf32>
        %mul3A_800 = arith.mulf %get3A_797, %mul3A_799 : vector<16xf32>
        %add3A_801 = arith.addf %mul3A_800, %get3A_347 : vector<16xf32>
        %swap3A_802 = arith.constant 2 : i32
        %swap3A_803 = arith.index_cast %swap3A_802 : i32 to index
        %swap3A_804 = arith.index_cast %add3A_774 : i32 to index
        %swap3A_805 = arith.constant 16 : index
        %swap3A_806 = tpu.vector_load %arg7[%swap3A_803, %swap3A_804, %swap3A_805] {strides = array<i32>} : memref<5x128x128xf32, #tpu.memory_space<vmem>>, vector<1x1x16xf32>,
        %swap3A_807 = vector.shape_cast %swap3A_806 : vector<1x1x16xf32> to vector<16xf32>
        %swap3A_808 = vector.shape_cast %add3A_801 : vector<16xf32> to vector<1x1x16xf32>
        tpu.vector_store %arg7[%swap3A_803, %swap3A_804, %swap3A_805], %swap3A_808 {strides = array<i32>} : memref<5x128x128xf32, #tpu.memory_space<vmem>>, vector<1x1x16xf32>,
        %get3A_809 = arith.constant 2 : i32
        %get3A_810 = arith.index_cast %get3A_809 : i32 to index
        %get3A_811 = arith.index_cast %add3A_774 : i32 to index
        %get3A_812 = arith.constant 32 : index
        %get3A_813 = tpu.vector_load %arg7[%get3A_810, %get3A_811, %get3A_812] {strides = array<i32>} : memref<5x128x128xf32, #tpu.memory_space<vmem>>, vector<1x1x16xf32>,
        %get3A_814 = vector.shape_cast %get3A_813 : vector<1x1x16xf32> to vector<16xf32>
        %mul3A_815 = arith.constant 11.3137083 : f32
        %mul3A_816 = vector.broadcast %mul3A_815 : f32 to vector<16xf32>
        %mul3A_817 = arith.mulf %get3A_814, %mul3A_816 : vector<16xf32>
        %add3A_818 = arith.addf %mul3A_817, %get3A_352 : vector<16xf32>
        %swap3A_819 = arith.constant 2 : i32
        %swap3A_820 = arith.index_cast %swap3A_819 : i32 to index
        %swap3A_821 = arith.index_cast %add3A_774 : i32 to index
        %swap3A_822 = arith.constant 32 : index
        %swap3A_823 = tpu.vector_load %arg7[%swap3A_820, %swap3A_821, %swap3A_822] {strides = array<i32>} : memref<5x128x128xf32, #tpu.memory_space<vmem>>, vector<1x1x16xf32>,
        %swap3A_824 = vector.shape_cast %swap3A_823 : vector<1x1x16xf32> to vector<16xf32>
        %swap3A_825 = vector.shape_cast %add3A_818 : vector<16xf32> to vector<1x1x16xf32>
        tpu.vector_store %arg7[%swap3A_820, %swap3A_821, %swap3A_822], %swap3A_825 {strides = array<i32>} : memref<5x128x128xf32, #tpu.memory_space<vmem>>, vector<1x1x16xf32>,
        %get3A_826 = arith.constant 2 : i32
        %get3A_827 = arith.index_cast %get3A_826 : i32 to index
        %get3A_828 = arith.index_cast %add3A_774 : i32 to index
        %get3A_829 = arith.constant 48 : index
        %get3A_830 = tpu.vector_load %arg7[%get3A_827, %get3A_828, %get3A_829] {strides = array<i32>} : memref<5x128x128xf32, #tpu.memory_space<vmem>>, vector<1x1x16xf32>,
        %get3A_831 = vector.shape_cast %get3A_830 : vector<1x1x16xf32> to vector<16xf32>
        %mul3A_832 = arith.constant 11.3137083 : f32
        %mul3A_833 = vector.broadcast %mul3A_832 : f32 to vector<16xf32>
        %mul3A_834 = arith.mulf %get3A_831, %mul3A_833 : vector<16xf32>
        %add3A_835 = arith.addf %mul3A_834, %get3A_357 : vector<16xf32>
        %swap3A_836 = arith.constant 2 : i32
        %swap3A_837 = arith.index_cast %swap3A_836 : i32 to index
        %swap3A_838 = arith.index_cast %add3A_774 : i32 to index
        %swap3A_839 = arith.constant 48 : index
        %swap3A_840 = tpu.vector_load %arg7[%swap3A_837, %swap3A_838, %swap3A_839] {strides = array<i32>} : memref<5x128x128xf32, #tpu.memory_space<vmem>>, vector<1x1x16xf32>,
        %swap3A_841 = vector.shape_cast %swap3A_840 : vector<1x1x16xf32> to vector<16xf32>
        %swap3A_842 = vector.shape_cast %add3A_835 : vector<16xf32> to vector<1x1x16xf32>
        tpu.vector_store %arg7[%swap3A_837, %swap3A_838, %swap3A_839], %swap3A_842 {strides = array<i32>} : memref<5x128x128xf32, #tpu.memory_space<vmem>>, vector<1x1x16xf32>,
        %get3A_843 = arith.constant 2 : i32
        %get3A_844 = arith.index_cast %get3A_843 : i32 to index
        %get3A_845 = arith.index_cast %add3A_774 : i32 to index
        %get3A_846 = arith.constant 64 : index
        %get3A_847 = tpu.vector_load %arg7[%get3A_844, %get3A_845, %get3A_846] {strides = array<i32>} : memref<5x128x128xf32, #tpu.memory_space<vmem>>, vector<1x1x16xf32>,
        %get3A_848 = vector.shape_cast %get3A_847 : vector<1x1x16xf32> to vector<16xf32>
        %mul3A_849 = arith.constant 11.3137083 : f32
        %mul3A_850 = vector.broadcast %mul3A_849 : f32 to vector<16xf32>
        %mul3A_851 = arith.mulf %get3A_848, %mul3A_850 : vector<16xf32>
        %add3A_852 = arith.addf %mul3A_851, %get3A_362 : vector<16xf32>
        %swap3A_853 = arith.constant 2 : i32
        %swap3A_854 = arith.index_cast %swap3A_853 : i32 to index
        %swap3A_855 = arith.index_cast %add3A_774 : i32 to index
        %swap3A_856 = arith.constant 64 : index
        %swap3A_857 = tpu.vector_load %arg7[%swap3A_854, %swap3A_855, %swap3A_856] {strides = array<i32>} : memref<5x128x128xf32, #tpu.memory_space<vmem>>, vector<1x1x16xf32>,
        %swap3A_858 = vector.shape_cast %swap3A_857 : vector<1x1x16xf32> to vector<16xf32>
        %swap3A_859 = vector.shape_cast %add3A_852 : vector<16xf32> to vector<1x1x16xf32>
        tpu.vector_store %arg7[%swap3A_854, %swap3A_855, %swap3A_856], %swap3A_859 {strides = array<i32>} : memref<5x128x128xf32, #tpu.memory_space<vmem>>, vector<1x1x16xf32>,
        %get3A_860 = arith.constant 2 : i32
        %get3A_861 = arith.index_cast %get3A_860 : i32 to index
        %get3A_862 = arith.index_cast %add3A_774 : i32 to index
        %get3A_863 = arith.constant 80 : index
        %get3A_864 = tpu.vector_load %arg7[%get3A_861, %get3A_862, %get3A_863] {strides = array<i32>} : memref<5x128x128xf32, #tpu.memory_space<vmem>>, vector<1x1x16xf32>,
        %get3A_865 = vector.shape_cast %get3A_864 : vector<1x1x16xf32> to vector<16xf32>
        %mul3A_866 = arith.constant 11.3137083 : f32
        %mul3A_867 = vector.broadcast %mul3A_866 : f32 to vector<16xf32>
        %mul3A_868 = arith.mulf %get3A_865, %mul3A_867 : vector<16xf32>
        %add3A_869 = arith.addf %mul3A_868, %get3A_367 : vector<16xf32>
        %swap3A_870 = arith.constant 2 : i32
        %swap3A_871 = arith.index_cast %swap3A_870 : i32 to index
        %swap3A_872 = arith.index_cast %add3A_774 : i32 to index
        %swap3A_873 = arith.constant 80 : index
        %swap3A_874 = tpu.vector_load %arg7[%swap3A_871, %swap3A_872, %swap3A_873] {strides = array<i32>} : memref<5x128x128xf32, #tpu.memory_space<vmem>>, vector<1x1x16xf32>,
        %swap3A_875 = vector.shape_cast %swap3A_874 : vector<1x1x16xf32> to vector<16xf32>
        %swap3A_876 = vector.shape_cast %add3A_869 : vector<16xf32> to vector<1x1x16xf32>
        tpu.vector_store %arg7[%swap3A_871, %swap3A_872, %swap3A_873], %swap3A_876 {strides = array<i32>} : memref<5x128x128xf32, #tpu.memory_space<vmem>>, vector<1x1x16xf32>,
        %get3A_877 = arith.constant 2 : i32
        %get3A_878 = arith.index_cast %get3A_877 : i32 to index
        %get3A_879 = arith.index_cast %add3A_774 : i32 to index
        %get3A_880 = arith.constant 96 : index
        %get3A_881 = tpu.vector_load %arg7[%get3A_878, %get3A_879, %get3A_880] {strides = array<i32>} : memref<5x128x128xf32, #tpu.memory_space<vmem>>, vector<1x1x16xf32>,
        %get3A_882 = vector.shape_cast %get3A_881 : vector<1x1x16xf32> to vector<16xf32>
        %mul3A_883 = arith.constant 11.3137083 : f32
        %mul3A_884 = vector.broadcast %mul3A_883 : f32 to vector<16xf32>
        %mul3A_885 = arith.mulf %get3A_882, %mul3A_884 : vector<16xf32>
        %add3A_886 = arith.addf %mul3A_885, %get3A_372 : vector<16xf32>
        %swap3A_887 = arith.constant 2 : i32
        %swap3A_888 = arith.index_cast %swap3A_887 : i32 to index
        %swap3A_889 = arith.index_cast %add3A_774 : i32 to index
        %swap3A_890 = arith.constant 96 : index
        %swap3A_891 = tpu.vector_load %arg7[%swap3A_888, %swap3A_889, %swap3A_890] {strides = array<i32>} : memref<5x128x128xf32, #tpu.memory_space<vmem>>, vector<1x1x16xf32>,
        %swap3A_892 = vector.shape_cast %swap3A_891 : vector<1x1x16xf32> to vector<16xf32>
        %swap3A_893 = vector.shape_cast %add3A_886 : vector<16xf32> to vector<1x1x16xf32>
        tpu.vector_store %arg7[%swap3A_888, %swap3A_889, %swap3A_890], %swap3A_893 {strides = array<i32>} : memref<5x128x128xf32, #tpu.memory_space<vmem>>, vector<1x1x16xf32>,
        %get3A_894 = arith.constant 2 : i32
        %get3A_895 = arith.index_cast %get3A_894 : i32 to index
        %get3A_896 = arith.index_cast %add3A_774 : i32 to index
        %get3A_897 = arith.constant 112 : index
        %get3A_898 = tpu.vector_load %arg7[%get3A_895, %get3A_896, %get3A_897] {strides = array<i32>} : memref<5x128x128xf32, #tpu.memory_space<vmem>>, vector<1x1x16xf32>,
        %get3A_899 = vector.shape_cast %get3A_898 : vector<1x1x16xf32> to vector<16xf32>
        %mul3A_900 = arith.constant 11.3137083 : f32
        %mul3A_901 = vector.broadcast %mul3A_900 : f32 to vector<16xf32>
        %mul3A_902 = arith.mulf %get3A_899, %mul3A_901 : vector<16xf32>
        %add3A_903 = arith.addf %mul3A_902, %get3A_377 : vector<16xf32>
        %swap3A_904 = arith.constant 2 : i32
        %swap3A_905 = arith.index_cast %swap3A_904 : i32 to index
        %swap3A_906 = arith.index_cast %add3A_774 : i32 to index
        %swap3A_907 = arith.constant 112 : index
        %swap3A_908 = tpu.vector_load %arg7[%swap3A_905, %swap3A_906, %swap3A_907] {strides = array<i32>} : memref<5x128x128xf32, #tpu.memory_space<vmem>>, vector<1x1x16xf32>,
        %swap3A_909 = vector.shape_cast %swap3A_908 : vector<1x1x16xf32> to vector<16xf32>
        %swap3A_910 = vector.shape_cast %add3A_903 : vector<16xf32> to vector<1x1x16xf32>
        tpu.vector_store %arg7[%swap3A_905, %swap3A_906, %swap3A_907], %swap3A_910 {strides = array<i32>} : memref<5x128x128xf32, #tpu.memory_space<vmem>>, vector<1x1x16xf32>,
        %mul3A_911 = arith.constant 4 : i32
        %mul3A_912 = arith.muli %scan3A_631, %mul3A_911 : i32
        %add3A_913 = arith.constant 2 : i32
        %add3A_914 = arith.addi %mul3A_912, %add3A_913 : i32
        %get3A_915 = arith.constant 2 : i32
        %get3A_916 = arith.index_cast %get3A_915 : i32 to index
        %get3A_917 = arith.index_cast %add3A_914 : i32 to index
        %get3A_918 = arith.constant 0 : index
        %get3A_919 = tpu.vector_load %arg7[%get3A_916, %get3A_917, %get3A_918] {strides = array<i32>} : memref<5x128x128xf32, #tpu.memory_space<vmem>>, vector<1x1x16xf32>,
        %get3A_920 = vector.shape_cast %get3A_919 : vector<1x1x16xf32> to vector<16xf32>
        %mul3A_921 = arith.constant 11.3137083 : f32
        %mul3A_922 = vector.broadcast %mul3A_921 : f32 to vector<16xf32>
        %mul3A_923 = arith.mulf %get3A_920, %mul3A_922 : vector<16xf32>
        %add3A_924 = arith.addf %mul3A_923, %get3A_342 : vector<16xf32>
        %swap3A_925 = arith.constant 2 : i32
        %swap3A_926 = arith.index_cast %swap3A_925 : i32 to index
        %swap3A_927 = arith.index_cast %add3A_914 : i32 to index
        %swap3A_928 = arith.constant 0 : index
        %swap3A_929 = tpu.vector_load %arg7[%swap3A_926, %swap3A_927, %swap3A_928] {strides = array<i32>} : memref<5x128x128xf32, #tpu.memory_space<vmem>>, vector<1x1x16xf32>,
        %swap3A_930 = vector.shape_cast %swap3A_929 : vector<1x1x16xf32> to vector<16xf32>
        %swap3A_931 = vector.shape_cast %add3A_924 : vector<16xf32> to vector<1x1x16xf32>
        tpu.vector_store %arg7[%swap3A_926, %swap3A_927, %swap3A_928], %swap3A_931 {strides = array<i32>} : memref<5x128x128xf32, #tpu.memory_space<vmem>>, vector<1x1x16xf32>,
        %get3A_932 = arith.constant 2 : i32
        %get3A_933 = arith.index_cast %get3A_932 : i32 to index
        %get3A_934 = arith.index_cast %add3A_914 : i32 to index
        %get3A_935 = arith.constant 16 : index
        %get3A_936 = tpu.vector_load %arg7[%get3A_933, %get3A_934, %get3A_935] {strides = array<i32>} : memref<5x128x128xf32, #tpu.memory_space<vmem>>, vector<1x1x16xf32>,
        %get3A_937 = vector.shape_cast %get3A_936 : vector<1x1x16xf32> to vector<16xf32>
        %mul3A_938 = arith.constant 11.3137083 : f32
        %mul3A_939 = vector.broadcast %mul3A_938 : f32 to vector<16xf32>
        %mul3A_940 = arith.mulf %get3A_937, %mul3A_939 : vector<16xf32>
        %add3A_941 = arith.addf %mul3A_940, %get3A_347 : vector<16xf32>
        %swap3A_942 = arith.constant 2 : i32
        %swap3A_943 = arith.index_cast %swap3A_942 : i32 to index
        %swap3A_944 = arith.index_cast %add3A_914 : i32 to index
        %swap3A_945 = arith.constant 16 : index
        %swap3A_946 = tpu.vector_load %arg7[%swap3A_943, %swap3A_944, %swap3A_945] {strides = array<i32>} : memref<5x128x128xf32, #tpu.memory_space<vmem>>, vector<1x1x16xf32>,
        %swap3A_947 = vector.shape_cast %swap3A_946 : vector<1x1x16xf32> to vector<16xf32>
        %swap3A_948 = vector.shape_cast %add3A_941 : vector<16xf32> to vector<1x1x16xf32>
        tpu.vector_store %arg7[%swap3A_943, %swap3A_944, %swap3A_945], %swap3A_948 {strides = array<i32>} : memref<5x128x128xf32, #tpu.memory_space<vmem>>, vector<1x1x16xf32>,
        %get3A_949 = arith.constant 2 : i32
        %get3A_950 = arith.index_cast %get3A_949 : i32 to index
        %get3A_951 = arith.index_cast %add3A_914 : i32 to index
        %get3A_952 = arith.constant 32 : index
        %get3A_953 = tpu.vector_load %arg7[%get3A_950, %get3A_951, %get3A_952] {strides = array<i32>} : memref<5x128x128xf32, #tpu.memory_space<vmem>>, vector<1x1x16xf32>,
        %get3A_954 = vector.shape_cast %get3A_953 : vector<1x1x16xf32> to vector<16xf32>
        %mul3A_955 = arith.constant 11.3137083 : f32
        %mul3A_956 = vector.broadcast %mul3A_955 : f32 to vector<16xf32>
        %mul3A_957 = arith.mulf %get3A_954, %mul3A_956 : vector<16xf32>
        %add3A_958 = arith.addf %mul3A_957, %get3A_352 : vector<16xf32>
        %swap3A_959 = arith.constant 2 : i32
        %swap3A_960 = arith.index_cast %swap3A_959 : i32 to index
        %swap3A_961 = arith.index_cast %add3A_914 : i32 to index
        %swap3A_962 = arith.constant 32 : index
        %swap3A_963 = tpu.vector_load %arg7[%swap3A_960, %swap3A_961, %swap3A_962] {strides = array<i32>} : memref<5x128x128xf32, #tpu.memory_space<vmem>>, vector<1x1x16xf32>,
        %swap3A_964 = vector.shape_cast %swap3A_963 : vector<1x1x16xf32> to vector<16xf32>
        %swap3A_965 = vector.shape_cast %add3A_958 : vector<16xf32> to vector<1x1x16xf32>
        tpu.vector_store %arg7[%swap3A_960, %swap3A_961, %swap3A_962], %swap3A_965 {strides = array<i32>} : memref<5x128x128xf32, #tpu.memory_space<vmem>>, vector<1x1x16xf32>,
        %get3A_966 = arith.constant 2 : i32
        %get3A_967 = arith.index_cast %get3A_966 : i32 to index
        %get3A_968 = arith.index_cast %add3A_914 : i32 to index
        %get3A_969 = arith.constant 48 : index
        %get3A_970 = tpu.vector_load %arg7[%get3A_967, %get3A_968, %get3A_969] {strides = array<i32>} : memref<5x128x128xf32, #tpu.memory_space<vmem>>, vector<1x1x16xf32>,
        %get3A_971 = vector.shape_cast %get3A_970 : vector<1x1x16xf32> to vector<16xf32>
        %mul3A_972 = arith.constant 11.3137083 : f32
        %mul3A_973 = vector.broadcast %mul3A_972 : f32 to vector<16xf32>
        %mul3A_974 = arith.mulf %get3A_971, %mul3A_973 : vector<16xf32>
        %add3A_975 = arith.addf %mul3A_974, %get3A_357 : vector<16xf32>
        %swap3A_976 = arith.constant 2 : i32
        %swap3A_977 = arith.index_cast %swap3A_976 : i32 to index
        %swap3A_978 = arith.index_cast %add3A_914 : i32 to index
        %swap3A_979 = arith.constant 48 : index
        %swap3A_980 = tpu.vector_load %arg7[%swap3A_977, %swap3A_978, %swap3A_979] {strides = array<i32>} : memref<5x128x128xf32, #tpu.memory_space<vmem>>, vector<1x1x16xf32>,
        %swap3A_981 = vector.shape_cast %swap3A_980 : vector<1x1x16xf32> to vector<16xf32>
        %swap3A_982 = vector.shape_cast %add3A_975 : vector<16xf32> to vector<1x1x16xf32>
        tpu.vector_store %arg7[%swap3A_977, %swap3A_978, %swap3A_979], %swap3A_982 {strides = array<i32>} : memref<5x128x128xf32, #tpu.memory_space<vmem>>, vector<1x1x16xf32>,
        %get3A_983 = arith.constant 2 : i32
        %get3A_984 = arith.index_cast %get3A_983 : i32 to index
        %get3A_985 = arith.index_cast %add3A_914 : i32 to index
        %get3A_986 = arith.constant 64 : index
        %get3A_987 = tpu.vector_load %arg7[%get3A_984, %get3A_985, %get3A_986] {strides = array<i32>} : memref<5x128x128xf32, #tpu.memory_space<vmem>>, vector<1x1x16xf32>,
        %get3A_988 = vector.shape_cast %get3A_987 : vector<1x1x16xf32> to vector<16xf32>
        %mul3A_989 = arith.constant 11.3137083 : f32
        %mul3A_990 = vector.broadcast %mul3A_989 : f32 to vector<16xf32>
        %mul3A_991 = arith.mulf %get3A_988, %mul3A_990 : vector<16xf32>
        %add3A_992 = arith.addf %mul3A_991, %get3A_362 : vector<16xf32>
        %swap3A_993 = arith.constant 2 : i32
        %swap3A_994 = arith.index_cast %swap3A_993 : i32 to index
        %swap3A_995 = arith.index_cast %add3A_914 : i32 to index
        %swap3A_996 = arith.constant 64 : index
        %swap3A_997 = tpu.vector_load %arg7[%swap3A_994, %swap3A_995, %swap3A_996] {strides = array<i32>} : memref<5x128x128xf32, #tpu.memory_space<vmem>>, vector<1x1x16xf32>,
        %swap3A_998 = vector.shape_cast %swap3A_997 : vector<1x1x16xf32> to vector<16xf32>
        %swap3A_999 = vector.shape_cast %add3A_992 : vector<16xf32> to vector<1x1x16xf32>
        tpu.vector_store %arg7[%swap3A_994, %swap3A_995, %swap3A_996], %swap3A_999 {strides = array<i32>} : memref<5x128x128xf32, #tpu.memory_space<vmem>>, vector<1x1x16xf32>,
        %get3A_1000 = arith.constant 2 : i32
        %get3A_1001 = arith.index_cast %get3A_1000 : i32 to index
        %get3A_1002 = arith.index_cast %add3A_914 : i32 to index
        %get3A_1003 = arith.constant 80 : index
        %get3A_1004 = tpu.vector_load %arg7[%get3A_1001, %get3A_1002, %get3A_1003] {strides = array<i32>} : memref<5x128x128xf32, #tpu.memory_space<vmem>>, vector<1x1x16xf32>,
        %get3A_1005 = vector.shape_cast %get3A_1004 : vector<1x1x16xf32> to vector<16xf32>
        %mul3A_1006 = arith.constant 11.3137083 : f32
        %mul3A_1007 = vector.broadcast %mul3A_1006 : f32 to vector<16xf32>
        %mul3A_1008 = arith.mulf %get3A_1005, %mul3A_1007 : vector<16xf32>
        %add3A_1009 = arith.addf %mul3A_1008, %get3A_367 : vector<16xf32>
        %swap3A_1010 = arith.constant 2 : i32
        %swap3A_1011 = arith.index_cast %swap3A_1010 : i32 to index
        %swap3A_1012 = arith.index_cast %add3A_914 : i32 to index
        %swap3A_1013 = arith.constant 80 : index
        %swap3A_1014 = tpu.vector_load %arg7[%swap3A_1011, %swap3A_1012, %swap3A_1013] {strides = array<i32>} : memref<5x128x128xf32, #tpu.memory_space<vmem>>, vector<1x1x16xf32>,
        %swap3A_1015 = vector.shape_cast %swap3A_1014 : vector<1x1x16xf32> to vector<16xf32>
        %swap3A_1016 = vector.shape_cast %add3A_1009 : vector<16xf32> to vector<1x1x16xf32>
        tpu.vector_store %arg7[%swap3A_1011, %swap3A_1012, %swap3A_1013], %swap3A_1016 {strides = array<i32>} : memref<5x128x128xf32, #tpu.memory_space<vmem>>, vector<1x1x16xf32>,
        %get3A_1017 = arith.constant 2 : i32
        %get3A_1018 = arith.index_cast %get3A_1017 : i32 to index
        %get3A_1019 = arith.index_cast %add3A_914 : i32 to index
        %get3A_1020 = arith.constant 96 : index
        %get3A_1021 = tpu.vector_load %arg7[%get3A_1018, %get3A_1019, %get3A_1020] {strides = array<i32>} : memref<5x128x128xf32, #tpu.memory_space<vmem>>, vector<1x1x16xf32>,
        %get3A_1022 = vector.shape_cast %get3A_1021 : vector<1x1x16xf32> to vector<16xf32>
        %mul3A_1023 = arith.constant 11.3137083 : f32
        %mul3A_1024 = vector.broadcast %mul3A_1023 : f32 to vector<16xf32>
        %mul3A_1025 = arith.mulf %get3A_1022, %mul3A_1024 : vector<16xf32>
        %add3A_1026 = arith.addf %mul3A_1025, %get3A_372 : vector<16xf32>
        %swap3A_1027 = arith.constant 2 : i32
        %swap3A_1028 = arith.index_cast %swap3A_1027 : i32 to index
        %swap3A_1029 = arith.index_cast %add3A_914 : i32 to index
        %swap3A_1030 = arith.constant 96 : index
        %swap3A_1031 = tpu.vector_load %arg7[%swap3A_1028, %swap3A_1029, %swap3A_1030] {strides = array<i32>} : memref<5x128x128xf32, #tpu.memory_space<vmem>>, vector<1x1x16xf32>,
        %swap3A_1032 = vector.shape_cast %swap3A_1031 : vector<1x1x16xf32> to vector<16xf32>
        %swap3A_1033 = vector.shape_cast %add3A_1026 : vector<16xf32> to vector<1x1x16xf32>
        tpu.vector_store %arg7[%swap3A_1028, %swap3A_1029, %swap3A_1030], %swap3A_1033 {strides = array<i32>} : memref<5x128x128xf32, #tpu.memory_space<vmem>>, vector<1x1x16xf32>,
        %get3A_1034 = arith.constant 2 : i32
        %get3A_1035 = arith.index_cast %get3A_1034 : i32 to index
        %get3A_1036 = arith.index_cast %add3A_914 : i32 to index
        %get3A_1037 = arith.constant 112 : index
        %get3A_1038 = tpu.vector_load %arg7[%get3A_1035, %get3A_1036, %get3A_1037] {strides = array<i32>} : memref<5x128x128xf32, #tpu.memory_space<vmem>>, vector<1x1x16xf32>,
        %get3A_1039 = vector.shape_cast %get3A_1038 : vector<1x1x16xf32> to vector<16xf32>
        %mul3A_1040 = arith.constant 11.3137083 : f32
        %mul3A_1041 = vector.broadcast %mul3A_1040 : f32 to vector<16xf32>
        %mul3A_1042 = arith.mulf %get3A_1039, %mul3A_1041 : vector<16xf32>
        %add3A_1043 = arith.addf %mul3A_1042, %get3A_377 : vector<16xf32>
        %swap3A_1044 = arith.constant 2 : i32
        %swap3A_1045 = arith.index_cast %swap3A_1044 : i32 to index
        %swap3A_1046 = arith.index_cast %add3A_914 : i32 to index
        %swap3A_1047 = arith.constant 112 : index
        %swap3A_1048 = tpu.vector_load %arg7[%swap3A_1045, %swap3A_1046, %swap3A_1047] {strides = array<i32>} : memref<5x128x128xf32, #tpu.memory_space<vmem>>, vector<1x1x16xf32>,
        %swap3A_1049 = vector.shape_cast %swap3A_1048 : vector<1x1x16xf32> to vector<16xf32>
        %swap3A_1050 = vector.shape_cast %add3A_1043 : vector<16xf32> to vector<1x1x16xf32>
        tpu.vector_store %arg7[%swap3A_1045, %swap3A_1046, %swap3A_1047], %swap3A_1050 {strides = array<i32>} : memref<5x128x128xf32, #tpu.memory_space<vmem>>, vector<1x1x16xf32>,
        %mul3A_1051 = arith.constant 4 : i32
        %mul3A_1052 = arith.muli %scan3A_631, %mul3A_1051 : i32
        %add3A_1053 = arith.constant 3 : i32
        %add3A_1054 = arith.addi %mul3A_1052, %add3A_1053 : i32
        %get3A_1055 = arith.constant 2 : i32
        %get3A_1056 = arith.index_cast %get3A_1055 : i32 to index
        %get3A_1057 = arith.index_cast %add3A_1054 : i32 to index
        %get3A_1058 = arith.constant 0 : index
        %get3A_1059 = tpu.vector_load %arg7[%get3A_1056, %get3A_1057, %get3A_1058] {strides = array<i32>} : memref<5x128x128xf32, #tpu.memory_space<vmem>>, vector<1x1x16xf32>,
        %get3A_1060 = vector.shape_cast %get3A_1059 : vector<1x1x16xf32> to vector<16xf32>
        %mul3A_1061 = arith.constant 11.3137083 : f32
        %mul3A_1062 = vector.broadcast %mul3A_1061 : f32 to vector<16xf32>
        %mul3A_1063 = arith.mulf %get3A_1060, %mul3A_1062 : vector<16xf32>
        %add3A_1064 = arith.addf %mul3A_1063, %get3A_342 : vector<16xf32>
        %swap3A_1065 = arith.constant 2 : i32
        %swap3A_1066 = arith.index_cast %swap3A_1065 : i32 to index
        %swap3A_1067 = arith.index_cast %add3A_1054 : i32 to index
        %swap3A_1068 = arith.constant 0 : index
        %swap3A_1069 = tpu.vector_load %arg7[%swap3A_1066, %swap3A_1067, %swap3A_1068] {strides = array<i32>} : memref<5x128x128xf32, #tpu.memory_space<vmem>>, vector<1x1x16xf32>,
        %swap3A_1070 = vector.shape_cast %swap3A_1069 : vector<1x1x16xf32> to vector<16xf32>
        %swap3A_1071 = vector.shape_cast %add3A_1064 : vector<16xf32> to vector<1x1x16xf32>
        tpu.vector_store %arg7[%swap3A_1066, %swap3A_1067, %swap3A_1068], %swap3A_1071 {strides = array<i32>} : memref<5x128x128xf32, #tpu.memory_space<vmem>>, vector<1x1x16xf32>,
        %get3A_1072 = arith.constant 2 : i32
        %get3A_1073 = arith.index_cast %get3A_1072 : i32 to index
        %get3A_1074 = arith.index_cast %add3A_1054 : i32 to index
        %get3A_1075 = arith.constant 16 : index
        %get3A_1076 = tpu.vector_load %arg7[%get3A_1073, %get3A_1074, %get3A_1075] {strides = array<i32>} : memref<5x128x128xf32, #tpu.memory_space<vmem>>, vector<1x1x16xf32>,
        %get3A_1077 = vector.shape_cast %get3A_1076 : vector<1x1x16xf32> to vector<16xf32>
        %mul3A_1078 = arith.constant 11.3137083 : f32
        %mul3A_1079 = vector.broadcast %mul3A_1078 : f32 to vector<16xf32>
        %mul3A_1080 = arith.mulf %get3A_1077, %mul3A_1079 : vector<16xf32>
        %add3A_1081 = arith.addf %mul3A_1080, %get3A_347 : vector<16xf32>
        %swap3A_1082 = arith.constant 2 : i32
        %swap3A_1083 = arith.index_cast %swap3A_1082 : i32 to index
        %swap3A_1084 = arith.index_cast %add3A_1054 : i32 to index
        %swap3A_1085 = arith.constant 16 : index
        %swap3A_1086 = tpu.vector_load %arg7[%swap3A_1083, %swap3A_1084, %swap3A_1085] {strides = array<i32>} : memref<5x128x128xf32, #tpu.memory_space<vmem>>, vector<1x1x16xf32>,
        %swap3A_1087 = vector.shape_cast %swap3A_1086 : vector<1x1x16xf32> to vector<16xf32>
        %swap3A_1088 = vector.shape_cast %add3A_1081 : vector<16xf32> to vector<1x1x16xf32>
        tpu.vector_store %arg7[%swap3A_1083, %swap3A_1084, %swap3A_1085], %swap3A_1088 {strides = array<i32>} : memref<5x128x128xf32, #tpu.memory_space<vmem>>, vector<1x1x16xf32>,
        %get3A_1089 = arith.constant 2 : i32
        %get3A_1090 = arith.index_cast %get3A_1089 : i32 to index
        %get3A_1091 = arith.index_cast %add3A_1054 : i32 to index
        %get3A_1092 = arith.constant 32 : index
        %get3A_1093 = tpu.vector_load %arg7[%get3A_1090, %get3A_1091, %get3A_1092] {strides = array<i32>} : memref<5x128x128xf32, #tpu.memory_space<vmem>>, vector<1x1x16xf32>,
        %get3A_1094 = vector.shape_cast %get3A_1093 : vector<1x1x16xf32> to vector<16xf32>
        %mul3A_1095 = arith.constant 11.3137083 : f32
        %mul3A_1096 = vector.broadcast %mul3A_1095 : f32 to vector<16xf32>
        %mul3A_1097 = arith.mulf %get3A_1094, %mul3A_1096 : vector<16xf32>
        %add3A_1098 = arith.addf %mul3A_1097, %get3A_352 : vector<16xf32>
        %swap3A_1099 = arith.constant 2 : i32
        %swap3A_1100 = arith.index_cast %swap3A_1099 : i32 to index
        %swap3A_1101 = arith.index_cast %add3A_1054 : i32 to index
        %swap3A_1102 = arith.constant 32 : index
        %swap3A_1103 = tpu.vector_load %arg7[%swap3A_1100, %swap3A_1101, %swap3A_1102] {strides = array<i32>} : memref<5x128x128xf32, #tpu.memory_space<vmem>>, vector<1x1x16xf32>,
        %swap3A_1104 = vector.shape_cast %swap3A_1103 : vector<1x1x16xf32> to vector<16xf32>
        %swap3A_1105 = vector.shape_cast %add3A_1098 : vector<16xf32> to vector<1x1x16xf32>
        tpu.vector_store %arg7[%swap3A_1100, %swap3A_1101, %swap3A_1102], %swap3A_1105 {strides = array<i32>} : memref<5x128x128xf32, #tpu.memory_space<vmem>>, vector<1x1x16xf32>,
        %get3A_1106 = arith.constant 2 : i32
        %get3A_1107 = arith.index_cast %get3A_1106 : i32 to index
        %get3A_1108 = arith.index_cast %add3A_1054 : i32 to index
        %get3A_1109 = arith.constant 48 : index
        %get3A_1110 = tpu.vector_load %arg7[%get3A_1107, %get3A_1108, %get3A_1109] {strides = array<i32>} : memref<5x128x128xf32, #tpu.memory_space<vmem>>, vector<1x1x16xf32>,
        %get3A_1111 = vector.shape_cast %get3A_1110 : vector<1x1x16xf32> to vector<16xf32>
        %mul3A_1112 = arith.constant 11.3137083 : f32
        %mul3A_1113 = vector.broadcast %mul3A_1112 : f32 to vector<16xf32>
        %mul3A_1114 = arith.mulf %get3A_1111, %mul3A_1113 : vector<16xf32>
        %add3A_1115 = arith.addf %mul3A_1114, %get3A_357 : vector<16xf32>
        %swap3A_1116 = arith.constant 2 : i32
        %swap3A_1117 = arith.index_cast %swap3A_1116 : i32 to index
        %swap3A_1118 = arith.index_cast %add3A_1054 : i32 to index
        %swap3A_1119 = arith.constant 48 : index
        %swap3A_1120 = tpu.vector_load %arg7[%swap3A_1117, %swap3A_1118, %swap3A_1119] {strides = array<i32>} : memref<5x128x128xf32, #tpu.memory_space<vmem>>, vector<1x1x16xf32>,
        %swap3A_1121 = vector.shape_cast %swap3A_1120 : vector<1x1x16xf32> to vector<16xf32>
        %swap3A_1122 = vector.shape_cast %add3A_1115 : vector<16xf32> to vector<1x1x16xf32>
        tpu.vector_store %arg7[%swap3A_1117, %swap3A_1118, %swap3A_1119], %swap3A_1122 {strides = array<i32>} : memref<5x128x128xf32, #tpu.memory_space<vmem>>, vector<1x1x16xf32>,
        %get3A_1123 = arith.constant 2 : i32
        %get3A_1124 = arith.index_cast %get3A_1123 : i32 to index
        %get3A_1125 = arith.index_cast %add3A_1054 : i32 to index
        %get3A_1126 = arith.constant 64 : index
        %get3A_1127 = tpu.vector_load %arg7[%get3A_1124, %get3A_1125, %get3A_1126] {strides = array<i32>} : memref<5x128x128xf32, #tpu.memory_space<vmem>>, vector<1x1x16xf32>,
        %get3A_1128 = vector.shape_cast %get3A_1127 : vector<1x1x16xf32> to vector<16xf32>
        %mul3A_1129 = arith.constant 11.3137083 : f32
        %mul3A_1130 = vector.broadcast %mul3A_1129 : f32 to vector<16xf32>
        %mul3A_1131 = arith.mulf %get3A_1128, %mul3A_1130 : vector<16xf32>
        %add3A_1132 = arith.addf %mul3A_1131, %get3A_362 : vector<16xf32>
        %swap3A_1133 = arith.constant 2 : i32
        %swap3A_1134 = arith.index_cast %swap3A_1133 : i32 to index
        %swap3A_1135 = arith.index_cast %add3A_1054 : i32 to index
        %swap3A_1136 = arith.constant 64 : index
        %swap3A_1137 = tpu.vector_load %arg7[%swap3A_1134, %swap3A_1135, %swap3A_1136] {strides = array<i32>} : memref<5x128x128xf32, #tpu.memory_space<vmem>>, vector<1x1x16xf32>,
        %swap3A_1138 = vector.shape_cast %swap3A_1137 : vector<1x1x16xf32> to vector<16xf32>
        %swap3A_1139 = vector.shape_cast %add3A_1132 : vector<16xf32> to vector<1x1x16xf32>
        tpu.vector_store %arg7[%swap3A_1134, %swap3A_1135, %swap3A_1136], %swap3A_1139 {strides = array<i32>} : memref<5x128x128xf32, #tpu.memory_space<vmem>>, vector<1x1x16xf32>,
        %get3A_1140 = arith.constant 2 : i32
        %get3A_1141 = arith.index_cast %get3A_1140 : i32 to index
        %get3A_1142 = arith.index_cast %add3A_1054 : i32 to index
        %get3A_1143 = arith.constant 80 : index
        %get3A_1144 = tpu.vector_load %arg7[%get3A_1141, %get3A_1142, %get3A_1143] {strides = array<i32>} : memref<5x128x128xf32, #tpu.memory_space<vmem>>, vector<1x1x16xf32>,
        %get3A_1145 = vector.shape_cast %get3A_1144 : vector<1x1x16xf32> to vector<16xf32>
        %mul3A_1146 = arith.constant 11.3137083 : f32
        %mul3A_1147 = vector.broadcast %mul3A_1146 : f32 to vector<16xf32>
        %mul3A_1148 = arith.mulf %get3A_1145, %mul3A_1147 : vector<16xf32>
        %add3A_1149 = arith.addf %mul3A_1148, %get3A_367 : vector<16xf32>
        %swap3A_1150 = arith.constant 2 : i32
        %swap3A_1151 = arith.index_cast %swap3A_1150 : i32 to index
        %swap3A_1152 = arith.index_cast %add3A_1054 : i32 to index
        %swap3A_1153 = arith.constant 80 : index
        %swap3A_1154 = tpu.vector_load %arg7[%swap3A_1151, %swap3A_1152, %swap3A_1153] {strides = array<i32>} : memref<5x128x128xf32, #tpu.memory_space<vmem>>, vector<1x1x16xf32>,
        %swap3A_1155 = vector.shape_cast %swap3A_1154 : vector<1x1x16xf32> to vector<16xf32>
        %swap3A_1156 = vector.shape_cast %add3A_1149 : vector<16xf32> to vector<1x1x16xf32>
        tpu.vector_store %arg7[%swap3A_1151, %swap3A_1152, %swap3A_1153], %swap3A_1156 {strides = array<i32>} : memref<5x128x128xf32, #tpu.memory_space<vmem>>, vector<1x1x16xf32>,
        %get3A_1157 = arith.constant 2 : i32
        %get3A_1158 = arith.index_cast %get3A_1157 : i32 to index
        %get3A_1159 = arith.index_cast %add3A_1054 : i32 to index
        %get3A_1160 = arith.constant 96 : index
        %get3A_1161 = tpu.vector_load %arg7[%get3A_1158, %get3A_1159, %get3A_1160] {strides = array<i32>} : memref<5x128x128xf32, #tpu.memory_space<vmem>>, vector<1x1x16xf32>,
        %get3A_1162 = vector.shape_cast %get3A_1161 : vector<1x1x16xf32> to vector<16xf32>
        %mul3A_1163 = arith.constant 11.3137083 : f32
        %mul3A_1164 = vector.broadcast %mul3A_1163 : f32 to vector<16xf32>
        %mul3A_1165 = arith.mulf %get3A_1162, %mul3A_1164 : vector<16xf32>
        %add3A_1166 = arith.addf %mul3A_1165, %get3A_372 : vector<16xf32>
        %swap3A_1167 = arith.constant 2 : i32
        %swap3A_1168 = arith.index_cast %swap3A_1167 : i32 to index
        %swap3A_1169 = arith.index_cast %add3A_1054 : i32 to index
        %swap3A_1170 = arith.constant 96 : index
        %swap3A_1171 = tpu.vector_load %arg7[%swap3A_1168, %swap3A_1169, %swap3A_1170] {strides = array<i32>} : memref<5x128x128xf32, #tpu.memory_space<vmem>>, vector<1x1x16xf32>,
        %swap3A_1172 = vector.shape_cast %swap3A_1171 : vector<1x1x16xf32> to vector<16xf32>
        %swap3A_1173 = vector.shape_cast %add3A_1166 : vector<16xf32> to vector<1x1x16xf32>
        tpu.vector_store %arg7[%swap3A_1168, %swap3A_1169, %swap3A_1170], %swap3A_1173 {strides = array<i32>} : memref<5x128x128xf32, #tpu.memory_space<vmem>>, vector<1x1x16xf32>,
        %get3A_1174 = arith.constant 2 : i32
        %get3A_1175 = arith.index_cast %get3A_1174 : i32 to index
        %get3A_1176 = arith.index_cast %add3A_1054 : i32 to index
        %get3A_1177 = arith.constant 112 : index
        %get3A_1178 = tpu.vector_load %arg7[%get3A_1175, %get3A_1176, %get3A_1177] {strides = array<i32>} : memref<5x128x128xf32, #tpu.memory_space<vmem>>, vector<1x1x16xf32>,
        %get3A_1179 = vector.shape_cast %get3A_1178 : vector<1x1x16xf32> to vector<16xf32>
        %mul3A_1180 = arith.constant 11.3137083 : f32
        %mul3A_1181 = vector.broadcast %mul3A_1180 : f32 to vector<16xf32>
        %mul3A_1182 = arith.mulf %get3A_1179, %mul3A_1181 : vector<16xf32>
        %add3A_1183 = arith.addf %mul3A_1182, %get3A_377 : vector<16xf32>
        %swap3A_1184 = arith.constant 2 : i32
        %swap3A_1185 = arith.index_cast %swap3A_1184 : i32 to index
        %swap3A_1186 = arith.index_cast %add3A_1054 : i32 to index
        %swap3A_1187 = arith.constant 112 : index
        %swap3A_1188 = tpu.vector_load %arg7[%swap3A_1185, %swap3A_1186, %swap3A_1187] {strides = array<i32>} : memref<5x128x128xf32, #tpu.memory_space<vmem>>, vector<1x1x16xf32>,
        %swap3A_1189 = vector.shape_cast %swap3A_1188 : vector<1x1x16xf32> to vector<16xf32>
        %swap3A_1190 = vector.shape_cast %add3A_1183 : vector<16xf32> to vector<1x1x16xf32>
        tpu.vector_store %arg7[%swap3A_1185, %swap3A_1186, %swap3A_1187], %swap3A_1190 {strides = array<i32>} : memref<5x128x128xf32, #tpu.memory_space<vmem>>, vector<1x1x16xf32>,
      }
      %scan3A_383 = arith.constant 32 : i32
      %dma_start3A_384 = arith.constant 2 : i32
      %dma_start3A_385 = arith.constant 0 : i32
      %dma_start3A_386 = arith.constant 0 : i32
      %dma_start3A_387 = tpu.memref_slice %arg7[%dma_start3A_384, %dma_start3A_385, %dma_start3A_386] : memref<5x128x128xf32, #tpu.memory_space<vmem>> -> memref<1x128x128xf32, #tpu.memory_space<vmem>>
      %dma_start3A_388 = tpu.memref_squeeze %dma_start3A_387 : memref<1x128x128xf32, #tpu.memory_space<vmem>> -> memref<128x128xf32, #tpu.memory_space<vmem>>
      %dma_start3A_389 = arith.constant 0 : i32
      %dma_start3A_390 = tpu.memref_slice %arg5[%and3A_337, %shift_right_logical3A_335, %dma_start3A_389] : memref<4096x200x128xf32, #tpu.memory_space<hbm>> -> memref<128x1x128xf32, #tpu.memory_space<hbm>>
      %dma_start3A_391 = tpu.memref_squeeze %dma_start3A_390 : memref<128x1x128xf32, #tpu.memory_space<hbm>> -> memref<128x128xf32, #tpu.memory_space<hbm>>
      %dma_start3A_392 = arith.constant 0 : i32
      %dma_start3A_393 = tpu.memref_slice %arg5[%and3A_337, %shift_right_logical3A_335, %dma_start3A_392] : memref<4096x200x128xf32, #tpu.memory_space<hbm>> -> memref<128x1x128xf32, #tpu.memory_space<hbm>>
      %dma_start3A_394 = tpu.memref_squeeze %dma_start3A_393 : memref<128x1x128xf32, #tpu.memory_space<hbm>> -> memref<128x128xf32, #tpu.memory_space<hbm>>
      %dma_start3A_395 = arith.constant 0 : i32
      %dma_start3A_396 = arith.constant 0 : i32
      %dma_start3A_397 = tpu.memref_slice %arg7[%dma_start3A_384, %dma_start3A_395, %dma_start3A_396] : memref<5x128x128xf32, #tpu.memory_space<vmem>> -> memref<1x128x128xf32, #tpu.memory_space<vmem>>
      %dma_start3A_398 = tpu.memref_squeeze %dma_start3A_397 : memref<1x128x128xf32, #tpu.memory_space<vmem>> -> memref<128x128xf32, #tpu.memory_space<vmem>>
      tpu.enqueue_dma source(%dma_start3A_398 : memref<128x128xf32, #tpu.memory_space<vmem>>) target(%dma_start3A_394 : memref<128x128xf32, #tpu.memory_space<hbm>>) target_semaphore(%arg16 : memref<!tpu.dma_semaphore, #tpu.memory_space<semaphore_mem>>)
      %dma_wait3A_399 = arith.constant 1 : i32
      %dma_wait3A_400 = arith.constant 0 : i32
      %dma_wait3A_401 = arith.constant 0 : i32
      %dma_wait3A_402 = arith.constant 0 : i32
      %dma_wait3A_403 = tpu.memref_slice %arg7[%dma_wait3A_399, %dma_wait3A_401, %dma_wait3A_402] : memref<5x128x128xf32, #tpu.memory_space<vmem>> -> memref<1x128x128xf32, #tpu.memory_space<vmem>>
      %dma_wait3A_404 = tpu.memref_squeeze %dma_wait3A_403 : memref<1x128x128xf32, #tpu.memory_space<vmem>> -> memref<128x128xf32, #tpu.memory_space<vmem>>
      %dma_wait3A_405 = arith.constant 0 : i32
      %dma_wait3A_406 = arith.constant 0 : i32
      %dma_wait3A_407 = tpu.memref_slice %arg5[%dma_wait3A_405, %dma_wait3A_400, %dma_wait3A_406] : memref<4096x200x128xf32, #tpu.memory_space<hbm>> -> memref<128x1x128xf32, #tpu.memory_space<hbm>>
      %dma_wait3A_408 = tpu.memref_squeeze %dma_wait3A_407 : memref<128x1x128xf32, #tpu.memory_space<hbm>> -> memref<128x128xf32, #tpu.memory_space<hbm>>
      %dma_wait3A_409 = arith.constant 0 : i32
      %dma_wait3A_410 = arith.constant 0 : i32
      %dma_wait3A_411 = tpu.memref_slice %arg5[%dma_wait3A_409, %dma_wait3A_400, %dma_wait3A_410] : memref<4096x200x128xf32, #tpu.memory_space<hbm>> -> memref<128x1x128xf32, #tpu.memory_space<hbm>>
      %dma_wait3A_412 = tpu.memref_squeeze %dma_wait3A_411 : memref<128x1x128xf32, #tpu.memory_space<hbm>> -> memref<128x128xf32, #tpu.memory_space<hbm>>
      %dma_wait3A_413 = arith.constant 0 : i32
      %dma_wait3A_414 = arith.constant 0 : i32
      %dma_wait3A_415 = tpu.memref_slice %arg7[%dma_wait3A_399, %dma_wait3A_413, %dma_wait3A_414] : memref<5x128x128xf32, #tpu.memory_space<vmem>> -> memref<1x128x128xf32, #tpu.memory_space<vmem>>
      %dma_wait3A_416 = tpu.memref_squeeze %dma_wait3A_415 : memref<1x128x128xf32, #tpu.memory_space<vmem>> -> memref<128x128xf32, #tpu.memory_space<vmem>>
      tpu.wait_dma2 semaphore(%arg15 : memref<!tpu.dma_semaphore, #tpu.memory_space<semaphore_mem>>) src(%dma_wait3A_416 : memref<128x128xf32, #tpu.memory_space<vmem>>) dst(%dma_wait3A_412 : memref<128x128xf32, #tpu.memory_space<hbm>>)
      %mul3A_417 = arith.constant 5 : i32
      %mul3A_418 = arith.muli %scan3A_82, %mul3A_417 : i32
      %add3A_419 = arith.constant 3 : i32
      %add3A_420 = arith.addi %mul3A_418, %add3A_419 : i32
      %add3A_421 = arith.constant 3 : i32
      %add3A_422 = arith.addi %add3A_420, %add3A_421 : i32
      %lt3A_423 = arith.constant 200 : i32
      %lt3A_424 = arith.cmpi slt, %add3A_422, %lt3A_423 : i32
      %convert_element_type3A_425 = arith.extui %lt3A_424 : i1 to i32
      %cond3A_426 = arith.constant 0 : i32
      %cond3A_427 = arith.cmpi ne, %convert_element_type3A_425, %cond3A_426 : i32
      scf.if %cond3A_427 {
        %mul3A_631 = arith.constant 5 : i32
        %mul3A_632 = arith.muli %scan3A_82, %mul3A_631 : i32
        %add3A_633 = arith.constant 3 : i32
        %add3A_634 = arith.addi %mul3A_632, %add3A_633 : i32
        %add3A_635 = arith.constant 3 : i32
        %add3A_636 = arith.addi %add3A_634, %add3A_635 : i32
        %mul3A_637 = arith.constant 1 : i32
        %mul3A_638 = arith.muli %add3A_636, %mul3A_637 : i32
        %add3A_639 = arith.constant 0 : i32
        %add3A_640 = arith.addi %mul3A_638, %add3A_639 : i32
        %dma_start3A_641 = arith.constant 1 : i32
        %dma_start3A_642 = arith.constant 0 : i32
        %dma_start3A_643 = arith.constant 0 : i32
        %dma_start3A_644 = tpu.memref_slice %arg7[%dma_start3A_641, %dma_start3A_642, %dma_start3A_643] : memref<5x128x128xf32, #tpu.memory_space<vmem>> -> memref<1x128x128xf32, #tpu.memory_space<vmem>>
        %dma_start3A_645 = tpu.memref_squeeze %dma_start3A_644 : memref<1x128x128xf32, #tpu.memory_space<vmem>> -> memref<128x128xf32, #tpu.memory_space<vmem>>
        %dma_start3A_646 = arith.constant 0 : i32
        %dma_start3A_647 = tpu.memref_slice %arg6[%add3A_640, %dma_start3A_646] : memref<200x128xi32, #tpu.memory_space<vmem>> -> memref<1x128xi32, #tpu.memory_space<vmem>>
        %dma_start3A_648 = tpu.memref_squeeze %dma_start3A_647 : memref<1x128xi32, #tpu.memory_space<vmem>> -> memref<128xi32, #tpu.memory_space<vmem>>
        %dma_start3A_649 = arith.constant 0 : i32
        %dma_start3A_650 = arith.constant 0 : i32
        %dma_start3A_651 = tpu.memref_slice %arg3[%dma_start3A_649, %dma_start3A_650] : memref<1000000x128xf32, #tpu.memory_space<hbm>> -> memref<1000000x128xf32, #tpu.memory_space<hbm>>
        tpu.enqueue_indirect_dma source(%dma_start3A_651 : memref<1000000x128xf32, #tpu.memory_space<hbm>>) target(%dma_start3A_645 : memref<128x128xf32, #tpu.memory_space<vmem>>) offsets(%dma_start3A_648 : memref<128xi32, #tpu.memory_space<vmem>>) semaphore(%arg10 : memref<!tpu.dma_semaphore, #tpu.memory_space<semaphore_mem>>)
      } else {
      }
      %mul3A_428 = arith.constant 5 : i32
      %mul3A_429 = arith.muli %scan3A_82, %mul3A_428 : i32
      %add3A_430 = arith.constant 3 : i32
      %add3A_431 = arith.addi %mul3A_429, %add3A_430 : i32
      %mul3A_432 = arith.constant 1 : i32
      %mul3A_433 = arith.muli %add3A_431, %mul3A_432 : i32
      %add3A_434 = arith.constant 0 : i32
      %add3A_435 = arith.addi %mul3A_433, %add3A_434 : i32
      %dma_wait3A_436 = arith.constant 3 : i32
      %dma_wait3A_437 = arith.constant 0 : i32
      %dma_wait3A_438 = arith.constant 0 : i32
      %dma_wait3A_439 = tpu.memref_slice %arg7[%dma_wait3A_436, %dma_wait3A_437, %dma_wait3A_438] : memref<5x128x128xf32, #tpu.memory_space<vmem>> -> memref<1x128x128xf32, #tpu.memory_space<vmem>>
      %dma_wait3A_440 = tpu.memref_squeeze %dma_wait3A_439 : memref<1x128x128xf32, #tpu.memory_space<vmem>> -> memref<128x128xf32, #tpu.memory_space<vmem>>
      %dma_wait3A_441 = arith.constant 0 : i32
      %dma_wait3A_442 = tpu.memref_slice %arg6[%add3A_435, %dma_wait3A_441] : memref<200x128xi32, #tpu.memory_space<vmem>> -> memref<1x128xi32, #tpu.memory_space<vmem>>
      %dma_wait3A_443 = tpu.memref_squeeze %dma_wait3A_442 : memref<1x128xi32, #tpu.memory_space<vmem>> -> memref<128xi32, #tpu.memory_space<vmem>>
      %dma_wait3A_444 = arith.constant 0 : i32
      %dma_wait3A_445 = arith.constant 0 : i32
      %dma_wait3A_446 = tpu.memref_slice %arg3[%dma_wait3A_444, %dma_wait3A_445] : memref<1000000x128xf32, #tpu.memory_space<hbm>> -> memref<1000000x128xf32, #tpu.memory_space<hbm>>
      tpu.wait_indirect_dma semaphore(%arg12 : memref<!tpu.dma_semaphore, #tpu.memory_space<semaphore_mem>>) src(%dma_wait3A_446 : memref<1000000x128xf32, #tpu.memory_space<hbm>>) dst(%dma_wait3A_440 : memref<128x128xf32, #tpu.memory_space<vmem>>)
      %mul3A_447 = arith.constant 128 : i32
      %mul3A_448 = arith.muli %add3A_431, %mul3A_447 : i32
      %add3A_449 = arith.addi %mul3A_2, %mul3A_448 : i32
      %shift_right_logical3A_450 = arith.constant 12 : i32
      %shift_right_logical3A_451 = arith.shrui %add3A_449, %shift_right_logical3A_450 : i32
      %and3A_452 = arith.constant 4095 : i32
      %and3A_453 = arith.andi %add3A_449, %and3A_452 : i32
      %sub3A_454 = arith.subi %shift_right_logical3A_451, %multiple_of3A : i32
      %get3A_455 = arith.index_cast %sub3A_454 : i32 to index
      %get3A_456 = arith.constant 0 : index
      %get3A_457 = tpu.vector_load %arg8[%get3A_455, %get3A_456] {strides = array<i32>} : memref<16x128xf32, #tpu.memory_space<vmem>>, vector<1x16xf32>,
      %get3A_458 = vector.shape_cast %get3A_457 : vector<1x16xf32> to vector<16xf32>
      %sub3A_459 = arith.subi %shift_right_logical3A_451, %multiple_of3A : i32
      %get3A_460 = arith.index_cast %sub3A_459 : i32 to index
      %get3A_461 = arith.constant 16 : index
      %get3A_462 = tpu.vector_load %arg8[%get3A_460, %get3A_461] {strides = array<i32>} : memref<16x128xf32, #tpu.memory_space<vmem>>, vector<1x16xf32>,
      %get3A_463 = vector.shape_cast %get3A_462 : vector<1x16xf32> to vector<16xf32>
      %sub3A_464 = arith.subi %shift_right_logical3A_451, %multiple_of3A : i32
      %get3A_465 = arith.index_cast %sub3A_464 : i32 to index
      %get3A_466 = arith.constant 32 : index
      %get3A_467 = tpu.vector_load %arg8[%get3A_465, %get3A_466] {strides = array<i32>} : memref<16x128xf32, #tpu.memory_space<vmem>>, vector<1x16xf32>,
      %get3A_468 = vector.shape_cast %get3A_467 : vector<1x16xf32> to vector<16xf32>
      %sub3A_469 = arith.subi %shift_right_logical3A_451, %multiple_of3A : i32
      %get3A_470 = arith.index_cast %sub3A_469 : i32 to index
      %get3A_471 = arith.constant 48 : index
      %get3A_472 = tpu.vector_load %arg8[%get3A_470, %get3A_471] {strides = array<i32>} : memref<16x128xf32, #tpu.memory_space<vmem>>, vector<1x16xf32>,
      %get3A_473 = vector.shape_cast %get3A_472 : vector<1x16xf32> to vector<16xf32>
      %sub3A_474 = arith.subi %shift_right_logical3A_451, %multiple_of3A : i32
      %get3A_475 = arith.index_cast %sub3A_474 : i32 to index
      %get3A_476 = arith.constant 64 : index
      %get3A_477 = tpu.vector_load %arg8[%get3A_475, %get3A_476] {strides = array<i32>} : memref<16x128xf32, #tpu.memory_space<vmem>>, vector<1x16xf32>,
      %get3A_478 = vector.shape_cast %get3A_477 : vector<1x16xf32> to vector<16xf32>
      %sub3A_479 = arith.subi %shift_right_logical3A_451, %multiple_of3A : i32
      %get3A_480 = arith.index_cast %sub3A_479 : i32 to index
      %get3A_481 = arith.constant 80 : index
      %get3A_482 = tpu.vector_load %arg8[%get3A_480, %get3A_481] {strides = array<i32>} : memref<16x128xf32, #tpu.memory_space<vmem>>, vector<1x16xf32>,
      %get3A_483 = vector.shape_cast %get3A_482 : vector<1x16xf32> to vector<16xf32>
      %sub3A_484 = arith.subi %shift_right_logical3A_451, %multiple_of3A : i32
      %get3A_485 = arith.index_cast %sub3A_484 : i32 to index
      %get3A_486 = arith.constant 96 : index
      %get3A_487 = tpu.vector_load %arg8[%get3A_485, %get3A_486] {strides = array<i32>} : memref<16x128xf32, #tpu.memory_space<vmem>>, vector<1x16xf32>,
      %get3A_488 = vector.shape_cast %get3A_487 : vector<1x16xf32> to vector<16xf32>
      %sub3A_489 = arith.subi %shift_right_logical3A_451, %multiple_of3A : i32
      %get3A_490 = arith.index_cast %sub3A_489 : i32 to index
      %get3A_491 = arith.constant 112 : index
      %get3A_492 = tpu.vector_load %arg8[%get3A_490, %get3A_491] {strides = array<i32>} : memref<16x128xf32, #tpu.memory_space<vmem>>, vector<1x16xf32>,
      %get3A_493 = vector.shape_cast %get3A_492 : vector<1x16xf32> to vector<16xf32>
      %scan3A_494 = arith.constant 0 : i32
      %scan3A_495 = arith.constant 0 : i32
      %scan3A_496 = arith.constant 32 : i32
      %scan3A_497 = arith.addi %scan3A_495, %scan3A_496 : i32
      %scan3A_498 = arith.constant 1 : i32
      scf.for %scan3A_631 = %scan3A_495 to %scan3A_497 step %scan3A_498  : i32 {
        %mul3A_632 = arith.constant 4 : i32
        %mul3A_633 = arith.muli %scan3A_631, %mul3A_632 : i32
        %add3A_634 = arith.constant 0 : i32
        %add3A_635 = arith.addi %mul3A_633, %add3A_634 : i32
        %get3A_636 = arith.constant 3 : i32
        %get3A_637 = arith.index_cast %get3A_636 : i32 to index
        %get3A_638 = arith.index_cast %add3A_635 : i32 to index
        %get3A_639 = arith.constant 0 : index
        %get3A_640 = tpu.vector_load %arg7[%get3A_637, %get3A_638, %get3A_639] {strides = array<i32>} : memref<5x128x128xf32, #tpu.memory_space<vmem>>, vector<1x1x16xf32>,
        %get3A_641 = vector.shape_cast %get3A_640 : vector<1x1x16xf32> to vector<16xf32>
        %mul3A_642 = arith.constant 11.3137083 : f32
        %mul3A_643 = vector.broadcast %mul3A_642 : f32 to vector<16xf32>
        %mul3A_644 = arith.mulf %get3A_641, %mul3A_643 : vector<16xf32>
        %add3A_645 = arith.addf %mul3A_644, %get3A_458 : vector<16xf32>
        %swap3A = arith.constant 3 : i32
        %swap3A_646 = arith.index_cast %swap3A : i32 to index
        %swap3A_647 = arith.index_cast %add3A_635 : i32 to index
        %swap3A_648 = arith.constant 0 : index
        %swap3A_649 = tpu.vector_load %arg7[%swap3A_646, %swap3A_647, %swap3A_648] {strides = array<i32>} : memref<5x128x128xf32, #tpu.memory_space<vmem>>, vector<1x1x16xf32>,
        %swap3A_650 = vector.shape_cast %swap3A_649 : vector<1x1x16xf32> to vector<16xf32>
        %swap3A_651 = vector.shape_cast %add3A_645 : vector<16xf32> to vector<1x1x16xf32>
        tpu.vector_store %arg7[%swap3A_646, %swap3A_647, %swap3A_648], %swap3A_651 {strides = array<i32>} : memref<5x128x128xf32, #tpu.memory_space<vmem>>, vector<1x1x16xf32>,
        %get3A_652 = arith.constant 3 : i32
        %get3A_653 = arith.index_cast %get3A_652 : i32 to index
        %get3A_654 = arith.index_cast %add3A_635 : i32 to index
        %get3A_655 = arith.constant 16 : index
        %get3A_656 = tpu.vector_load %arg7[%get3A_653, %get3A_654, %get3A_655] {strides = array<i32>} : memref<5x128x128xf32, #tpu.memory_space<vmem>>, vector<1x1x16xf32>,
        %get3A_657 = vector.shape_cast %get3A_656 : vector<1x1x16xf32> to vector<16xf32>
        %mul3A_658 = arith.constant 11.3137083 : f32
        %mul3A_659 = vector.broadcast %mul3A_658 : f32 to vector<16xf32>
        %mul3A_660 = arith.mulf %get3A_657, %mul3A_659 : vector<16xf32>
        %add3A_661 = arith.addf %mul3A_660, %get3A_463 : vector<16xf32>
        %swap3A_662 = arith.constant 3 : i32
        %swap3A_663 = arith.index_cast %swap3A_662 : i32 to index
        %swap3A_664 = arith.index_cast %add3A_635 : i32 to index
        %swap3A_665 = arith.constant 16 : index
        %swap3A_666 = tpu.vector_load %arg7[%swap3A_663, %swap3A_664, %swap3A_665] {strides = array<i32>} : memref<5x128x128xf32, #tpu.memory_space<vmem>>, vector<1x1x16xf32>,
        %swap3A_667 = vector.shape_cast %swap3A_666 : vector<1x1x16xf32> to vector<16xf32>
        %swap3A_668 = vector.shape_cast %add3A_661 : vector<16xf32> to vector<1x1x16xf32>
        tpu.vector_store %arg7[%swap3A_663, %swap3A_664, %swap3A_665], %swap3A_668 {strides = array<i32>} : memref<5x128x128xf32, #tpu.memory_space<vmem>>, vector<1x1x16xf32>,
        %get3A_669 = arith.constant 3 : i32
        %get3A_670 = arith.index_cast %get3A_669 : i32 to index
        %get3A_671 = arith.index_cast %add3A_635 : i32 to index
        %get3A_672 = arith.constant 32 : index
        %get3A_673 = tpu.vector_load %arg7[%get3A_670, %get3A_671, %get3A_672] {strides = array<i32>} : memref<5x128x128xf32, #tpu.memory_space<vmem>>, vector<1x1x16xf32>,
        %get3A_674 = vector.shape_cast %get3A_673 : vector<1x1x16xf32> to vector<16xf32>
        %mul3A_675 = arith.constant 11.3137083 : f32
        %mul3A_676 = vector.broadcast %mul3A_675 : f32 to vector<16xf32>
        %mul3A_677 = arith.mulf %get3A_674, %mul3A_676 : vector<16xf32>
        %add3A_678 = arith.addf %mul3A_677, %get3A_468 : vector<16xf32>
        %swap3A_679 = arith.constant 3 : i32
        %swap3A_680 = arith.index_cast %swap3A_679 : i32 to index
        %swap3A_681 = arith.index_cast %add3A_635 : i32 to index
        %swap3A_682 = arith.constant 32 : index
        %swap3A_683 = tpu.vector_load %arg7[%swap3A_680, %swap3A_681, %swap3A_682] {strides = array<i32>} : memref<5x128x128xf32, #tpu.memory_space<vmem>>, vector<1x1x16xf32>,
        %swap3A_684 = vector.shape_cast %swap3A_683 : vector<1x1x16xf32> to vector<16xf32>
        %swap3A_685 = vector.shape_cast %add3A_678 : vector<16xf32> to vector<1x1x16xf32>
        tpu.vector_store %arg7[%swap3A_680, %swap3A_681, %swap3A_682], %swap3A_685 {strides = array<i32>} : memref<5x128x128xf32, #tpu.memory_space<vmem>>, vector<1x1x16xf32>,
        %get3A_686 = arith.constant 3 : i32
        %get3A_687 = arith.index_cast %get3A_686 : i32 to index
        %get3A_688 = arith.index_cast %add3A_635 : i32 to index
        %get3A_689 = arith.constant 48 : index
        %get3A_690 = tpu.vector_load %arg7[%get3A_687, %get3A_688, %get3A_689] {strides = array<i32>} : memref<5x128x128xf32, #tpu.memory_space<vmem>>, vector<1x1x16xf32>,
        %get3A_691 = vector.shape_cast %get3A_690 : vector<1x1x16xf32> to vector<16xf32>
        %mul3A_692 = arith.constant 11.3137083 : f32
        %mul3A_693 = vector.broadcast %mul3A_692 : f32 to vector<16xf32>
        %mul3A_694 = arith.mulf %get3A_691, %mul3A_693 : vector<16xf32>
        %add3A_695 = arith.addf %mul3A_694, %get3A_473 : vector<16xf32>
        %swap3A_696 = arith.constant 3 : i32
        %swap3A_697 = arith.index_cast %swap3A_696 : i32 to index
        %swap3A_698 = arith.index_cast %add3A_635 : i32 to index
        %swap3A_699 = arith.constant 48 : index
        %swap3A_700 = tpu.vector_load %arg7[%swap3A_697, %swap3A_698, %swap3A_699] {strides = array<i32>} : memref<5x128x128xf32, #tpu.memory_space<vmem>>, vector<1x1x16xf32>,
        %swap3A_701 = vector.shape_cast %swap3A_700 : vector<1x1x16xf32> to vector<16xf32>
        %swap3A_702 = vector.shape_cast %add3A_695 : vector<16xf32> to vector<1x1x16xf32>
        tpu.vector_store %arg7[%swap3A_697, %swap3A_698, %swap3A_699], %swap3A_702 {strides = array<i32>} : memref<5x128x128xf32, #tpu.memory_space<vmem>>, vector<1x1x16xf32>,
        %get3A_703 = arith.constant 3 : i32
        %get3A_704 = arith.index_cast %get3A_703 : i32 to index
        %get3A_705 = arith.index_cast %add3A_635 : i32 to index
        %get3A_706 = arith.constant 64 : index
        %get3A_707 = tpu.vector_load %arg7[%get3A_704, %get3A_705, %get3A_706] {strides = array<i32>} : memref<5x128x128xf32, #tpu.memory_space<vmem>>, vector<1x1x16xf32>,
        %get3A_708 = vector.shape_cast %get3A_707 : vector<1x1x16xf32> to vector<16xf32>
        %mul3A_709 = arith.constant 11.3137083 : f32
        %mul3A_710 = vector.broadcast %mul3A_709 : f32 to vector<16xf32>
        %mul3A_711 = arith.mulf %get3A_708, %mul3A_710 : vector<16xf32>
        %add3A_712 = arith.addf %mul3A_711, %get3A_478 : vector<16xf32>
        %swap3A_713 = arith.constant 3 : i32
        %swap3A_714 = arith.index_cast %swap3A_713 : i32 to index
        %swap3A_715 = arith.index_cast %add3A_635 : i32 to index
        %swap3A_716 = arith.constant 64 : index
        %swap3A_717 = tpu.vector_load %arg7[%swap3A_714, %swap3A_715, %swap3A_716] {strides = array<i32>} : memref<5x128x128xf32, #tpu.memory_space<vmem>>, vector<1x1x16xf32>,
        %swap3A_718 = vector.shape_cast %swap3A_717 : vector<1x1x16xf32> to vector<16xf32>
        %swap3A_719 = vector.shape_cast %add3A_712 : vector<16xf32> to vector<1x1x16xf32>
        tpu.vector_store %arg7[%swap3A_714, %swap3A_715, %swap3A_716], %swap3A_719 {strides = array<i32>} : memref<5x128x128xf32, #tpu.memory_space<vmem>>, vector<1x1x16xf32>,
        %get3A_720 = arith.constant 3 : i32
        %get3A_721 = arith.index_cast %get3A_720 : i32 to index
        %get3A_722 = arith.index_cast %add3A_635 : i32 to index
        %get3A_723 = arith.constant 80 : index
        %get3A_724 = tpu.vector_load %arg7[%get3A_721, %get3A_722, %get3A_723] {strides = array<i32>} : memref<5x128x128xf32, #tpu.memory_space<vmem>>, vector<1x1x16xf32>,
        %get3A_725 = vector.shape_cast %get3A_724 : vector<1x1x16xf32> to vector<16xf32>
        %mul3A_726 = arith.constant 11.3137083 : f32
        %mul3A_727 = vector.broadcast %mul3A_726 : f32 to vector<16xf32>
        %mul3A_728 = arith.mulf %get3A_725, %mul3A_727 : vector<16xf32>
        %add3A_729 = arith.addf %mul3A_728, %get3A_483 : vector<16xf32>
        %swap3A_730 = arith.constant 3 : i32
        %swap3A_731 = arith.index_cast %swap3A_730 : i32 to index
        %swap3A_732 = arith.index_cast %add3A_635 : i32 to index
        %swap3A_733 = arith.constant 80 : index
        %swap3A_734 = tpu.vector_load %arg7[%swap3A_731, %swap3A_732, %swap3A_733] {strides = array<i32>} : memref<5x128x128xf32, #tpu.memory_space<vmem>>, vector<1x1x16xf32>,
        %swap3A_735 = vector.shape_cast %swap3A_734 : vector<1x1x16xf32> to vector<16xf32>
        %swap3A_736 = vector.shape_cast %add3A_729 : vector<16xf32> to vector<1x1x16xf32>
        tpu.vector_store %arg7[%swap3A_731, %swap3A_732, %swap3A_733], %swap3A_736 {strides = array<i32>} : memref<5x128x128xf32, #tpu.memory_space<vmem>>, vector<1x1x16xf32>,
        %get3A_737 = arith.constant 3 : i32
        %get3A_738 = arith.index_cast %get3A_737 : i32 to index
        %get3A_739 = arith.index_cast %add3A_635 : i32 to index
        %get3A_740 = arith.constant 96 : index
        %get3A_741 = tpu.vector_load %arg7[%get3A_738, %get3A_739, %get3A_740] {strides = array<i32>} : memref<5x128x128xf32, #tpu.memory_space<vmem>>, vector<1x1x16xf32>,
        %get3A_742 = vector.shape_cast %get3A_741 : vector<1x1x16xf32> to vector<16xf32>
        %mul3A_743 = arith.constant 11.3137083 : f32
        %mul3A_744 = vector.broadcast %mul3A_743 : f32 to vector<16xf32>
        %mul3A_745 = arith.mulf %get3A_742, %mul3A_744 : vector<16xf32>
        %add3A_746 = arith.addf %mul3A_745, %get3A_488 : vector<16xf32>
        %swap3A_747 = arith.constant 3 : i32
        %swap3A_748 = arith.index_cast %swap3A_747 : i32 to index
        %swap3A_749 = arith.index_cast %add3A_635 : i32 to index
        %swap3A_750 = arith.constant 96 : index
        %swap3A_751 = tpu.vector_load %arg7[%swap3A_748, %swap3A_749, %swap3A_750] {strides = array<i32>} : memref<5x128x128xf32, #tpu.memory_space<vmem>>, vector<1x1x16xf32>,
        %swap3A_752 = vector.shape_cast %swap3A_751 : vector<1x1x16xf32> to vector<16xf32>
        %swap3A_753 = vector.shape_cast %add3A_746 : vector<16xf32> to vector<1x1x16xf32>
        tpu.vector_store %arg7[%swap3A_748, %swap3A_749, %swap3A_750], %swap3A_753 {strides = array<i32>} : memref<5x128x128xf32, #tpu.memory_space<vmem>>, vector<1x1x16xf32>,
        %get3A_754 = arith.constant 3 : i32
        %get3A_755 = arith.index_cast %get3A_754 : i32 to index
        %get3A_756 = arith.index_cast %add3A_635 : i32 to index
        %get3A_757 = arith.constant 112 : index
        %get3A_758 = tpu.vector_load %arg7[%get3A_755, %get3A_756, %get3A_757] {strides = array<i32>} : memref<5x128x128xf32, #tpu.memory_space<vmem>>, vector<1x1x16xf32>,
        %get3A_759 = vector.shape_cast %get3A_758 : vector<1x1x16xf32> to vector<16xf32>
        %mul3A_760 = arith.constant 11.3137083 : f32
        %mul3A_761 = vector.broadcast %mul3A_760 : f32 to vector<16xf32>
        %mul3A_762 = arith.mulf %get3A_759, %mul3A_761 : vector<16xf32>
        %add3A_763 = arith.addf %mul3A_762, %get3A_493 : vector<16xf32>
        %swap3A_764 = arith.constant 3 : i32
        %swap3A_765 = arith.index_cast %swap3A_764 : i32 to index
        %swap3A_766 = arith.index_cast %add3A_635 : i32 to index
        %swap3A_767 = arith.constant 112 : index
        %swap3A_768 = tpu.vector_load %arg7[%swap3A_765, %swap3A_766, %swap3A_767] {strides = array<i32>} : memref<5x128x128xf32, #tpu.memory_space<vmem>>, vector<1x1x16xf32>,
        %swap3A_769 = vector.shape_cast %swap3A_768 : vector<1x1x16xf32> to vector<16xf32>
        %swap3A_770 = vector.shape_cast %add3A_763 : vector<16xf32> to vector<1x1x16xf32>
        tpu.vector_store %arg7[%swap3A_765, %swap3A_766, %swap3A_767], %swap3A_770 {strides = array<i32>} : memref<5x128x128xf32, #tpu.memory_space<vmem>>, vector<1x1x16xf32>,
        %mul3A_771 = arith.constant 4 : i32
        %mul3A_772 = arith.muli %scan3A_631, %mul3A_771 : i32
        %add3A_773 = arith.constant 1 : i32
        %add3A_774 = arith.addi %mul3A_772, %add3A_773 : i32
        %get3A_775 = arith.constant 3 : i32
        %get3A_776 = arith.index_cast %get3A_775 : i32 to index
        %get3A_777 = arith.index_cast %add3A_774 : i32 to index
        %get3A_778 = arith.constant 0 : index
        %get3A_779 = tpu.vector_load %arg7[%get3A_776, %get3A_777, %get3A_778] {strides = array<i32>} : memref<5x128x128xf32, #tpu.memory_space<vmem>>, vector<1x1x16xf32>,
        %get3A_780 = vector.shape_cast %get3A_779 : vector<1x1x16xf32> to vector<16xf32>
        %mul3A_781 = arith.constant 11.3137083 : f32
        %mul3A_782 = vector.broadcast %mul3A_781 : f32 to vector<16xf32>
        %mul3A_783 = arith.mulf %get3A_780, %mul3A_782 : vector<16xf32>
        %add3A_784 = arith.addf %mul3A_783, %get3A_458 : vector<16xf32>
        %swap3A_785 = arith.constant 3 : i32
        %swap3A_786 = arith.index_cast %swap3A_785 : i32 to index
        %swap3A_787 = arith.index_cast %add3A_774 : i32 to index
        %swap3A_788 = arith.constant 0 : index
        %swap3A_789 = tpu.vector_load %arg7[%swap3A_786, %swap3A_787, %swap3A_788] {strides = array<i32>} : memref<5x128x128xf32, #tpu.memory_space<vmem>>, vector<1x1x16xf32>,
        %swap3A_790 = vector.shape_cast %swap3A_789 : vector<1x1x16xf32> to vector<16xf32>
        %swap3A_791 = vector.shape_cast %add3A_784 : vector<16xf32> to vector<1x1x16xf32>
        tpu.vector_store %arg7[%swap3A_786, %swap3A_787, %swap3A_788], %swap3A_791 {strides = array<i32>} : memref<5x128x128xf32, #tpu.memory_space<vmem>>, vector<1x1x16xf32>,
        %get3A_792 = arith.constant 3 : i32
        %get3A_793 = arith.index_cast %get3A_792 : i32 to index
        %get3A_794 = arith.index_cast %add3A_774 : i32 to index
        %get3A_795 = arith.constant 16 : index
        %get3A_796 = tpu.vector_load %arg7[%get3A_793, %get3A_794, %get3A_795] {strides = array<i32>} : memref<5x128x128xf32, #tpu.memory_space<vmem>>, vector<1x1x16xf32>,
        %get3A_797 = vector.shape_cast %get3A_796 : vector<1x1x16xf32> to vector<16xf32>
        %mul3A_798 = arith.constant 11.3137083 : f32
        %mul3A_799 = vector.broadcast %mul3A_798 : f32 to vector<16xf32>
        %mul3A_800 = arith.mulf %get3A_797, %mul3A_799 : vector<16xf32>
        %add3A_801 = arith.addf %mul3A_800, %get3A_463 : vector<16xf32>
        %swap3A_802 = arith.constant 3 : i32
        %swap3A_803 = arith.index_cast %swap3A_802 : i32 to index
        %swap3A_804 = arith.index_cast %add3A_774 : i32 to index
        %swap3A_805 = arith.constant 16 : index
        %swap3A_806 = tpu.vector_load %arg7[%swap3A_803, %swap3A_804, %swap3A_805] {strides = array<i32>} : memref<5x128x128xf32, #tpu.memory_space<vmem>>, vector<1x1x16xf32>,
        %swap3A_807 = vector.shape_cast %swap3A_806 : vector<1x1x16xf32> to vector<16xf32>
        %swap3A_808 = vector.shape_cast %add3A_801 : vector<16xf32> to vector<1x1x16xf32>
        tpu.vector_store %arg7[%swap3A_803, %swap3A_804, %swap3A_805], %swap3A_808 {strides = array<i32>} : memref<5x128x128xf32, #tpu.memory_space<vmem>>, vector<1x1x16xf32>,
        %get3A_809 = arith.constant 3 : i32
        %get3A_810 = arith.index_cast %get3A_809 : i32 to index
        %get3A_811 = arith.index_cast %add3A_774 : i32 to index
        %get3A_812 = arith.constant 32 : index
        %get3A_813 = tpu.vector_load %arg7[%get3A_810, %get3A_811, %get3A_812] {strides = array<i32>} : memref<5x128x128xf32, #tpu.memory_space<vmem>>, vector<1x1x16xf32>,
        %get3A_814 = vector.shape_cast %get3A_813 : vector<1x1x16xf32> to vector<16xf32>
        %mul3A_815 = arith.constant 11.3137083 : f32
        %mul3A_816 = vector.broadcast %mul3A_815 : f32 to vector<16xf32>
        %mul3A_817 = arith.mulf %get3A_814, %mul3A_816 : vector<16xf32>
        %add3A_818 = arith.addf %mul3A_817, %get3A_468 : vector<16xf32>
        %swap3A_819 = arith.constant 3 : i32
        %swap3A_820 = arith.index_cast %swap3A_819 : i32 to index
        %swap3A_821 = arith.index_cast %add3A_774 : i32 to index
        %swap3A_822 = arith.constant 32 : index
        %swap3A_823 = tpu.vector_load %arg7[%swap3A_820, %swap3A_821, %swap3A_822] {strides = array<i32>} : memref<5x128x128xf32, #tpu.memory_space<vmem>>, vector<1x1x16xf32>,
        %swap3A_824 = vector.shape_cast %swap3A_823 : vector<1x1x16xf32> to vector<16xf32>
        %swap3A_825 = vector.shape_cast %add3A_818 : vector<16xf32> to vector<1x1x16xf32>
        tpu.vector_store %arg7[%swap3A_820, %swap3A_821, %swap3A_822], %swap3A_825 {strides = array<i32>} : memref<5x128x128xf32, #tpu.memory_space<vmem>>, vector<1x1x16xf32>,
        %get3A_826 = arith.constant 3 : i32
        %get3A_827 = arith.index_cast %get3A_826 : i32 to index
        %get3A_828 = arith.index_cast %add3A_774 : i32 to index
        %get3A_829 = arith.constant 48 : index
        %get3A_830 = tpu.vector_load %arg7[%get3A_827, %get3A_828, %get3A_829] {strides = array<i32>} : memref<5x128x128xf32, #tpu.memory_space<vmem>>, vector<1x1x16xf32>,
        %get3A_831 = vector.shape_cast %get3A_830 : vector<1x1x16xf32> to vector<16xf32>
        %mul3A_832 = arith.constant 11.3137083 : f32
        %mul3A_833 = vector.broadcast %mul3A_832 : f32 to vector<16xf32>
        %mul3A_834 = arith.mulf %get3A_831, %mul3A_833 : vector<16xf32>
        %add3A_835 = arith.addf %mul3A_834, %get3A_473 : vector<16xf32>
        %swap3A_836 = arith.constant 3 : i32
        %swap3A_837 = arith.index_cast %swap3A_836 : i32 to index
        %swap3A_838 = arith.index_cast %add3A_774 : i32 to index
        %swap3A_839 = arith.constant 48 : index
        %swap3A_840 = tpu.vector_load %arg7[%swap3A_837, %swap3A_838, %swap3A_839] {strides = array<i32>} : memref<5x128x128xf32, #tpu.memory_space<vmem>>, vector<1x1x16xf32>,
        %swap3A_841 = vector.shape_cast %swap3A_840 : vector<1x1x16xf32> to vector<16xf32>
        %swap3A_842 = vector.shape_cast %add3A_835 : vector<16xf32> to vector<1x1x16xf32>
        tpu.vector_store %arg7[%swap3A_837, %swap3A_838, %swap3A_839], %swap3A_842 {strides = array<i32>} : memref<5x128x128xf32, #tpu.memory_space<vmem>>, vector<1x1x16xf32>,
        %get3A_843 = arith.constant 3 : i32
        %get3A_844 = arith.index_cast %get3A_843 : i32 to index
        %get3A_845 = arith.index_cast %add3A_774 : i32 to index
        %get3A_846 = arith.constant 64 : index
        %get3A_847 = tpu.vector_load %arg7[%get3A_844, %get3A_845, %get3A_846] {strides = array<i32>} : memref<5x128x128xf32, #tpu.memory_space<vmem>>, vector<1x1x16xf32>,
        %get3A_848 = vector.shape_cast %get3A_847 : vector<1x1x16xf32> to vector<16xf32>
        %mul3A_849 = arith.constant 11.3137083 : f32
        %mul3A_850 = vector.broadcast %mul3A_849 : f32 to vector<16xf32>
        %mul3A_851 = arith.mulf %get3A_848, %mul3A_850 : vector<16xf32>
        %add3A_852 = arith.addf %mul3A_851, %get3A_478 : vector<16xf32>
        %swap3A_853 = arith.constant 3 : i32
        %swap3A_854 = arith.index_cast %swap3A_853 : i32 to index
        %swap3A_855 = arith.index_cast %add3A_774 : i32 to index
        %swap3A_856 = arith.constant 64 : index
        %swap3A_857 = tpu.vector_load %arg7[%swap3A_854, %swap3A_855, %swap3A_856] {strides = array<i32>} : memref<5x128x128xf32, #tpu.memory_space<vmem>>, vector<1x1x16xf32>,
        %swap3A_858 = vector.shape_cast %swap3A_857 : vector<1x1x16xf32> to vector<16xf32>
        %swap3A_859 = vector.shape_cast %add3A_852 : vector<16xf32> to vector<1x1x16xf32>
        tpu.vector_store %arg7[%swap3A_854, %swap3A_855, %swap3A_856], %swap3A_859 {strides = array<i32>} : memref<5x128x128xf32, #tpu.memory_space<vmem>>, vector<1x1x16xf32>,
        %get3A_860 = arith.constant 3 : i32
        %get3A_861 = arith.index_cast %get3A_860 : i32 to index
        %get3A_862 = arith.index_cast %add3A_774 : i32 to index
        %get3A_863 = arith.constant 80 : index
        %get3A_864 = tpu.vector_load %arg7[%get3A_861, %get3A_862, %get3A_863] {strides = array<i32>} : memref<5x128x128xf32, #tpu.memory_space<vmem>>, vector<1x1x16xf32>,
        %get3A_865 = vector.shape_cast %get3A_864 : vector<1x1x16xf32> to vector<16xf32>
        %mul3A_866 = arith.constant 11.3137083 : f32
        %mul3A_867 = vector.broadcast %mul3A_866 : f32 to vector<16xf32>
        %mul3A_868 = arith.mulf %get3A_865, %mul3A_867 : vector<16xf32>
        %add3A_869 = arith.addf %mul3A_868, %get3A_483 : vector<16xf32>
        %swap3A_870 = arith.constant 3 : i32
        %swap3A_871 = arith.index_cast %swap3A_870 : i32 to index
        %swap3A_872 = arith.index_cast %add3A_774 : i32 to index
        %swap3A_873 = arith.constant 80 : index
        %swap3A_874 = tpu.vector_load %arg7[%swap3A_871, %swap3A_872, %swap3A_873] {strides = array<i32>} : memref<5x128x128xf32, #tpu.memory_space<vmem>>, vector<1x1x16xf32>,
        %swap3A_875 = vector.shape_cast %swap3A_874 : vector<1x1x16xf32> to vector<16xf32>
        %swap3A_876 = vector.shape_cast %add3A_869 : vector<16xf32> to vector<1x1x16xf32>
        tpu.vector_store %arg7[%swap3A_871, %swap3A_872, %swap3A_873], %swap3A_876 {strides = array<i32>} : memref<5x128x128xf32, #tpu.memory_space<vmem>>, vector<1x1x16xf32>,
        %get3A_877 = arith.constant 3 : i32
        %get3A_878 = arith.index_cast %get3A_877 : i32 to index
        %get3A_879 = arith.index_cast %add3A_774 : i32 to index
        %get3A_880 = arith.constant 96 : index
        %get3A_881 = tpu.vector_load %arg7[%get3A_878, %get3A_879, %get3A_880] {strides = array<i32>} : memref<5x128x128xf32, #tpu.memory_space<vmem>>, vector<1x1x16xf32>,
        %get3A_882 = vector.shape_cast %get3A_881 : vector<1x1x16xf32> to vector<16xf32>
        %mul3A_883 = arith.constant 11.3137083 : f32
        %mul3A_884 = vector.broadcast %mul3A_883 : f32 to vector<16xf32>
        %mul3A_885 = arith.mulf %get3A_882, %mul3A_884 : vector<16xf32>
        %add3A_886 = arith.addf %mul3A_885, %get3A_488 : vector<16xf32>
        %swap3A_887 = arith.constant 3 : i32
        %swap3A_888 = arith.index_cast %swap3A_887 : i32 to index
        %swap3A_889 = arith.index_cast %add3A_774 : i32 to index
        %swap3A_890 = arith.constant 96 : index
        %swap3A_891 = tpu.vector_load %arg7[%swap3A_888, %swap3A_889, %swap3A_890] {strides = array<i32>} : memref<5x128x128xf32, #tpu.memory_space<vmem>>, vector<1x1x16xf32>,
        %swap3A_892 = vector.shape_cast %swap3A_891 : vector<1x1x16xf32> to vector<16xf32>
        %swap3A_893 = vector.shape_cast %add3A_886 : vector<16xf32> to vector<1x1x16xf32>
        tpu.vector_store %arg7[%swap3A_888, %swap3A_889, %swap3A_890], %swap3A_893 {strides = array<i32>} : memref<5x128x128xf32, #tpu.memory_space<vmem>>, vector<1x1x16xf32>,
        %get3A_894 = arith.constant 3 : i32
        %get3A_895 = arith.index_cast %get3A_894 : i32 to index
        %get3A_896 = arith.index_cast %add3A_774 : i32 to index
        %get3A_897 = arith.constant 112 : index
        %get3A_898 = tpu.vector_load %arg7[%get3A_895, %get3A_896, %get3A_897] {strides = array<i32>} : memref<5x128x128xf32, #tpu.memory_space<vmem>>, vector<1x1x16xf32>,
        %get3A_899 = vector.shape_cast %get3A_898 : vector<1x1x16xf32> to vector<16xf32>
        %mul3A_900 = arith.constant 11.3137083 : f32
        %mul3A_901 = vector.broadcast %mul3A_900 : f32 to vector<16xf32>
        %mul3A_902 = arith.mulf %get3A_899, %mul3A_901 : vector<16xf32>
        %add3A_903 = arith.addf %mul3A_902, %get3A_493 : vector<16xf32>
        %swap3A_904 = arith.constant 3 : i32
        %swap3A_905 = arith.index_cast %swap3A_904 : i32 to index
        %swap3A_906 = arith.index_cast %add3A_774 : i32 to index
        %swap3A_907 = arith.constant 112 : index
        %swap3A_908 = tpu.vector_load %arg7[%swap3A_905, %swap3A_906, %swap3A_907] {strides = array<i32>} : memref<5x128x128xf32, #tpu.memory_space<vmem>>, vector<1x1x16xf32>,
        %swap3A_909 = vector.shape_cast %swap3A_908 : vector<1x1x16xf32> to vector<16xf32>
        %swap3A_910 = vector.shape_cast %add3A_903 : vector<16xf32> to vector<1x1x16xf32>
        tpu.vector_store %arg7[%swap3A_905, %swap3A_906, %swap3A_907], %swap3A_910 {strides = array<i32>} : memref<5x128x128xf32, #tpu.memory_space<vmem>>, vector<1x1x16xf32>,
        %mul3A_911 = arith.constant 4 : i32
        %mul3A_912 = arith.muli %scan3A_631, %mul3A_911 : i32
        %add3A_913 = arith.constant 2 : i32
        %add3A_914 = arith.addi %mul3A_912, %add3A_913 : i32
        %get3A_915 = arith.constant 3 : i32
        %get3A_916 = arith.index_cast %get3A_915 : i32 to index
        %get3A_917 = arith.index_cast %add3A_914 : i32 to index
        %get3A_918 = arith.constant 0 : index
        %get3A_919 = tpu.vector_load %arg7[%get3A_916, %get3A_917, %get3A_918] {strides = array<i32>} : memref<5x128x128xf32, #tpu.memory_space<vmem>>, vector<1x1x16xf32>,
        %get3A_920 = vector.shape_cast %get3A_919 : vector<1x1x16xf32> to vector<16xf32>
        %mul3A_921 = arith.constant 11.3137083 : f32
        %mul3A_922 = vector.broadcast %mul3A_921 : f32 to vector<16xf32>
        %mul3A_923 = arith.mulf %get3A_920, %mul3A_922 : vector<16xf32>
        %add3A_924 = arith.addf %mul3A_923, %get3A_458 : vector<16xf32>
        %swap3A_925 = arith.constant 3 : i32
        %swap3A_926 = arith.index_cast %swap3A_925 : i32 to index
        %swap3A_927 = arith.index_cast %add3A_914 : i32 to index
        %swap3A_928 = arith.constant 0 : index
        %swap3A_929 = tpu.vector_load %arg7[%swap3A_926, %swap3A_927, %swap3A_928] {strides = array<i32>} : memref<5x128x128xf32, #tpu.memory_space<vmem>>, vector<1x1x16xf32>,
        %swap3A_930 = vector.shape_cast %swap3A_929 : vector<1x1x16xf32> to vector<16xf32>
        %swap3A_931 = vector.shape_cast %add3A_924 : vector<16xf32> to vector<1x1x16xf32>
        tpu.vector_store %arg7[%swap3A_926, %swap3A_927, %swap3A_928], %swap3A_931 {strides = array<i32>} : memref<5x128x128xf32, #tpu.memory_space<vmem>>, vector<1x1x16xf32>,
        %get3A_932 = arith.constant 3 : i32
        %get3A_933 = arith.index_cast %get3A_932 : i32 to index
        %get3A_934 = arith.index_cast %add3A_914 : i32 to index
        %get3A_935 = arith.constant 16 : index
        %get3A_936 = tpu.vector_load %arg7[%get3A_933, %get3A_934, %get3A_935] {strides = array<i32>} : memref<5x128x128xf32, #tpu.memory_space<vmem>>, vector<1x1x16xf32>,
        %get3A_937 = vector.shape_cast %get3A_936 : vector<1x1x16xf32> to vector<16xf32>
        %mul3A_938 = arith.constant 11.3137083 : f32
        %mul3A_939 = vector.broadcast %mul3A_938 : f32 to vector<16xf32>
        %mul3A_940 = arith.mulf %get3A_937, %mul3A_939 : vector<16xf32>
        %add3A_941 = arith.addf %mul3A_940, %get3A_463 : vector<16xf32>
        %swap3A_942 = arith.constant 3 : i32
        %swap3A_943 = arith.index_cast %swap3A_942 : i32 to index
        %swap3A_944 = arith.index_cast %add3A_914 : i32 to index
        %swap3A_945 = arith.constant 16 : index
        %swap3A_946 = tpu.vector_load %arg7[%swap3A_943, %swap3A_944, %swap3A_945] {strides = array<i32>} : memref<5x128x128xf32, #tpu.memory_space<vmem>>, vector<1x1x16xf32>,
        %swap3A_947 = vector.shape_cast %swap3A_946 : vector<1x1x16xf32> to vector<16xf32>
        %swap3A_948 = vector.shape_cast %add3A_941 : vector<16xf32> to vector<1x1x16xf32>
        tpu.vector_store %arg7[%swap3A_943, %swap3A_944, %swap3A_945], %swap3A_948 {strides = array<i32>} : memref<5x128x128xf32, #tpu.memory_space<vmem>>, vector<1x1x16xf32>,
        %get3A_949 = arith.constant 3 : i32
        %get3A_950 = arith.index_cast %get3A_949 : i32 to index
        %get3A_951 = arith.index_cast %add3A_914 : i32 to index
        %get3A_952 = arith.constant 32 : index
        %get3A_953 = tpu.vector_load %arg7[%get3A_950, %get3A_951, %get3A_952] {strides = array<i32>} : memref<5x128x128xf32, #tpu.memory_space<vmem>>, vector<1x1x16xf32>,
        %get3A_954 = vector.shape_cast %get3A_953 : vector<1x1x16xf32> to vector<16xf32>
        %mul3A_955 = arith.constant 11.3137083 : f32
        %mul3A_956 = vector.broadcast %mul3A_955 : f32 to vector<16xf32>
        %mul3A_957 = arith.mulf %get3A_954, %mul3A_956 : vector<16xf32>
        %add3A_958 = arith.addf %mul3A_957, %get3A_468 : vector<16xf32>
        %swap3A_959 = arith.constant 3 : i32
        %swap3A_960 = arith.index_cast %swap3A_959 : i32 to index
        %swap3A_961 = arith.index_cast %add3A_914 : i32 to index
        %swap3A_962 = arith.constant 32 : index
        %swap3A_963 = tpu.vector_load %arg7[%swap3A_960, %swap3A_961, %swap3A_962] {strides = array<i32>} : memref<5x128x128xf32, #tpu.memory_space<vmem>>, vector<1x1x16xf32>,
        %swap3A_964 = vector.shape_cast %swap3A_963 : vector<1x1x16xf32> to vector<16xf32>
        %swap3A_965 = vector.shape_cast %add3A_958 : vector<16xf32> to vector<1x1x16xf32>
        tpu.vector_store %arg7[%swap3A_960, %swap3A_961, %swap3A_962], %swap3A_965 {strides = array<i32>} : memref<5x128x128xf32, #tpu.memory_space<vmem>>, vector<1x1x16xf32>,
        %get3A_966 = arith.constant 3 : i32
        %get3A_967 = arith.index_cast %get3A_966 : i32 to index
        %get3A_968 = arith.index_cast %add3A_914 : i32 to index
        %get3A_969 = arith.constant 48 : index
        %get3A_970 = tpu.vector_load %arg7[%get3A_967, %get3A_968, %get3A_969] {strides = array<i32>} : memref<5x128x128xf32, #tpu.memory_space<vmem>>, vector<1x1x16xf32>,
        %get3A_971 = vector.shape_cast %get3A_970 : vector<1x1x16xf32> to vector<16xf32>
        %mul3A_972 = arith.constant 11.3137083 : f32
        %mul3A_973 = vector.broadcast %mul3A_972 : f32 to vector<16xf32>
        %mul3A_974 = arith.mulf %get3A_971, %mul3A_973 : vector<16xf32>
        %add3A_975 = arith.addf %mul3A_974, %get3A_473 : vector<16xf32>
        %swap3A_976 = arith.constant 3 : i32
        %swap3A_977 = arith.index_cast %swap3A_976 : i32 to index
        %swap3A_978 = arith.index_cast %add3A_914 : i32 to index
        %swap3A_979 = arith.constant 48 : index
        %swap3A_980 = tpu.vector_load %arg7[%swap3A_977, %swap3A_978, %swap3A_979] {strides = array<i32>} : memref<5x128x128xf32, #tpu.memory_space<vmem>>, vector<1x1x16xf32>,
        %swap3A_981 = vector.shape_cast %swap3A_980 : vector<1x1x16xf32> to vector<16xf32>
        %swap3A_982 = vector.shape_cast %add3A_975 : vector<16xf32> to vector<1x1x16xf32>
        tpu.vector_store %arg7[%swap3A_977, %swap3A_978, %swap3A_979], %swap3A_982 {strides = array<i32>} : memref<5x128x128xf32, #tpu.memory_space<vmem>>, vector<1x1x16xf32>,
        %get3A_983 = arith.constant 3 : i32
        %get3A_984 = arith.index_cast %get3A_983 : i32 to index
        %get3A_985 = arith.index_cast %add3A_914 : i32 to index
        %get3A_986 = arith.constant 64 : index
        %get3A_987 = tpu.vector_load %arg7[%get3A_984, %get3A_985, %get3A_986] {strides = array<i32>} : memref<5x128x128xf32, #tpu.memory_space<vmem>>, vector<1x1x16xf32>,
        %get3A_988 = vector.shape_cast %get3A_987 : vector<1x1x16xf32> to vector<16xf32>
        %mul3A_989 = arith.constant 11.3137083 : f32
        %mul3A_990 = vector.broadcast %mul3A_989 : f32 to vector<16xf32>
        %mul3A_991 = arith.mulf %get3A_988, %mul3A_990 : vector<16xf32>
        %add3A_992 = arith.addf %mul3A_991, %get3A_478 : vector<16xf32>
        %swap3A_993 = arith.constant 3 : i32
        %swap3A_994 = arith.index_cast %swap3A_993 : i32 to index
        %swap3A_995 = arith.index_cast %add3A_914 : i32 to index
        %swap3A_996 = arith.constant 64 : index
        %swap3A_997 = tpu.vector_load %arg7[%swap3A_994, %swap3A_995, %swap3A_996] {strides = array<i32>} : memref<5x128x128xf32, #tpu.memory_space<vmem>>, vector<1x1x16xf32>,
        %swap3A_998 = vector.shape_cast %swap3A_997 : vector<1x1x16xf32> to vector<16xf32>
        %swap3A_999 = vector.shape_cast %add3A_992 : vector<16xf32> to vector<1x1x16xf32>
        tpu.vector_store %arg7[%swap3A_994, %swap3A_995, %swap3A_996], %swap3A_999 {strides = array<i32>} : memref<5x128x128xf32, #tpu.memory_space<vmem>>, vector<1x1x16xf32>,
        %get3A_1000 = arith.constant 3 : i32
        %get3A_1001 = arith.index_cast %get3A_1000 : i32 to index
        %get3A_1002 = arith.index_cast %add3A_914 : i32 to index
        %get3A_1003 = arith.constant 80 : index
        %get3A_1004 = tpu.vector_load %arg7[%get3A_1001, %get3A_1002, %get3A_1003] {strides = array<i32>} : memref<5x128x128xf32, #tpu.memory_space<vmem>>, vector<1x1x16xf32>,
        %get3A_1005 = vector.shape_cast %get3A_1004 : vector<1x1x16xf32> to vector<16xf32>
        %mul3A_1006 = arith.constant 11.3137083 : f32
        %mul3A_1007 = vector.broadcast %mul3A_1006 : f32 to vector<16xf32>
        %mul3A_1008 = arith.mulf %get3A_1005, %mul3A_1007 : vector<16xf32>
        %add3A_1009 = arith.addf %mul3A_1008, %get3A_483 : vector<16xf32>
        %swap3A_1010 = arith.constant 3 : i32
        %swap3A_1011 = arith.index_cast %swap3A_1010 : i32 to index
        %swap3A_1012 = arith.index_cast %add3A_914 : i32 to index
        %swap3A_1013 = arith.constant 80 : index
        %swap3A_1014 = tpu.vector_load %arg7[%swap3A_1011, %swap3A_1012, %swap3A_1013] {strides = array<i32>} : memref<5x128x128xf32, #tpu.memory_space<vmem>>, vector<1x1x16xf32>,
        %swap3A_1015 = vector.shape_cast %swap3A_1014 : vector<1x1x16xf32> to vector<16xf32>
        %swap3A_1016 = vector.shape_cast %add3A_1009 : vector<16xf32> to vector<1x1x16xf32>
        tpu.vector_store %arg7[%swap3A_1011, %swap3A_1012, %swap3A_1013], %swap3A_1016 {strides = array<i32>} : memref<5x128x128xf32, #tpu.memory_space<vmem>>, vector<1x1x16xf32>,
        %get3A_1017 = arith.constant 3 : i32
        %get3A_1018 = arith.index_cast %get3A_1017 : i32 to index
        %get3A_1019 = arith.index_cast %add3A_914 : i32 to index
        %get3A_1020 = arith.constant 96 : index
        %get3A_1021 = tpu.vector_load %arg7[%get3A_1018, %get3A_1019, %get3A_1020] {strides = array<i32>} : memref<5x128x128xf32, #tpu.memory_space<vmem>>, vector<1x1x16xf32>,
        %get3A_1022 = vector.shape_cast %get3A_1021 : vector<1x1x16xf32> to vector<16xf32>
        %mul3A_1023 = arith.constant 11.3137083 : f32
        %mul3A_1024 = vector.broadcast %mul3A_1023 : f32 to vector<16xf32>
        %mul3A_1025 = arith.mulf %get3A_1022, %mul3A_1024 : vector<16xf32>
        %add3A_1026 = arith.addf %mul3A_1025, %get3A_488 : vector<16xf32>
        %swap3A_1027 = arith.constant 3 : i32
        %swap3A_1028 = arith.index_cast %swap3A_1027 : i32 to index
        %swap3A_1029 = arith.index_cast %add3A_914 : i32 to index
        %swap3A_1030 = arith.constant 96 : index
        %swap3A_1031 = tpu.vector_load %arg7[%swap3A_1028, %swap3A_1029, %swap3A_1030] {strides = array<i32>} : memref<5x128x128xf32, #tpu.memory_space<vmem>>, vector<1x1x16xf32>,
        %swap3A_1032 = vector.shape_cast %swap3A_1031 : vector<1x1x16xf32> to vector<16xf32>
        %swap3A_1033 = vector.shape_cast %add3A_1026 : vector<16xf32> to vector<1x1x16xf32>
        tpu.vector_store %arg7[%swap3A_1028, %swap3A_1029, %swap3A_1030], %swap3A_1033 {strides = array<i32>} : memref<5x128x128xf32, #tpu.memory_space<vmem>>, vector<1x1x16xf32>,
        %get3A_1034 = arith.constant 3 : i32
        %get3A_1035 = arith.index_cast %get3A_1034 : i32 to index
        %get3A_1036 = arith.index_cast %add3A_914 : i32 to index
        %get3A_1037 = arith.constant 112 : index
        %get3A_1038 = tpu.vector_load %arg7[%get3A_1035, %get3A_1036, %get3A_1037] {strides = array<i32>} : memref<5x128x128xf32, #tpu.memory_space<vmem>>, vector<1x1x16xf32>,
        %get3A_1039 = vector.shape_cast %get3A_1038 : vector<1x1x16xf32> to vector<16xf32>
        %mul3A_1040 = arith.constant 11.3137083 : f32
        %mul3A_1041 = vector.broadcast %mul3A_1040 : f32 to vector<16xf32>
        %mul3A_1042 = arith.mulf %get3A_1039, %mul3A_1041 : vector<16xf32>
        %add3A_1043 = arith.addf %mul3A_1042, %get3A_493 : vector<16xf32>
        %swap3A_1044 = arith.constant 3 : i32
        %swap3A_1045 = arith.index_cast %swap3A_1044 : i32 to index
        %swap3A_1046 = arith.index_cast %add3A_914 : i32 to index
        %swap3A_1047 = arith.constant 112 : index
        %swap3A_1048 = tpu.vector_load %arg7[%swap3A_1045, %swap3A_1046, %swap3A_1047] {strides = array<i32>} : memref<5x128x128xf32, #tpu.memory_space<vmem>>, vector<1x1x16xf32>,
        %swap3A_1049 = vector.shape_cast %swap3A_1048 : vector<1x1x16xf32> to vector<16xf32>
        %swap3A_1050 = vector.shape_cast %add3A_1043 : vector<16xf32> to vector<1x1x16xf32>
        tpu.vector_store %arg7[%swap3A_1045, %swap3A_1046, %swap3A_1047], %swap3A_1050 {strides = array<i32>} : memref<5x128x128xf32, #tpu.memory_space<vmem>>, vector<1x1x16xf32>,
        %mul3A_1051 = arith.constant 4 : i32
        %mul3A_1052 = arith.muli %scan3A_631, %mul3A_1051 : i32
        %add3A_1053 = arith.constant 3 : i32
        %add3A_1054 = arith.addi %mul3A_1052, %add3A_1053 : i32
        %get3A_1055 = arith.constant 3 : i32
        %get3A_1056 = arith.index_cast %get3A_1055 : i32 to index
        %get3A_1057 = arith.index_cast %add3A_1054 : i32 to index
        %get3A_1058 = arith.constant 0 : index
        %get3A_1059 = tpu.vector_load %arg7[%get3A_1056, %get3A_1057, %get3A_1058] {strides = array<i32>} : memref<5x128x128xf32, #tpu.memory_space<vmem>>, vector<1x1x16xf32>,
        %get3A_1060 = vector.shape_cast %get3A_1059 : vector<1x1x16xf32> to vector<16xf32>
        %mul3A_1061 = arith.constant 11.3137083 : f32
        %mul3A_1062 = vector.broadcast %mul3A_1061 : f32 to vector<16xf32>
        %mul3A_1063 = arith.mulf %get3A_1060, %mul3A_1062 : vector<16xf32>
        %add3A_1064 = arith.addf %mul3A_1063, %get3A_458 : vector<16xf32>
        %swap3A_1065 = arith.constant 3 : i32
        %swap3A_1066 = arith.index_cast %swap3A_1065 : i32 to index
        %swap3A_1067 = arith.index_cast %add3A_1054 : i32 to index
        %swap3A_1068 = arith.constant 0 : index
        %swap3A_1069 = tpu.vector_load %arg7[%swap3A_1066, %swap3A_1067, %swap3A_1068] {strides = array<i32>} : memref<5x128x128xf32, #tpu.memory_space<vmem>>, vector<1x1x16xf32>,
        %swap3A_1070 = vector.shape_cast %swap3A_1069 : vector<1x1x16xf32> to vector<16xf32>
        %swap3A_1071 = vector.shape_cast %add3A_1064 : vector<16xf32> to vector<1x1x16xf32>
        tpu.vector_store %arg7[%swap3A_1066, %swap3A_1067, %swap3A_1068], %swap3A_1071 {strides = array<i32>} : memref<5x128x128xf32, #tpu.memory_space<vmem>>, vector<1x1x16xf32>,
        %get3A_1072 = arith.constant 3 : i32
        %get3A_1073 = arith.index_cast %get3A_1072 : i32 to index
        %get3A_1074 = arith.index_cast %add3A_1054 : i32 to index
        %get3A_1075 = arith.constant 16 : index
        %get3A_1076 = tpu.vector_load %arg7[%get3A_1073, %get3A_1074, %get3A_1075] {strides = array<i32>} : memref<5x128x128xf32, #tpu.memory_space<vmem>>, vector<1x1x16xf32>,
        %get3A_1077 = vector.shape_cast %get3A_1076 : vector<1x1x16xf32> to vector<16xf32>
        %mul3A_1078 = arith.constant 11.3137083 : f32
        %mul3A_1079 = vector.broadcast %mul3A_1078 : f32 to vector<16xf32>
        %mul3A_1080 = arith.mulf %get3A_1077, %mul3A_1079 : vector<16xf32>
        %add3A_1081 = arith.addf %mul3A_1080, %get3A_463 : vector<16xf32>
        %swap3A_1082 = arith.constant 3 : i32
        %swap3A_1083 = arith.index_cast %swap3A_1082 : i32 to index
        %swap3A_1084 = arith.index_cast %add3A_1054 : i32 to index
        %swap3A_1085 = arith.constant 16 : index
        %swap3A_1086 = tpu.vector_load %arg7[%swap3A_1083, %swap3A_1084, %swap3A_1085] {strides = array<i32>} : memref<5x128x128xf32, #tpu.memory_space<vmem>>, vector<1x1x16xf32>,
        %swap3A_1087 = vector.shape_cast %swap3A_1086 : vector<1x1x16xf32> to vector<16xf32>
        %swap3A_1088 = vector.shape_cast %add3A_1081 : vector<16xf32> to vector<1x1x16xf32>
        tpu.vector_store %arg7[%swap3A_1083, %swap3A_1084, %swap3A_1085], %swap3A_1088 {strides = array<i32>} : memref<5x128x128xf32, #tpu.memory_space<vmem>>, vector<1x1x16xf32>,
        %get3A_1089 = arith.constant 3 : i32
        %get3A_1090 = arith.index_cast %get3A_1089 : i32 to index
        %get3A_1091 = arith.index_cast %add3A_1054 : i32 to index
        %get3A_1092 = arith.constant 32 : index
        %get3A_1093 = tpu.vector_load %arg7[%get3A_1090, %get3A_1091, %get3A_1092] {strides = array<i32>} : memref<5x128x128xf32, #tpu.memory_space<vmem>>, vector<1x1x16xf32>,
        %get3A_1094 = vector.shape_cast %get3A_1093 : vector<1x1x16xf32> to vector<16xf32>
        %mul3A_1095 = arith.constant 11.3137083 : f32
        %mul3A_1096 = vector.broadcast %mul3A_1095 : f32 to vector<16xf32>
        %mul3A_1097 = arith.mulf %get3A_1094, %mul3A_1096 : vector<16xf32>
        %add3A_1098 = arith.addf %mul3A_1097, %get3A_468 : vector<16xf32>
        %swap3A_1099 = arith.constant 3 : i32
        %swap3A_1100 = arith.index_cast %swap3A_1099 : i32 to index
        %swap3A_1101 = arith.index_cast %add3A_1054 : i32 to index
        %swap3A_1102 = arith.constant 32 : index
        %swap3A_1103 = tpu.vector_load %arg7[%swap3A_1100, %swap3A_1101, %swap3A_1102] {strides = array<i32>} : memref<5x128x128xf32, #tpu.memory_space<vmem>>, vector<1x1x16xf32>,
        %swap3A_1104 = vector.shape_cast %swap3A_1103 : vector<1x1x16xf32> to vector<16xf32>
        %swap3A_1105 = vector.shape_cast %add3A_1098 : vector<16xf32> to vector<1x1x16xf32>
        tpu.vector_store %arg7[%swap3A_1100, %swap3A_1101, %swap3A_1102], %swap3A_1105 {strides = array<i32>} : memref<5x128x128xf32, #tpu.memory_space<vmem>>, vector<1x1x16xf32>,
        %get3A_1106 = arith.constant 3 : i32
        %get3A_1107 = arith.index_cast %get3A_1106 : i32 to index
        %get3A_1108 = arith.index_cast %add3A_1054 : i32 to index
        %get3A_1109 = arith.constant 48 : index
        %get3A_1110 = tpu.vector_load %arg7[%get3A_1107, %get3A_1108, %get3A_1109] {strides = array<i32>} : memref<5x128x128xf32, #tpu.memory_space<vmem>>, vector<1x1x16xf32>,
        %get3A_1111 = vector.shape_cast %get3A_1110 : vector<1x1x16xf32> to vector<16xf32>
        %mul3A_1112 = arith.constant 11.3137083 : f32
        %mul3A_1113 = vector.broadcast %mul3A_1112 : f32 to vector<16xf32>
        %mul3A_1114 = arith.mulf %get3A_1111, %mul3A_1113 : vector<16xf32>
        %add3A_1115 = arith.addf %mul3A_1114, %get3A_473 : vector<16xf32>
        %swap3A_1116 = arith.constant 3 : i32
        %swap3A_1117 = arith.index_cast %swap3A_1116 : i32 to index
        %swap3A_1118 = arith.index_cast %add3A_1054 : i32 to index
        %swap3A_1119 = arith.constant 48 : index
        %swap3A_1120 = tpu.vector_load %arg7[%swap3A_1117, %swap3A_1118, %swap3A_1119] {strides = array<i32>} : memref<5x128x128xf32, #tpu.memory_space<vmem>>, vector<1x1x16xf32>,
        %swap3A_1121 = vector.shape_cast %swap3A_1120 : vector<1x1x16xf32> to vector<16xf32>
        %swap3A_1122 = vector.shape_cast %add3A_1115 : vector<16xf32> to vector<1x1x16xf32>
        tpu.vector_store %arg7[%swap3A_1117, %swap3A_1118, %swap3A_1119], %swap3A_1122 {strides = array<i32>} : memref<5x128x128xf32, #tpu.memory_space<vmem>>, vector<1x1x16xf32>,
        %get3A_1123 = arith.constant 3 : i32
        %get3A_1124 = arith.index_cast %get3A_1123 : i32 to index
        %get3A_1125 = arith.index_cast %add3A_1054 : i32 to index
        %get3A_1126 = arith.constant 64 : index
        %get3A_1127 = tpu.vector_load %arg7[%get3A_1124, %get3A_1125, %get3A_1126] {strides = array<i32>} : memref<5x128x128xf32, #tpu.memory_space<vmem>>, vector<1x1x16xf32>,
        %get3A_1128 = vector.shape_cast %get3A_1127 : vector<1x1x16xf32> to vector<16xf32>
        %mul3A_1129 = arith.constant 11.3137083 : f32
        %mul3A_1130 = vector.broadcast %mul3A_1129 : f32 to vector<16xf32>
        %mul3A_1131 = arith.mulf %get3A_1128, %mul3A_1130 : vector<16xf32>
        %add3A_1132 = arith.addf %mul3A_1131, %get3A_478 : vector<16xf32>
        %swap3A_1133 = arith.constant 3 : i32
        %swap3A_1134 = arith.index_cast %swap3A_1133 : i32 to index
        %swap3A_1135 = arith.index_cast %add3A_1054 : i32 to index
        %swap3A_1136 = arith.constant 64 : index
        %swap3A_1137 = tpu.vector_load %arg7[%swap3A_1134, %swap3A_1135, %swap3A_1136] {strides = array<i32>} : memref<5x128x128xf32, #tpu.memory_space<vmem>>, vector<1x1x16xf32>,
        %swap3A_1138 = vector.shape_cast %swap3A_1137 : vector<1x1x16xf32> to vector<16xf32>
        %swap3A_1139 = vector.shape_cast %add3A_1132 : vector<16xf32> to vector<1x1x16xf32>
        tpu.vector_store %arg7[%swap3A_1134, %swap3A_1135, %swap3A_1136], %swap3A_1139 {strides = array<i32>} : memref<5x128x128xf32, #tpu.memory_space<vmem>>, vector<1x1x16xf32>,
        %get3A_1140 = arith.constant 3 : i32
        %get3A_1141 = arith.index_cast %get3A_1140 : i32 to index
        %get3A_1142 = arith.index_cast %add3A_1054 : i32 to index
        %get3A_1143 = arith.constant 80 : index
        %get3A_1144 = tpu.vector_load %arg7[%get3A_1141, %get3A_1142, %get3A_1143] {strides = array<i32>} : memref<5x128x128xf32, #tpu.memory_space<vmem>>, vector<1x1x16xf32>,
        %get3A_1145 = vector.shape_cast %get3A_1144 : vector<1x1x16xf32> to vector<16xf32>
        %mul3A_1146 = arith.constant 11.3137083 : f32
        %mul3A_1147 = vector.broadcast %mul3A_1146 : f32 to vector<16xf32>
        %mul3A_1148 = arith.mulf %get3A_1145, %mul3A_1147 : vector<16xf32>
        %add3A_1149 = arith.addf %mul3A_1148, %get3A_483 : vector<16xf32>
        %swap3A_1150 = arith.constant 3 : i32
        %swap3A_1151 = arith.index_cast %swap3A_1150 : i32 to index
        %swap3A_1152 = arith.index_cast %add3A_1054 : i32 to index
        %swap3A_1153 = arith.constant 80 : index
        %swap3A_1154 = tpu.vector_load %arg7[%swap3A_1151, %swap3A_1152, %swap3A_1153] {strides = array<i32>} : memref<5x128x128xf32, #tpu.memory_space<vmem>>, vector<1x1x16xf32>,
        %swap3A_1155 = vector.shape_cast %swap3A_1154 : vector<1x1x16xf32> to vector<16xf32>
        %swap3A_1156 = vector.shape_cast %add3A_1149 : vector<16xf32> to vector<1x1x16xf32>
        tpu.vector_store %arg7[%swap3A_1151, %swap3A_1152, %swap3A_1153], %swap3A_1156 {strides = array<i32>} : memref<5x128x128xf32, #tpu.memory_space<vmem>>, vector<1x1x16xf32>,
        %get3A_1157 = arith.constant 3 : i32
        %get3A_1158 = arith.index_cast %get3A_1157 : i32 to index
        %get3A_1159 = arith.index_cast %add3A_1054 : i32 to index
        %get3A_1160 = arith.constant 96 : index
        %get3A_1161 = tpu.vector_load %arg7[%get3A_1158, %get3A_1159, %get3A_1160] {strides = array<i32>} : memref<5x128x128xf32, #tpu.memory_space<vmem>>, vector<1x1x16xf32>,
        %get3A_1162 = vector.shape_cast %get3A_1161 : vector<1x1x16xf32> to vector<16xf32>
        %mul3A_1163 = arith.constant 11.3137083 : f32
        %mul3A_1164 = vector.broadcast %mul3A_1163 : f32 to vector<16xf32>
        %mul3A_1165 = arith.mulf %get3A_1162, %mul3A_1164 : vector<16xf32>
        %add3A_1166 = arith.addf %mul3A_1165, %get3A_488 : vector<16xf32>
        %swap3A_1167 = arith.constant 3 : i32
        %swap3A_1168 = arith.index_cast %swap3A_1167 : i32 to index
        %swap3A_1169 = arith.index_cast %add3A_1054 : i32 to index
        %swap3A_1170 = arith.constant 96 : index
        %swap3A_1171 = tpu.vector_load %arg7[%swap3A_1168, %swap3A_1169, %swap3A_1170] {strides = array<i32>} : memref<5x128x128xf32, #tpu.memory_space<vmem>>, vector<1x1x16xf32>,
        %swap3A_1172 = vector.shape_cast %swap3A_1171 : vector<1x1x16xf32> to vector<16xf32>
        %swap3A_1173 = vector.shape_cast %add3A_1166 : vector<16xf32> to vector<1x1x16xf32>
        tpu.vector_store %arg7[%swap3A_1168, %swap3A_1169, %swap3A_1170], %swap3A_1173 {strides = array<i32>} : memref<5x128x128xf32, #tpu.memory_space<vmem>>, vector<1x1x16xf32>,
        %get3A_1174 = arith.constant 3 : i32
        %get3A_1175 = arith.index_cast %get3A_1174 : i32 to index
        %get3A_1176 = arith.index_cast %add3A_1054 : i32 to index
        %get3A_1177 = arith.constant 112 : index
        %get3A_1178 = tpu.vector_load %arg7[%get3A_1175, %get3A_1176, %get3A_1177] {strides = array<i32>} : memref<5x128x128xf32, #tpu.memory_space<vmem>>, vector<1x1x16xf32>,
        %get3A_1179 = vector.shape_cast %get3A_1178 : vector<1x1x16xf32> to vector<16xf32>
        %mul3A_1180 = arith.constant 11.3137083 : f32
        %mul3A_1181 = vector.broadcast %mul3A_1180 : f32 to vector<16xf32>
        %mul3A_1182 = arith.mulf %get3A_1179, %mul3A_1181 : vector<16xf32>
        %add3A_1183 = arith.addf %mul3A_1182, %get3A_493 : vector<16xf32>
        %swap3A_1184 = arith.constant 3 : i32
        %swap3A_1185 = arith.index_cast %swap3A_1184 : i32 to index
        %swap3A_1186 = arith.index_cast %add3A_1054 : i32 to index
        %swap3A_1187 = arith.constant 112 : index
        %swap3A_1188 = tpu.vector_load %arg7[%swap3A_1185, %swap3A_1186, %swap3A_1187] {strides = array<i32>} : memref<5x128x128xf32, #tpu.memory_space<vmem>>, vector<1x1x16xf32>,
        %swap3A_1189 = vector.shape_cast %swap3A_1188 : vector<1x1x16xf32> to vector<16xf32>
        %swap3A_1190 = vector.shape_cast %add3A_1183 : vector<16xf32> to vector<1x1x16xf32>
        tpu.vector_store %arg7[%swap3A_1185, %swap3A_1186, %swap3A_1187], %swap3A_1190 {strides = array<i32>} : memref<5x128x128xf32, #tpu.memory_space<vmem>>, vector<1x1x16xf32>,
      }
      %scan3A_499 = arith.constant 32 : i32
      %dma_start3A_500 = arith.constant 3 : i32
      %dma_start3A_501 = arith.constant 0 : i32
      %dma_start3A_502 = arith.constant 0 : i32
      %dma_start3A_503 = tpu.memref_slice %arg7[%dma_start3A_500, %dma_start3A_501, %dma_start3A_502] : memref<5x128x128xf32, #tpu.memory_space<vmem>> -> memref<1x128x128xf32, #tpu.memory_space<vmem>>
      %dma_start3A_504 = tpu.memref_squeeze %dma_start3A_503 : memref<1x128x128xf32, #tpu.memory_space<vmem>> -> memref<128x128xf32, #tpu.memory_space<vmem>>
      %dma_start3A_505 = arith.constant 0 : i32
      %dma_start3A_506 = tpu.memref_slice %arg5[%and3A_453, %shift_right_logical3A_451, %dma_start3A_505] : memref<4096x200x128xf32, #tpu.memory_space<hbm>> -> memref<128x1x128xf32, #tpu.memory_space<hbm>>
      %dma_start3A_507 = tpu.memref_squeeze %dma_start3A_506 : memref<128x1x128xf32, #tpu.memory_space<hbm>> -> memref<128x128xf32, #tpu.memory_space<hbm>>
      %dma_start3A_508 = arith.constant 0 : i32
      %dma_start3A_509 = tpu.memref_slice %arg5[%and3A_453, %shift_right_logical3A_451, %dma_start3A_508] : memref<4096x200x128xf32, #tpu.memory_space<hbm>> -> memref<128x1x128xf32, #tpu.memory_space<hbm>>
      %dma_start3A_510 = tpu.memref_squeeze %dma_start3A_509 : memref<128x1x128xf32, #tpu.memory_space<hbm>> -> memref<128x128xf32, #tpu.memory_space<hbm>>
      %dma_start3A_511 = arith.constant 0 : i32
      %dma_start3A_512 = arith.constant 0 : i32
      %dma_start3A_513 = tpu.memref_slice %arg7[%dma_start3A_500, %dma_start3A_511, %dma_start3A_512] : memref<5x128x128xf32, #tpu.memory_space<vmem>> -> memref<1x128x128xf32, #tpu.memory_space<vmem>>
      %dma_start3A_514 = tpu.memref_squeeze %dma_start3A_513 : memref<1x128x128xf32, #tpu.memory_space<vmem>> -> memref<128x128xf32, #tpu.memory_space<vmem>>
      tpu.enqueue_dma source(%dma_start3A_514 : memref<128x128xf32, #tpu.memory_space<vmem>>) target(%dma_start3A_510 : memref<128x128xf32, #tpu.memory_space<hbm>>) target_semaphore(%arg17 : memref<!tpu.dma_semaphore, #tpu.memory_space<semaphore_mem>>)
      %dma_wait3A_515 = arith.constant 2 : i32
      %dma_wait3A_516 = arith.constant 0 : i32
      %dma_wait3A_517 = arith.constant 0 : i32
      %dma_wait3A_518 = arith.constant 0 : i32
      %dma_wait3A_519 = tpu.memref_slice %arg7[%dma_wait3A_515, %dma_wait3A_517, %dma_wait3A_518] : memref<5x128x128xf32, #tpu.memory_space<vmem>> -> memref<1x128x128xf32, #tpu.memory_space<vmem>>
      %dma_wait3A_520 = tpu.memref_squeeze %dma_wait3A_519 : memref<1x128x128xf32, #tpu.memory_space<vmem>> -> memref<128x128xf32, #tpu.memory_space<vmem>>
      %dma_wait3A_521 = arith.constant 0 : i32
      %dma_wait3A_522 = arith.constant 0 : i32
      %dma_wait3A_523 = tpu.memref_slice %arg5[%dma_wait3A_521, %dma_wait3A_516, %dma_wait3A_522] : memref<4096x200x128xf32, #tpu.memory_space<hbm>> -> memref<128x1x128xf32, #tpu.memory_space<hbm>>
      %dma_wait3A_524 = tpu.memref_squeeze %dma_wait3A_523 : memref<128x1x128xf32, #tpu.memory_space<hbm>> -> memref<128x128xf32, #tpu.memory_space<hbm>>
      %dma_wait3A_525 = arith.constant 0 : i32
      %dma_wait3A_526 = arith.constant 0 : i32
      %dma_wait3A_527 = tpu.memref_slice %arg5[%dma_wait3A_525, %dma_wait3A_516, %dma_wait3A_526] : memref<4096x200x128xf32, #tpu.memory_space<hbm>> -> memref<128x1x128xf32, #tpu.memory_space<hbm>>
      %dma_wait3A_528 = tpu.memref_squeeze %dma_wait3A_527 : memref<128x1x128xf32, #tpu.memory_space<hbm>> -> memref<128x128xf32, #tpu.memory_space<hbm>>
      %dma_wait3A_529 = arith.constant 0 : i32
      %dma_wait3A_530 = arith.constant 0 : i32
      %dma_wait3A_531 = tpu.memref_slice %arg7[%dma_wait3A_515, %dma_wait3A_529, %dma_wait3A_530] : memref<5x128x128xf32, #tpu.memory_space<vmem>> -> memref<1x128x128xf32, #tpu.memory_space<vmem>>
      %dma_wait3A_532 = tpu.memref_squeeze %dma_wait3A_531 : memref<1x128x128xf32, #tpu.memory_space<vmem>> -> memref<128x128xf32, #tpu.memory_space<vmem>>
      tpu.wait_dma2 semaphore(%arg16 : memref<!tpu.dma_semaphore, #tpu.memory_space<semaphore_mem>>) src(%dma_wait3A_532 : memref<128x128xf32, #tpu.memory_space<vmem>>) dst(%dma_wait3A_528 : memref<128x128xf32, #tpu.memory_space<hbm>>)
      %mul3A_533 = arith.constant 5 : i32
      %mul3A_534 = arith.muli %scan3A_82, %mul3A_533 : i32
      %add3A_535 = arith.constant 4 : i32
      %add3A_536 = arith.addi %mul3A_534, %add3A_535 : i32
      %add3A_537 = arith.constant 3 : i32
      %add3A_538 = arith.addi %add3A_536, %add3A_537 : i32
      %lt3A_539 = arith.constant 200 : i32
      %lt3A_540 = arith.cmpi slt, %add3A_538, %lt3A_539 : i32
      %convert_element_type3A_541 = arith.extui %lt3A_540 : i1 to i32
      %cond3A_542 = arith.constant 0 : i32
      %cond3A_543 = arith.cmpi ne, %convert_element_type3A_541, %cond3A_542 : i32
      scf.if %cond3A_543 {
        %mul3A_631 = arith.constant 5 : i32
        %mul3A_632 = arith.muli %scan3A_82, %mul3A_631 : i32
        %add3A_633 = arith.constant 4 : i32
        %add3A_634 = arith.addi %mul3A_632, %add3A_633 : i32
        %add3A_635 = arith.constant 3 : i32
        %add3A_636 = arith.addi %add3A_634, %add3A_635 : i32
        %mul3A_637 = arith.constant 1 : i32
        %mul3A_638 = arith.muli %add3A_636, %mul3A_637 : i32
        %add3A_639 = arith.constant 0 : i32
        %add3A_640 = arith.addi %mul3A_638, %add3A_639 : i32
        %dma_start3A_641 = arith.constant 2 : i32
        %dma_start3A_642 = arith.constant 0 : i32
        %dma_start3A_643 = arith.constant 0 : i32
        %dma_start3A_644 = tpu.memref_slice %arg7[%dma_start3A_641, %dma_start3A_642, %dma_start3A_643] : memref<5x128x128xf32, #tpu.memory_space<vmem>> -> memref<1x128x128xf32, #tpu.memory_space<vmem>>
        %dma_start3A_645 = tpu.memref_squeeze %dma_start3A_644 : memref<1x128x128xf32, #tpu.memory_space<vmem>> -> memref<128x128xf32, #tpu.memory_space<vmem>>
        %dma_start3A_646 = arith.constant 0 : i32
        %dma_start3A_647 = tpu.memref_slice %arg6[%add3A_640, %dma_start3A_646] : memref<200x128xi32, #tpu.memory_space<vmem>> -> memref<1x128xi32, #tpu.memory_space<vmem>>
        %dma_start3A_648 = tpu.memref_squeeze %dma_start3A_647 : memref<1x128xi32, #tpu.memory_space<vmem>> -> memref<128xi32, #tpu.memory_space<vmem>>
        %dma_start3A_649 = arith.constant 0 : i32
        %dma_start3A_650 = arith.constant 0 : i32
        %dma_start3A_651 = tpu.memref_slice %arg3[%dma_start3A_649, %dma_start3A_650] : memref<1000000x128xf32, #tpu.memory_space<hbm>> -> memref<1000000x128xf32, #tpu.memory_space<hbm>>
        tpu.enqueue_indirect_dma source(%dma_start3A_651 : memref<1000000x128xf32, #tpu.memory_space<hbm>>) target(%dma_start3A_645 : memref<128x128xf32, #tpu.memory_space<vmem>>) offsets(%dma_start3A_648 : memref<128xi32, #tpu.memory_space<vmem>>) semaphore(%arg11 : memref<!tpu.dma_semaphore, #tpu.memory_space<semaphore_mem>>)
      } else {
      }
      %mul3A_544 = arith.constant 5 : i32
      %mul3A_545 = arith.muli %scan3A_82, %mul3A_544 : i32
      %add3A_546 = arith.constant 4 : i32
      %add3A_547 = arith.addi %mul3A_545, %add3A_546 : i32
      %mul3A_548 = arith.constant 1 : i32
      %mul3A_549 = arith.muli %add3A_547, %mul3A_548 : i32
      %add3A_550 = arith.constant 0 : i32
      %add3A_551 = arith.addi %mul3A_549, %add3A_550 : i32
      %dma_wait3A_552 = arith.constant 4 : i32
      %dma_wait3A_553 = arith.constant 0 : i32
      %dma_wait3A_554 = arith.constant 0 : i32
      %dma_wait3A_555 = tpu.memref_slice %arg7[%dma_wait3A_552, %dma_wait3A_553, %dma_wait3A_554] : memref<5x128x128xf32, #tpu.memory_space<vmem>> -> memref<1x128x128xf32, #tpu.memory_space<vmem>>
      %dma_wait3A_556 = tpu.memref_squeeze %dma_wait3A_555 : memref<1x128x128xf32, #tpu.memory_space<vmem>> -> memref<128x128xf32, #tpu.memory_space<vmem>>
      %dma_wait3A_557 = arith.constant 0 : i32
      %dma_wait3A_558 = tpu.memref_slice %arg6[%add3A_551, %dma_wait3A_557] : memref<200x128xi32, #tpu.memory_space<vmem>> -> memref<1x128xi32, #tpu.memory_space<vmem>>
      %dma_wait3A_559 = tpu.memref_squeeze %dma_wait3A_558 : memref<1x128xi32, #tpu.memory_space<vmem>> -> memref<128xi32, #tpu.memory_space<vmem>>
      %dma_wait3A_560 = arith.constant 0 : i32
      %dma_wait3A_561 = arith.constant 0 : i32
      %dma_wait3A_562 = tpu.memref_slice %arg3[%dma_wait3A_560, %dma_wait3A_561] : memref<1000000x128xf32, #tpu.memory_space<hbm>> -> memref<1000000x128xf32, #tpu.memory_space<hbm>>
      tpu.wait_indirect_dma semaphore(%arg13 : memref<!tpu.dma_semaphore, #tpu.memory_space<semaphore_mem>>) src(%dma_wait3A_562 : memref<1000000x128xf32, #tpu.memory_space<hbm>>) dst(%dma_wait3A_556 : memref<128x128xf32, #tpu.memory_space<vmem>>)
      %mul3A_563 = arith.constant 128 : i32
      %mul3A_564 = arith.muli %add3A_547, %mul3A_563 : i32
      %add3A_565 = arith.addi %mul3A_2, %mul3A_564 : i32
      %shift_right_logical3A_566 = arith.constant 12 : i32
      %shift_right_logical3A_567 = arith.shrui %add3A_565, %shift_right_logical3A_566 : i32
      %and3A_568 = arith.constant 4095 : i32
      %and3A_569 = arith.andi %add3A_565, %and3A_568 : i32
      %sub3A_570 = arith.subi %shift_right_logical3A_567, %multiple_of3A : i32
      %get3A_571 = arith.index_cast %sub3A_570 : i32 to index
      %get3A_572 = arith.constant 0 : index
      %get3A_573 = tpu.vector_load %arg8[%get3A_571, %get3A_572] {strides = array<i32>} : memref<16x128xf32, #tpu.memory_space<vmem>>, vector<1x16xf32>,
      %get3A_574 = vector.shape_cast %get3A_573 : vector<1x16xf32> to vector<16xf32>
      %sub3A_575 = arith.subi %shift_right_logical3A_567, %multiple_of3A : i32
      %get3A_576 = arith.index_cast %sub3A_575 : i32 to index
      %get3A_577 = arith.constant 16 : index
      %get3A_578 = tpu.vector_load %arg8[%get3A_576, %get3A_577] {strides = array<i32>} : memref<16x128xf32, #tpu.memory_space<vmem>>, vector<1x16xf32>,
      %get3A_579 = vector.shape_cast %get3A_578 : vector<1x16xf32> to vector<16xf32>
      %sub3A_580 = arith.subi %shift_right_logical3A_567, %multiple_of3A : i32
      %get3A_581 = arith.index_cast %sub3A_580 : i32 to index
      %get3A_582 = arith.constant 32 : index
      %get3A_583 = tpu.vector_load %arg8[%get3A_581, %get3A_582] {strides = array<i32>} : memref<16x128xf32, #tpu.memory_space<vmem>>, vector<1x16xf32>,
      %get3A_584 = vector.shape_cast %get3A_583 : vector<1x16xf32> to vector<16xf32>
      %sub3A_585 = arith.subi %shift_right_logical3A_567, %multiple_of3A : i32
      %get3A_586 = arith.index_cast %sub3A_585 : i32 to index
      %get3A_587 = arith.constant 48 : index
      %get3A_588 = tpu.vector_load %arg8[%get3A_586, %get3A_587] {strides = array<i32>} : memref<16x128xf32, #tpu.memory_space<vmem>>, vector<1x16xf32>,
      %get3A_589 = vector.shape_cast %get3A_588 : vector<1x16xf32> to vector<16xf32>
      %sub3A_590 = arith.subi %shift_right_logical3A_567, %multiple_of3A : i32
      %get3A_591 = arith.index_cast %sub3A_590 : i32 to index
      %get3A_592 = arith.constant 64 : index
      %get3A_593 = tpu.vector_load %arg8[%get3A_591, %get3A_592] {strides = array<i32>} : memref<16x128xf32, #tpu.memory_space<vmem>>, vector<1x16xf32>,
      %get3A_594 = vector.shape_cast %get3A_593 : vector<1x16xf32> to vector<16xf32>
      %sub3A_595 = arith.subi %shift_right_logical3A_567, %multiple_of3A : i32
      %get3A_596 = arith.index_cast %sub3A_595 : i32 to index
      %get3A_597 = arith.constant 80 : index
      %get3A_598 = tpu.vector_load %arg8[%get3A_596, %get3A_597] {strides = array<i32>} : memref<16x128xf32, #tpu.memory_space<vmem>>, vector<1x16xf32>,
      %get3A_599 = vector.shape_cast %get3A_598 : vector<1x16xf32> to vector<16xf32>
      %sub3A_600 = arith.subi %shift_right_logical3A_567, %multiple_of3A : i32
      %get3A_601 = arith.index_cast %sub3A_600 : i32 to index
      %get3A_602 = arith.constant 96 : index
      %get3A_603 = tpu.vector_load %arg8[%get3A_601, %get3A_602] {strides = array<i32>} : memref<16x128xf32, #tpu.memory_space<vmem>>, vector<1x16xf32>,
      %get3A_604 = vector.shape_cast %get3A_603 : vector<1x16xf32> to vector<16xf32>
      %sub3A_605 = arith.subi %shift_right_logical3A_567, %multiple_of3A : i32
      %get3A_606 = arith.index_cast %sub3A_605 : i32 to index
      %get3A_607 = arith.constant 112 : index
      %get3A_608 = tpu.vector_load %arg8[%get3A_606, %get3A_607] {strides = array<i32>} : memref<16x128xf32, #tpu.memory_space<vmem>>, vector<1x16xf32>,
      %get3A_609 = vector.shape_cast %get3A_608 : vector<1x16xf32> to vector<16xf32>
      %scan3A_610 = arith.constant 0 : i32
      %scan3A_611 = arith.constant 0 : i32
      %scan3A_612 = arith.constant 32 : i32
      %scan3A_613 = arith.addi %scan3A_611, %scan3A_612 : i32
      %scan3A_614 = arith.constant 1 : i32
      scf.for %scan3A_631 = %scan3A_611 to %scan3A_613 step %scan3A_614  : i32 {
        %mul3A_632 = arith.constant 4 : i32
        %mul3A_633 = arith.muli %scan3A_631, %mul3A_632 : i32
        %add3A_634 = arith.constant 0 : i32
        %add3A_635 = arith.addi %mul3A_633, %add3A_634 : i32
        %get3A_636 = arith.constant 4 : i32
        %get3A_637 = arith.index_cast %get3A_636 : i32 to index
        %get3A_638 = arith.index_cast %add3A_635 : i32 to index
        %get3A_639 = arith.constant 0 : index
        %get3A_640 = tpu.vector_load %arg7[%get3A_637, %get3A_638, %get3A_639] {strides = array<i32>} : memref<5x128x128xf32, #tpu.memory_space<vmem>>, vector<1x1x16xf32>,
        %get3A_641 = vector.shape_cast %get3A_640 : vector<1x1x16xf32> to vector<16xf32>
        %mul3A_642 = arith.constant 11.3137083 : f32
        %mul3A_643 = vector.broadcast %mul3A_642 : f32 to vector<16xf32>
        %mul3A_644 = arith.mulf %get3A_641, %mul3A_643 : vector<16xf32>
        %add3A_645 = arith.addf %mul3A_644, %get3A_574 : vector<16xf32>
        %swap3A = arith.constant 4 : i32
        %swap3A_646 = arith.index_cast %swap3A : i32 to index
        %swap3A_647 = arith.index_cast %add3A_635 : i32 to index
        %swap3A_648 = arith.constant 0 : index
        %swap3A_649 = tpu.vector_load %arg7[%swap3A_646, %swap3A_647, %swap3A_648] {strides = array<i32>} : memref<5x128x128xf32, #tpu.memory_space<vmem>>, vector<1x1x16xf32>,
        %swap3A_650 = vector.shape_cast %swap3A_649 : vector<1x1x16xf32> to vector<16xf32>
        %swap3A_651 = vector.shape_cast %add3A_645 : vector<16xf32> to vector<1x1x16xf32>
        tpu.vector_store %arg7[%swap3A_646, %swap3A_647, %swap3A_648], %swap3A_651 {strides = array<i32>} : memref<5x128x128xf32, #tpu.memory_space<vmem>>, vector<1x1x16xf32>,
        %get3A_652 = arith.constant 4 : i32
        %get3A_653 = arith.index_cast %get3A_652 : i32 to index
        %get3A_654 = arith.index_cast %add3A_635 : i32 to index
        %get3A_655 = arith.constant 16 : index
        %get3A_656 = tpu.vector_load %arg7[%get3A_653, %get3A_654, %get3A_655] {strides = array<i32>} : memref<5x128x128xf32, #tpu.memory_space<vmem>>, vector<1x1x16xf32>,
        %get3A_657 = vector.shape_cast %get3A_656 : vector<1x1x16xf32> to vector<16xf32>
        %mul3A_658 = arith.constant 11.3137083 : f32
        %mul3A_659 = vector.broadcast %mul3A_658 : f32 to vector<16xf32>
        %mul3A_660 = arith.mulf %get3A_657, %mul3A_659 : vector<16xf32>
        %add3A_661 = arith.addf %mul3A_660, %get3A_579 : vector<16xf32>
        %swap3A_662 = arith.constant 4 : i32
        %swap3A_663 = arith.index_cast %swap3A_662 : i32 to index
        %swap3A_664 = arith.index_cast %add3A_635 : i32 to index
        %swap3A_665 = arith.constant 16 : index
        %swap3A_666 = tpu.vector_load %arg7[%swap3A_663, %swap3A_664, %swap3A_665] {strides = array<i32>} : memref<5x128x128xf32, #tpu.memory_space<vmem>>, vector<1x1x16xf32>,
        %swap3A_667 = vector.shape_cast %swap3A_666 : vector<1x1x16xf32> to vector<16xf32>
        %swap3A_668 = vector.shape_cast %add3A_661 : vector<16xf32> to vector<1x1x16xf32>
        tpu.vector_store %arg7[%swap3A_663, %swap3A_664, %swap3A_665], %swap3A_668 {strides = array<i32>} : memref<5x128x128xf32, #tpu.memory_space<vmem>>, vector<1x1x16xf32>,
        %get3A_669 = arith.constant 4 : i32
        %get3A_670 = arith.index_cast %get3A_669 : i32 to index
        %get3A_671 = arith.index_cast %add3A_635 : i32 to index
        %get3A_672 = arith.constant 32 : index
        %get3A_673 = tpu.vector_load %arg7[%get3A_670, %get3A_671, %get3A_672] {strides = array<i32>} : memref<5x128x128xf32, #tpu.memory_space<vmem>>, vector<1x1x16xf32>,
        %get3A_674 = vector.shape_cast %get3A_673 : vector<1x1x16xf32> to vector<16xf32>
        %mul3A_675 = arith.constant 11.3137083 : f32
        %mul3A_676 = vector.broadcast %mul3A_675 : f32 to vector<16xf32>
        %mul3A_677 = arith.mulf %get3A_674, %mul3A_676 : vector<16xf32>
        %add3A_678 = arith.addf %mul3A_677, %get3A_584 : vector<16xf32>
        %swap3A_679 = arith.constant 4 : i32
        %swap3A_680 = arith.index_cast %swap3A_679 : i32 to index
        %swap3A_681 = arith.index_cast %add3A_635 : i32 to index
        %swap3A_682 = arith.constant 32 : index
        %swap3A_683 = tpu.vector_load %arg7[%swap3A_680, %swap3A_681, %swap3A_682] {strides = array<i32>} : memref<5x128x128xf32, #tpu.memory_space<vmem>>, vector<1x1x16xf32>,
        %swap3A_684 = vector.shape_cast %swap3A_683 : vector<1x1x16xf32> to vector<16xf32>
        %swap3A_685 = vector.shape_cast %add3A_678 : vector<16xf32> to vector<1x1x16xf32>
        tpu.vector_store %arg7[%swap3A_680, %swap3A_681, %swap3A_682], %swap3A_685 {strides = array<i32>} : memref<5x128x128xf32, #tpu.memory_space<vmem>>, vector<1x1x16xf32>,
        %get3A_686 = arith.constant 4 : i32
        %get3A_687 = arith.index_cast %get3A_686 : i32 to index
        %get3A_688 = arith.index_cast %add3A_635 : i32 to index
        %get3A_689 = arith.constant 48 : index
        %get3A_690 = tpu.vector_load %arg7[%get3A_687, %get3A_688, %get3A_689] {strides = array<i32>} : memref<5x128x128xf32, #tpu.memory_space<vmem>>, vector<1x1x16xf32>,
        %get3A_691 = vector.shape_cast %get3A_690 : vector<1x1x16xf32> to vector<16xf32>
        %mul3A_692 = arith.constant 11.3137083 : f32
        %mul3A_693 = vector.broadcast %mul3A_692 : f32 to vector<16xf32>
        %mul3A_694 = arith.mulf %get3A_691, %mul3A_693 : vector<16xf32>
        %add3A_695 = arith.addf %mul3A_694, %get3A_589 : vector<16xf32>
        %swap3A_696 = arith.constant 4 : i32
        %swap3A_697 = arith.index_cast %swap3A_696 : i32 to index
        %swap3A_698 = arith.index_cast %add3A_635 : i32 to index
        %swap3A_699 = arith.constant 48 : index
        %swap3A_700 = tpu.vector_load %arg7[%swap3A_697, %swap3A_698, %swap3A_699] {strides = array<i32>} : memref<5x128x128xf32, #tpu.memory_space<vmem>>, vector<1x1x16xf32>,
        %swap3A_701 = vector.shape_cast %swap3A_700 : vector<1x1x16xf32> to vector<16xf32>
        %swap3A_702 = vector.shape_cast %add3A_695 : vector<16xf32> to vector<1x1x16xf32>
        tpu.vector_store %arg7[%swap3A_697, %swap3A_698, %swap3A_699], %swap3A_702 {strides = array<i32>} : memref<5x128x128xf32, #tpu.memory_space<vmem>>, vector<1x1x16xf32>,
        %get3A_703 = arith.constant 4 : i32
        %get3A_704 = arith.index_cast %get3A_703 : i32 to index
        %get3A_705 = arith.index_cast %add3A_635 : i32 to index
        %get3A_706 = arith.constant 64 : index
        %get3A_707 = tpu.vector_load %arg7[%get3A_704, %get3A_705, %get3A_706] {strides = array<i32>} : memref<5x128x128xf32, #tpu.memory_space<vmem>>, vector<1x1x16xf32>,
        %get3A_708 = vector.shape_cast %get3A_707 : vector<1x1x16xf32> to vector<16xf32>
        %mul3A_709 = arith.constant 11.3137083 : f32
        %mul3A_710 = vector.broadcast %mul3A_709 : f32 to vector<16xf32>
        %mul3A_711 = arith.mulf %get3A_708, %mul3A_710 : vector<16xf32>
        %add3A_712 = arith.addf %mul3A_711, %get3A_594 : vector<16xf32>
        %swap3A_713 = arith.constant 4 : i32
        %swap3A_714 = arith.index_cast %swap3A_713 : i32 to index
        %swap3A_715 = arith.index_cast %add3A_635 : i32 to index
        %swap3A_716 = arith.constant 64 : index
        %swap3A_717 = tpu.vector_load %arg7[%swap3A_714, %swap3A_715, %swap3A_716] {strides = array<i32>} : memref<5x128x128xf32, #tpu.memory_space<vmem>>, vector<1x1x16xf32>,
        %swap3A_718 = vector.shape_cast %swap3A_717 : vector<1x1x16xf32> to vector<16xf32>
        %swap3A_719 = vector.shape_cast %add3A_712 : vector<16xf32> to vector<1x1x16xf32>
        tpu.vector_store %arg7[%swap3A_714, %swap3A_715, %swap3A_716], %swap3A_719 {strides = array<i32>} : memref<5x128x128xf32, #tpu.memory_space<vmem>>, vector<1x1x16xf32>,
        %get3A_720 = arith.constant 4 : i32
        %get3A_721 = arith.index_cast %get3A_720 : i32 to index
        %get3A_722 = arith.index_cast %add3A_635 : i32 to index
        %get3A_723 = arith.constant 80 : index
        %get3A_724 = tpu.vector_load %arg7[%get3A_721, %get3A_722, %get3A_723] {strides = array<i32>} : memref<5x128x128xf32, #tpu.memory_space<vmem>>, vector<1x1x16xf32>,
        %get3A_725 = vector.shape_cast %get3A_724 : vector<1x1x16xf32> to vector<16xf32>
        %mul3A_726 = arith.constant 11.3137083 : f32
        %mul3A_727 = vector.broadcast %mul3A_726 : f32 to vector<16xf32>
        %mul3A_728 = arith.mulf %get3A_725, %mul3A_727 : vector<16xf32>
        %add3A_729 = arith.addf %mul3A_728, %get3A_599 : vector<16xf32>
        %swap3A_730 = arith.constant 4 : i32
        %swap3A_731 = arith.index_cast %swap3A_730 : i32 to index
        %swap3A_732 = arith.index_cast %add3A_635 : i32 to index
        %swap3A_733 = arith.constant 80 : index
        %swap3A_734 = tpu.vector_load %arg7[%swap3A_731, %swap3A_732, %swap3A_733] {strides = array<i32>} : memref<5x128x128xf32, #tpu.memory_space<vmem>>, vector<1x1x16xf32>,
        %swap3A_735 = vector.shape_cast %swap3A_734 : vector<1x1x16xf32> to vector<16xf32>
        %swap3A_736 = vector.shape_cast %add3A_729 : vector<16xf32> to vector<1x1x16xf32>
        tpu.vector_store %arg7[%swap3A_731, %swap3A_732, %swap3A_733], %swap3A_736 {strides = array<i32>} : memref<5x128x128xf32, #tpu.memory_space<vmem>>, vector<1x1x16xf32>,
        %get3A_737 = arith.constant 4 : i32
        %get3A_738 = arith.index_cast %get3A_737 : i32 to index
        %get3A_739 = arith.index_cast %add3A_635 : i32 to index
        %get3A_740 = arith.constant 96 : index
        %get3A_741 = tpu.vector_load %arg7[%get3A_738, %get3A_739, %get3A_740] {strides = array<i32>} : memref<5x128x128xf32, #tpu.memory_space<vmem>>, vector<1x1x16xf32>,
        %get3A_742 = vector.shape_cast %get3A_741 : vector<1x1x16xf32> to vector<16xf32>
        %mul3A_743 = arith.constant 11.3137083 : f32
        %mul3A_744 = vector.broadcast %mul3A_743 : f32 to vector<16xf32>
        %mul3A_745 = arith.mulf %get3A_742, %mul3A_744 : vector<16xf32>
        %add3A_746 = arith.addf %mul3A_745, %get3A_604 : vector<16xf32>
        %swap3A_747 = arith.constant 4 : i32
        %swap3A_748 = arith.index_cast %swap3A_747 : i32 to index
        %swap3A_749 = arith.index_cast %add3A_635 : i32 to index
        %swap3A_750 = arith.constant 96 : index
        %swap3A_751 = tpu.vector_load %arg7[%swap3A_748, %swap3A_749, %swap3A_750] {strides = array<i32>} : memref<5x128x128xf32, #tpu.memory_space<vmem>>, vector<1x1x16xf32>,
        %swap3A_752 = vector.shape_cast %swap3A_751 : vector<1x1x16xf32> to vector<16xf32>
        %swap3A_753 = vector.shape_cast %add3A_746 : vector<16xf32> to vector<1x1x16xf32>
        tpu.vector_store %arg7[%swap3A_748, %swap3A_749, %swap3A_750], %swap3A_753 {strides = array<i32>} : memref<5x128x128xf32, #tpu.memory_space<vmem>>, vector<1x1x16xf32>,
        %get3A_754 = arith.constant 4 : i32
        %get3A_755 = arith.index_cast %get3A_754 : i32 to index
        %get3A_756 = arith.index_cast %add3A_635 : i32 to index
        %get3A_757 = arith.constant 112 : index
        %get3A_758 = tpu.vector_load %arg7[%get3A_755, %get3A_756, %get3A_757] {strides = array<i32>} : memref<5x128x128xf32, #tpu.memory_space<vmem>>, vector<1x1x16xf32>,
        %get3A_759 = vector.shape_cast %get3A_758 : vector<1x1x16xf32> to vector<16xf32>
        %mul3A_760 = arith.constant 11.3137083 : f32
        %mul3A_761 = vector.broadcast %mul3A_760 : f32 to vector<16xf32>
        %mul3A_762 = arith.mulf %get3A_759, %mul3A_761 : vector<16xf32>
        %add3A_763 = arith.addf %mul3A_762, %get3A_609 : vector<16xf32>
        %swap3A_764 = arith.constant 4 : i32
        %swap3A_765 = arith.index_cast %swap3A_764 : i32 to index
        %swap3A_766 = arith.index_cast %add3A_635 : i32 to index
        %swap3A_767 = arith.constant 112 : index
        %swap3A_768 = tpu.vector_load %arg7[%swap3A_765, %swap3A_766, %swap3A_767] {strides = array<i32>} : memref<5x128x128xf32, #tpu.memory_space<vmem>>, vector<1x1x16xf32>,
        %swap3A_769 = vector.shape_cast %swap3A_768 : vector<1x1x16xf32> to vector<16xf32>
        %swap3A_770 = vector.shape_cast %add3A_763 : vector<16xf32> to vector<1x1x16xf32>
        tpu.vector_store %arg7[%swap3A_765, %swap3A_766, %swap3A_767], %swap3A_770 {strides = array<i32>} : memref<5x128x128xf32, #tpu.memory_space<vmem>>, vector<1x1x16xf32>,
        %mul3A_771 = arith.constant 4 : i32
        %mul3A_772 = arith.muli %scan3A_631, %mul3A_771 : i32
        %add3A_773 = arith.constant 1 : i32
        %add3A_774 = arith.addi %mul3A_772, %add3A_773 : i32
        %get3A_775 = arith.constant 4 : i32
        %get3A_776 = arith.index_cast %get3A_775 : i32 to index
        %get3A_777 = arith.index_cast %add3A_774 : i32 to index
        %get3A_778 = arith.constant 0 : index
        %get3A_779 = tpu.vector_load %arg7[%get3A_776, %get3A_777, %get3A_778] {strides = array<i32>} : memref<5x128x128xf32, #tpu.memory_space<vmem>>, vector<1x1x16xf32>,
        %get3A_780 = vector.shape_cast %get3A_779 : vector<1x1x16xf32> to vector<16xf32>
        %mul3A_781 = arith.constant 11.3137083 : f32
        %mul3A_782 = vector.broadcast %mul3A_781 : f32 to vector<16xf32>
        %mul3A_783 = arith.mulf %get3A_780, %mul3A_782 : vector<16xf32>
        %add3A_784 = arith.addf %mul3A_783, %get3A_574 : vector<16xf32>
        %swap3A_785 = arith.constant 4 : i32
        %swap3A_786 = arith.index_cast %swap3A_785 : i32 to index
        %swap3A_787 = arith.index_cast %add3A_774 : i32 to index
        %swap3A_788 = arith.constant 0 : index
        %swap3A_789 = tpu.vector_load %arg7[%swap3A_786, %swap3A_787, %swap3A_788] {strides = array<i32>} : memref<5x128x128xf32, #tpu.memory_space<vmem>>, vector<1x1x16xf32>,
        %swap3A_790 = vector.shape_cast %swap3A_789 : vector<1x1x16xf32> to vector<16xf32>
        %swap3A_791 = vector.shape_cast %add3A_784 : vector<16xf32> to vector<1x1x16xf32>
        tpu.vector_store %arg7[%swap3A_786, %swap3A_787, %swap3A_788], %swap3A_791 {strides = array<i32>} : memref<5x128x128xf32, #tpu.memory_space<vmem>>, vector<1x1x16xf32>,
        %get3A_792 = arith.constant 4 : i32
        %get3A_793 = arith.index_cast %get3A_792 : i32 to index
        %get3A_794 = arith.index_cast %add3A_774 : i32 to index
        %get3A_795 = arith.constant 16 : index
        %get3A_796 = tpu.vector_load %arg7[%get3A_793, %get3A_794, %get3A_795] {strides = array<i32>} : memref<5x128x128xf32, #tpu.memory_space<vmem>>, vector<1x1x16xf32>,
        %get3A_797 = vector.shape_cast %get3A_796 : vector<1x1x16xf32> to vector<16xf32>
        %mul3A_798 = arith.constant 11.3137083 : f32
        %mul3A_799 = vector.broadcast %mul3A_798 : f32 to vector<16xf32>
        %mul3A_800 = arith.mulf %get3A_797, %mul3A_799 : vector<16xf32>
        %add3A_801 = arith.addf %mul3A_800, %get3A_579 : vector<16xf32>
        %swap3A_802 = arith.constant 4 : i32
        %swap3A_803 = arith.index_cast %swap3A_802 : i32 to index
        %swap3A_804 = arith.index_cast %add3A_774 : i32 to index
        %swap3A_805 = arith.constant 16 : index
        %swap3A_806 = tpu.vector_load %arg7[%swap3A_803, %swap3A_804, %swap3A_805] {strides = array<i32>} : memref<5x128x128xf32, #tpu.memory_space<vmem>>, vector<1x1x16xf32>,
        %swap3A_807 = vector.shape_cast %swap3A_806 : vector<1x1x16xf32> to vector<16xf32>
        %swap3A_808 = vector.shape_cast %add3A_801 : vector<16xf32> to vector<1x1x16xf32>
        tpu.vector_store %arg7[%swap3A_803, %swap3A_804, %swap3A_805], %swap3A_808 {strides = array<i32>} : memref<5x128x128xf32, #tpu.memory_space<vmem>>, vector<1x1x16xf32>,
        %get3A_809 = arith.constant 4 : i32
        %get3A_810 = arith.index_cast %get3A_809 : i32 to index
        %get3A_811 = arith.index_cast %add3A_774 : i32 to index
        %get3A_812 = arith.constant 32 : index
        %get3A_813 = tpu.vector_load %arg7[%get3A_810, %get3A_811, %get3A_812] {strides = array<i32>} : memref<5x128x128xf32, #tpu.memory_space<vmem>>, vector<1x1x16xf32>,
        %get3A_814 = vector.shape_cast %get3A_813 : vector<1x1x16xf32> to vector<16xf32>
        %mul3A_815 = arith.constant 11.3137083 : f32
        %mul3A_816 = vector.broadcast %mul3A_815 : f32 to vector<16xf32>
        %mul3A_817 = arith.mulf %get3A_814, %mul3A_816 : vector<16xf32>
        %add3A_818 = arith.addf %mul3A_817, %get3A_584 : vector<16xf32>
        %swap3A_819 = arith.constant 4 : i32
        %swap3A_820 = arith.index_cast %swap3A_819 : i32 to index
        %swap3A_821 = arith.index_cast %add3A_774 : i32 to index
        %swap3A_822 = arith.constant 32 : index
        %swap3A_823 = tpu.vector_load %arg7[%swap3A_820, %swap3A_821, %swap3A_822] {strides = array<i32>} : memref<5x128x128xf32, #tpu.memory_space<vmem>>, vector<1x1x16xf32>,
        %swap3A_824 = vector.shape_cast %swap3A_823 : vector<1x1x16xf32> to vector<16xf32>
        %swap3A_825 = vector.shape_cast %add3A_818 : vector<16xf32> to vector<1x1x16xf32>
        tpu.vector_store %arg7[%swap3A_820, %swap3A_821, %swap3A_822], %swap3A_825 {strides = array<i32>} : memref<5x128x128xf32, #tpu.memory_space<vmem>>, vector<1x1x16xf32>,
        %get3A_826 = arith.constant 4 : i32
        %get3A_827 = arith.index_cast %get3A_826 : i32 to index
        %get3A_828 = arith.index_cast %add3A_774 : i32 to index
        %get3A_829 = arith.constant 48 : index
        %get3A_830 = tpu.vector_load %arg7[%get3A_827, %get3A_828, %get3A_829] {strides = array<i32>} : memref<5x128x128xf32, #tpu.memory_space<vmem>>, vector<1x1x16xf32>,
        %get3A_831 = vector.shape_cast %get3A_830 : vector<1x1x16xf32> to vector<16xf32>
        %mul3A_832 = arith.constant 11.3137083 : f32
        %mul3A_833 = vector.broadcast %mul3A_832 : f32 to vector<16xf32>
        %mul3A_834 = arith.mulf %get3A_831, %mul3A_833 : vector<16xf32>
        %add3A_835 = arith.addf %mul3A_834, %get3A_589 : vector<16xf32>
        %swap3A_836 = arith.constant 4 : i32
        %swap3A_837 = arith.index_cast %swap3A_836 : i32 to index
        %swap3A_838 = arith.index_cast %add3A_774 : i32 to index
        %swap3A_839 = arith.constant 48 : index
        %swap3A_840 = tpu.vector_load %arg7[%swap3A_837, %swap3A_838, %swap3A_839] {strides = array<i32>} : memref<5x128x128xf32, #tpu.memory_space<vmem>>, vector<1x1x16xf32>,
        %swap3A_841 = vector.shape_cast %swap3A_840 : vector<1x1x16xf32> to vector<16xf32>
        %swap3A_842 = vector.shape_cast %add3A_835 : vector<16xf32> to vector<1x1x16xf32>
        tpu.vector_store %arg7[%swap3A_837, %swap3A_838, %swap3A_839], %swap3A_842 {strides = array<i32>} : memref<5x128x128xf32, #tpu.memory_space<vmem>>, vector<1x1x16xf32>,
        %get3A_843 = arith.constant 4 : i32
        %get3A_844 = arith.index_cast %get3A_843 : i32 to index
        %get3A_845 = arith.index_cast %add3A_774 : i32 to index
        %get3A_846 = arith.constant 64 : index
        %get3A_847 = tpu.vector_load %arg7[%get3A_844, %get3A_845, %get3A_846] {strides = array<i32>} : memref<5x128x128xf32, #tpu.memory_space<vmem>>, vector<1x1x16xf32>,
        %get3A_848 = vector.shape_cast %get3A_847 : vector<1x1x16xf32> to vector<16xf32>
        %mul3A_849 = arith.constant 11.3137083 : f32
        %mul3A_850 = vector.broadcast %mul3A_849 : f32 to vector<16xf32>
        %mul3A_851 = arith.mulf %get3A_848, %mul3A_850 : vector<16xf32>
        %add3A_852 = arith.addf %mul3A_851, %get3A_594 : vector<16xf32>
        %swap3A_853 = arith.constant 4 : i32
        %swap3A_854 = arith.index_cast %swap3A_853 : i32 to index
        %swap3A_855 = arith.index_cast %add3A_774 : i32 to index
        %swap3A_856 = arith.constant 64 : index
        %swap3A_857 = tpu.vector_load %arg7[%swap3A_854, %swap3A_855, %swap3A_856] {strides = array<i32>} : memref<5x128x128xf32, #tpu.memory_space<vmem>>, vector<1x1x16xf32>,
        %swap3A_858 = vector.shape_cast %swap3A_857 : vector<1x1x16xf32> to vector<16xf32>
        %swap3A_859 = vector.shape_cast %add3A_852 : vector<16xf32> to vector<1x1x16xf32>
        tpu.vector_store %arg7[%swap3A_854, %swap3A_855, %swap3A_856], %swap3A_859 {strides = array<i32>} : memref<5x128x128xf32, #tpu.memory_space<vmem>>, vector<1x1x16xf32>,
        %get3A_860 = arith.constant 4 : i32
        %get3A_861 = arith.index_cast %get3A_860 : i32 to index
        %get3A_862 = arith.index_cast %add3A_774 : i32 to index
        %get3A_863 = arith.constant 80 : index
        %get3A_864 = tpu.vector_load %arg7[%get3A_861, %get3A_862, %get3A_863] {strides = array<i32>} : memref<5x128x128xf32, #tpu.memory_space<vmem>>, vector<1x1x16xf32>,
        %get3A_865 = vector.shape_cast %get3A_864 : vector<1x1x16xf32> to vector<16xf32>
        %mul3A_866 = arith.constant 11.3137083 : f32
        %mul3A_867 = vector.broadcast %mul3A_866 : f32 to vector<16xf32>
        %mul3A_868 = arith.mulf %get3A_865, %mul3A_867 : vector<16xf32>
        %add3A_869 = arith.addf %mul3A_868, %get3A_599 : vector<16xf32>
        %swap3A_870 = arith.constant 4 : i32
        %swap3A_871 = arith.index_cast %swap3A_870 : i32 to index
        %swap3A_872 = arith.index_cast %add3A_774 : i32 to index
        %swap3A_873 = arith.constant 80 : index
        %swap3A_874 = tpu.vector_load %arg7[%swap3A_871, %swap3A_872, %swap3A_873] {strides = array<i32>} : memref<5x128x128xf32, #tpu.memory_space<vmem>>, vector<1x1x16xf32>,
        %swap3A_875 = vector.shape_cast %swap3A_874 : vector<1x1x16xf32> to vector<16xf32>
        %swap3A_876 = vector.shape_cast %add3A_869 : vector<16xf32> to vector<1x1x16xf32>
        tpu.vector_store %arg7[%swap3A_871, %swap3A_872, %swap3A_873], %swap3A_876 {strides = array<i32>} : memref<5x128x128xf32, #tpu.memory_space<vmem>>, vector<1x1x16xf32>,
        %get3A_877 = arith.constant 4 : i32
        %get3A_878 = arith.index_cast %get3A_877 : i32 to index
        %get3A_879 = arith.index_cast %add3A_774 : i32 to index
        %get3A_880 = arith.constant 96 : index
        %get3A_881 = tpu.vector_load %arg7[%get3A_878, %get3A_879, %get3A_880] {strides = array<i32>} : memref<5x128x128xf32, #tpu.memory_space<vmem>>, vector<1x1x16xf32>,
        %get3A_882 = vector.shape_cast %get3A_881 : vector<1x1x16xf32> to vector<16xf32>
        %mul3A_883 = arith.constant 11.3137083 : f32
        %mul3A_884 = vector.broadcast %mul3A_883 : f32 to vector<16xf32>
        %mul3A_885 = arith.mulf %get3A_882, %mul3A_884 : vector<16xf32>
        %add3A_886 = arith.addf %mul3A_885, %get3A_604 : vector<16xf32>
        %swap3A_887 = arith.constant 4 : i32
        %swap3A_888 = arith.index_cast %swap3A_887 : i32 to index
        %swap3A_889 = arith.index_cast %add3A_774 : i32 to index
        %swap3A_890 = arith.constant 96 : index
        %swap3A_891 = tpu.vector_load %arg7[%swap3A_888, %swap3A_889, %swap3A_890] {strides = array<i32>} : memref<5x128x128xf32, #tpu.memory_space<vmem>>, vector<1x1x16xf32>,
        %swap3A_892 = vector.shape_cast %swap3A_891 : vector<1x1x16xf32> to vector<16xf32>
        %swap3A_893 = vector.shape_cast %add3A_886 : vector<16xf32> to vector<1x1x16xf32>
        tpu.vector_store %arg7[%swap3A_888, %swap3A_889, %swap3A_890], %swap3A_893 {strides = array<i32>} : memref<5x128x128xf32, #tpu.memory_space<vmem>>, vector<1x1x16xf32>,
        %get3A_894 = arith.constant 4 : i32
        %get3A_895 = arith.index_cast %get3A_894 : i32 to index
        %get3A_896 = arith.index_cast %add3A_774 : i32 to index
        %get3A_897 = arith.constant 112 : index
        %get3A_898 = tpu.vector_load %arg7[%get3A_895, %get3A_896, %get3A_897] {strides = array<i32>} : memref<5x128x128xf32, #tpu.memory_space<vmem>>, vector<1x1x16xf32>,
        %get3A_899 = vector.shape_cast %get3A_898 : vector<1x1x16xf32> to vector<16xf32>
        %mul3A_900 = arith.constant 11.3137083 : f32
        %mul3A_901 = vector.broadcast %mul3A_900 : f32 to vector<16xf32>
        %mul3A_902 = arith.mulf %get3A_899, %mul3A_901 : vector<16xf32>
        %add3A_903 = arith.addf %mul3A_902, %get3A_609 : vector<16xf32>
        %swap3A_904 = arith.constant 4 : i32
        %swap3A_905 = arith.index_cast %swap3A_904 : i32 to index
        %swap3A_906 = arith.index_cast %add3A_774 : i32 to index
        %swap3A_907 = arith.constant 112 : index
        %swap3A_908 = tpu.vector_load %arg7[%swap3A_905, %swap3A_906, %swap3A_907] {strides = array<i32>} : memref<5x128x128xf32, #tpu.memory_space<vmem>>, vector<1x1x16xf32>,
        %swap3A_909 = vector.shape_cast %swap3A_908 : vector<1x1x16xf32> to vector<16xf32>
        %swap3A_910 = vector.shape_cast %add3A_903 : vector<16xf32> to vector<1x1x16xf32>
        tpu.vector_store %arg7[%swap3A_905, %swap3A_906, %swap3A_907], %swap3A_910 {strides = array<i32>} : memref<5x128x128xf32, #tpu.memory_space<vmem>>, vector<1x1x16xf32>,
        %mul3A_911 = arith.constant 4 : i32
        %mul3A_912 = arith.muli %scan3A_631, %mul3A_911 : i32
        %add3A_913 = arith.constant 2 : i32
        %add3A_914 = arith.addi %mul3A_912, %add3A_913 : i32
        %get3A_915 = arith.constant 4 : i32
        %get3A_916 = arith.index_cast %get3A_915 : i32 to index
        %get3A_917 = arith.index_cast %add3A_914 : i32 to index
        %get3A_918 = arith.constant 0 : index
        %get3A_919 = tpu.vector_load %arg7[%get3A_916, %get3A_917, %get3A_918] {strides = array<i32>} : memref<5x128x128xf32, #tpu.memory_space<vmem>>, vector<1x1x16xf32>,
        %get3A_920 = vector.shape_cast %get3A_919 : vector<1x1x16xf32> to vector<16xf32>
        %mul3A_921 = arith.constant 11.3137083 : f32
        %mul3A_922 = vector.broadcast %mul3A_921 : f32 to vector<16xf32>
        %mul3A_923 = arith.mulf %get3A_920, %mul3A_922 : vector<16xf32>
        %add3A_924 = arith.addf %mul3A_923, %get3A_574 : vector<16xf32>
        %swap3A_925 = arith.constant 4 : i32
        %swap3A_926 = arith.index_cast %swap3A_925 : i32 to index
        %swap3A_927 = arith.index_cast %add3A_914 : i32 to index
        %swap3A_928 = arith.constant 0 : index
        %swap3A_929 = tpu.vector_load %arg7[%swap3A_926, %swap3A_927, %swap3A_928] {strides = array<i32>} : memref<5x128x128xf32, #tpu.memory_space<vmem>>, vector<1x1x16xf32>,
        %swap3A_930 = vector.shape_cast %swap3A_929 : vector<1x1x16xf32> to vector<16xf32>
        %swap3A_931 = vector.shape_cast %add3A_924 : vector<16xf32> to vector<1x1x16xf32>
        tpu.vector_store %arg7[%swap3A_926, %swap3A_927, %swap3A_928], %swap3A_931 {strides = array<i32>} : memref<5x128x128xf32, #tpu.memory_space<vmem>>, vector<1x1x16xf32>,
        %get3A_932 = arith.constant 4 : i32
        %get3A_933 = arith.index_cast %get3A_932 : i32 to index
        %get3A_934 = arith.index_cast %add3A_914 : i32 to index
        %get3A_935 = arith.constant 16 : index
        %get3A_936 = tpu.vector_load %arg7[%get3A_933, %get3A_934, %get3A_935] {strides = array<i32>} : memref<5x128x128xf32, #tpu.memory_space<vmem>>, vector<1x1x16xf32>,
        %get3A_937 = vector.shape_cast %get3A_936 : vector<1x1x16xf32> to vector<16xf32>
        %mul3A_938 = arith.constant 11.3137083 : f32
        %mul3A_939 = vector.broadcast %mul3A_938 : f32 to vector<16xf32>
        %mul3A_940 = arith.mulf %get3A_937, %mul3A_939 : vector<16xf32>
        %add3A_941 = arith.addf %mul3A_940, %get3A_579 : vector<16xf32>
        %swap3A_942 = arith.constant 4 : i32
        %swap3A_943 = arith.index_cast %swap3A_942 : i32 to index
        %swap3A_944 = arith.index_cast %add3A_914 : i32 to index
        %swap3A_945 = arith.constant 16 : index
        %swap3A_946 = tpu.vector_load %arg7[%swap3A_943, %swap3A_944, %swap3A_945] {strides = array<i32>} : memref<5x128x128xf32, #tpu.memory_space<vmem>>, vector<1x1x16xf32>,
        %swap3A_947 = vector.shape_cast %swap3A_946 : vector<1x1x16xf32> to vector<16xf32>
        %swap3A_948 = vector.shape_cast %add3A_941 : vector<16xf32> to vector<1x1x16xf32>
        tpu.vector_store %arg7[%swap3A_943, %swap3A_944, %swap3A_945], %swap3A_948 {strides = array<i32>} : memref<5x128x128xf32, #tpu.memory_space<vmem>>, vector<1x1x16xf32>,
        %get3A_949 = arith.constant 4 : i32
        %get3A_950 = arith.index_cast %get3A_949 : i32 to index
        %get3A_951 = arith.index_cast %add3A_914 : i32 to index
        %get3A_952 = arith.constant 32 : index
        %get3A_953 = tpu.vector_load %arg7[%get3A_950, %get3A_951, %get3A_952] {strides = array<i32>} : memref<5x128x128xf32, #tpu.memory_space<vmem>>, vector<1x1x16xf32>,
        %get3A_954 = vector.shape_cast %get3A_953 : vector<1x1x16xf32> to vector<16xf32>
        %mul3A_955 = arith.constant 11.3137083 : f32
        %mul3A_956 = vector.broadcast %mul3A_955 : f32 to vector<16xf32>
        %mul3A_957 = arith.mulf %get3A_954, %mul3A_956 : vector<16xf32>
        %add3A_958 = arith.addf %mul3A_957, %get3A_584 : vector<16xf32>
        %swap3A_959 = arith.constant 4 : i32
        %swap3A_960 = arith.index_cast %swap3A_959 : i32 to index
        %swap3A_961 = arith.index_cast %add3A_914 : i32 to index
        %swap3A_962 = arith.constant 32 : index
        %swap3A_963 = tpu.vector_load %arg7[%swap3A_960, %swap3A_961, %swap3A_962] {strides = array<i32>} : memref<5x128x128xf32, #tpu.memory_space<vmem>>, vector<1x1x16xf32>,
        %swap3A_964 = vector.shape_cast %swap3A_963 : vector<1x1x16xf32> to vector<16xf32>
        %swap3A_965 = vector.shape_cast %add3A_958 : vector<16xf32> to vector<1x1x16xf32>
        tpu.vector_store %arg7[%swap3A_960, %swap3A_961, %swap3A_962], %swap3A_965 {strides = array<i32>} : memref<5x128x128xf32, #tpu.memory_space<vmem>>, vector<1x1x16xf32>,
        %get3A_966 = arith.constant 4 : i32
        %get3A_967 = arith.index_cast %get3A_966 : i32 to index
        %get3A_968 = arith.index_cast %add3A_914 : i32 to index
        %get3A_969 = arith.constant 48 : index
        %get3A_970 = tpu.vector_load %arg7[%get3A_967, %get3A_968, %get3A_969] {strides = array<i32>} : memref<5x128x128xf32, #tpu.memory_space<vmem>>, vector<1x1x16xf32>,
        %get3A_971 = vector.shape_cast %get3A_970 : vector<1x1x16xf32> to vector<16xf32>
        %mul3A_972 = arith.constant 11.3137083 : f32
        %mul3A_973 = vector.broadcast %mul3A_972 : f32 to vector<16xf32>
        %mul3A_974 = arith.mulf %get3A_971, %mul3A_973 : vector<16xf32>
        %add3A_975 = arith.addf %mul3A_974, %get3A_589 : vector<16xf32>
        %swap3A_976 = arith.constant 4 : i32
        %swap3A_977 = arith.index_cast %swap3A_976 : i32 to index
        %swap3A_978 = arith.index_cast %add3A_914 : i32 to index
        %swap3A_979 = arith.constant 48 : index
        %swap3A_980 = tpu.vector_load %arg7[%swap3A_977, %swap3A_978, %swap3A_979] {strides = array<i32>} : memref<5x128x128xf32, #tpu.memory_space<vmem>>, vector<1x1x16xf32>,
        %swap3A_981 = vector.shape_cast %swap3A_980 : vector<1x1x16xf32> to vector<16xf32>
        %swap3A_982 = vector.shape_cast %add3A_975 : vector<16xf32> to vector<1x1x16xf32>
        tpu.vector_store %arg7[%swap3A_977, %swap3A_978, %swap3A_979], %swap3A_982 {strides = array<i32>} : memref<5x128x128xf32, #tpu.memory_space<vmem>>, vector<1x1x16xf32>,
        %get3A_983 = arith.constant 4 : i32
        %get3A_984 = arith.index_cast %get3A_983 : i32 to index
        %get3A_985 = arith.index_cast %add3A_914 : i32 to index
        %get3A_986 = arith.constant 64 : index
        %get3A_987 = tpu.vector_load %arg7[%get3A_984, %get3A_985, %get3A_986] {strides = array<i32>} : memref<5x128x128xf32, #tpu.memory_space<vmem>>, vector<1x1x16xf32>,
        %get3A_988 = vector.shape_cast %get3A_987 : vector<1x1x16xf32> to vector<16xf32>
        %mul3A_989 = arith.constant 11.3137083 : f32
        %mul3A_990 = vector.broadcast %mul3A_989 : f32 to vector<16xf32>
        %mul3A_991 = arith.mulf %get3A_988, %mul3A_990 : vector<16xf32>
        %add3A_992 = arith.addf %mul3A_991, %get3A_594 : vector<16xf32>
        %swap3A_993 = arith.constant 4 : i32
        %swap3A_994 = arith.index_cast %swap3A_993 : i32 to index
        %swap3A_995 = arith.index_cast %add3A_914 : i32 to index
        %swap3A_996 = arith.constant 64 : index
        %swap3A_997 = tpu.vector_load %arg7[%swap3A_994, %swap3A_995, %swap3A_996] {strides = array<i32>} : memref<5x128x128xf32, #tpu.memory_space<vmem>>, vector<1x1x16xf32>,
        %swap3A_998 = vector.shape_cast %swap3A_997 : vector<1x1x16xf32> to vector<16xf32>
        %swap3A_999 = vector.shape_cast %add3A_992 : vector<16xf32> to vector<1x1x16xf32>
        tpu.vector_store %arg7[%swap3A_994, %swap3A_995, %swap3A_996], %swap3A_999 {strides = array<i32>} : memref<5x128x128xf32, #tpu.memory_space<vmem>>, vector<1x1x16xf32>,
        %get3A_1000 = arith.constant 4 : i32
        %get3A_1001 = arith.index_cast %get3A_1000 : i32 to index
        %get3A_1002 = arith.index_cast %add3A_914 : i32 to index
        %get3A_1003 = arith.constant 80 : index
        %get3A_1004 = tpu.vector_load %arg7[%get3A_1001, %get3A_1002, %get3A_1003] {strides = array<i32>} : memref<5x128x128xf32, #tpu.memory_space<vmem>>, vector<1x1x16xf32>,
        %get3A_1005 = vector.shape_cast %get3A_1004 : vector<1x1x16xf32> to vector<16xf32>
        %mul3A_1006 = arith.constant 11.3137083 : f32
        %mul3A_1007 = vector.broadcast %mul3A_1006 : f32 to vector<16xf32>
        %mul3A_1008 = arith.mulf %get3A_1005, %mul3A_1007 : vector<16xf32>
        %add3A_1009 = arith.addf %mul3A_1008, %get3A_599 : vector<16xf32>
        %swap3A_1010 = arith.constant 4 : i32
        %swap3A_1011 = arith.index_cast %swap3A_1010 : i32 to index
        %swap3A_1012 = arith.index_cast %add3A_914 : i32 to index
        %swap3A_1013 = arith.constant 80 : index
        %swap3A_1014 = tpu.vector_load %arg7[%swap3A_1011, %swap3A_1012, %swap3A_1013] {strides = array<i32>} : memref<5x128x128xf32, #tpu.memory_space<vmem>>, vector<1x1x16xf32>,
        %swap3A_1015 = vector.shape_cast %swap3A_1014 : vector<1x1x16xf32> to vector<16xf32>
        %swap3A_1016 = vector.shape_cast %add3A_1009 : vector<16xf32> to vector<1x1x16xf32>
        tpu.vector_store %arg7[%swap3A_1011, %swap3A_1012, %swap3A_1013], %swap3A_1016 {strides = array<i32>} : memref<5x128x128xf32, #tpu.memory_space<vmem>>, vector<1x1x16xf32>,
        %get3A_1017 = arith.constant 4 : i32
        %get3A_1018 = arith.index_cast %get3A_1017 : i32 to index
        %get3A_1019 = arith.index_cast %add3A_914 : i32 to index
        %get3A_1020 = arith.constant 96 : index
        %get3A_1021 = tpu.vector_load %arg7[%get3A_1018, %get3A_1019, %get3A_1020] {strides = array<i32>} : memref<5x128x128xf32, #tpu.memory_space<vmem>>, vector<1x1x16xf32>,
        %get3A_1022 = vector.shape_cast %get3A_1021 : vector<1x1x16xf32> to vector<16xf32>
        %mul3A_1023 = arith.constant 11.3137083 : f32
        %mul3A_1024 = vector.broadcast %mul3A_1023 : f32 to vector<16xf32>
        %mul3A_1025 = arith.mulf %get3A_1022, %mul3A_1024 : vector<16xf32>
        %add3A_1026 = arith.addf %mul3A_1025, %get3A_604 : vector<16xf32>
        %swap3A_1027 = arith.constant 4 : i32
        %swap3A_1028 = arith.index_cast %swap3A_1027 : i32 to index
        %swap3A_1029 = arith.index_cast %add3A_914 : i32 to index
        %swap3A_1030 = arith.constant 96 : index
        %swap3A_1031 = tpu.vector_load %arg7[%swap3A_1028, %swap3A_1029, %swap3A_1030] {strides = array<i32>} : memref<5x128x128xf32, #tpu.memory_space<vmem>>, vector<1x1x16xf32>,
        %swap3A_1032 = vector.shape_cast %swap3A_1031 : vector<1x1x16xf32> to vector<16xf32>
        %swap3A_1033 = vector.shape_cast %add3A_1026 : vector<16xf32> to vector<1x1x16xf32>
        tpu.vector_store %arg7[%swap3A_1028, %swap3A_1029, %swap3A_1030], %swap3A_1033 {strides = array<i32>} : memref<5x128x128xf32, #tpu.memory_space<vmem>>, vector<1x1x16xf32>,
        %get3A_1034 = arith.constant 4 : i32
        %get3A_1035 = arith.index_cast %get3A_1034 : i32 to index
        %get3A_1036 = arith.index_cast %add3A_914 : i32 to index
        %get3A_1037 = arith.constant 112 : index
        %get3A_1038 = tpu.vector_load %arg7[%get3A_1035, %get3A_1036, %get3A_1037] {strides = array<i32>} : memref<5x128x128xf32, #tpu.memory_space<vmem>>, vector<1x1x16xf32>,
        %get3A_1039 = vector.shape_cast %get3A_1038 : vector<1x1x16xf32> to vector<16xf32>
        %mul3A_1040 = arith.constant 11.3137083 : f32
        %mul3A_1041 = vector.broadcast %mul3A_1040 : f32 to vector<16xf32>
        %mul3A_1042 = arith.mulf %get3A_1039, %mul3A_1041 : vector<16xf32>
        %add3A_1043 = arith.addf %mul3A_1042, %get3A_609 : vector<16xf32>
        %swap3A_1044 = arith.constant 4 : i32
        %swap3A_1045 = arith.index_cast %swap3A_1044 : i32 to index
        %swap3A_1046 = arith.index_cast %add3A_914 : i32 to index
        %swap3A_1047 = arith.constant 112 : index
        %swap3A_1048 = tpu.vector_load %arg7[%swap3A_1045, %swap3A_1046, %swap3A_1047] {strides = array<i32>} : memref<5x128x128xf32, #tpu.memory_space<vmem>>, vector<1x1x16xf32>,
        %swap3A_1049 = vector.shape_cast %swap3A_1048 : vector<1x1x16xf32> to vector<16xf32>
        %swap3A_1050 = vector.shape_cast %add3A_1043 : vector<16xf32> to vector<1x1x16xf32>
        tpu.vector_store %arg7[%swap3A_1045, %swap3A_1046, %swap3A_1047], %swap3A_1050 {strides = array<i32>} : memref<5x128x128xf32, #tpu.memory_space<vmem>>, vector<1x1x16xf32>,
        %mul3A_1051 = arith.constant 4 : i32
        %mul3A_1052 = arith.muli %scan3A_631, %mul3A_1051 : i32
        %add3A_1053 = arith.constant 3 : i32
        %add3A_1054 = arith.addi %mul3A_1052, %add3A_1053 : i32
        %get3A_1055 = arith.constant 4 : i32
        %get3A_1056 = arith.index_cast %get3A_1055 : i32 to index
        %get3A_1057 = arith.index_cast %add3A_1054 : i32 to index
        %get3A_1058 = arith.constant 0 : index
        %get3A_1059 = tpu.vector_load %arg7[%get3A_1056, %get3A_1057, %get3A_1058] {strides = array<i32>} : memref<5x128x128xf32, #tpu.memory_space<vmem>>, vector<1x1x16xf32>,
        %get3A_1060 = vector.shape_cast %get3A_1059 : vector<1x1x16xf32> to vector<16xf32>
        %mul3A_1061 = arith.constant 11.3137083 : f32
        %mul3A_1062 = vector.broadcast %mul3A_1061 : f32 to vector<16xf32>
        %mul3A_1063 = arith.mulf %get3A_1060, %mul3A_1062 : vector<16xf32>
        %add3A_1064 = arith.addf %mul3A_1063, %get3A_574 : vector<16xf32>
        %swap3A_1065 = arith.constant 4 : i32
        %swap3A_1066 = arith.index_cast %swap3A_1065 : i32 to index
        %swap3A_1067 = arith.index_cast %add3A_1054 : i32 to index
        %swap3A_1068 = arith.constant 0 : index
        %swap3A_1069 = tpu.vector_load %arg7[%swap3A_1066, %swap3A_1067, %swap3A_1068] {strides = array<i32>} : memref<5x128x128xf32, #tpu.memory_space<vmem>>, vector<1x1x16xf32>,
        %swap3A_1070 = vector.shape_cast %swap3A_1069 : vector<1x1x16xf32> to vector<16xf32>
        %swap3A_1071 = vector.shape_cast %add3A_1064 : vector<16xf32> to vector<1x1x16xf32>
        tpu.vector_store %arg7[%swap3A_1066, %swap3A_1067, %swap3A_1068], %swap3A_1071 {strides = array<i32>} : memref<5x128x128xf32, #tpu.memory_space<vmem>>, vector<1x1x16xf32>,
        %get3A_1072 = arith.constant 4 : i32
        %get3A_1073 = arith.index_cast %get3A_1072 : i32 to index
        %get3A_1074 = arith.index_cast %add3A_1054 : i32 to index
        %get3A_1075 = arith.constant 16 : index
        %get3A_1076 = tpu.vector_load %arg7[%get3A_1073, %get3A_1074, %get3A_1075] {strides = array<i32>} : memref<5x128x128xf32, #tpu.memory_space<vmem>>, vector<1x1x16xf32>,
        %get3A_1077 = vector.shape_cast %get3A_1076 : vector<1x1x16xf32> to vector<16xf32>
        %mul3A_1078 = arith.constant 11.3137083 : f32
        %mul3A_1079 = vector.broadcast %mul3A_1078 : f32 to vector<16xf32>
        %mul3A_1080 = arith.mulf %get3A_1077, %mul3A_1079 : vector<16xf32>
        %add3A_1081 = arith.addf %mul3A_1080, %get3A_579 : vector<16xf32>
        %swap3A_1082 = arith.constant 4 : i32
        %swap3A_1083 = arith.index_cast %swap3A_1082 : i32 to index
        %swap3A_1084 = arith.index_cast %add3A_1054 : i32 to index
        %swap3A_1085 = arith.constant 16 : index
        %swap3A_1086 = tpu.vector_load %arg7[%swap3A_1083, %swap3A_1084, %swap3A_1085] {strides = array<i32>} : memref<5x128x128xf32, #tpu.memory_space<vmem>>, vector<1x1x16xf32>,
        %swap3A_1087 = vector.shape_cast %swap3A_1086 : vector<1x1x16xf32> to vector<16xf32>
        %swap3A_1088 = vector.shape_cast %add3A_1081 : vector<16xf32> to vector<1x1x16xf32>
        tpu.vector_store %arg7[%swap3A_1083, %swap3A_1084, %swap3A_1085], %swap3A_1088 {strides = array<i32>} : memref<5x128x128xf32, #tpu.memory_space<vmem>>, vector<1x1x16xf32>,
        %get3A_1089 = arith.constant 4 : i32
        %get3A_1090 = arith.index_cast %get3A_1089 : i32 to index
        %get3A_1091 = arith.index_cast %add3A_1054 : i32 to index
        %get3A_1092 = arith.constant 32 : index
        %get3A_1093 = tpu.vector_load %arg7[%get3A_1090, %get3A_1091, %get3A_1092] {strides = array<i32>} : memref<5x128x128xf32, #tpu.memory_space<vmem>>, vector<1x1x16xf32>,
        %get3A_1094 = vector.shape_cast %get3A_1093 : vector<1x1x16xf32> to vector<16xf32>
        %mul3A_1095 = arith.constant 11.3137083 : f32
        %mul3A_1096 = vector.broadcast %mul3A_1095 : f32 to vector<16xf32>
        %mul3A_1097 = arith.mulf %get3A_1094, %mul3A_1096 : vector<16xf32>
        %add3A_1098 = arith.addf %mul3A_1097, %get3A_584 : vector<16xf32>
        %swap3A_1099 = arith.constant 4 : i32
        %swap3A_1100 = arith.index_cast %swap3A_1099 : i32 to index
        %swap3A_1101 = arith.index_cast %add3A_1054 : i32 to index
        %swap3A_1102 = arith.constant 32 : index
        %swap3A_1103 = tpu.vector_load %arg7[%swap3A_1100, %swap3A_1101, %swap3A_1102] {strides = array<i32>} : memref<5x128x128xf32, #tpu.memory_space<vmem>>, vector<1x1x16xf32>,
        %swap3A_1104 = vector.shape_cast %swap3A_1103 : vector<1x1x16xf32> to vector<16xf32>
        %swap3A_1105 = vector.shape_cast %add3A_1098 : vector<16xf32> to vector<1x1x16xf32>
        tpu.vector_store %arg7[%swap3A_1100, %swap3A_1101, %swap3A_1102], %swap3A_1105 {strides = array<i32>} : memref<5x128x128xf32, #tpu.memory_space<vmem>>, vector<1x1x16xf32>,
        %get3A_1106 = arith.constant 4 : i32
        %get3A_1107 = arith.index_cast %get3A_1106 : i32 to index
        %get3A_1108 = arith.index_cast %add3A_1054 : i32 to index
        %get3A_1109 = arith.constant 48 : index
        %get3A_1110 = tpu.vector_load %arg7[%get3A_1107, %get3A_1108, %get3A_1109] {strides = array<i32>} : memref<5x128x128xf32, #tpu.memory_space<vmem>>, vector<1x1x16xf32>,
        %get3A_1111 = vector.shape_cast %get3A_1110 : vector<1x1x16xf32> to vector<16xf32>
        %mul3A_1112 = arith.constant 11.3137083 : f32
        %mul3A_1113 = vector.broadcast %mul3A_1112 : f32 to vector<16xf32>
        %mul3A_1114 = arith.mulf %get3A_1111, %mul3A_1113 : vector<16xf32>
        %add3A_1115 = arith.addf %mul3A_1114, %get3A_589 : vector<16xf32>
        %swap3A_1116 = arith.constant 4 : i32
        %swap3A_1117 = arith.index_cast %swap3A_1116 : i32 to index
        %swap3A_1118 = arith.index_cast %add3A_1054 : i32 to index
        %swap3A_1119 = arith.constant 48 : index
        %swap3A_1120 = tpu.vector_load %arg7[%swap3A_1117, %swap3A_1118, %swap3A_1119] {strides = array<i32>} : memref<5x128x128xf32, #tpu.memory_space<vmem>>, vector<1x1x16xf32>,
        %swap3A_1121 = vector.shape_cast %swap3A_1120 : vector<1x1x16xf32> to vector<16xf32>
        %swap3A_1122 = vector.shape_cast %add3A_1115 : vector<16xf32> to vector<1x1x16xf32>
        tpu.vector_store %arg7[%swap3A_1117, %swap3A_1118, %swap3A_1119], %swap3A_1122 {strides = array<i32>} : memref<5x128x128xf32, #tpu.memory_space<vmem>>, vector<1x1x16xf32>,
        %get3A_1123 = arith.constant 4 : i32
        %get3A_1124 = arith.index_cast %get3A_1123 : i32 to index
        %get3A_1125 = arith.index_cast %add3A_1054 : i32 to index
        %get3A_1126 = arith.constant 64 : index
        %get3A_1127 = tpu.vector_load %arg7[%get3A_1124, %get3A_1125, %get3A_1126] {strides = array<i32>} : memref<5x128x128xf32, #tpu.memory_space<vmem>>, vector<1x1x16xf32>,
        %get3A_1128 = vector.shape_cast %get3A_1127 : vector<1x1x16xf32> to vector<16xf32>
        %mul3A_1129 = arith.constant 11.3137083 : f32
        %mul3A_1130 = vector.broadcast %mul3A_1129 : f32 to vector<16xf32>
        %mul3A_1131 = arith.mulf %get3A_1128, %mul3A_1130 : vector<16xf32>
        %add3A_1132 = arith.addf %mul3A_1131, %get3A_594 : vector<16xf32>
        %swap3A_1133 = arith.constant 4 : i32
        %swap3A_1134 = arith.index_cast %swap3A_1133 : i32 to index
        %swap3A_1135 = arith.index_cast %add3A_1054 : i32 to index
        %swap3A_1136 = arith.constant 64 : index
        %swap3A_1137 = tpu.vector_load %arg7[%swap3A_1134, %swap3A_1135, %swap3A_1136] {strides = array<i32>} : memref<5x128x128xf32, #tpu.memory_space<vmem>>, vector<1x1x16xf32>,
        %swap3A_1138 = vector.shape_cast %swap3A_1137 : vector<1x1x16xf32> to vector<16xf32>
        %swap3A_1139 = vector.shape_cast %add3A_1132 : vector<16xf32> to vector<1x1x16xf32>
        tpu.vector_store %arg7[%swap3A_1134, %swap3A_1135, %swap3A_1136], %swap3A_1139 {strides = array<i32>} : memref<5x128x128xf32, #tpu.memory_space<vmem>>, vector<1x1x16xf32>,
        %get3A_1140 = arith.constant 4 : i32
        %get3A_1141 = arith.index_cast %get3A_1140 : i32 to index
        %get3A_1142 = arith.index_cast %add3A_1054 : i32 to index
        %get3A_1143 = arith.constant 80 : index
        %get3A_1144 = tpu.vector_load %arg7[%get3A_1141, %get3A_1142, %get3A_1143] {strides = array<i32>} : memref<5x128x128xf32, #tpu.memory_space<vmem>>, vector<1x1x16xf32>,
        %get3A_1145 = vector.shape_cast %get3A_1144 : vector<1x1x16xf32> to vector<16xf32>
        %mul3A_1146 = arith.constant 11.3137083 : f32
        %mul3A_1147 = vector.broadcast %mul3A_1146 : f32 to vector<16xf32>
        %mul3A_1148 = arith.mulf %get3A_1145, %mul3A_1147 : vector<16xf32>
        %add3A_1149 = arith.addf %mul3A_1148, %get3A_599 : vector<16xf32>
        %swap3A_1150 = arith.constant 4 : i32
        %swap3A_1151 = arith.index_cast %swap3A_1150 : i32 to index
        %swap3A_1152 = arith.index_cast %add3A_1054 : i32 to index
        %swap3A_1153 = arith.constant 80 : index
        %swap3A_1154 = tpu.vector_load %arg7[%swap3A_1151, %swap3A_1152, %swap3A_1153] {strides = array<i32>} : memref<5x128x128xf32, #tpu.memory_space<vmem>>, vector<1x1x16xf32>,
        %swap3A_1155 = vector.shape_cast %swap3A_1154 : vector<1x1x16xf32> to vector<16xf32>
        %swap3A_1156 = vector.shape_cast %add3A_1149 : vector<16xf32> to vector<1x1x16xf32>
        tpu.vector_store %arg7[%swap3A_1151, %swap3A_1152, %swap3A_1153], %swap3A_1156 {strides = array<i32>} : memref<5x128x128xf32, #tpu.memory_space<vmem>>, vector<1x1x16xf32>,
        %get3A_1157 = arith.constant 4 : i32
        %get3A_1158 = arith.index_cast %get3A_1157 : i32 to index
        %get3A_1159 = arith.index_cast %add3A_1054 : i32 to index
        %get3A_1160 = arith.constant 96 : index
        %get3A_1161 = tpu.vector_load %arg7[%get3A_1158, %get3A_1159, %get3A_1160] {strides = array<i32>} : memref<5x128x128xf32, #tpu.memory_space<vmem>>, vector<1x1x16xf32>,
        %get3A_1162 = vector.shape_cast %get3A_1161 : vector<1x1x16xf32> to vector<16xf32>
        %mul3A_1163 = arith.constant 11.3137083 : f32
        %mul3A_1164 = vector.broadcast %mul3A_1163 : f32 to vector<16xf32>
        %mul3A_1165 = arith.mulf %get3A_1162, %mul3A_1164 : vector<16xf32>
        %add3A_1166 = arith.addf %mul3A_1165, %get3A_604 : vector<16xf32>
        %swap3A_1167 = arith.constant 4 : i32
        %swap3A_1168 = arith.index_cast %swap3A_1167 : i32 to index
        %swap3A_1169 = arith.index_cast %add3A_1054 : i32 to index
        %swap3A_1170 = arith.constant 96 : index
        %swap3A_1171 = tpu.vector_load %arg7[%swap3A_1168, %swap3A_1169, %swap3A_1170] {strides = array<i32>} : memref<5x128x128xf32, #tpu.memory_space<vmem>>, vector<1x1x16xf32>,
        %swap3A_1172 = vector.shape_cast %swap3A_1171 : vector<1x1x16xf32> to vector<16xf32>
        %swap3A_1173 = vector.shape_cast %add3A_1166 : vector<16xf32> to vector<1x1x16xf32>
        tpu.vector_store %arg7[%swap3A_1168, %swap3A_1169, %swap3A_1170], %swap3A_1173 {strides = array<i32>} : memref<5x128x128xf32, #tpu.memory_space<vmem>>, vector<1x1x16xf32>,
        %get3A_1174 = arith.constant 4 : i32
        %get3A_1175 = arith.index_cast %get3A_1174 : i32 to index
        %get3A_1176 = arith.index_cast %add3A_1054 : i32 to index
        %get3A_1177 = arith.constant 112 : index
        %get3A_1178 = tpu.vector_load %arg7[%get3A_1175, %get3A_1176, %get3A_1177] {strides = array<i32>} : memref<5x128x128xf32, #tpu.memory_space<vmem>>, vector<1x1x16xf32>,
        %get3A_1179 = vector.shape_cast %get3A_1178 : vector<1x1x16xf32> to vector<16xf32>
        %mul3A_1180 = arith.constant 11.3137083 : f32
        %mul3A_1181 = vector.broadcast %mul3A_1180 : f32 to vector<16xf32>
        %mul3A_1182 = arith.mulf %get3A_1179, %mul3A_1181 : vector<16xf32>
        %add3A_1183 = arith.addf %mul3A_1182, %get3A_609 : vector<16xf32>
        %swap3A_1184 = arith.constant 4 : i32
        %swap3A_1185 = arith.index_cast %swap3A_1184 : i32 to index
        %swap3A_1186 = arith.index_cast %add3A_1054 : i32 to index
        %swap3A_1187 = arith.constant 112 : index
        %swap3A_1188 = tpu.vector_load %arg7[%swap3A_1185, %swap3A_1186, %swap3A_1187] {strides = array<i32>} : memref<5x128x128xf32, #tpu.memory_space<vmem>>, vector<1x1x16xf32>,
        %swap3A_1189 = vector.shape_cast %swap3A_1188 : vector<1x1x16xf32> to vector<16xf32>
        %swap3A_1190 = vector.shape_cast %add3A_1183 : vector<16xf32> to vector<1x1x16xf32>
        tpu.vector_store %arg7[%swap3A_1185, %swap3A_1186, %swap3A_1187], %swap3A_1190 {strides = array<i32>} : memref<5x128x128xf32, #tpu.memory_space<vmem>>, vector<1x1x16xf32>,
      }
      %scan3A_615 = arith.constant 32 : i32
      %dma_start3A_616 = arith.constant 4 : i32
      %dma_start3A_617 = arith.constant 0 : i32
      %dma_start3A_618 = arith.constant 0 : i32
      %dma_start3A_619 = tpu.memref_slice %arg7[%dma_start3A_616, %dma_start3A_617, %dma_start3A_618] : memref<5x128x128xf32, #tpu.memory_space<vmem>> -> memref<1x128x128xf32, #tpu.memory_space<vmem>>
      %dma_start3A_620 = tpu.memref_squeeze %dma_start3A_619 : memref<1x128x128xf32, #tpu.memory_space<vmem>> -> memref<128x128xf32, #tpu.memory_space<vmem>>
      %dma_start3A_621 = arith.constant 0 : i32
      %dma_start3A_622 = tpu.memref_slice %arg5[%and3A_569, %shift_right_logical3A_567, %dma_start3A_621] : memref<4096x200x128xf32, #tpu.memory_space<hbm>> -> memref<128x1x128xf32, #tpu.memory_space<hbm>>
      %dma_start3A_623 = tpu.memref_squeeze %dma_start3A_622 : memref<128x1x128xf32, #tpu.memory_space<hbm>> -> memref<128x128xf32, #tpu.memory_space<hbm>>
      %dma_start3A_624 = arith.constant 0 : i32
      %dma_start3A_625 = tpu.memref_slice %arg5[%and3A_569, %shift_right_logical3A_567, %dma_start3A_624] : memref<4096x200x128xf32, #tpu.memory_space<hbm>> -> memref<128x1x128xf32, #tpu.memory_space<hbm>>
      %dma_start3A_626 = tpu.memref_squeeze %dma_start3A_625 : memref<128x1x128xf32, #tpu.memory_space<hbm>> -> memref<128x128xf32, #tpu.memory_space<hbm>>
      %dma_start3A_627 = arith.constant 0 : i32
      %dma_start3A_628 = arith.constant 0 : i32
      %dma_start3A_629 = tpu.memref_slice %arg7[%dma_start3A_616, %dma_start3A_627, %dma_start3A_628] : memref<5x128x128xf32, #tpu.memory_space<vmem>> -> memref<1x128x128xf32, #tpu.memory_space<vmem>>
      %dma_start3A_630 = tpu.memref_squeeze %dma_start3A_629 : memref<1x128x128xf32, #tpu.memory_space<vmem>> -> memref<128x128xf32, #tpu.memory_space<vmem>>
      tpu.enqueue_dma source(%dma_start3A_630 : memref<128x128xf32, #tpu.memory_space<vmem>>) target(%dma_start3A_626 : memref<128x128xf32, #tpu.memory_space<hbm>>) target_semaphore(%arg18 : memref<!tpu.dma_semaphore, #tpu.memory_space<semaphore_mem>>)
    }
    %scan3A_46 = arith.constant 40 : i32
    %dma_wait3A = arith.constant 3 : i32
    %dma_wait3A_47 = arith.constant 0 : i32
    %dma_wait3A_48 = arith.constant 0 : i32
    %dma_wait3A_49 = arith.constant 0 : i32
    %dma_wait3A_50 = tpu.memref_slice %arg7[%dma_wait3A, %dma_wait3A_48, %dma_wait3A_49] : memref<5x128x128xf32, #tpu.memory_space<vmem>> -> memref<1x128x128xf32, #tpu.memory_space<vmem>>
    %dma_wait3A_51 = tpu.memref_squeeze %dma_wait3A_50 : memref<1x128x128xf32, #tpu.memory_space<vmem>> -> memref<128x128xf32, #tpu.memory_space<vmem>>
    %dma_wait3A_52 = arith.constant 0 : i32
    %dma_wait3A_53 = arith.constant 0 : i32
    %dma_wait3A_54 = tpu.memref_slice %arg5[%dma_wait3A_52, %dma_wait3A_47, %dma_wait3A_53] : memref<4096x200x128xf32, #tpu.memory_space<hbm>> -> memref<128x1x128xf32, #tpu.memory_space<hbm>>
    %dma_wait3A_55 = tpu.memref_squeeze %dma_wait3A_54 : memref<128x1x128xf32, #tpu.memory_space<hbm>> -> memref<128x128xf32, #tpu.memory_space<hbm>>
    %dma_wait3A_56 = arith.constant 0 : i32
    %dma_wait3A_57 = arith.constant 0 : i32
    %dma_wait3A_58 = tpu.memref_slice %arg5[%dma_wait3A_56, %dma_wait3A_47, %dma_wait3A_57] : memref<4096x200x128xf32, #tpu.memory_space<hbm>> -> memref<128x1x128xf32, #tpu.memory_space<hbm>>
    %dma_wait3A_59 = tpu.memref_squeeze %dma_wait3A_58 : memref<128x1x128xf32, #tpu.memory_space<hbm>> -> memref<128x128xf32, #tpu.memory_space<hbm>>
    %dma_wait3A_60 = arith.constant 0 : i32
    %dma_wait3A_61 = arith.constant 0 : i32
    %dma_wait3A_62 = tpu.memref_slice %arg7[%dma_wait3A, %dma_wait3A_60, %dma_wait3A_61] : memref<5x128x128xf32, #tpu.memory_space<vmem>> -> memref<1x128x128xf32, #tpu.memory_space<vmem>>
    %dma_wait3A_63 = tpu.memref_squeeze %dma_wait3A_62 : memref<1x128x128xf32, #tpu.memory_space<vmem>> -> memref<128x128xf32, #tpu.memory_space<vmem>>
    tpu.wait_dma2 semaphore(%arg17 : memref<!tpu.dma_semaphore, #tpu.memory_space<semaphore_mem>>) src(%dma_wait3A_63 : memref<128x128xf32, #tpu.memory_space<vmem>>) dst(%dma_wait3A_59 : memref<128x128xf32, #tpu.memory_space<hbm>>)
    %dma_wait3A_64 = arith.constant 4 : i32
    %dma_wait3A_65 = arith.constant 0 : i32
    %dma_wait3A_66 = arith.constant 0 : i32
    %dma_wait3A_67 = arith.constant 0 : i32
    %dma_wait3A_68 = tpu.memref_slice %arg7[%dma_wait3A_64, %dma_wait3A_66, %dma_wait3A_67] : memref<5x128x128xf32, #tpu.memory_space<vmem>> -> memref<1x128x128xf32, #tpu.memory_space<vmem>>
    %dma_wait3A_69 = tpu.memref_squeeze %dma_wait3A_68 : memref<1x128x128xf32, #tpu.memory_space<vmem>> -> memref<128x128xf32, #tpu.memory_space<vmem>>
    %dma_wait3A_70 = arith.constant 0 : i32
    %dma_wait3A_71 = arith.constant 0 : i32
    %dma_wait3A_72 = tpu.memref_slice %arg5[%dma_wait3A_70, %dma_wait3A_65, %dma_wait3A_71] : memref<4096x200x128xf32, #tpu.memory_space<hbm>> -> memref<128x1x128xf32, #tpu.memory_space<hbm>>
    %dma_wait3A_73 = tpu.memref_squeeze %dma_wait3A_72 : memref<128x1x128xf32, #tpu.memory_space<hbm>> -> memref<128x128xf32, #tpu.memory_space<hbm>>
    %dma_wait3A_74 = arith.constant 0 : i32
    %dma_wait3A_75 = arith.constant 0 : i32
    %dma_wait3A_76 = tpu.memref_slice %arg5[%dma_wait3A_74, %dma_wait3A_65, %dma_wait3A_75] : memref<4096x200x128xf32, #tpu.memory_space<hbm>> -> memref<128x1x128xf32, #tpu.memory_space<hbm>>
    %dma_wait3A_77 = tpu.memref_squeeze %dma_wait3A_76 : memref<128x1x128xf32, #tpu.memory_space<hbm>> -> memref<128x128xf32, #tpu.memory_space<hbm>>
    %dma_wait3A_78 = arith.constant 0 : i32
    %dma_wait3A_79 = arith.constant 0 : i32
    %dma_wait3A_80 = tpu.memref_slice %arg7[%dma_wait3A_64, %dma_wait3A_78, %dma_wait3A_79] : memref<5x128x128xf32, #tpu.memory_space<vmem>> -> memref<1x128x128xf32, #tpu.memory_space<vmem>>
    %dma_wait3A_81 = tpu.memref_squeeze %dma_wait3A_80 : memref<1x128x128xf32, #tpu.memory_space<vmem>> -> memref<128x128xf32, #tpu.memory_space<vmem>>
    tpu.wait_dma2 semaphore(%arg18 : memref<!tpu.dma_semaphore, #tpu.memory_space<semaphore_mem>>) src(%dma_wait3A_81 : memref<128x128xf32, #tpu.memory_space<vmem>>) dst(%dma_wait3A_77 : memref<128x128xf32, #tpu.memory_space<hbm>>)
    return
  }
}

</mosaic_0001>

<sc_bundles>
// kernel: _sc_lookup.3.cloned.1.call-start
scs
__scs_entry_jumppad:
0x0: {  	(pc) =	sbr.rel $0x88, $3  }
0x1: {  	(tag) =	ssettag $0x0;
	lr =	simm.s32 $0x1  }
0x2: {  	[smem:$0x3F9E] =	sst lr;
	_ =	strace $0xD0000000  }
0x3: {  	_ = 	snop  }
0x4: {  	_ = 	snop  }
0x5: {  	_ = 	snop  }
0x6: {  	_ = 	snop  }
0x7: {  	_ = 	snop  }
__scs_overlays_trampoline_lowered:
0x8: {  	[smem:$0x3FAD] =	sst s0  }
0x9: {  	[smem:$0x3FAE] =	sst s1  }
0xa: {  	[smem:$0x3FAF] =	sst s2  }
0xb: {  	[smem:$0x3FB0] =	sst s3  }
0xc: {  	[smem:$0x3FB1] =	sst s4  }
0xd: {  	[smem:$0x3FB2] =	sst s5  }
0xe: {  	[smem:$0x3FB3] =	sst s6  }
0xf: {  	[smem:$0x3FB4] =	sst s7  }
0x10: {  	[smem:$0x3FB5] =	sst s8  }
0x11: {  	[smem:$0x3FB6] =	sst s9;
	s0 =	simm.s32 @!p0 $0x0  }
0x12: {  	s1 =	sld [smem:$0x3F9C];
	s0 =	simm.s32 @p0 $0x1  }
0x13: {  	[smem:$0x3FB7] =	sst s0;
	s0 =	simm.s32 @!p1 $0x0  }
0x14: {  	s2 =	sld [smem:$0x3F9B];
	s0 =	simm.s32 @p1 $0x1  }
0x15: {  	[smem:$0x3FB8] =	sst s0;
	s0 =	simm.s32 @!p2 $0x0  }
0x16: {  	s3 =	sld [smem:$0x3FDB];
	s0 =	simm.s32 @p2 $0x1  }
0x17: {  	s4 =	simm.s32 $0x1BF5;
	[smem:$0x3FBA] =	sst s0  }
0x18: {  	s0 =	sld [smem:$0x3F9D];
	_ =	swait.ge [sflag:s4], $0x0  }
0x19: {  	s7 =	sld [smem:$0x3F9E]  }
0x1a: {  	s8 =	sadd.s32 $0xFFFFE003, lr  }
0x1b: {  	s9 =	sadd.s32 $0xFFFFFEF7, lr;
	s5 =	simm.s32 $0xFFFFFFFF;
	p2 =	slt.u32 s8, $0xFFFFF086  }
0x1c: {  	p1 =	slt.u32 s9, $0xF7A;
	s5 =	simm.s32 @!p2 $0x0  }
0x1d: {  	s5 =	simm.s32 @p1 $0x1;
	p0 =	seq.s32 s7, s2  }
0x1e: {  	s7 =	smul.u32 @!p0 $0xF7A, s2;
	p2 =	seq.s32 @!p0 s5, $0x0  }
0x1f: {  	s9 =	smul.u32 $0xF7A, s1;
	s8 =	simm.s32 @!p0 $0x1BF5;
	p2 =	por !p2, p0  }
0x20: {  	[sflag:s8] =	ssyncset.s32 @!p0 $0xFFFFF086;
	s6 =	sadd.s32 @!p0 s3, s7;
	s7 =	simm.s32 @!p0 $0x108  }
0x21: {  	s3 =	sadd.s32 s3, s9;
	s6 =	sadd.s32 @!p0 $0x88, s6;
	s7 =	simm.s32 @p2 $0x1082  }
0x22: {  	[simem:s7], [sflag:s8] =	dma.local @!p0 [hbm:s6], $0xF7A  }
0x23: {  	s9 =	sor.u32 $0xD0000000, s2;
	s6 =	simm.s32 $0x108;
	_ =	swait.ge @!p0 [sflag:s8], $0x0  }
0x24: {  	s3 =	sadd.s32 $0x88, s3;
	s6 =	simm.s32 @!p1 $0x1082;
	[sflag:s4] =	ssyncset.s32 $0xFFFFF086  }
0x25: {  	[simem:s6], [sflag:s4] =	dma.local [hbm:s3], $0xF7A  }
0x26: {  	[smem:$0x3F9E] =	sst s1;
	(tag) =	ssettag s2;
	_ =	strace s9  }
0x27: {  	s1 =	sld [smem:$0x3FAE]  }
0x28: {  	s2 =	sld [smem:$0x3FAF]  }
0x29: {  	s4 =	sld [smem:$0x3FB1]  }
0x2a: {  	p0 =	seq.s32 s5, $0x0;
	s5 =	sld [smem:$0x3FB2]  }
0x2b: {  	s6 =	sld [smem:$0x3FB3]  }
0x2c: {  	s7 =	sld [smem:$0x3FB4]  }
0x2d: {  	s3 =	simm.s32 $0x108;
	s8 =	sld [smem:$0x3FB5]  }
0x2e: {  	s3 =	simm.s32 @!p0 $0x1082;
	s9 =	sld [smem:$0x3FB6]  }
0x2f: {  	lr =	sadd.s32 s0, s3;
	s0 =	sld [smem:$0x3FAD]  }
0x30: {  	s3 =	sld [smem:$0x3FB0]  }
0x31: {  	[smem:$0x3FB9] =	sst s10  }
0x32: {  	s10 =	sld [smem:$0x3FB7];
	_ =	sdelay $0x3  }
0x33: {  	p0 =	seq.s32 s10, $0x1;
	s10 =	sld [smem:$0x3FB9];
	_ =	sdelay $0x3  }
0x34: {  	[smem:$0x3FB9] =	sst s10  }
0x35: {  	s10 =	sld [smem:$0x3FB8];
	_ =	sdelay $0x3  }
0x36: {  	p1 =	seq.s32 s10, $0x1;
	s10 =	sld [smem:$0x3FB9];
	_ =	sdelay $0x3  }
0x37: {  	[smem:$0x3FB9] =	sst s10  }
0x38: {  	s10 =	sld [smem:$0x3FBA]  }
0x39: {  	_ = 	snop;
	(pc) =	sbr.ind lr, $3  }
0x3a: {  	_ = 	snop  }
0x3b: {  	_ = 	snop  }
0x3c: {  	p2 =	seq.s32 s10, $0x1;
	s10 =	sld [smem:$0x3FB9]  }
0x3d: {  	_ =	shalt  }
0x3e: {  	_ =	shalt  }
0x3f: {  	_ =	shalt  }
0x40: {  	_ =	shalt  }
0x41: {  	_ =	shalt  }
0x42: {  	_ =	shalt  }
0x43: {  	_ =	shalt  }
0x44: {  	_ =	shalt  }
0x45: {  	_ =	shalt  }
0x46: {  	_ =	shalt  }
0x47: {  	_ =	shalt  }
0x48: {  	_ =	shalt  }
0x49: {  	_ =	shalt  }
0x4a: {  	_ =	shalt  }
0x4b: {  	_ =	shalt  }
0x4c: {  	_ =	shalt  }
0x4d: {  	_ =	shalt  }
0x4e: {  	_ =	shalt  }
0x4f: {  	_ =	shalt  }
0x50: {  	_ =	shalt  }
0x51: {  	_ =	shalt  }
0x52: {  	_ =	shalt  }
0x53: {  	_ =	shalt  }
0x54: {  	_ =	shalt  }
0x55: {  	_ =	shalt  }
0x56: {  	_ =	shalt  }
0x57: {  	_ =	shalt  }
0x58: {  	_ =	shalt  }
0x59: {  	_ =	shalt  }
0x5a: {  	_ =	shalt  }
0x5b: {  	_ =	shalt  }
0x5c: {  	_ =	shalt  }
0x5d: {  	_ =	shalt  }
0x5e: {  	_ =	shalt  }
0x5f: {  	_ =	shalt  }
0x60: {  	_ =	shalt  }
0x61: {  	_ =	shalt  }
0x62: {  	_ =	shalt  }
0x63: {  	_ =	shalt  }
0x64: {  	_ =	shalt  }
0x65: {  	_ =	shalt  }
0x66: {  	_ =	shalt  }
0x67: {  	_ =	shalt  }
0x68: {  	_ =	shalt  }
0x69: {  	_ =	shalt  }
0x6a: {  	_ =	shalt  }
0x6b: {  	_ =	shalt  }
0x6c: {  	_ =	shalt  }
0x6d: {  	_ =	shalt  }
0x6e: {  	_ =	shalt  }
0x6f: {  	_ =	shalt  }
0x70: {  	_ =	shalt  }
0x71: {  	_ =	shalt  }
0x72: {  	_ =	shalt  }
0x73: {  	_ =	shalt  }
0x74: {  	_ =	shalt  }
0x75: {  	_ =	shalt  }
0x76: {  	_ =	shalt  }
0x77: {  	_ =	shalt  }
0x78: {  	_ =	shalt  }
0x79: {  	_ =	shalt  }
0x7a: {  	_ =	shalt  }
0x7b: {  	_ =	shalt  }
0x7c: {  	_ =	shalt  }
0x7d: {  	_ =	shalt  }
0x7e: {  	_ =	shalt  }
0x7f: {  	_ =	shalt  }
0x80: {  	_ =	shalt  }
0x81: {  	_ =	shalt  }
0x82: {  	_ =	shalt  }
0x83: {  	_ =	shalt  }
0x84: {  	_ =	shalt  }
0x85: {  	_ =	shalt  }
0x86: {  	_ =	shalt  }
0x87: {  	_ =	shalt  }
.Lfunc_end0:
.L_simem_size_0:
called_computation_lowered:
.L_overlay_start_0:
0x88: {  	s2 =	sld [smem:$0x3FD9]  }
0x89: {  	s3 =	sld [smem:$0x3FFE];
	_ =	sdelay $0x1  }
0x8a: {  	s1 =	srdreg.scid  }
0x8b: {  	s0 =	sand.u32 $0x1, s1  }
0x8c: {  	s18 =	sshll.u32 s0, $0xA;
	s2 =	sadd.s32 s3, s2  }
0x8d: {  	s2 =	sadd.s32 s2, s18  }
0x8e: {  	[smem:$0x3FC5] =	sst s2  }
0x8f: {  	_ = 	snop  }
0x90: {  	s2 =	sld [smem:$0x3FC9]  }
0x91: {  	s19 =	sld [smem:$0x3FC8]  }
0x92: {  	s4 =	sld [smem:$0x3FC7]  }
0x93: {  	s5 =	sld [smem:$0x3FD0];
	(tm) =	ssettm $0x1  }
0x94: {  	s6 =	sld [smem:$0x3FFB];
	_ =	sdelay $0x3  }
0x95: {  	_ =	strace s6  }
0x96: {  	s6 =	sld [smem:$0x3FFC];
	_ =	sdelay $0x3  }
0x97: {  	_ =	strace s6  }
0x98: {  	s6 =	sld [smem:$0x3FFD];
	_ =	sdelay $0x3  }
0x99: {  	_ =	strace s6  }
0x9a: {  	_ =	strace $0x8FFFFFFF  }
0x9b: {  	s20 =	sld [smem:$0x3FDB];
	_ =	sdelay $0x1  }
0x9c: {  	s7 =	simm.s32 $_scs_section_size  }
0x9d: {  	s8 =	simm.s32 $_size__tile_overlayer_lowered;
	s9 =	simm.s32 $_tile_overlayer_lowered  }
0x9e: {  	s23 =	simm.s32 $0x1BFF;
	s22 =	sshll.u32 s9, $0x1;
	s6 =	sadd.s32 s7, s20  }
0x9f: {  	s10 =	simm.s32 $0x0;
	s21 =	sshll.u32 s8, $0x1;
	s8 =	sadd.s32 s22, s6  }
0xa0: {  	[timem:s10], [sflag:s23] =	dma.local [hbm:s8], s21  }
0xa1: {  	_ =	swait.ge [sflag:s23], s21  }
0xa2: {  	s7 =	ssub.s32 $0x0, s21;
	[sflag:s23] =	ssyncset.done $0x0  }
0xa3: {  	[sflag:s23] =	ssyncadd.s32 s7;
	_ =	sdelay $0x1  }
0xa4: {  	s24 =	simm.s32 $0x1B8B  }
0xa5: {  	_ =	swait.ge [sflag:s24], $0x1  }
0xa6: {  	[sflag:s24] =	ssyncset.done $0x0  }
0xa7: {  	s25 =	simm.s32 $0x1B8E;
	[sflag:s24] =	ssyncadd.s32 $0xFFFFFFFF  }
0xa8: {  	s26 =	simm.s32 $execute0_lowered;
	[smem:$0x3FD2] =	sst s25  }
0xa9: {  	s7 =	sshll.u32 s26, $0x1;
	_ =	strace $0x80000046;
	[dreg:$0x1] =	wrdreg $0xFFFFFFFF  }
0xaa: {  	s28 =	simm.s32 $_size_execute0_lowered;
	s6 =	sadd.s32 s6, s7;
	[dreg:$0x0] =	wrdreg $0x0  }
0xab: {  	s7 =	sshll.u32 s28, $0x1;
	[dreg:$0x2] =	wrdreg s6  }
0xac: {  	[dreg:$0x3] =	wrdreg s7  }
0xad: {  	[dreg:$0x4] =	wrdreg $0xC0  }
0xae: {  	_ =	task [dreg:s10], $0x5FFFF  }
0xaf: {  	[dreg:$0x1] =	wrdreg $0xFFFFFFFF  }
0xb0: {  	[dreg:$0x0] =	wrdreg $0x60  }
0xb1: {  	[dreg:$0x2] =	wrdreg s2  }
0xb2: {  	[dreg:$0x3] =	wrdreg s19  }
0xb3: {  	[dreg:$0x4] =	wrdreg s4  }
0xb4: {  	[dreg:$0x5] =	wrdreg s5  }
0xb5: {  	[dreg:$0x6] =	wrdreg $0x9  }
0xb6: {  	_ =	task.clear_ibuf [dreg:s10], $0x7FFFF;
	_ =	strace $0x90000046  }
0xb7: {  	s29 =	simm.s32 $0x9;
	_ =	strace $0x80000048  }
0xb8: {  	_ =	swait.ge [sflag:s29], $0x1  }
0xb9: {  	[sflag:s29] =	ssyncadd.s32 $0xFFFFFFFF  }
0xba: {  	_ =	strace $0x90000048  }
0xbb: {  	_ =	sfence  }
0xbc: {  	s30 =	sld [smem:$0x0];
	_ =	sdelay $0x2  }
0xbd: {  	s31 =	sshll.u32 s1, $0xD;
	s1 =	sshrl.u32 s1, $0x2  }
0xbe: {  	s3 =	sand.u32 $0x4000, s31;
	s1 =	sadd.s32 s1, s30  }
0xbf: {  	s0 =	sor.u32 s3, s0;
	s1 =	sshll.u32 s1, $0x11  }
0xc0: {  	s0 =	sor.u32 s1, s0  }
0xc1: {  	s0 =	sadd.s32 $0x8F2B, s0  }
0xc2: {  	[sflag:s0] =	ssyncadd.remote.s32 $0x1  }
0xc3: {  	_ =	sfence.sel $0xFFFF  }
0xc4: {  	[dreg:$0x0] =	wrdreg $0xFFFFFFFF;
	(pc) =	sbr.abs _section_cstart, $3  }
0xc5: {  	[dreg:$0x1] =	wrdreg $0xFFFFFFFF  }
0xc6: {  	_ =	task.clear_ibuf [dreg:s10], $0x2FFFF;
	_ =	strace $0x9FFFFFFF  }
0xc7: {  	(tm) =	ssettm $0x7FFFFFFF  }
tec
execute0_lowered:
.L_overlay_start_1:
0x0: {  	(tag) =	ssettag $0x1  }
0x1: {  	s0 =	rddreg [dreg:$0x0]  }
0x2: {  	s1 =	rddreg [dreg:$0x1]  }
0x3: {  	s2 =	rddreg [dreg:$0x2];
	s4 =	srdreg.scid  }
0x4: {  	s5 =	stileid.u32;
	s3 =	rddreg [dreg:$0x3]  }
0x5: {  	s7 =	simm.s32 $0x0;
	s12 =	simm.s32 $0xB;
	s14 =	simm.s32 $0x80  }
0x6: {  	s15 =	simm.s32 $0x6400;
	s16 =	simm.s32 $0xA400;
	s18 =	simm.s32 $0xE400  }
0x7: {  	s19 =	simm.s32 $0x12400;
	s20 =	simm.s32 $0x1;
	s21 =	simm.s32 $0x16400  }
0x8: {  	s22 =	simm.s32 $0x2;
	s23 =	simm.s32 $0x6;
	s24 =	simm.s32 $0x3  }
0x9: {  	s28 =	simm.s32 $0x8;
	s4 =	sand.u32 $0x1, s4;
	s5 =	sshll.u32 s5, $0x1  }
0xa: {  	s29 =	simm.s32 $0x5;
	s6 =	sor.u32 s4, s5;
	s4 =	ssub.s32 $0x2, s4  }
0xb: {  	[smem:$0x7FF] =	sst s7;
	s5 =	smul.u32 $0x6400, s6;
	s25 =	sshrl.u32 s4, $0x1  }
0xc: {  	_ =	strace $0x80000047;
	s6 =	smul.u32 $0xC80, s6;
	s4 =	ssub.s32 s4, s25  }
0xd: {  	s25 =	simm.s32 $0x7;
	s26 =	sshrl.u32 s5, $0xC;
	s8 =	sshrl.u32 s5, $0x8  }
0xe: {  	s0 =	sadd.s32 s0, s6;
	s9 =	sor.u32 $0x80, s5;
	s10 =	sor.u32 $0x100, s5  }
0xf: {  	s31 =	smax.u32 s4, $0x1;
	[dreg:$0x5] =	wrdreg s0;
	s30 =	sand.u32 $0xF80, s8  }
0x10: {  	s7 =	sand.u32 $0xF8, s26;
	[dreg:$0x7] =	wrdreg s31;
	s0 =	sadd.s32 s2, s30  }
0x11: {  	s26 =	simm.s32 $0x4;
	s2 =	simm.s32 $0x0;
	[dreg:$0x6] =	wrdreg s0  }
.LBB2_1:
0x12: {  	s0 =	simm.s32 $0x0;
	s4 =	rddreg [dreg:$0x5]  }
0x13: {  	[tilespmem:s0], [sflag:$0xB] =	stream.linear.gather [hbm4b:s4+s0], $0x6400, $0x38;
	[tilespmem:$0x1AC00] =	vst v63  }
0x14: {  	_ =	swait.ge [sflag:s12], $0x6400  }
0x15: {  	[sflag:s12] =	ssyncset.done $0x0  }
0x16: {  	s6 =	simm.s32 $0x1A400;
	s30 =	rddreg [dreg:$0x6];
	[sflag:s12] =	ssyncadd.s32 $0xFFFF9C00  }
0x17: {  	[tilespmem:s6], [sflag:$0xB] =	stream.linear.gather [hbm4b:s30+s0], $0x800, $0x38;
	[tilespmem:$0x1AC00] =	vst v63  }
0x18: {  	_ =	swait.ge [sflag:s12], $0x800  }
0x19: {  	[sflag:s12] =	ssyncset.done $0x0  }
0x1a: {  	[sflag:s12] =	ssyncadd.s32 $0xFFFFF800  }
0x1b: {  	[tilespmem:s15], [sflag:$0x1] =	stream.indirect.gather [hbm4b:s1+s14], $0x80, s0, s14, $0xb8;
	[tilespmem:$0x1AC00] =	vst v63  }
0x1c: {  	_ = 	snop  }
0x1d: {  	[tilespmem:s16], [sflag:$0x2] =	stream.indirect.gather [hbm4b:s1+s14], $0x80, s14, s14, $0xb8;
	[tilespmem:$0x1AC00] =	vst v63  }
0x1e: {  	s31 =	simm.s32 $0x100;
	s0 =	simm.s32 $0x0  }
0x1f: {  	[tilespmem:s18], [sflag:$0x3] =	stream.indirect.gather [hbm4b:s1+s14], $0x80, s31, s14, $0xb8;
	[tilespmem:$0x1AC00] =	vst v63  }
.LBB2_2:
0x20: {  	p0 =	seq.s32 s0, $0x0;
	s8 =	smul.u32 $0x5, s0  }
0x21: {  	s4 =	simm.s32 @!p0 $0x9  }
0x22: {  	_ =	swait.ge @!p0 [sflag:s4], $0x4000;
	s6 =	sadd.s32 $0x3, s8  }
0x23: {  	[sflag:s4] =	ssyncset.done @!p0 $0x0;
	s13 =	sshll.u32 s6, $0x7  }
0x24: {  	s6 =	smul.u32 $0x280, s0;
	[sflag:s4] =	ssyncadd.s32 @!p0 $0xFFFFC000;
	s17 =	sand.u32 $0x3FFFFF80, s13  }
0x25: {  	[tilespmem:s19], [sflag:$0x4] =	stream.indirect.gather [hbm4b:s1+s14], $0x80, s17, s14, $0xb8;
	[tilespmem:$0x1AC00] =	vst v63  }
0x26: {  	s11 =	sadd.s32 s5, s6  }
0x27: {  	s17 =	sshrl.u32 s11, $0xC  }
0x28: {  	_ =	swait.ge [sflag:s20], $0x4000;
	s31 =	ssub.s32 s17, s7  }
0x29: {  	[sflag:s20] =	ssyncset.done $0x0;
	s4 =	sshll.u32 s31, $0x9  }
0x2a: {  	[sflag:s20] =	ssyncadd.s32 $0xFFFFC000;
	s4 =	sshra.s32 s4, $0x2  }
0x2b: {  	v7 =	vld [tilespmem:s4+$0x1A400]  }
0x2c: {  	v6 =	vld [tilespmem:s4+$0x1A410]  }
0x2d: {  	v5 =	vld [tilespmem:s4+$0x1A420]  }
0x2e: {  	v4 =	vld [tilespmem:s4+$0x1A430]  }
0x2f: {  	v3 =	vld [tilespmem:s4+$0x1A440]  }
0x30: {  	v2 =	vld [tilespmem:s4+$0x1A450]  }
0x31: {  	v1 =	vld [tilespmem:s4+$0x1A460]  }
0x32: {  	v0 =	vld [tilespmem:s4+$0x1A470];
	s4 =	simm.s32 $0x0  }
0x33: {  	v8 =	vld [tilespmem:s4+$0x6400]  }
0x34: {  	v9 =	vld [tilespmem:s4+$0x6410]  }
0x35: {  	v10 =	vld [tilespmem:s4+$0x6420]  }
0x36: {  	v11 =	vld [tilespmem:s4+$0x6430]  }
0x37: {  	v12 =	vld [tilespmem:s4+$0x6440]  }
0x38: {  	v13 =	vld [tilespmem:s4+$0x6450];
	v8 =	vmul.f32 $1.131370830e+01, v8  }
0x39: {  	v14 =	vld [tilespmem:s4+$0x6460];
	v9 =	vmul.f32 $1.131370830e+01, v9  }
0x3a: {  	v15 =	vld [tilespmem:s4+$0x6470];
	v10 =	vmul.f32 $1.131370830e+01, v10;
	v8 =	vadd.f32 v8, v7  }
0x3b: {  	v16 =	vld [tilespmem:s4+$0x6480];
	v11 =	vmul.f32 $1.131370830e+01, v11;
	v9 =	vadd.f32 v9, v6  }
0x3c: {  	v12 =	vmul.f32 $1.131370830e+01, v12;
	v10 =	vadd.f32 v10, v5;
	[tilespmem:s4+$0x6400] =	vst v8;
	v8 =	vld [tilespmem:s4+$0x6490]  }
0x3d: {  	v13 =	vmul.f32 $1.131370830e+01, v13;
	v11 =	vadd.f32 v11, v4;
	[tilespmem:s4+$0x6410] =	vst v9;
	v9 =	vld [tilespmem:s4+$0x64A0]  }
0x3e: {  	v14 =	vmul.f32 $1.131370830e+01, v14;
	v12 =	vadd.f32 v12, v3;
	[tilespmem:s4+$0x6420] =	vst v10;
	v10 =	vld [tilespmem:s4+$0x64B0]  }
0x3f: {  	v15 =	vmul.f32 $1.131370830e+01, v15;
	v13 =	vadd.f32 v13, v2;
	[tilespmem:s4+$0x6430] =	vst v11;
	v11 =	vld [tilespmem:s4+$0x64C0]  }
0x40: {  	v16 =	vmul.f32 $1.131370830e+01, v16;
	v14 =	vadd.f32 v14, v1;
	[tilespmem:s4+$0x6440] =	vst v12;
	v12 =	vld [tilespmem:s4+$0x64D0]  }
0x41: {  	v15 =	vadd.f32 v15, v0;
	[tilespmem:s4+$0x6450] =	vst v13;
	v13 =	vld [tilespmem:s4+$0x64E0];
	v8 =	vmul.f32 $1.131370830e+01, v8  }
0x42: {  	v16 =	vadd.f32 v16, v7;
	[tilespmem:s4+$0x6460] =	vst v14;
	v14 =	vld [tilespmem:s4+$0x64F0];
	v9 =	vmul.f32 $1.131370830e+01, v9  }
0x43: {  	[tilespmem:s4+$0x6470] =	vst v15;
	v15 =	vld [tilespmem:s4+$0x6500];
	v10 =	vmul.f32 $1.131370830e+01, v10;
	v8 =	vadd.f32 v8, v6  }
0x44: {  	[tilespmem:s4+$0x6480] =	vst v16;
	v11 =	vmul.f32 $1.131370830e+01, v11;
	v9 =	vadd.f32 v9, v5  }
0x45: {  	v16 =	vld [tilespmem:s4+$0x6510];
	v12 =	vmul.f32 $1.131370830e+01, v12;
	v10 =	vadd.f32 v10, v4;
	[tilespmem:s4+$0x6490] =	vst v8  }
0x46: {  	v13 =	vmul.f32 $1.131370830e+01, v13;
	v11 =	vadd.f32 v11, v3;
	v8 =	vld [tilespmem:s4+$0x6520];
	[tilespmem:s4+$0x64A0] =	vst v9  }
0x47: {  	v14 =	vmul.f32 $1.131370830e+01, v14;
	v12 =	vadd.f32 v12, v2;
	v9 =	vld [tilespmem:s4+$0x6530];
	[tilespmem:s4+$0x64B0] =	vst v10  }
0x48: {  	v15 =	vmul.f32 $1.131370830e+01, v15;
	v13 =	vadd.f32 v13, v1;
	v10 =	vld [tilespmem:s4+$0x6540];
	[tilespmem:s4+$0x64C0] =	vst v11  }
0x49: {  	v14 =	vadd.f32 v14, v0;
	v11 =	vld [tilespmem:s4+$0x6550];
	[tilespmem:s4+$0x64D0] =	vst v12  }
0x4a: {  	v16 =	vmul.f32 $1.131370830e+01, v16;
	v15 =	vadd.f32 v15, v7;
	v12 =	vld [tilespmem:s4+$0x6560];
	[tilespmem:s4+$0x64E0] =	vst v13  }
0x4b: {  	v13 =	vld [tilespmem:s4+$0x6570];
	[tilespmem:s4+$0x64F0] =	vst v14;
	v8 =	vmul.f32 $1.131370830e+01, v8  }
0x4c: {  	v16 =	vadd.f32 v16, v6;
	v14 =	vld [tilespmem:s4+$0x6580];
	[tilespmem:s4+$0x6500] =	vst v15;
	v15 =	vmul.f32 $1.131370830e+01, v9  }
0x4d: {  	v17 =	vld [tilespmem:s4+$0x6590];
	v10 =	vmul.f32 $1.131370830e+01, v10;
	v8 =	vadd.f32 v8, v5  }
0x4e: {  	[tilespmem:s4+$0x6510] =	vst v16;
	v9 =	vld [tilespmem:s4+$0x65A0];
	v11 =	vmul.f32 $1.131370830e+01, v11;
	v15 =	vadd.f32 v15, v4  }
0x4f: {  	v12 =	vmul.f32 $1.131370830e+01, v12;
	v16 =	vadd.f32 v10, v3;
	[tilespmem:s4+$0x6520] =	vst v8;
	v8 =	vld [tilespmem:s4+$0x65B0]  }
0x50: {  	v13 =	vmul.f32 $1.131370830e+01, v13;
	v10 =	vld [tilespmem:s4+$0x65C0];
	v18 =	vadd.f32 v11, v2;
	[tilespmem:s4+$0x6530] =	vst v15  }
0x51: {  	v11 =	vld [tilespmem:s4+$0x65D0];
	[tilespmem:s4+$0x6540] =	vst v16;
	v15 =	vadd.f32 v12, v1;
	v16 =	vmul.f32 $1.131370830e+01, v14  }
0x52: {  	s30 =	simm.s32 $0x800;
	v13 =	vadd.f32 v13, v0;
	[tilespmem:s4+$0x6550] =	vst v18;
	v14 =	vmul.f32 $1.131370830e+01, v17;
	v12 =	vld [tilespmem:s4+$0x65E0]  }
.LBB2_3:
0x53: {  	s31 =	sshra.s32 s30, $0x2;
	p1 =	sne.s32 s30, $0xF800;
	[tilespmem:s4+$0x6560] =	vst v15;
	v15 =	vadd.f32 v16, v7;
	v9 =	vmul.f32 $1.131370830e+01, v9;
	v16 =	vld [tilespmem:s4+$0x65F0]  }
0x54: {  	v17 =	vld [tilespmem:s31+$0x6400];
	[tilespmem:s4+$0x6570] =	vst v13;
	v13 =	vadd.f32 v14, v6;
	v8 =	vmul.f32 $1.131370830e+01, v8  }
0x55: {  	v14 =	vld [tilespmem:s31+$0x6410];
	[tilespmem:s4+$0x6580] =	vst v15;
	v9 =	vadd.f32 v9, v5;
	v10 =	vmul.f32 $1.131370830e+01, v10  }
0x56: {  	v15 =	vld [tilespmem:s31+$0x6420];
	[tilespmem:s4+$0x6590] =	vst v13;
	v8 =	vadd.f32 v8, v4;
	v11 =	vmul.f32 $1.131370830e+01, v11  }
0x57: {  	v13 =	vld [tilespmem:s31+$0x6430];
	[tilespmem:s4+$0x65A0] =	vst v9;
	v9 =	vadd.f32 v10, v3;
	v10 =	vmul.f32 $1.131370830e+01, v12  }
0x58: {  	v12 =	vld [tilespmem:s31+$0x6440];
	[tilespmem:s4+$0x65B0] =	vst v8;
	v8 =	vadd.f32 v11, v2;
	v11 =	vmul.f32 $1.131370830e+01, v16  }
0x59: {  	v16 =	vmul.f32 $1.131370830e+01, v17;
	v17 =	vld [tilespmem:s31+$0x6450];
	[tilespmem:s4+$0x65C0] =	vst v9;
	v9 =	vadd.f32 v10, v1  }
0x5a: {  	v10 =	vmul.f32 $1.131370830e+01, v14;
	v14 =	vld [tilespmem:s31+$0x6460];
	[tilespmem:s4+$0x65D0] =	vst v8;
	v8 =	vadd.f32 v11, v0  }
0x5b: {  	v11 =	vadd.f32 v16, v7;
	v15 =	vmul.f32 $1.131370830e+01, v15;
	v16 =	vld [tilespmem:s31+$0x6470];
	[tilespmem:s4+$0x65E0] =	vst v9  }
0x5c: {  	v9 =	vadd.f32 v10, v6;
	v10 =	vmul.f32 $1.131370830e+01, v13;
	v13 =	vld [tilespmem:s31+$0x6480];
	[tilespmem:s4+$0x65F0] =	vst v8;
	s4 =	smov.u32 s31  }
0x5d: {  	[tilespmem:s4+$0x6400] =	vst v11;
	v8 =	vadd.f32 v15, v5;
	v11 =	vmul.f32 $1.131370830e+01, v12;
	v12 =	vld [tilespmem:s4+$0x6490]  }
0x5e: {  	[tilespmem:s4+$0x6410] =	vst v9;
	v9 =	vadd.f32 v10, v4;
	v10 =	vmul.f32 $1.131370830e+01, v17;
	v15 =	vld [tilespmem:s4+$0x64A0]  }
0x5f: {  	[tilespmem:s4+$0x6420] =	vst v8;
	v8 =	vadd.f32 v11, v3;
	v11 =	vmul.f32 $1.131370830e+01, v14;
	v14 =	vld [tilespmem:s4+$0x64B0]  }
0x60: {  	[tilespmem:s4+$0x6430] =	vst v9;
	v9 =	vadd.f32 v10, v2;
	v10 =	vmul.f32 $1.131370830e+01, v16;
	v16 =	vld [tilespmem:s4+$0x64C0]  }
0x61: {  	[tilespmem:s4+$0x6440] =	vst v8;
	v8 =	vadd.f32 v11, v1;
	v11 =	vmul.f32 $1.131370830e+01, v13;
	v13 =	vld [tilespmem:s4+$0x64D0]  }
0x62: {  	[tilespmem:s4+$0x6450] =	vst v9;
	v9 =	vadd.f32 v10, v0;
	v10 =	vmul.f32 $1.131370830e+01, v12;
	v12 =	vld [tilespmem:s4+$0x64E0]  }
0x63: {  	[tilespmem:s4+$0x6460] =	vst v8;
	v8 =	vadd.f32 v11, v7;
	v11 =	vmul.f32 $1.131370830e+01, v15;
	v15 =	vld [tilespmem:s4+$0x64F0]  }
0x64: {  	[tilespmem:s4+$0x6470] =	vst v9;
	v9 =	vadd.f32 v10, v6;
	v10 =	vmul.f32 $1.131370830e+01, v14;
	v14 =	vld [tilespmem:s4+$0x6500]  }
0x65: {  	[tilespmem:s4+$0x6480] =	vst v8;
	v8 =	vadd.f32 v11, v5;
	v11 =	vmul.f32 $1.131370830e+01, v16;
	v16 =	vld [tilespmem:s4+$0x6510]  }
0x66: {  	[tilespmem:s4+$0x6490] =	vst v9;
	v9 =	vadd.f32 v10, v4;
	v10 =	vmul.f32 $1.131370830e+01, v13;
	v13 =	vld [tilespmem:s4+$0x6520]  }
0x67: {  	[tilespmem:s4+$0x64A0] =	vst v8;
	v8 =	vadd.f32 v11, v3;
	v11 =	vmul.f32 $1.131370830e+01, v12;
	v12 =	vld [tilespmem:s4+$0x6530]  }
0x68: {  	[tilespmem:s4+$0x64B0] =	vst v9;
	v9 =	vadd.f32 v10, v2;
	v10 =	vmul.f32 $1.131370830e+01, v15;
	v15 =	vld [tilespmem:s4+$0x6540]  }
0x69: {  	[tilespmem:s4+$0x64C0] =	vst v8;
	v8 =	vadd.f32 v11, v1;
	v11 =	vmul.f32 $1.131370830e+01, v14;
	v14 =	vld [tilespmem:s4+$0x6550]  }
0x6a: {  	[tilespmem:s4+$0x64D0] =	vst v9;
	v9 =	vadd.f32 v10, v0;
	v10 =	vmul.f32 $1.131370830e+01, v16;
	v16 =	vld [tilespmem:s4+$0x6560]  }
0x6b: {  	[tilespmem:s4+$0x64E0] =	vst v8;
	v8 =	vadd.f32 v11, v7;
	v11 =	vmul.f32 $1.131370830e+01, v13;
	v13 =	vld [tilespmem:s4+$0x6570]  }
0x6c: {  	[tilespmem:s4+$0x64F0] =	vst v9;
	v9 =	vadd.f32 v10, v6;
	v10 =	vmul.f32 $1.131370830e+01, v12;
	v12 =	vld [tilespmem:s4+$0x6580]  }
0x6d: {  	[tilespmem:s4+$0x6500] =	vst v8;
	v8 =	vadd.f32 v11, v5;
	v11 =	vmul.f32 $1.131370830e+01, v15;
	v17 =	vld [tilespmem:s4+$0x6590]  }
.Ltmp0:
0x6e: {  	[tilespmem:s4+$0x6510] =	vst v9;
	v10 =	vadd.f32 v10, v4;
	v14 =	vmul.f32 $1.131370830e+01, v14;
	v9 =	vld [tilespmem:s4+$0x65A0];
	(pc) =	sbr.rel @p1 .LBB2_3-.Ltmp0, $4  }
0x6f: {  	[tilespmem:s4+$0x6520] =	vst v8;
	v11 =	vadd.f32 v11, v3;
	v15 =	vmul.f32 $1.131370830e+01, v16;
	v8 =	vld [tilespmem:s4+$0x65B0]  }
0x70: {  	[tilespmem:s4+$0x6530] =	vst v10;
	v14 =	vadd.f32 v14, v2;
	v13 =	vmul.f32 $1.131370830e+01, v13;
	v10 =	vld [tilespmem:s4+$0x65C0]  }
0x71: {  	[tilespmem:s4+$0x6540] =	vst v11;
	v15 =	vadd.f32 v15, v1;
	v16 =	vmul.f32 $1.131370830e+01, v12;
	v11 =	vld [tilespmem:s4+$0x65D0]  }
0x72: {  	s30 =	sadd.s32 $0x800, s30;
	[tilespmem:s4+$0x6550] =	vst v14;
	v13 =	vadd.f32 v13, v0;
	v14 =	vmul.f32 $1.131370830e+01, v17;
	v12 =	vld [tilespmem:s4+$0x65E0]  }
0x73: {  	[tilespmem:s4+$0x6560] =	vst v15;
	v7 =	vadd.f32 v16, v7;
	v9 =	vmul.f32 $1.131370830e+01, v9;
	v15 =	vld [tilespmem:s4+$0x65F0]  }
0x74: {  	[tilespmem:s4+$0x6570] =	vst v13;
	v6 =	vadd.f32 v14, v6;
	v8 =	vmul.f32 $1.131370830e+01, v8  }
0x75: {  	[tilespmem:s4+$0x6580] =	vst v7;
	v5 =	vadd.f32 v9, v5;
	v7 =	vmul.f32 $1.131370830e+01, v10  }
0x76: {  	s30 =	sand.u32 $0xF80, s11;
	[tilespmem:s4+$0x6590] =	vst v6;
	v4 =	vadd.f32 v8, v4;
	v6 =	vmul.f32 $1.131370830e+01, v11  }
0x77: {  	s31 =	sshrl.u32 s11, $0x5;
	s30 =	smul.u32 $0x6400, s30;
	[tilespmem:s4+$0x65A0] =	vst v5;
	v3 =	vadd.f32 v7, v3;
	v5 =	vmul.f32 $1.131370830e+01, v12  }
0x78: {  	s17 =	sshll.u32 s17, $0x7;
	s11 =	sand.u32 $0x3FFFC00, s31;
	[tilespmem:s4+$0x65B0] =	vst v4;
	v2 =	vadd.f32 v6, v2;
	v4 =	vmul.f32 $1.131370830e+01, v15  }
0x79: {  	s17 =	sand.u32 $0x380, s17;
	s11 =	sadd.s32 s11, s30;
	[tilespmem:s4+$0x65C0] =	vst v3;
	v1 =	vadd.f32 v5, v1  }
0x7a: {  	s11 =	sor.u32 s17, s11;
	[tilespmem:s4+$0x65D0] =	vst v2;
	v0 =	vadd.f32 v4, v0  }
0x7b: {  	s11 =	sshrl.u32 s11, $0x3;
	[tilespmem:s4+$0x65E0] =	vst v1  }
0x7c: {  	s31 =	sadd.s32 s3, s11;
	[tilespmem:s4+$0x65F0] =	vst v0;
	s4 =	simm.s32 @!p0 $0xA  }
0x7d: {  	[hbm4b:s31+s14] =	stream.strided.scatter [tilespmem:s15], [sflag:$0x6], $0x4000, s15, s14, $0x38;
	[tilespmem:$0x1AC00] =	vst v63  }
0x7e: {  	s8 =	sadd.s32 $0x4, s8;
	_ =	swait.ge @!p0 [sflag:s4], $0x4000  }
0x7f: {  	s17 =	sshll.u32 s8, $0x7;
	[sflag:s4] =	ssyncset.done @!p0 $0x0  }
0x80: {  	s11 =	sand.u32 $0x3FFFFF80, s17;
	[sflag:s4] =	ssyncadd.s32 @!p0 $0xFFFFC000  }
0x81: {  	[tilespmem:s21], [sflag:$0x5] =	stream.indirect.gather [hbm4b:s1+s14], $0x80, s11, s14, $0xb8;
	[tilespmem:$0x1AC00] =	vst v63  }
0x82: {  	s11 =	sadd.s32 s6, s9  }
0x83: {  	s8 =	sshrl.u32 s11, $0xC  }
0x84: {  	_ =	swait.ge [sflag:s22], $0x4000;
	s31 =	ssub.s32 s8, s7  }
0x85: {  	[sflag:s22] =	ssyncset.done $0x0;
	s4 =	sshll.u32 s31, $0x9  }
0x86: {  	[sflag:s22] =	ssyncadd.s32 $0xFFFFC000;
	s4 =	sshra.s32 s4, $0x2  }
0x87: {  	v7 =	vld [tilespmem:s4+$0x1A400]  }
0x88: {  	v6 =	vld [tilespmem:s4+$0x1A410]  }
0x89: {  	v5 =	vld [tilespmem:s4+$0x1A420]  }
0x8a: {  	v4 =	vld [tilespmem:s4+$0x1A430]  }
0x8b: {  	v3 =	vld [tilespmem:s4+$0x1A440]  }
0x8c: {  	v2 =	vld [tilespmem:s4+$0x1A450]  }
0x8d: {  	v1 =	vld [tilespmem:s4+$0x1A460]  }
0x8e: {  	v0 =	vld [tilespmem:s4+$0x1A470];
	s4 =	simm.s32 $0x0  }
0x8f: {  	v8 =	vld [tilespmem:s4+$0xA400]  }
0x90: {  	v9 =	vld [tilespmem:s4+$0xA410]  }
0x91: {  	v10 =	vld [tilespmem:s4+$0xA420]  }
0x92: {  	v11 =	vld [tilespmem:s4+$0xA430]  }
0x93: {  	v12 =	vld [tilespmem:s4+$0xA440]  }
0x94: {  	v13 =	vld [tilespmem:s4+$0xA450];
	v8 =	vmul.f32 $1.131370830e+01, v8  }
0x95: {  	v14 =	vld [tilespmem:s4+$0xA460];
	v9 =	vmul.f32 $1.131370830e+01, v9  }
0x96: {  	v15 =	vld [tilespmem:s4+$0xA470];
	v10 =	vmul.f32 $1.131370830e+01, v10;
	v8 =	vadd.f32 v8, v7  }
0x97: {  	v16 =	vld [tilespmem:s4+$0xA480];
	v11 =	vmul.f32 $1.131370830e+01, v11;
	v9 =	vadd.f32 v9, v6  }
0x98: {  	v12 =	vmul.f32 $1.131370830e+01, v12;
	v10 =	vadd.f32 v10, v5;
	[tilespmem:s4+$0xA400] =	vst v8;
	v8 =	vld [tilespmem:s4+$0xA490]  }
0x99: {  	v13 =	vmul.f32 $1.131370830e+01, v13;
	v11 =	vadd.f32 v11, v4;
	[tilespmem:s4+$0xA410] =	vst v9;
	v9 =	vld [tilespmem:s4+$0xA4A0]  }
0x9a: {  	v14 =	vmul.f32 $1.131370830e+01, v14;
	v12 =	vadd.f32 v12, v3;
	[tilespmem:s4+$0xA420] =	vst v10;
	v10 =	vld [tilespmem:s4+$0xA4B0]  }
0x9b: {  	v15 =	vmul.f32 $1.131370830e+01, v15;
	v13 =	vadd.f32 v13, v2;
	[tilespmem:s4+$0xA430] =	vst v11;
	v11 =	vld [tilespmem:s4+$0xA4C0]  }
0x9c: {  	v16 =	vmul.f32 $1.131370830e+01, v16;
	v14 =	vadd.f32 v14, v1;
	[tilespmem:s4+$0xA440] =	vst v12;
	v12 =	vld [tilespmem:s4+$0xA4D0]  }
0x9d: {  	v15 =	vadd.f32 v15, v0;
	[tilespmem:s4+$0xA450] =	vst v13;
	v13 =	vld [tilespmem:s4+$0xA4E0];
	v8 =	vmul.f32 $1.131370830e+01, v8  }
0x9e: {  	v16 =	vadd.f32 v16, v7;
	[tilespmem:s4+$0xA460] =	vst v14;
	v14 =	vld [tilespmem:s4+$0xA4F0];
	v9 =	vmul.f32 $1.131370830e+01, v9  }
0x9f: {  	[tilespmem:s4+$0xA470] =	vst v15;
	v15 =	vld [tilespmem:s4+$0xA500];
	v10 =	vmul.f32 $1.131370830e+01, v10;
	v8 =	vadd.f32 v8, v6  }
0xa0: {  	[tilespmem:s4+$0xA480] =	vst v16;
	v11 =	vmul.f32 $1.131370830e+01, v11;
	v9 =	vadd.f32 v9, v5  }
0xa1: {  	v16 =	vld [tilespmem:s4+$0xA510];
	v12 =	vmul.f32 $1.131370830e+01, v12;
	v10 =	vadd.f32 v10, v4;
	[tilespmem:s4+$0xA490] =	vst v8  }
0xa2: {  	v13 =	vmul.f32 $1.131370830e+01, v13;
	v11 =	vadd.f32 v11, v3;
	v8 =	vld [tilespmem:s4+$0xA520];
	[tilespmem:s4+$0xA4A0] =	vst v9  }
0xa3: {  	v14 =	vmul.f32 $1.131370830e+01, v14;
	v12 =	vadd.f32 v12, v2;
	v9 =	vld [tilespmem:s4+$0xA530];
	[tilespmem:s4+$0xA4B0] =	vst v10  }
0xa4: {  	v15 =	vmul.f32 $1.131370830e+01, v15;
	v13 =	vadd.f32 v13, v1;
	v10 =	vld [tilespmem:s4+$0xA540];
	[tilespmem:s4+$0xA4C0] =	vst v11  }
0xa5: {  	v14 =	vadd.f32 v14, v0;
	v11 =	vld [tilespmem:s4+$0xA550];
	[tilespmem:s4+$0xA4D0] =	vst v12  }
0xa6: {  	v16 =	vmul.f32 $1.131370830e+01, v16;
	v15 =	vadd.f32 v15, v7;
	v12 =	vld [tilespmem:s4+$0xA560];
	[tilespmem:s4+$0xA4E0] =	vst v13  }
0xa7: {  	v13 =	vld [tilespmem:s4+$0xA570];
	[tilespmem:s4+$0xA4F0] =	vst v14;
	v8 =	vmul.f32 $1.131370830e+01, v8  }
0xa8: {  	v16 =	vadd.f32 v16, v6;
	v14 =	vld [tilespmem:s4+$0xA580];
	[tilespmem:s4+$0xA500] =	vst v15;
	v15 =	vmul.f32 $1.131370830e+01, v9  }
0xa9: {  	v17 =	vld [tilespmem:s4+$0xA590];
	v10 =	vmul.f32 $1.131370830e+01, v10;
	v8 =	vadd.f32 v8, v5  }
0xaa: {  	[tilespmem:s4+$0xA510] =	vst v16;
	v9 =	vld [tilespmem:s4+$0xA5A0];
	v11 =	vmul.f32 $1.131370830e+01, v11;
	v15 =	vadd.f32 v15, v4  }
0xab: {  	v12 =	vmul.f32 $1.131370830e+01, v12;
	v16 =	vadd.f32 v10, v3;
	[tilespmem:s4+$0xA520] =	vst v8;
	v8 =	vld [tilespmem:s4+$0xA5B0]  }
0xac: {  	v13 =	vmul.f32 $1.131370830e+01, v13;
	v10 =	vld [tilespmem:s4+$0xA5C0];
	v18 =	vadd.f32 v11, v2;
	[tilespmem:s4+$0xA530] =	vst v15  }
0xad: {  	v11 =	vld [tilespmem:s4+$0xA5D0];
	[tilespmem:s4+$0xA540] =	vst v16;
	v15 =	vadd.f32 v12, v1;
	v16 =	vmul.f32 $1.131370830e+01, v14  }
0xae: {  	s30 =	simm.s32 $0x800;
	v13 =	vadd.f32 v13, v0;
	[tilespmem:s4+$0xA550] =	vst v18;
	v14 =	vmul.f32 $1.131370830e+01, v17;
	v12 =	vld [tilespmem:s4+$0xA5E0]  }
.LBB2_5:
0xaf: {  	s31 =	sshra.s32 s30, $0x2;
	p0 =	sne.s32 s30, $0xF800;
	[tilespmem:s4+$0xA560] =	vst v15;
	v15 =	vadd.f32 v16, v7;
	v9 =	vmul.f32 $1.131370830e+01, v9;
	v16 =	vld [tilespmem:s4+$0xA5F0]  }
0xb0: {  	v17 =	vld [tilespmem:s31+$0xA400];
	[tilespmem:s4+$0xA570] =	vst v13;
	v13 =	vadd.f32 v14, v6;
	v8 =	vmul.f32 $1.131370830e+01, v8  }
0xb1: {  	v14 =	vld [tilespmem:s31+$0xA410];
	[tilespmem:s4+$0xA580] =	vst v15;
	v9 =	vadd.f32 v9, v5;
	v10 =	vmul.f32 $1.131370830e+01, v10  }
0xb2: {  	v15 =	vld [tilespmem:s31+$0xA420];
	[tilespmem:s4+$0xA590] =	vst v13;
	v8 =	vadd.f32 v8, v4;
	v11 =	vmul.f32 $1.131370830e+01, v11  }
0xb3: {  	v13 =	vld [tilespmem:s31+$0xA430];
	[tilespmem:s4+$0xA5A0] =	vst v9;
	v9 =	vadd.f32 v10, v3;
	v10 =	vmul.f32 $1.131370830e+01, v12  }
0xb4: {  	v12 =	vld [tilespmem:s31+$0xA440];
	[tilespmem:s4+$0xA5B0] =	vst v8;
	v8 =	vadd.f32 v11, v2;
	v11 =	vmul.f32 $1.131370830e+01, v16  }
0xb5: {  	v16 =	vmul.f32 $1.131370830e+01, v17;
	v17 =	vld [tilespmem:s31+$0xA450];
	[tilespmem:s4+$0xA5C0] =	vst v9;
	v9 =	vadd.f32 v10, v1  }
0xb6: {  	v10 =	vmul.f32 $1.131370830e+01, v14;
	v14 =	vld [tilespmem:s31+$0xA460];
	[tilespmem:s4+$0xA5D0] =	vst v8;
	v8 =	vadd.f32 v11, v0  }
0xb7: {  	v11 =	vadd.f32 v16, v7;
	v15 =	vmul.f32 $1.131370830e+01, v15;
	v16 =	vld [tilespmem:s31+$0xA470];
	[tilespmem:s4+$0xA5E0] =	vst v9  }
0xb8: {  	v9 =	vadd.f32 v10, v6;
	v10 =	vmul.f32 $1.131370830e+01, v13;
	v13 =	vld [tilespmem:s31+$0xA480];
	[tilespmem:s4+$0xA5F0] =	vst v8;
	s4 =	smov.u32 s31  }
0xb9: {  	[tilespmem:s4+$0xA400] =	vst v11;
	v8 =	vadd.f32 v15, v5;
	v11 =	vmul.f32 $1.131370830e+01, v12;
	v12 =	vld [tilespmem:s4+$0xA490]  }
0xba: {  	[tilespmem:s4+$0xA410] =	vst v9;
	v9 =	vadd.f32 v10, v4;
	v10 =	vmul.f32 $1.131370830e+01, v17;
	v15 =	vld [tilespmem:s4+$0xA4A0]  }
0xbb: {  	[tilespmem:s4+$0xA420] =	vst v8;
	v8 =	vadd.f32 v11, v3;
	v11 =	vmul.f32 $1.131370830e+01, v14;
	v14 =	vld [tilespmem:s4+$0xA4B0]  }
0xbc: {  	[tilespmem:s4+$0xA430] =	vst v9;
	v9 =	vadd.f32 v10, v2;
	v10 =	vmul.f32 $1.131370830e+01, v16;
	v16 =	vld [tilespmem:s4+$0xA4C0]  }
0xbd: {  	[tilespmem:s4+$0xA440] =	vst v8;
	v8 =	vadd.f32 v11, v1;
	v11 =	vmul.f32 $1.131370830e+01, v13;
	v13 =	vld [tilespmem:s4+$0xA4D0]  }
0xbe: {  	[tilespmem:s4+$0xA450] =	vst v9;
	v9 =	vadd.f32 v10, v0;
	v10 =	vmul.f32 $1.131370830e+01, v12;
	v12 =	vld [tilespmem:s4+$0xA4E0]  }
0xbf: {  	[tilespmem:s4+$0xA460] =	vst v8;
	v8 =	vadd.f32 v11, v7;
	v11 =	vmul.f32 $1.131370830e+01, v15;
	v15 =	vld [tilespmem:s4+$0xA4F0]  }
0xc0: {  	[tilespmem:s4+$0xA470] =	vst v9;
	v9 =	vadd.f32 v10, v6;
	v10 =	vmul.f32 $1.131370830e+01, v14;
	v14 =	vld [tilespmem:s4+$0xA500]  }
0xc1: {  	[tilespmem:s4+$0xA480] =	vst v8;
	v8 =	vadd.f32 v11, v5;
	v11 =	vmul.f32 $1.131370830e+01, v16;
	v16 =	vld [tilespmem:s4+$0xA510]  }
0xc2: {  	[tilespmem:s4+$0xA490] =	vst v9;
	v9 =	vadd.f32 v10, v4;
	v10 =	vmul.f32 $1.131370830e+01, v13;
	v13 =	vld [tilespmem:s4+$0xA520]  }
0xc3: {  	[tilespmem:s4+$0xA4A0] =	vst v8;
	v8 =	vadd.f32 v11, v3;
	v11 =	vmul.f32 $1.131370830e+01, v12;
	v12 =	vld [tilespmem:s4+$0xA530]  }
0xc4: {  	[tilespmem:s4+$0xA4B0] =	vst v9;
	v9 =	vadd.f32 v10, v2;
	v10 =	vmul.f32 $1.131370830e+01, v15;
	v15 =	vld [tilespmem:s4+$0xA540]  }
0xc5: {  	[tilespmem:s4+$0xA4C0] =	vst v8;
	v8 =	vadd.f32 v11, v1;
	v11 =	vmul.f32 $1.131370830e+01, v14;
	v14 =	vld [tilespmem:s4+$0xA550]  }
0xc6: {  	[tilespmem:s4+$0xA4D0] =	vst v9;
	v9 =	vadd.f32 v10, v0;
	v10 =	vmul.f32 $1.131370830e+01, v16;
	v16 =	vld [tilespmem:s4+$0xA560]  }
0xc7: {  	[tilespmem:s4+$0xA4E0] =	vst v8;
	v8 =	vadd.f32 v11, v7;
	v11 =	vmul.f32 $1.131370830e+01, v13;
	v13 =	vld [tilespmem:s4+$0xA570]  }
0xc8: {  	[tilespmem:s4+$0xA4F0] =	vst v9;
	v9 =	vadd.f32 v10, v6;
	v10 =	vmul.f32 $1.131370830e+01, v12;
	v12 =	vld [tilespmem:s4+$0xA580]  }
0xc9: {  	[tilespmem:s4+$0xA500] =	vst v8;
	v8 =	vadd.f32 v11, v5;
	v11 =	vmul.f32 $1.131370830e+01, v15;
	v17 =	vld [tilespmem:s4+$0xA590]  }
.Ltmp1:
0xca: {  	[tilespmem:s4+$0xA510] =	vst v9;
	v10 =	vadd.f32 v10, v4;
	v14 =	vmul.f32 $1.131370830e+01, v14;
	v9 =	vld [tilespmem:s4+$0xA5A0];
	(pc) =	sbr.rel @p0 .LBB2_5-.Ltmp1, $4  }
0xcb: {  	[tilespmem:s4+$0xA520] =	vst v8;
	v11 =	vadd.f32 v11, v3;
	v15 =	vmul.f32 $1.131370830e+01, v16;
	v8 =	vld [tilespmem:s4+$0xA5B0]  }
0xcc: {  	[tilespmem:s4+$0xA530] =	vst v10;
	v14 =	vadd.f32 v14, v2;
	v13 =	vmul.f32 $1.131370830e+01, v13;
	v10 =	vld [tilespmem:s4+$0xA5C0]  }
0xcd: {  	[tilespmem:s4+$0xA540] =	vst v11;
	v15 =	vadd.f32 v15, v1;
	v16 =	vmul.f32 $1.131370830e+01, v12;
	v11 =	vld [tilespmem:s4+$0xA5D0]  }
0xce: {  	s30 =	sadd.s32 $0x800, s30;
	[tilespmem:s4+$0xA550] =	vst v14;
	v13 =	vadd.f32 v13, v0;
	v14 =	vmul.f32 $1.131370830e+01, v17;
	v12 =	vld [tilespmem:s4+$0xA5E0]  }
0xcf: {  	[tilespmem:s4+$0xA560] =	vst v15;
	v7 =	vadd.f32 v16, v7;
	v9 =	vmul.f32 $1.131370830e+01, v9;
	v15 =	vld [tilespmem:s4+$0xA5F0]  }
0xd0: {  	[tilespmem:s4+$0xA570] =	vst v13;
	v6 =	vadd.f32 v14, v6;
	v8 =	vmul.f32 $1.131370830e+01, v8  }
0xd1: {  	[tilespmem:s4+$0xA580] =	vst v7;
	v5 =	vadd.f32 v9, v5;
	v7 =	vmul.f32 $1.131370830e+01, v10  }
0xd2: {  	s30 =	sand.u32 $0xF80, s11;
	[tilespmem:s4+$0xA590] =	vst v6;
	v4 =	vadd.f32 v8, v4;
	v6 =	vmul.f32 $1.131370830e+01, v11  }
0xd3: {  	s31 =	sshrl.u32 s11, $0x5;
	s30 =	smul.u32 $0x6400, s30;
	[tilespmem:s4+$0xA5A0] =	vst v5;
	v3 =	vadd.f32 v7, v3;
	v5 =	vmul.f32 $1.131370830e+01, v12  }
0xd4: {  	s8 =	sshll.u32 s8, $0x7;
	s11 =	sand.u32 $0x3FFFC00, s31;
	[tilespmem:s4+$0xA5B0] =	vst v4;
	v2 =	vadd.f32 v6, v2;
	v4 =	vmul.f32 $1.131370830e+01, v15  }
0xd5: {  	s8 =	sand.u32 $0x380, s8;
	s11 =	sadd.s32 s11, s30;
	[tilespmem:s4+$0xA5C0] =	vst v3;
	v1 =	vadd.f32 v5, v1  }
0xd6: {  	s8 =	sor.u32 s8, s11;
	[tilespmem:s4+$0xA5D0] =	vst v2;
	v0 =	vadd.f32 v4, v0  }
0xd7: {  	p0 =	seq.s32 s0, $0x27;
	s8 =	sshrl.u32 s8, $0x3;
	[tilespmem:s4+$0xA5E0] =	vst v1  }
0xd8: {  	s11 =	sadd.s32 s3, s8;
	[tilespmem:s4+$0xA5F0] =	vst v0;
	s4 =	smul.u32 @!p0 $0xA00, s0  }
0xd9: {  	[hbm4b:s11+s14] =	stream.strided.scatter [tilespmem:s16], [sflag:$0x7], $0x4000, s15, s14, $0x38;
	[tilespmem:$0x1AC00] =	vst v63  }
0xda: {  	_ =	swait.ge [sflag:s23], $0x4000  }
0xdb: {  	s30 =	simm.s32 @!p0 $0x6400;
	s8 =	sshra.s32 @!p0 s4, $0x2;
	[sflag:s23] =	ssyncset.done $0x0  }
0xdc: {  	s11 =	simm.s32 @!p0 $0x80;
	s4 =	sadd.s32 @!p0 $0x280, s8;
	[sflag:s23] =	ssyncadd.s32 $0xFFFFC000  }
0xdd: {  	[tilespmem:s30], [sflag:$0x1] =	stream.indirect.gather @!p0 [hbm4b:s1+s11], $0x80, s4, s11, $0xb8;
	[tilespmem:$0x1AC00] =	vst v63  }
0xde: {  	s11 =	sadd.s32 s6, s10  }
0xdf: {  	s6 =	sshrl.u32 s11, $0xC  }
0xe0: {  	_ =	swait.ge [sflag:s24], $0x4000;
	s31 =	ssub.s32 s6, s7  }
0xe1: {  	[sflag:s24] =	ssyncset.done $0x0;
	s4 =	sshll.u32 s31, $0x9  }
0xe2: {  	[sflag:s24] =	ssyncadd.s32 $0xFFFFC000;
	s4 =	sshra.s32 s4, $0x2  }
0xe3: {  	v7 =	vld [tilespmem:s4+$0x1A400]  }
0xe4: {  	v6 =	vld [tilespmem:s4+$0x1A410]  }
0xe5: {  	v5 =	vld [tilespmem:s4+$0x1A420]  }
0xe6: {  	v4 =	vld [tilespmem:s4+$0x1A430]  }
0xe7: {  	v3 =	vld [tilespmem:s4+$0x1A440]  }
0xe8: {  	v2 =	vld [tilespmem:s4+$0x1A450]  }
0xe9: {  	v1 =	vld [tilespmem:s4+$0x1A460]  }
0xea: {  	v0 =	vld [tilespmem:s4+$0x1A470];
	s4 =	simm.s32 $0x0  }
0xeb: {  	v8 =	vld [tilespmem:s4+$0xE400]  }
0xec: {  	v9 =	vld [tilespmem:s4+$0xE410]  }
0xed: {  	v10 =	vld [tilespmem:s4+$0xE420]  }
0xee: {  	v11 =	vld [tilespmem:s4+$0xE430]  }
0xef: {  	v12 =	vld [tilespmem:s4+$0xE440]  }
0xf0: {  	v13 =	vld [tilespmem:s4+$0xE450];
	v8 =	vmul.f32 $1.131370830e+01, v8  }
0xf1: {  	v14 =	vld [tilespmem:s4+$0xE460];
	v9 =	vmul.f32 $1.131370830e+01, v9  }
0xf2: {  	v15 =	vld [tilespmem:s4+$0xE470];
	v10 =	vmul.f32 $1.131370830e+01, v10;
	v8 =	vadd.f32 v8, v7  }
0xf3: {  	v16 =	vld [tilespmem:s4+$0xE480];
	v11 =	vmul.f32 $1.131370830e+01, v11;
	v9 =	vadd.f32 v9, v6  }
0xf4: {  	v12 =	vmul.f32 $1.131370830e+01, v12;
	v10 =	vadd.f32 v10, v5;
	[tilespmem:s4+$0xE400] =	vst v8;
	v8 =	vld [tilespmem:s4+$0xE490]  }
0xf5: {  	v13 =	vmul.f32 $1.131370830e+01, v13;
	v11 =	vadd.f32 v11, v4;
	[tilespmem:s4+$0xE410] =	vst v9;
	v9 =	vld [tilespmem:s4+$0xE4A0]  }
0xf6: {  	v14 =	vmul.f32 $1.131370830e+01, v14;
	v12 =	vadd.f32 v12, v3;
	[tilespmem:s4+$0xE420] =	vst v10;
	v10 =	vld [tilespmem:s4+$0xE4B0]  }
0xf7: {  	v15 =	vmul.f32 $1.131370830e+01, v15;
	v13 =	vadd.f32 v13, v2;
	[tilespmem:s4+$0xE430] =	vst v11;
	v11 =	vld [tilespmem:s4+$0xE4C0]  }
0xf8: {  	v16 =	vmul.f32 $1.131370830e+01, v16;
	v14 =	vadd.f32 v14, v1;
	[tilespmem:s4+$0xE440] =	vst v12;
	v12 =	vld [tilespmem:s4+$0xE4D0]  }
0xf9: {  	v15 =	vadd.f32 v15, v0;
	[tilespmem:s4+$0xE450] =	vst v13;
	v13 =	vld [tilespmem:s4+$0xE4E0];
	v8 =	vmul.f32 $1.131370830e+01, v8  }
0xfa: {  	v16 =	vadd.f32 v16, v7;
	[tilespmem:s4+$0xE460] =	vst v14;
	v14 =	vld [tilespmem:s4+$0xE4F0];
	v9 =	vmul.f32 $1.131370830e+01, v9  }
0xfb: {  	[tilespmem:s4+$0xE470] =	vst v15;
	v15 =	vld [tilespmem:s4+$0xE500];
	v10 =	vmul.f32 $1.131370830e+01, v10;
	v8 =	vadd.f32 v8, v6  }
0xfc: {  	[tilespmem:s4+$0xE480] =	vst v16;
	v11 =	vmul.f32 $1.131370830e+01, v11;
	v9 =	vadd.f32 v9, v5  }
0xfd: {  	v16 =	vld [tilespmem:s4+$0xE510];
	v12 =	vmul.f32 $1.131370830e+01, v12;
	v10 =	vadd.f32 v10, v4;
	[tilespmem:s4+$0xE490] =	vst v8  }
0xfe: {  	v13 =	vmul.f32 $1.131370830e+01, v13;
	v11 =	vadd.f32 v11, v3;
	v8 =	vld [tilespmem:s4+$0xE520];
	[tilespmem:s4+$0xE4A0] =	vst v9  }
0xff: {  	v14 =	vmul.f32 $1.131370830e+01, v14;
	v12 =	vadd.f32 v12, v2;
	v9 =	vld [tilespmem:s4+$0xE530];
	[tilespmem:s4+$0xE4B0] =	vst v10  }
0x100: {  	v15 =	vmul.f32 $1.131370830e+01, v15;
	v13 =	vadd.f32 v13, v1;
	v10 =	vld [tilespmem:s4+$0xE540];
	[tilespmem:s4+$0xE4C0] =	vst v11  }
0x101: {  	v14 =	vadd.f32 v14, v0;
	v11 =	vld [tilespmem:s4+$0xE550];
	[tilespmem:s4+$0xE4D0] =	vst v12  }
0x102: {  	v16 =	vmul.f32 $1.131370830e+01, v16;
	v15 =	vadd.f32 v15, v7;
	v12 =	vld [tilespmem:s4+$0xE560];
	[tilespmem:s4+$0xE4E0] =	vst v13  }
0x103: {  	v13 =	vld [tilespmem:s4+$0xE570];
	[tilespmem:s4+$0xE4F0] =	vst v14;
	v8 =	vmul.f32 $1.131370830e+01, v8  }
0x104: {  	v16 =	vadd.f32 v16, v6;
	v14 =	vld [tilespmem:s4+$0xE580];
	[tilespmem:s4+$0xE500] =	vst v15;
	v15 =	vmul.f32 $1.131370830e+01, v9  }
0x105: {  	v17 =	vld [tilespmem:s4+$0xE590];
	v10 =	vmul.f32 $1.131370830e+01, v10;
	v8 =	vadd.f32 v8, v5  }
0x106: {  	[tilespmem:s4+$0xE510] =	vst v16;
	v9 =	vld [tilespmem:s4+$0xE5A0];
	v11 =	vmul.f32 $1.131370830e+01, v11;
	v15 =	vadd.f32 v15, v4  }
0x107: {  	v12 =	vmul.f32 $1.131370830e+01, v12;
	v16 =	vadd.f32 v10, v3;
	[tilespmem:s4+$0xE520] =	vst v8;
	v8 =	vld [tilespmem:s4+$0xE5B0]  }
0x108: {  	v13 =	vmul.f32 $1.131370830e+01, v13;
	v10 =	vld [tilespmem:s4+$0xE5C0];
	v18 =	vadd.f32 v11, v2;
	[tilespmem:s4+$0xE530] =	vst v15  }
0x109: {  	v11 =	vld [tilespmem:s4+$0xE5D0];
	[tilespmem:s4+$0xE540] =	vst v16;
	v15 =	vadd.f32 v12, v1;
	v16 =	vmul.f32 $1.131370830e+01, v14  }
0x10a: {  	s30 =	simm.s32 $0x800;
	v13 =	vadd.f32 v13, v0;
	[tilespmem:s4+$0xE550] =	vst v18;
	v14 =	vmul.f32 $1.131370830e+01, v17;
	v12 =	vld [tilespmem:s4+$0xE5E0]  }
.LBB2_7:
0x10b: {  	s31 =	sshra.s32 s30, $0x2;
	p1 =	sne.s32 s30, $0xF800;
	[tilespmem:s4+$0xE560] =	vst v15;
	v15 =	vadd.f32 v16, v7;
	v9 =	vmul.f32 $1.131370830e+01, v9;
	v16 =	vld [tilespmem:s4+$0xE5F0]  }
0x10c: {  	v17 =	vld [tilespmem:s31+$0xE400];
	[tilespmem:s4+$0xE570] =	vst v13;
	v13 =	vadd.f32 v14, v6;
	v8 =	vmul.f32 $1.131370830e+01, v8  }
0x10d: {  	v14 =	vld [tilespmem:s31+$0xE410];
	[tilespmem:s4+$0xE580] =	vst v15;
	v9 =	vadd.f32 v9, v5;
	v10 =	vmul.f32 $1.131370830e+01, v10  }
0x10e: {  	v15 =	vld [tilespmem:s31+$0xE420];
	[tilespmem:s4+$0xE590] =	vst v13;
	v8 =	vadd.f32 v8, v4;
	v11 =	vmul.f32 $1.131370830e+01, v11  }
0x10f: {  	v13 =	vld [tilespmem:s31+$0xE430];
	[tilespmem:s4+$0xE5A0] =	vst v9;
	v9 =	vadd.f32 v10, v3;
	v10 =	vmul.f32 $1.131370830e+01, v12  }
0x110: {  	v12 =	vld [tilespmem:s31+$0xE440];
	[tilespmem:s4+$0xE5B0] =	vst v8;
	v8 =	vadd.f32 v11, v2;
	v11 =	vmul.f32 $1.131370830e+01, v16  }
0x111: {  	v16 =	vmul.f32 $1.131370830e+01, v17;
	v17 =	vld [tilespmem:s31+$0xE450];
	[tilespmem:s4+$0xE5C0] =	vst v9;
	v9 =	vadd.f32 v10, v1  }
0x112: {  	v10 =	vmul.f32 $1.131370830e+01, v14;
	v14 =	vld [tilespmem:s31+$0xE460];
	[tilespmem:s4+$0xE5D0] =	vst v8;
	v8 =	vadd.f32 v11, v0  }
0x113: {  	v11 =	vadd.f32 v16, v7;
	v15 =	vmul.f32 $1.131370830e+01, v15;
	v16 =	vld [tilespmem:s31+$0xE470];
	[tilespmem:s4+$0xE5E0] =	vst v9  }
0x114: {  	v9 =	vadd.f32 v10, v6;
	v10 =	vmul.f32 $1.131370830e+01, v13;
	v13 =	vld [tilespmem:s31+$0xE480];
	[tilespmem:s4+$0xE5F0] =	vst v8;
	s4 =	smov.u32 s31  }
0x115: {  	[tilespmem:s4+$0xE400] =	vst v11;
	v8 =	vadd.f32 v15, v5;
	v11 =	vmul.f32 $1.131370830e+01, v12;
	v12 =	vld [tilespmem:s4+$0xE490]  }
0x116: {  	[tilespmem:s4+$0xE410] =	vst v9;
	v9 =	vadd.f32 v10, v4;
	v10 =	vmul.f32 $1.131370830e+01, v17;
	v15 =	vld [tilespmem:s4+$0xE4A0]  }
0x117: {  	[tilespmem:s4+$0xE420] =	vst v8;
	v8 =	vadd.f32 v11, v3;
	v11 =	vmul.f32 $1.131370830e+01, v14;
	v14 =	vld [tilespmem:s4+$0xE4B0]  }
0x118: {  	[tilespmem:s4+$0xE430] =	vst v9;
	v9 =	vadd.f32 v10, v2;
	v10 =	vmul.f32 $1.131370830e+01, v16;
	v16 =	vld [tilespmem:s4+$0xE4C0]  }
0x119: {  	[tilespmem:s4+$0xE440] =	vst v8;
	v8 =	vadd.f32 v11, v1;
	v11 =	vmul.f32 $1.131370830e+01, v13;
	v13 =	vld [tilespmem:s4+$0xE4D0]  }
0x11a: {  	[tilespmem:s4+$0xE450] =	vst v9;
	v9 =	vadd.f32 v10, v0;
	v10 =	vmul.f32 $1.131370830e+01, v12;
	v12 =	vld [tilespmem:s4+$0xE4E0]  }
0x11b: {  	[tilespmem:s4+$0xE460] =	vst v8;
	v8 =	vadd.f32 v11, v7;
	v11 =	vmul.f32 $1.131370830e+01, v15;
	v15 =	vld [tilespmem:s4+$0xE4F0]  }
0x11c: {  	[tilespmem:s4+$0xE470] =	vst v9;
	v9 =	vadd.f32 v10, v6;
	v10 =	vmul.f32 $1.131370830e+01, v14;
	v14 =	vld [tilespmem:s4+$0xE500]  }
0x11d: {  	[tilespmem:s4+$0xE480] =	vst v8;
	v8 =	vadd.f32 v11, v5;
	v11 =	vmul.f32 $1.131370830e+01, v16;
	v16 =	vld [tilespmem:s4+$0xE510]  }
0x11e: {  	[tilespmem:s4+$0xE490] =	vst v9;
	v9 =	vadd.f32 v10, v4;
	v10 =	vmul.f32 $1.131370830e+01, v13;
	v13 =	vld [tilespmem:s4+$0xE520]  }
0x11f: {  	[tilespmem:s4+$0xE4A0] =	vst v8;
	v8 =	vadd.f32 v11, v3;
	v11 =	vmul.f32 $1.131370830e+01, v12;
	v12 =	vld [tilespmem:s4+$0xE530]  }
0x120: {  	[tilespmem:s4+$0xE4B0] =	vst v9;
	v9 =	vadd.f32 v10, v2;
	v10 =	vmul.f32 $1.131370830e+01, v15;
	v15 =	vld [tilespmem:s4+$0xE540]  }
0x121: {  	[tilespmem:s4+$0xE4C0] =	vst v8;
	v8 =	vadd.f32 v11, v1;
	v11 =	vmul.f32 $1.131370830e+01, v14;
	v14 =	vld [tilespmem:s4+$0xE550]  }
0x122: {  	[tilespmem:s4+$0xE4D0] =	vst v9;
	v9 =	vadd.f32 v10, v0;
	v10 =	vmul.f32 $1.131370830e+01, v16;
	v16 =	vld [tilespmem:s4+$0xE560]  }
0x123: {  	[tilespmem:s4+$0xE4E0] =	vst v8;
	v8 =	vadd.f32 v11, v7;
	v11 =	vmul.f32 $1.131370830e+01, v13;
	v13 =	vld [tilespmem:s4+$0xE570]  }
0x124: {  	[tilespmem:s4+$0xE4F0] =	vst v9;
	v9 =	vadd.f32 v10, v6;
	v10 =	vmul.f32 $1.131370830e+01, v12;
	v12 =	vld [tilespmem:s4+$0xE580]  }
0x125: {  	[tilespmem:s4+$0xE500] =	vst v8;
	v8 =	vadd.f32 v11, v5;
	v11 =	vmul.f32 $1.131370830e+01, v15;
	v17 =	vld [tilespmem:s4+$0xE590]  }
.Ltmp2:
0x126: {  	[tilespmem:s4+$0xE510] =	vst v9;
	v10 =	vadd.f32 v10, v4;
	v14 =	vmul.f32 $1.131370830e+01, v14;
	v9 =	vld [tilespmem:s4+$0xE5A0];
	(pc) =	sbr.rel @p1 .LBB2_7-.Ltmp2, $4  }
0x127: {  	[tilespmem:s4+$0xE520] =	vst v8;
	v11 =	vadd.f32 v11, v3;
	v15 =	vmul.f32 $1.131370830e+01, v16;
	v8 =	vld [tilespmem:s4+$0xE5B0]  }
0x128: {  	[tilespmem:s4+$0xE530] =	vst v10;
	v14 =	vadd.f32 v14, v2;
	v13 =	vmul.f32 $1.131370830e+01, v13;
	v10 =	vld [tilespmem:s4+$0xE5C0]  }
0x129: {  	[tilespmem:s4+$0xE540] =	vst v11;
	v15 =	vadd.f32 v15, v1;
	v16 =	vmul.f32 $1.131370830e+01, v12;
	v11 =	vld [tilespmem:s4+$0xE5D0]  }
0x12a: {  	s30 =	sadd.s32 $0x800, s30;
	[tilespmem:s4+$0xE550] =	vst v14;
	v13 =	vadd.f32 v13, v0;
	v14 =	vmul.f32 $1.131370830e+01, v17;
	v12 =	vld [tilespmem:s4+$0xE5E0]  }
0x12b: {  	[tilespmem:s4+$0xE560] =	vst v15;
	v7 =	vadd.f32 v16, v7;
	v9 =	vmul.f32 $1.131370830e+01, v9;
	v15 =	vld [tilespmem:s4+$0xE5F0]  }
0x12c: {  	[tilespmem:s4+$0xE570] =	vst v13;
	v6 =	vadd.f32 v14, v6;
	v8 =	vmul.f32 $1.131370830e+01, v8  }
0x12d: {  	[tilespmem:s4+$0xE580] =	vst v7;
	v5 =	vadd.f32 v9, v5;
	v7 =	vmul.f32 $1.131370830e+01, v10  }
0x12e: {  	s30 =	sand.u32 $0xF80, s11;
	[tilespmem:s4+$0xE590] =	vst v6;
	v4 =	vadd.f32 v8, v4;
	v6 =	vmul.f32 $1.131370830e+01, v11  }
0x12f: {  	s31 =	sshrl.u32 s11, $0x5;
	s30 =	smul.u32 $0x6400, s30;
	[tilespmem:s4+$0xE5A0] =	vst v5;
	v3 =	vadd.f32 v7, v3;
	v5 =	vmul.f32 $1.131370830e+01, v12  }
0x130: {  	s6 =	sshll.u32 s6, $0x7;
	s11 =	sand.u32 $0x3FFFC00, s31;
	[tilespmem:s4+$0xE5B0] =	vst v4;
	v2 =	vadd.f32 v6, v2;
	v4 =	vmul.f32 $1.131370830e+01, v15  }
0x131: {  	s6 =	sand.u32 $0x380, s6;
	s11 =	sadd.s32 s11, s30;
	[tilespmem:s4+$0xE5C0] =	vst v3;
	v1 =	vadd.f32 v5, v1  }
0x132: {  	s6 =	sor.u32 s6, s11;
	[tilespmem:s4+$0xE5D0] =	vst v2;
	v0 =	vadd.f32 v4, v0  }
0x133: {  	s6 =	sshrl.u32 s6, $0x3;
	[tilespmem:s4+$0xE5E0] =	vst v1  }
0x134: {  	s30 =	sadd.s32 s3, s6;
	[tilespmem:s4+$0xE5F0] =	vst v0  }
0x135: {  	[hbm4b:s30+s14] =	stream.strided.scatter [tilespmem:s18], [sflag:$0x8], $0x4000, s15, s14, $0x38;
	[tilespmem:$0x1AC00] =	vst v63  }
0x136: {  	_ =	swait.ge [sflag:s25], $0x4000  }
0x137: {  	s11 =	simm.s32 @!p0 $0xA400;
	[sflag:s25] =	ssyncset.done $0x0  }
0x138: {  	s6 =	simm.s32 @!p0 $0x80;
	s4 =	sadd.s32 @!p0 $0x300, s8;
	[sflag:s25] =	ssyncadd.s32 $0xFFFFC000  }
0x139: {  	[tilespmem:s11], [sflag:$0x2] =	stream.indirect.gather @!p0 [hbm4b:s1+s6], $0x80, s4, s6, $0xb8;
	[tilespmem:$0x1AC00] =	vst v63  }
0x13a: {  	s11 =	sadd.s32 s5, s13  }
0x13b: {  	s6 =	sshrl.u32 s11, $0xC  }
0x13c: {  	_ =	swait.ge [sflag:s26], $0x4000;
	s31 =	ssub.s32 s6, s7  }
0x13d: {  	[sflag:s26] =	ssyncset.done $0x0;
	s4 =	sshll.u32 s31, $0x9  }
0x13e: {  	[sflag:s26] =	ssyncadd.s32 $0xFFFFC000;
	s4 =	sshra.s32 s4, $0x2  }
0x13f: {  	v7 =	vld [tilespmem:s4+$0x1A400]  }
0x140: {  	v6 =	vld [tilespmem:s4+$0x1A410]  }
0x141: {  	v5 =	vld [tilespmem:s4+$0x1A420]  }
0x142: {  	v4 =	vld [tilespmem:s4+$0x1A430]  }
0x143: {  	v3 =	vld [tilespmem:s4+$0x1A440]  }
0x144: {  	v2 =	vld [tilespmem:s4+$0x1A450]  }
0x145: {  	v1 =	vld [tilespmem:s4+$0x1A460]  }
0x146: {  	v0 =	vld [tilespmem:s4+$0x1A470];
	s4 =	simm.s32 $0x0  }
0x147: {  	v8 =	vld [tilespmem:s4+$0x12400]  }
0x148: {  	v9 =	vld [tilespmem:s4+$0x12410]  }
0x149: {  	v10 =	vld [tilespmem:s4+$0x12420]  }
0x14a: {  	v11 =	vld [tilespmem:s4+$0x12430]  }
0x14b: {  	v12 =	vld [tilespmem:s4+$0x12440]  }
0x14c: {  	v13 =	vld [tilespmem:s4+$0x12450];
	v8 =	vmul.f32 $1.131370830e+01, v8  }
0x14d: {  	v14 =	vld [tilespmem:s4+$0x12460];
	v9 =	vmul.f32 $1.131370830e+01, v9  }
0x14e: {  	v15 =	vld [tilespmem:s4+$0x12470];
	v10 =	vmul.f32 $1.131370830e+01, v10;
	v8 =	vadd.f32 v8, v7  }
0x14f: {  	v16 =	vld [tilespmem:s4+$0x12480];
	v11 =	vmul.f32 $1.131370830e+01, v11;
	v9 =	vadd.f32 v9, v6  }
0x150: {  	v12 =	vmul.f32 $1.131370830e+01, v12;
	v10 =	vadd.f32 v10, v5;
	[tilespmem:s4+$0x12400] =	vst v8;
	v8 =	vld [tilespmem:s4+$0x12490]  }
0x151: {  	v13 =	vmul.f32 $1.131370830e+01, v13;
	v11 =	vadd.f32 v11, v4;
	[tilespmem:s4+$0x12410] =	vst v9;
	v9 =	vld [tilespmem:s4+$0x124A0]  }
0x152: {  	v14 =	vmul.f32 $1.131370830e+01, v14;
	v12 =	vadd.f32 v12, v3;
	[tilespmem:s4+$0x12420] =	vst v10;
	v10 =	vld [tilespmem:s4+$0x124B0]  }
0x153: {  	v15 =	vmul.f32 $1.131370830e+01, v15;
	v13 =	vadd.f32 v13, v2;
	[tilespmem:s4+$0x12430] =	vst v11;
	v11 =	vld [tilespmem:s4+$0x124C0]  }
0x154: {  	v16 =	vmul.f32 $1.131370830e+01, v16;
	v14 =	vadd.f32 v14, v1;
	[tilespmem:s4+$0x12440] =	vst v12;
	v12 =	vld [tilespmem:s4+$0x124D0]  }
0x155: {  	v15 =	vadd.f32 v15, v0;
	[tilespmem:s4+$0x12450] =	vst v13;
	v13 =	vld [tilespmem:s4+$0x124E0];
	v8 =	vmul.f32 $1.131370830e+01, v8  }
0x156: {  	v16 =	vadd.f32 v16, v7;
	[tilespmem:s4+$0x12460] =	vst v14;
	v14 =	vld [tilespmem:s4+$0x124F0];
	v9 =	vmul.f32 $1.131370830e+01, v9  }
0x157: {  	[tilespmem:s4+$0x12470] =	vst v15;
	v15 =	vld [tilespmem:s4+$0x12500];
	v10 =	vmul.f32 $1.131370830e+01, v10;
	v8 =	vadd.f32 v8, v6  }
0x158: {  	[tilespmem:s4+$0x12480] =	vst v16;
	v11 =	vmul.f32 $1.131370830e+01, v11;
	v9 =	vadd.f32 v9, v5  }
0x159: {  	v16 =	vld [tilespmem:s4+$0x12510];
	v12 =	vmul.f32 $1.131370830e+01, v12;
	v10 =	vadd.f32 v10, v4;
	[tilespmem:s4+$0x12490] =	vst v8  }
0x15a: {  	v13 =	vmul.f32 $1.131370830e+01, v13;
	v11 =	vadd.f32 v11, v3;
	v8 =	vld [tilespmem:s4+$0x12520];
	[tilespmem:s4+$0x124A0] =	vst v9  }
0x15b: {  	v14 =	vmul.f32 $1.131370830e+01, v14;
	v12 =	vadd.f32 v12, v2;
	v9 =	vld [tilespmem:s4+$0x12530];
	[tilespmem:s4+$0x124B0] =	vst v10  }
0x15c: {  	v15 =	vmul.f32 $1.131370830e+01, v15;
	v13 =	vadd.f32 v13, v1;
	v10 =	vld [tilespmem:s4+$0x12540];
	[tilespmem:s4+$0x124C0] =	vst v11  }
0x15d: {  	v14 =	vadd.f32 v14, v0;
	v11 =	vld [tilespmem:s4+$0x12550];
	[tilespmem:s4+$0x124D0] =	vst v12  }
0x15e: {  	v16 =	vmul.f32 $1.131370830e+01, v16;
	v15 =	vadd.f32 v15, v7;
	v12 =	vld [tilespmem:s4+$0x12560];
	[tilespmem:s4+$0x124E0] =	vst v13  }
0x15f: {  	v13 =	vld [tilespmem:s4+$0x12570];
	[tilespmem:s4+$0x124F0] =	vst v14;
	v8 =	vmul.f32 $1.131370830e+01, v8  }
0x160: {  	v16 =	vadd.f32 v16, v6;
	v14 =	vld [tilespmem:s4+$0x12580];
	[tilespmem:s4+$0x12500] =	vst v15;
	v15 =	vmul.f32 $1.131370830e+01, v9  }
0x161: {  	v17 =	vld [tilespmem:s4+$0x12590];
	v10 =	vmul.f32 $1.131370830e+01, v10;
	v8 =	vadd.f32 v8, v5  }
0x162: {  	[tilespmem:s4+$0x12510] =	vst v16;
	v9 =	vld [tilespmem:s4+$0x125A0];
	v11 =	vmul.f32 $1.131370830e+01, v11;
	v15 =	vadd.f32 v15, v4  }
0x163: {  	v12 =	vmul.f32 $1.131370830e+01, v12;
	v16 =	vadd.f32 v10, v3;
	[tilespmem:s4+$0x12520] =	vst v8;
	v8 =	vld [tilespmem:s4+$0x125B0]  }
0x164: {  	v13 =	vmul.f32 $1.131370830e+01, v13;
	v10 =	vld [tilespmem:s4+$0x125C0];
	v18 =	vadd.f32 v11, v2;
	[tilespmem:s4+$0x12530] =	vst v15  }
0x165: {  	v11 =	vld [tilespmem:s4+$0x125D0];
	[tilespmem:s4+$0x12540] =	vst v16;
	v15 =	vadd.f32 v12, v1;
	v16 =	vmul.f32 $1.131370830e+01, v14  }
0x166: {  	s13 =	simm.s32 $0x800;
	v13 =	vadd.f32 v13, v0;
	[tilespmem:s4+$0x12550] =	vst v18;
	v14 =	vmul.f32 $1.131370830e+01, v17;
	v12 =	vld [tilespmem:s4+$0x125E0]  }
.LBB2_9:
0x167: {  	s30 =	sshra.s32 s13, $0x2;
	p1 =	sne.s32 s13, $0xF800;
	[tilespmem:s4+$0x12560] =	vst v15;
	v15 =	vadd.f32 v16, v7;
	v9 =	vmul.f32 $1.131370830e+01, v9;
	v16 =	vld [tilespmem:s4+$0x125F0]  }
0x168: {  	v17 =	vld [tilespmem:s30+$0x12400];
	[tilespmem:s4+$0x12570] =	vst v13;
	v13 =	vadd.f32 v14, v6;
	v8 =	vmul.f32 $1.131370830e+01, v8  }
0x169: {  	v14 =	vld [tilespmem:s30+$0x12410];
	[tilespmem:s4+$0x12580] =	vst v15;
	v9 =	vadd.f32 v9, v5;
	v10 =	vmul.f32 $1.131370830e+01, v10  }
0x16a: {  	v15 =	vld [tilespmem:s30+$0x12420];
	[tilespmem:s4+$0x12590] =	vst v13;
	v8 =	vadd.f32 v8, v4;
	v11 =	vmul.f32 $1.131370830e+01, v11  }
0x16b: {  	v13 =	vld [tilespmem:s30+$0x12430];
	[tilespmem:s4+$0x125A0] =	vst v9;
	v9 =	vadd.f32 v10, v3;
	v10 =	vmul.f32 $1.131370830e+01, v12  }
0x16c: {  	v12 =	vld [tilespmem:s30+$0x12440];
	[tilespmem:s4+$0x125B0] =	vst v8;
	v8 =	vadd.f32 v11, v2;
	v11 =	vmul.f32 $1.131370830e+01, v16  }
0x16d: {  	v16 =	vmul.f32 $1.131370830e+01, v17;
	v17 =	vld [tilespmem:s30+$0x12450];
	[tilespmem:s4+$0x125C0] =	vst v9;
	v9 =	vadd.f32 v10, v1  }
0x16e: {  	v10 =	vmul.f32 $1.131370830e+01, v14;
	v14 =	vld [tilespmem:s30+$0x12460];
	[tilespmem:s4+$0x125D0] =	vst v8;
	v8 =	vadd.f32 v11, v0  }
0x16f: {  	v11 =	vadd.f32 v16, v7;
	v15 =	vmul.f32 $1.131370830e+01, v15;
	v16 =	vld [tilespmem:s30+$0x12470];
	[tilespmem:s4+$0x125E0] =	vst v9  }
0x170: {  	v9 =	vadd.f32 v10, v6;
	v10 =	vmul.f32 $1.131370830e+01, v13;
	v13 =	vld [tilespmem:s30+$0x12480];
	[tilespmem:s4+$0x125F0] =	vst v8;
	s4 =	smov.u32 s30  }
0x171: {  	[tilespmem:s4+$0x12400] =	vst v11;
	v8 =	vadd.f32 v15, v5;
	v11 =	vmul.f32 $1.131370830e+01, v12;
	v12 =	vld [tilespmem:s4+$0x12490]  }
0x172: {  	[tilespmem:s4+$0x12410] =	vst v9;
	v9 =	vadd.f32 v10, v4;
	v10 =	vmul.f32 $1.131370830e+01, v17;
	v15 =	vld [tilespmem:s4+$0x124A0]  }
0x173: {  	[tilespmem:s4+$0x12420] =	vst v8;
	v8 =	vadd.f32 v11, v3;
	v11 =	vmul.f32 $1.131370830e+01, v14;
	v14 =	vld [tilespmem:s4+$0x124B0]  }
0x174: {  	[tilespmem:s4+$0x12430] =	vst v9;
	v9 =	vadd.f32 v10, v2;
	v10 =	vmul.f32 $1.131370830e+01, v16;
	v16 =	vld [tilespmem:s4+$0x124C0]  }
0x175: {  	[tilespmem:s4+$0x12440] =	vst v8;
	v8 =	vadd.f32 v11, v1;
	v11 =	vmul.f32 $1.131370830e+01, v13;
	v13 =	vld [tilespmem:s4+$0x124D0]  }
0x176: {  	[tilespmem:s4+$0x12450] =	vst v9;
	v9 =	vadd.f32 v10, v0;
	v10 =	vmul.f32 $1.131370830e+01, v12;
	v12 =	vld [tilespmem:s4+$0x124E0]  }
0x177: {  	[tilespmem:s4+$0x12460] =	vst v8;
	v8 =	vadd.f32 v11, v7;
	v11 =	vmul.f32 $1.131370830e+01, v15;
	v15 =	vld [tilespmem:s4+$0x124F0]  }
0x178: {  	[tilespmem:s4+$0x12470] =	vst v9;
	v9 =	vadd.f32 v10, v6;
	v10 =	vmul.f32 $1.131370830e+01, v14;
	v14 =	vld [tilespmem:s4+$0x12500]  }
0x179: {  	[tilespmem:s4+$0x12480] =	vst v8;
	v8 =	vadd.f32 v11, v5;
	v11 =	vmul.f32 $1.131370830e+01, v16;
	v16 =	vld [tilespmem:s4+$0x12510]  }
0x17a: {  	[tilespmem:s4+$0x12490] =	vst v9;
	v9 =	vadd.f32 v10, v4;
	v10 =	vmul.f32 $1.131370830e+01, v13;
	v13 =	vld [tilespmem:s4+$0x12520]  }
0x17b: {  	[tilespmem:s4+$0x124A0] =	vst v8;
	v8 =	vadd.f32 v11, v3;
	v11 =	vmul.f32 $1.131370830e+01, v12;
	v12 =	vld [tilespmem:s4+$0x12530]  }
0x17c: {  	[tilespmem:s4+$0x124B0] =	vst v9;
	v9 =	vadd.f32 v10, v2;
	v10 =	vmul.f32 $1.131370830e+01, v15;
	v15 =	vld [tilespmem:s4+$0x12540]  }
0x17d: {  	[tilespmem:s4+$0x124C0] =	vst v8;
	v8 =	vadd.f32 v11, v1;
	v11 =	vmul.f32 $1.131370830e+01, v14;
	v14 =	vld [tilespmem:s4+$0x12550]  }
0x17e: {  	[tilespmem:s4+$0x124D0] =	vst v9;
	v9 =	vadd.f32 v10, v0;
	v10 =	vmul.f32 $1.131370830e+01, v16;
	v16 =	vld [tilespmem:s4+$0x12560]  }
0x17f: {  	[tilespmem:s4+$0x124E0] =	vst v8;
	v8 =	vadd.f32 v11, v7;
	v11 =	vmul.f32 $1.131370830e+01, v13;
	v13 =	vld [tilespmem:s4+$0x12570]  }
0x180: {  	[tilespmem:s4+$0x124F0] =	vst v9;
	v9 =	vadd.f32 v10, v6;
	v10 =	vmul.f32 $1.131370830e+01, v12;
	v12 =	vld [tilespmem:s4+$0x12580]  }
0x181: {  	[tilespmem:s4+$0x12500] =	vst v8;
	v8 =	vadd.f32 v11, v5;
	v11 =	vmul.f32 $1.131370830e+01, v15;
	v17 =	vld [tilespmem:s4+$0x12590]  }
.Ltmp3:
0x182: {  	[tilespmem:s4+$0x12510] =	vst v9;
	v10 =	vadd.f32 v10, v4;
	v14 =	vmul.f32 $1.131370830e+01, v14;
	v9 =	vld [tilespmem:s4+$0x125A0];
	(pc) =	sbr.rel @p1 .LBB2_9-.Ltmp3, $4  }
0x183: {  	[tilespmem:s4+$0x12520] =	vst v8;
	v11 =	vadd.f32 v11, v3;
	v15 =	vmul.f32 $1.131370830e+01, v16;
	v8 =	vld [tilespmem:s4+$0x125B0]  }
0x184: {  	[tilespmem:s4+$0x12530] =	vst v10;
	v14 =	vadd.f32 v14, v2;
	v13 =	vmul.f32 $1.131370830e+01, v13;
	v10 =	vld [tilespmem:s4+$0x125C0]  }
0x185: {  	[tilespmem:s4+$0x12540] =	vst v11;
	v15 =	vadd.f32 v15, v1;
	v16 =	vmul.f32 $1.131370830e+01, v12;
	v11 =	vld [tilespmem:s4+$0x125D0]  }
0x186: {  	s13 =	sadd.s32 $0x800, s13;
	[tilespmem:s4+$0x12550] =	vst v14;
	v13 =	vadd.f32 v13, v0;
	v14 =	vmul.f32 $1.131370830e+01, v17;
	v12 =	vld [tilespmem:s4+$0x125E0]  }
0x187: {  	[tilespmem:s4+$0x12560] =	vst v15;
	v7 =	vadd.f32 v16, v7;
	v9 =	vmul.f32 $1.131370830e+01, v9;
	v15 =	vld [tilespmem:s4+$0x125F0]  }
0x188: {  	[tilespmem:s4+$0x12570] =	vst v13;
	v6 =	vadd.f32 v14, v6;
	v8 =	vmul.f32 $1.131370830e+01, v8  }
0x189: {  	[tilespmem:s4+$0x12580] =	vst v7;
	v5 =	vadd.f32 v9, v5;
	v7 =	vmul.f32 $1.131370830e+01, v10  }
0x18a: {  	s13 =	sand.u32 $0xF80, s11;
	[tilespmem:s4+$0x12590] =	vst v6;
	v4 =	vadd.f32 v8, v4;
	v6 =	vmul.f32 $1.131370830e+01, v11  }
0x18b: {  	s31 =	sshrl.u32 s11, $0x5;
	s13 =	smul.u32 $0x6400, s13;
	[tilespmem:s4+$0x125A0] =	vst v5;
	v3 =	vadd.f32 v7, v3;
	v5 =	vmul.f32 $1.131370830e+01, v12  }
0x18c: {  	s6 =	sshll.u32 s6, $0x7;
	s11 =	sand.u32 $0x3FFFC00, s31;
	[tilespmem:s4+$0x125B0] =	vst v4;
	v2 =	vadd.f32 v6, v2;
	v4 =	vmul.f32 $1.131370830e+01, v15  }
0x18d: {  	s6 =	sand.u32 $0x380, s6;
	s11 =	sadd.s32 s11, s13;
	[tilespmem:s4+$0x125C0] =	vst v3;
	v1 =	vadd.f32 v5, v1  }
0x18e: {  	s6 =	sor.u32 s6, s11;
	[tilespmem:s4+$0x125D0] =	vst v2;
	v0 =	vadd.f32 v4, v0  }
0x18f: {  	s6 =	sshrl.u32 s6, $0x3;
	[tilespmem:s4+$0x125E0] =	vst v1  }
0x190: {  	s30 =	sadd.s32 s3, s6;
	[tilespmem:s4+$0x125F0] =	vst v0  }
0x191: {  	[hbm4b:s30+s14] =	stream.strided.scatter [tilespmem:s19], [sflag:$0x9], $0x4000, s15, s14, $0x38;
	[tilespmem:$0x1AC00] =	vst v63  }
0x192: {  	_ =	swait.ge [sflag:s28], $0x4000  }
0x193: {  	s6 =	simm.s32 @!p0 $0x80;
	[sflag:s28] =	ssyncset.done $0x0  }
0x194: {  	s4 =	sadd.s32 @!p0 $0x380, s8;
	s8 =	simm.s32 @!p0 $0xE400;
	[sflag:s28] =	ssyncadd.s32 $0xFFFFC000  }
0x195: {  	[tilespmem:s8], [sflag:$0x3] =	stream.indirect.gather @!p0 [hbm4b:s1+s6], $0x80, s4, s6, $0xb8;
	[tilespmem:$0x1AC00] =	vst v63  }
0x196: {  	s8 =	sadd.s32 s5, s17  }
0x197: {  	s6 =	sshrl.u32 s8, $0xC  }
0x198: {  	_ =	swait.ge [sflag:s29], $0x4000;
	s31 =	ssub.s32 s6, s7  }
0x199: {  	[sflag:s29] =	ssyncset.done $0x0;
	s4 =	sshll.u32 s31, $0x9  }
0x19a: {  	[sflag:s29] =	ssyncadd.s32 $0xFFFFC000;
	s4 =	sshra.s32 s4, $0x2  }
0x19b: {  	v7 =	vld [tilespmem:s4+$0x1A400]  }
0x19c: {  	v6 =	vld [tilespmem:s4+$0x1A410]  }
0x19d: {  	v5 =	vld [tilespmem:s4+$0x1A420]  }
0x19e: {  	v4 =	vld [tilespmem:s4+$0x1A430]  }
0x19f: {  	v3 =	vld [tilespmem:s4+$0x1A440]  }
0x1a0: {  	v2 =	vld [tilespmem:s4+$0x1A450]  }
0x1a1: {  	v1 =	vld [tilespmem:s4+$0x1A460]  }
0x1a2: {  	v0 =	vld [tilespmem:s4+$0x1A470];
	s4 =	simm.s32 $0x0  }
0x1a3: {  	v8 =	vld [tilespmem:s4+$0x16400]  }
0x1a4: {  	v9 =	vld [tilespmem:s4+$0x16410]  }
0x1a5: {  	v10 =	vld [tilespmem:s4+$0x16420]  }
0x1a6: {  	v11 =	vld [tilespmem:s4+$0x16430]  }
0x1a7: {  	v12 =	vld [tilespmem:s4+$0x16440]  }
0x1a8: {  	v13 =	vld [tilespmem:s4+$0x16450];
	v8 =	vmul.f32 $1.131370830e+01, v8  }
0x1a9: {  	v14 =	vld [tilespmem:s4+$0x16460];
	v9 =	vmul.f32 $1.131370830e+01, v9  }
0x1aa: {  	v15 =	vld [tilespmem:s4+$0x16470];
	v10 =	vmul.f32 $1.131370830e+01, v10;
	v8 =	vadd.f32 v8, v7  }
0x1ab: {  	v16 =	vld [tilespmem:s4+$0x16480];
	v11 =	vmul.f32 $1.131370830e+01, v11;
	v9 =	vadd.f32 v9, v6  }
0x1ac: {  	v12 =	vmul.f32 $1.131370830e+01, v12;
	v10 =	vadd.f32 v10, v5;
	[tilespmem:s4+$0x16400] =	vst v8;
	v8 =	vld [tilespmem:s4+$0x16490]  }
0x1ad: {  	v13 =	vmul.f32 $1.131370830e+01, v13;
	v11 =	vadd.f32 v11, v4;
	[tilespmem:s4+$0x16410] =	vst v9;
	v9 =	vld [tilespmem:s4+$0x164A0]  }
0x1ae: {  	v14 =	vmul.f32 $1.131370830e+01, v14;
	v12 =	vadd.f32 v12, v3;
	[tilespmem:s4+$0x16420] =	vst v10;
	v10 =	vld [tilespmem:s4+$0x164B0]  }
0x1af: {  	v15 =	vmul.f32 $1.131370830e+01, v15;
	v13 =	vadd.f32 v13, v2;
	[tilespmem:s4+$0x16430] =	vst v11;
	v11 =	vld [tilespmem:s4+$0x164C0]  }
0x1b0: {  	v16 =	vmul.f32 $1.131370830e+01, v16;
	v14 =	vadd.f32 v14, v1;
	[tilespmem:s4+$0x16440] =	vst v12;
	v12 =	vld [tilespmem:s4+$0x164D0]  }
0x1b1: {  	v15 =	vadd.f32 v15, v0;
	[tilespmem:s4+$0x16450] =	vst v13;
	v13 =	vld [tilespmem:s4+$0x164E0];
	v8 =	vmul.f32 $1.131370830e+01, v8  }
0x1b2: {  	v16 =	vadd.f32 v16, v7;
	[tilespmem:s4+$0x16460] =	vst v14;
	v14 =	vld [tilespmem:s4+$0x164F0];
	v9 =	vmul.f32 $1.131370830e+01, v9  }
0x1b3: {  	[tilespmem:s4+$0x16470] =	vst v15;
	v15 =	vld [tilespmem:s4+$0x16500];
	v10 =	vmul.f32 $1.131370830e+01, v10;
	v8 =	vadd.f32 v8, v6  }
0x1b4: {  	[tilespmem:s4+$0x16480] =	vst v16;
	v11 =	vmul.f32 $1.131370830e+01, v11;
	v9 =	vadd.f32 v9, v5  }
0x1b5: {  	v16 =	vld [tilespmem:s4+$0x16510];
	v12 =	vmul.f32 $1.131370830e+01, v12;
	v10 =	vadd.f32 v10, v4;
	[tilespmem:s4+$0x16490] =	vst v8  }
0x1b6: {  	v13 =	vmul.f32 $1.131370830e+01, v13;
	v11 =	vadd.f32 v11, v3;
	v8 =	vld [tilespmem:s4+$0x16520];
	[tilespmem:s4+$0x164A0] =	vst v9  }
0x1b7: {  	v14 =	vmul.f32 $1.131370830e+01, v14;
	v12 =	vadd.f32 v12, v2;
	v9 =	vld [tilespmem:s4+$0x16530];
	[tilespmem:s4+$0x164B0] =	vst v10  }
0x1b8: {  	v15 =	vmul.f32 $1.131370830e+01, v15;
	v13 =	vadd.f32 v13, v1;
	v10 =	vld [tilespmem:s4+$0x16540];
	[tilespmem:s4+$0x164C0] =	vst v11  }
0x1b9: {  	v14 =	vadd.f32 v14, v0;
	v11 =	vld [tilespmem:s4+$0x16550];
	[tilespmem:s4+$0x164D0] =	vst v12  }
0x1ba: {  	v16 =	vmul.f32 $1.131370830e+01, v16;
	v15 =	vadd.f32 v15, v7;
	v12 =	vld [tilespmem:s4+$0x16560];
	[tilespmem:s4+$0x164E0] =	vst v13  }
0x1bb: {  	v13 =	vld [tilespmem:s4+$0x16570];
	[tilespmem:s4+$0x164F0] =	vst v14;
	v8 =	vmul.f32 $1.131370830e+01, v8  }
0x1bc: {  	v16 =	vadd.f32 v16, v6;
	v14 =	vld [tilespmem:s4+$0x16580];
	[tilespmem:s4+$0x16500] =	vst v15;
	v15 =	vmul.f32 $1.131370830e+01, v9  }
0x1bd: {  	v17 =	vld [tilespmem:s4+$0x16590];
	v10 =	vmul.f32 $1.131370830e+01, v10;
	v8 =	vadd.f32 v8, v5  }
0x1be: {  	[tilespmem:s4+$0x16510] =	vst v16;
	v9 =	vld [tilespmem:s4+$0x165A0];
	v11 =	vmul.f32 $1.131370830e+01, v11;
	v15 =	vadd.f32 v15, v4  }
0x1bf: {  	v12 =	vmul.f32 $1.131370830e+01, v12;
	v16 =	vadd.f32 v10, v3;
	[tilespmem:s4+$0x16520] =	vst v8;
	v8 =	vld [tilespmem:s4+$0x165B0]  }
0x1c0: {  	v13 =	vmul.f32 $1.131370830e+01, v13;
	v10 =	vld [tilespmem:s4+$0x165C0];
	v18 =	vadd.f32 v11, v2;
	[tilespmem:s4+$0x16530] =	vst v15  }
0x1c1: {  	v11 =	vld [tilespmem:s4+$0x165D0];
	[tilespmem:s4+$0x16540] =	vst v16;
	v15 =	vadd.f32 v12, v1;
	v16 =	vmul.f32 $1.131370830e+01, v14  }
0x1c2: {  	s11 =	simm.s32 $0x800;
	v13 =	vadd.f32 v13, v0;
	[tilespmem:s4+$0x16550] =	vst v18;
	v14 =	vmul.f32 $1.131370830e+01, v17;
	v12 =	vld [tilespmem:s4+$0x165E0]  }
.LBB2_11:
0x1c3: {  	s13 =	sshra.s32 s11, $0x2;
	p0 =	sne.s32 s11, $0xF800;
	[tilespmem:s4+$0x16560] =	vst v15;
	v15 =	vadd.f32 v16, v7;
	v9 =	vmul.f32 $1.131370830e+01, v9;
	v16 =	vld [tilespmem:s4+$0x165F0]  }
0x1c4: {  	v17 =	vld [tilespmem:s13+$0x16400];
	[tilespmem:s4+$0x16570] =	vst v13;
	v13 =	vadd.f32 v14, v6;
	v8 =	vmul.f32 $1.131370830e+01, v8  }
0x1c5: {  	v14 =	vld [tilespmem:s13+$0x16410];
	[tilespmem:s4+$0x16580] =	vst v15;
	v9 =	vadd.f32 v9, v5;
	v10 =	vmul.f32 $1.131370830e+01, v10  }
0x1c6: {  	v15 =	vld [tilespmem:s13+$0x16420];
	[tilespmem:s4+$0x16590] =	vst v13;
	v8 =	vadd.f32 v8, v4;
	v11 =	vmul.f32 $1.131370830e+01, v11  }
0x1c7: {  	v13 =	vld [tilespmem:s13+$0x16430];
	[tilespmem:s4+$0x165A0] =	vst v9;
	v9 =	vadd.f32 v10, v3;
	v10 =	vmul.f32 $1.131370830e+01, v12  }
0x1c8: {  	v12 =	vld [tilespmem:s13+$0x16440];
	[tilespmem:s4+$0x165B0] =	vst v8;
	v8 =	vadd.f32 v11, v2;
	v11 =	vmul.f32 $1.131370830e+01, v16  }
0x1c9: {  	v16 =	vmul.f32 $1.131370830e+01, v17;
	v17 =	vld [tilespmem:s13+$0x16450];
	[tilespmem:s4+$0x165C0] =	vst v9;
	v9 =	vadd.f32 v10, v1  }
0x1ca: {  	v10 =	vmul.f32 $1.131370830e+01, v14;
	v14 =	vld [tilespmem:s13+$0x16460];
	[tilespmem:s4+$0x165D0] =	vst v8;
	v8 =	vadd.f32 v11, v0  }
0x1cb: {  	v11 =	vadd.f32 v16, v7;
	v15 =	vmul.f32 $1.131370830e+01, v15;
	v16 =	vld [tilespmem:s13+$0x16470];
	[tilespmem:s4+$0x165E0] =	vst v9  }
0x1cc: {  	v9 =	vadd.f32 v10, v6;
	v10 =	vmul.f32 $1.131370830e+01, v13;
	v13 =	vld [tilespmem:s13+$0x16480];
	[tilespmem:s4+$0x165F0] =	vst v8;
	s4 =	smov.u32 s13  }
0x1cd: {  	[tilespmem:s4+$0x16400] =	vst v11;
	v8 =	vadd.f32 v15, v5;
	v11 =	vmul.f32 $1.131370830e+01, v12;
	v12 =	vld [tilespmem:s4+$0x16490]  }
0x1ce: {  	[tilespmem:s4+$0x16410] =	vst v9;
	v9 =	vadd.f32 v10, v4;
	v10 =	vmul.f32 $1.131370830e+01, v17;
	v15 =	vld [tilespmem:s4+$0x164A0]  }
0x1cf: {  	[tilespmem:s4+$0x16420] =	vst v8;
	v8 =	vadd.f32 v11, v3;
	v11 =	vmul.f32 $1.131370830e+01, v14;
	v14 =	vld [tilespmem:s4+$0x164B0]  }
0x1d0: {  	[tilespmem:s4+$0x16430] =	vst v9;
	v9 =	vadd.f32 v10, v2;
	v10 =	vmul.f32 $1.131370830e+01, v16;
	v16 =	vld [tilespmem:s4+$0x164C0]  }
0x1d1: {  	[tilespmem:s4+$0x16440] =	vst v8;
	v8 =	vadd.f32 v11, v1;
	v11 =	vmul.f32 $1.131370830e+01, v13;
	v13 =	vld [tilespmem:s4+$0x164D0]  }
0x1d2: {  	[tilespmem:s4+$0x16450] =	vst v9;
	v9 =	vadd.f32 v10, v0;
	v10 =	vmul.f32 $1.131370830e+01, v12;
	v12 =	vld [tilespmem:s4+$0x164E0]  }
0x1d3: {  	[tilespmem:s4+$0x16460] =	vst v8;
	v8 =	vadd.f32 v11, v7;
	v11 =	vmul.f32 $1.131370830e+01, v15;
	v15 =	vld [tilespmem:s4+$0x164F0]  }
0x1d4: {  	[tilespmem:s4+$0x16470] =	vst v9;
	v9 =	vadd.f32 v10, v6;
	v10 =	vmul.f32 $1.131370830e+01, v14;
	v14 =	vld [tilespmem:s4+$0x16500]  }
0x1d5: {  	[tilespmem:s4+$0x16480] =	vst v8;
	v8 =	vadd.f32 v11, v5;
	v11 =	vmul.f32 $1.131370830e+01, v16;
	v16 =	vld [tilespmem:s4+$0x16510]  }
0x1d6: {  	[tilespmem:s4+$0x16490] =	vst v9;
	v9 =	vadd.f32 v10, v4;
	v10 =	vmul.f32 $1.131370830e+01, v13;
	v13 =	vld [tilespmem:s4+$0x16520]  }
0x1d7: {  	[tilespmem:s4+$0x164A0] =	vst v8;
	v8 =	vadd.f32 v11, v3;
	v11 =	vmul.f32 $1.131370830e+01, v12;
	v12 =	vld [tilespmem:s4+$0x16530]  }
0x1d8: {  	[tilespmem:s4+$0x164B0] =	vst v9;
	v9 =	vadd.f32 v10, v2;
	v10 =	vmul.f32 $1.131370830e+01, v15;
	v15 =	vld [tilespmem:s4+$0x16540]  }
0x1d9: {  	[tilespmem:s4+$0x164C0] =	vst v8;
	v8 =	vadd.f32 v11, v1;
	v11 =	vmul.f32 $1.131370830e+01, v14;
	v14 =	vld [tilespmem:s4+$0x16550]  }
0x1da: {  	[tilespmem:s4+$0x164D0] =	vst v9;
	v9 =	vadd.f32 v10, v0;
	v10 =	vmul.f32 $1.131370830e+01, v16;
	v16 =	vld [tilespmem:s4+$0x16560]  }
0x1db: {  	[tilespmem:s4+$0x164E0] =	vst v8;
	v8 =	vadd.f32 v11, v7;
	v11 =	vmul.f32 $1.131370830e+01, v13;
	v13 =	vld [tilespmem:s4+$0x16570]  }
0x1dc: {  	[tilespmem:s4+$0x164F0] =	vst v9;
	v9 =	vadd.f32 v10, v6;
	v10 =	vmul.f32 $1.131370830e+01, v12;
	v12 =	vld [tilespmem:s4+$0x16580]  }
0x1dd: {  	[tilespmem:s4+$0x16500] =	vst v8;
	v8 =	vadd.f32 v11, v5;
	v11 =	vmul.f32 $1.131370830e+01, v15;
	v17 =	vld [tilespmem:s4+$0x16590]  }
.Ltmp4:
0x1de: {  	[tilespmem:s4+$0x16510] =	vst v9;
	v10 =	vadd.f32 v10, v4;
	v14 =	vmul.f32 $1.131370830e+01, v14;
	v9 =	vld [tilespmem:s4+$0x165A0];
	(pc) =	sbr.rel @p0 .LBB2_11-.Ltmp4, $4  }
0x1df: {  	[tilespmem:s4+$0x16520] =	vst v8;
	v11 =	vadd.f32 v11, v3;
	v15 =	vmul.f32 $1.131370830e+01, v16;
	v8 =	vld [tilespmem:s4+$0x165B0]  }
0x1e0: {  	[tilespmem:s4+$0x16530] =	vst v10;
	v14 =	vadd.f32 v14, v2;
	v13 =	vmul.f32 $1.131370830e+01, v13;
	v10 =	vld [tilespmem:s4+$0x165C0]  }
0x1e1: {  	[tilespmem:s4+$0x16540] =	vst v11;
	v15 =	vadd.f32 v15, v1;
	v16 =	vmul.f32 $1.131370830e+01, v12;
	v11 =	vld [tilespmem:s4+$0x165D0]  }
0x1e2: {  	s11 =	sadd.s32 $0x800, s11;
	[tilespmem:s4+$0x16550] =	vst v14;
	v13 =	vadd.f32 v13, v0;
	v14 =	vmul.f32 $1.131370830e+01, v17;
	v12 =	vld [tilespmem:s4+$0x165E0]  }
0x1e3: {  	[tilespmem:s4+$0x16560] =	vst v15;
	v7 =	vadd.f32 v16, v7;
	v9 =	vmul.f32 $1.131370830e+01, v9;
	v59 =	vld [tilespmem:s4+$0x165F0]  }
0x1e4: {  	[tilespmem:s4+$0x16570] =	vst v13;
	v6 =	vadd.f32 v14, v6;
	v8 =	vmul.f32 $1.131370830e+01, v8  }
0x1e5: {  	[tilespmem:s4+$0x16580] =	vst v7;
	v5 =	vadd.f32 v9, v5;
	v60 =	vmul.f32 $1.131370830e+01, v10  }
0x1e6: {  	s11 =	sand.u32 $0xF80, s8;
	[tilespmem:s4+$0x16590] =	vst v6;
	v4 =	vadd.f32 v8, v4;
	v61 =	vmul.f32 $1.131370830e+01, v11  }
0x1e7: {  	s30 =	sshrl.u32 s8, $0x5;
	s0 =	sadd.s32 $0x1, s0;
	s11 =	smul.u32 $0x6400, s11;
	[tilespmem:s4+$0x165A0] =	vst v5;
	v3 =	vadd.f32 v60, v3;
	v62 =	vmul.f32 $1.131370830e+01, v12  }
0x1e8: {  	s6 =	sshll.u32 s6, $0x7;
	s8 =	sand.u32 $0x3FFFC00, s30;
	p0 =	sne.s32 s0, $0x28;
	[tilespmem:s4+$0x165B0] =	vst v4;
	v2 =	vadd.f32 v61, v2;
	v63 =	vmul.f32 $1.131370830e+01, v59  }
.Ltmp5:
0x1e9: {  	s6 =	sand.u32 $0x380, s6;
	s8 =	sadd.s32 s8, s11;
	[tilespmem:s4+$0x165C0] =	vst v3;
	v1 =	vadd.f32 v62, v1;
	(pc) =	sbr.rel @p0 .LBB2_2-.Ltmp5, $4  }
0x1ea: {  	s6 =	sor.u32 s6, s8;
	[tilespmem:s4+$0x165D0] =	vst v2;
	v0 =	vadd.f32 v63, v0  }
0x1eb: {  	s6 =	sshrl.u32 s6, $0x3;
	[tilespmem:s4+$0x165E0] =	vst v1  }
0x1ec: {  	s31 =	sadd.s32 s3, s6;
	[tilespmem:s4+$0x165F0] =	vst v0  }
0x1ed: {  	[hbm4b:s31+s14] =	stream.strided.scatter [tilespmem:s21], [sflag:$0xA], $0x4000, s15, s14, $0x38;
	[tilespmem:$0x1AC00] =	vst v63  }
0x1ee: {  	s0 =	simm.s32 $0x9  }
0x1ef: {  	_ =	swait.ge [sflag:s0], $0x4000  }
0x1f0: {  	[sflag:s0] =	ssyncset.done $0x0  }
0x1f1: {  	s4 =	simm.s32 $0xA;
	[sflag:s0] =	ssyncadd.s32 $0xFFFFC000  }
0x1f2: {  	_ =	swait.ge [sflag:s4], $0x4000  }
0x1f3: {  	s2 =	sadd.s32 $0x1, s2;
	s31 =	rddreg [dreg:$0x7]  }
0x1f4: {  	p0 =	sne.s32 s2, s31  }
.Ltmp6:
0x1f5: {  	_ = 	snop;
	(pc) =	sbr.rel @p0 .LBB2_1-.Ltmp6, $3  }
0x1f6: {  	_ =	sdelay $0x1  }
0x1f7: {  	[sflag:s4] =	ssyncset.done $0x0  }
0x1f8: {  	[sflag:s4] =	ssyncadd.s32 $0xFFFFC000  }
0x1f9: {  	_ =	sfence.sel $0x180000  }
0x1fa: {  	[bflag:$0x0] =	sbarrier.arrive $0xFFFF  }
0x1fb: {  	_ =	strace $0x90000047  }
0x1fc: {  	s0 =	stileid.u32;
	[bflag:$0x2] =	sbarrier.arrive $0xFFFF  }
0x1fd: {  	p0 =	sne.s32 s0, $0x0;
	s0 =	rddreg [dreg:$0x4]  }
0x1fe: {  	s0 =	sadd.s32 @!p0 $0x100000, s0  }
0x1ff: {  	[sflag:s0] =	ssyncadd.tile.s32 @!p0 $0x1;
	_ =	shalt  }
.Lfunc_end2:
_tile_overlayer_lowered:
.L_overlay_start_2:
0x200: {  	(tag) =	ssettag $0x2  }
0x201: {  	s0 =	rddreg [dreg:$0x0];
	s2 =	stileid.u32  }
0x202: {  	s1 =	rddreg [dreg:$0x1];
	p0 =	sne.s32 s2, $0x0  }
0x203: {  	s3 =	rddreg [dreg:$0x2];
	[bflag:$0x3] =	sbarrier.arrive $0xFFFF;
	s2 =	simm.s32 @!p0 $0x1C0B  }
0x204: {  	[timem:s3], [sflag:s2] =	dma.local @!p0 [hbm:s0], s1  }
0x205: {  	s0 =	simm.s32 @!p0 $0xB  }
0x206: {  	_ =	swait.ge @!p0 [sflag:s0], s1  }
0x207: {  	s1 =	ssub.s32 @!p0 $0x0, s1;
	[sflag:s0] =	ssyncset.done @!p0 $0x0  }
0x208: {  	[sflag:s0] =	ssyncadd.s32 @!p0 s1  }
0x209: {  	[bflag:$0x3] =	sbarrier.arrive $0xFFFF  }
0x20a: {  	_ =	shalt  }

</sc_bundles>
